<compile_context>
chip_gen: v7x
topology: tpu7x:2x2x1
jax: 0.10.2.dev20260603
libtpu: 0.0.44.dev20260713+nightly
codegen_flags: <defaults>
</compile_context>

<pallas_src>
import functools

import jax
import jax.numpy as jnp
from jax import lax
from jax.experimental import pallas as pl
from jax.experimental.pallas import tpu as pltpu
from jax.experimental.pallas import tpu_sc as plsc

_C = 5
_T = 512
_ROWS = 10240
_SC_ROWS = 5120
_NC = 2
_NS = 16
_NW = _NC * _NS
_L = 16
_RPW = _SC_ROWS // _NW
_GPW = _RPW // _L
_UNROLL = 8
_TC_BLOCK = 512



def _sc_call(vflat, tgt):
    mesh = plsc.VectorSubcoreMesh(core_axis_name="c", subcore_axis_name="s")

    @functools.partial(
        pl.kernel, mesh=mesh,
        compiler_params=pltpu.CompilerParams(needs_layout_passes=False),
        out_type=[
            jax.ShapeDtypeStruct((_SC_ROWS,), jnp.float32),
            jax.ShapeDtypeStruct((_NW * _L,), jnp.float32),
        ],
        scratch_types=[
            pltpu.VMEM((_L * _T,), jnp.float32),
            pltpu.VMEM((_L * _T,), jnp.float32),
            pltpu.VMEM((_RPW,), jnp.float32),
            pltpu.VMEM((_RPW,), jnp.float32),
            pltpu.VMEM((_L,), jnp.float32),
            pltpu.SemaphoreType.DMA,
            pltpu.SemaphoreType.DMA,
        ],
    )
    def _stca_sc(v_hbm, tgt_hbm, spike_hbm, lpart_hbm,
                 vbuf_a, vbuf_b, tgt_buf, spike_buf, loss_buf, sem_a, sem_b):
        wid = lax.axis_index("s") * _NC + lax.axis_index("c")
        base_row = wid * _RPW
        pltpu.sync_copy(tgt_hbm.at[pl.ds(base_row, _RPW)], tgt_buf)

        bufs = (vbuf_a, vbuf_b)
        sems = (sem_a, sem_b)

        def fetch(g):
            return pltpu.async_copy(
                v_hbm.at[pl.ds((base_row + g * _L) * _T, _L * _T)],
                bufs[g % 2], sems[g % 2])

        lanes = lax.iota(jnp.int32, _L)
        zero = jnp.zeros((_L,), jnp.float32)
        one = jnp.full((_L,), 1.0, jnp.float32)
        five = jnp.full((_L,), float(_C), jnp.float32)
        big = jnp.full((_L,), 1e30, jnp.float32)
        half = jnp.full((_L,), 0.5, jnp.float32)
        neg = jnp.full((_L,), -1e30, jnp.float32)
        base_idx = lanes * _T
        loss_acc = zero

        def one_step(vbuf, s):
            (idx, since, cnt, psum, pn, bc, bps, bpn, ncl, vmax) = s
            v = plsc.load_gather(vbuf, [idx])
            pos = v >= zero
            poss = v > zero
            st = pos & (since > five)
            close = st & (cnt < bc)
            bc = jnp.where(close, cnt, bc)
            bps = jnp.where(close, psum, bps)
            bpn = jnp.where(close, pn, bpn)
            inc_c = jnp.where(pos, one, zero)
            sv = jnp.where(poss, v, zero)
            inc_s = jnp.where(poss, one, zero)
            cnt = jnp.where(st, one, cnt + inc_c)
            psum = jnp.where(st, sv, psum + sv)
            pn = jnp.where(st, inc_s, pn + inc_s)
            ncl = ncl + jnp.where(st, one, zero)
            vmax = jnp.maximum(vmax, v)
            since = jnp.where(pos, one, since + one)
            return (idx + 1, since, cnt, psum, pn, bc, bps, bpn, ncl, vmax)

        def finish(s, goff):
            (_, _, cnt, psum, pn, bc, bps, bpn, ncl, vmax) = s
            close = cnt < bc
            bps = jnp.where(close, psum, bps)
            bpn = jnp.where(close, pn, bpn)
            tgtv = plsc.load_gather(tgt_buf, [goff])
            is_tgt = tgtv > half
            spiked = ncl > half
            contrib = jnp.where(bpn > zero, bps / jnp.maximum(bpn, one), zero)
            rowloss = jnp.where(is_tgt & ~spiked, -vmax,
                                jnp.where((~is_tgt) & spiked, contrib, zero))
            plsc.store_scatter(spike_buf, [goff], ncl)
            return rowloss

        pending = fetch(0)
        for g in range(_GPW):
            pending.wait()
            if g + 1 < _GPW:
                pending = fetch(g + 1)
            vbuf = bufs[g % 2]

            def step(_, s, vbuf=vbuf):
                for _u in range(_UNROLL):
                    s = one_step(vbuf, s)
                return s

            init = (base_idx, big, big, zero, zero, big, zero, zero, zero, neg)
            s_out = lax.fori_loop(0, _T // _UNROLL, step, init)
            loss_acc = loss_acc + finish(s_out, lanes + g * _L)

        loss_buf[...] = loss_acc
        pltpu.sync_copy(spike_buf, spike_hbm.at[pl.ds(base_row, _RPW)])
        pltpu.sync_copy(loss_buf, lpart_hbm.at[pl.ds(wid * _L, _L)])

    return _stca_sc(vflat, tgt)



def _cummax(x, fill):
    n = x.shape[-1]
    s = 1
    while s < n:
        pad = jnp.full(x.shape[:-1] + (s,), fill, x.dtype)
        shifted = jnp.concatenate([pad, x[..., :-s]], axis=-1)
        x = jnp.maximum(x, shifted)
        s *= 2
    return x


def _stca_tc_block(v_ref, tgt_ref, spike_ref, loss_ref, m_ref):
    T = _T

    @pl.when(pl.program_id(0) == 0)
    def _init_mats():
        a = jax.lax.broadcasted_iota(jnp.int32, (T, T), 0)
        b = jax.lax.broadcasted_iota(jnp.int32, (T, T), 1)
        m_ref[:, :T] = (a <= b).astype(jnp.bfloat16)
        m_ref[:, T:2 * T] = ((a >= b - _C) & (a <= b - 1)).astype(jnp.bfloat16)
        m_ref[:, 2 * T:] = ((a >= b + 1) & (a <= b + _C)).astype(jnp.bfloat16)
        loss_ref[...] = jnp.zeros((1, 1), jnp.float32)

    v = v_ref[...]
    R = v.shape[0]
    t_idx = jax.lax.broadcasted_iota(jnp.int32, (R, T), 1)

    is_pos = v >= 0.0
    sums = jax.lax.dot_general(
        is_pos.astype(jnp.bfloat16), m_ref[...],
        (((1,), (0,)), ((), ())), preferred_element_type=jnp.float32)
    P = sums[:, :T]
    prev_cnt = sums[:, T:2 * T]
    next_cnt = sums[:, 2 * T:]

    start = is_pos & (prev_cnt == 0.0)
    end = is_pos & (next_cnt == 0.0)

    s_ff = _cummax(jnp.where(start, P - 1.0, -1.0), jnp.float32(-1.0))
    cnt_at_end = P - s_ff

    big = jnp.float32(2 ** 30)
    t_f = t_idx.astype(jnp.float32)
    score = jnp.where(end, cnt_at_end * T + t_f, big)
    m = jnp.min(score, axis=-1)
    t_star = jnp.bitwise_and(m.astype(jnp.int32), T - 1)

    first = jnp.max(jnp.where(start & (t_idx <= t_star[:, None]), t_idx, -1),
                    axis=-1)
    span_pos = (t_idx >= first[:, None]) & (t_idx <= t_star[:, None]) & (v > 0.0)
    psum = jnp.sum(jnp.where(span_pos, v, 0.0), axis=-1)
    pcnt = jnp.sum(span_pos.astype(jnp.float32), axis=-1)
    contrib = jnp.where(pcnt > 0.0, psum / jnp.maximum(pcnt, 1.0), 0.0)

    vmax = jnp.max(v, axis=-1)
    ncl = jnp.sum(start.astype(jnp.float32), axis=-1)
    spiked = ncl > 0.0
    tgt = tgt_ref[0, 0, :] != 0
    rowloss = jnp.where(tgt & ~spiked, -vmax,
                        jnp.where((~tgt) & spiked, contrib, 0.0))

    spike_ref[0, 0, :] = ncl
    loss_ref[...] += jnp.sum(rowloss).reshape(1, 1)


def _tc_call(v2, tgt):
    rows = v2.shape[0]
    nblk = rows // _TC_BLOCK
    tgt3 = tgt.reshape(nblk, 1, _TC_BLOCK).astype(jnp.int32)
    spike, loss = pl.pallas_call(
        _stca_tc_block,
        grid=(nblk,),
        in_specs=[
            pl.BlockSpec((_TC_BLOCK, _T), lambda i: (i, 0)),
            pl.BlockSpec((1, 1, _TC_BLOCK), lambda i: (i, 0, 0)),
        ],
        out_specs=[
            pl.BlockSpec((1, 1, _TC_BLOCK), lambda i: (i, 0, 0)),
            pl.BlockSpec((1, 1), lambda i: (0, 0)),
        ],
        out_shape=[
            jax.ShapeDtypeStruct((nblk, 1, _TC_BLOCK), jnp.float32),
            jax.ShapeDtypeStruct((1, 1), jnp.float32),
        ],
        scratch_shapes=[pltpu.VMEM((_T, 3 * _T), jnp.bfloat16)],
    )(v2, tgt3)
    return spike.reshape(rows), loss[0, 0]



@jax.jit
def _run(vmem, labels):
    B, N, T = vmem.shape
    tgt = (labels[:, None] == jnp.arange(N, dtype=labels.dtype)[None, :])
    tgtf = tgt.reshape(-1).astype(jnp.float32)
    v2 = vmem.reshape(B * N, T)

    spike_sc, lpart = _sc_call(v2[:_SC_ROWS].reshape(-1), tgtf[:_SC_ROWS])
    spike_tc, loss_tc = _tc_call(v2[_SC_ROWS:], tgtf[_SC_ROWS:])

    loss = jnp.sum(lpart) + loss_tc
    spike = jnp.concatenate([spike_sc, spike_tc]).reshape(B, N)
    return loss, spike


def kernel(vmem, vlastmem, labels):
    del vlastmem
    return _run(vmem, labels)

# --- scband reference (transcript-rebuilt; emitter-appended) ---
"""Pipeline reference for scband-stca-loss-80504866996731 (READ-ONLY COPY).

The authoritative reference and input builder live on the scoring server;
editing this copy changes nothing except your own understanding.
"""

import jax, jax.numpy as jnp
import numpy as np

_C = 5

def _coef_one(v, is_target, C, T):
    t_idx = jnp.arange(T)
    is_pos = v >= 0
    prev = jnp.zeros(T, dtype=bool)
    for s in range(1, C + 1):
        prev = prev | jnp.concatenate([jnp.zeros(s, dtype=bool), is_pos[:T - s]])
    start = is_pos & ~prev
    num_cluster = jnp.sum(start.astype(jnp.int32))
    cid = jnp.cumsum(start.astype(jnp.int32)) - 1
    ids = jnp.where(is_pos, cid, T)
    counts = jax.ops.segment_sum(is_pos.astype(jnp.int32), ids, num_segments=T + 1)[:T]
    valid = jnp.arange(T) < num_cluster
    counts_m = jnp.where(valid, counts, T + 1)
    idxc = jnp.argmin(counts_m)
    in_c = ids == idxc
    first = jnp.min(jnp.where(in_c, t_idx, T))
    last = jnp.max(jnp.where(in_c, t_idx, -1))
    sel = (t_idx >= first) & (t_idx <= last) & (v > 0)
    size = jnp.sum(sel.astype(jnp.int32))
    contrib = jnp.where(sel & (size > 0),
                        1.0 / jnp.maximum(size, 1).astype(jnp.float32),
                        0.0)
    onehot_max = (t_idx == jnp.argmax(v)).astype(jnp.float32)
    spiked = num_cluster > 0
    cond_target_nospike = is_target & ~spiked
    cond_nontarget_spike = (~is_target) & spiked
    coef = jnp.where(cond_target_nospike, -onehot_max, 0.0) \
         + jnp.where(cond_nontarget_spike, contrib, 0.0)
    return coef, num_cluster.astype(jnp.float32)

def _compute_coef(vmem, labels, C):
    B, N, T = vmem.shape
    is_target = labels[:, None] == jnp.arange(N, dtype=labels.dtype)[None, :]
    f = lambda v, tgt: _coef_one(v, tgt, C, T)
    coef, spike_output = jax.vmap(jax.vmap(f))(vmem, is_target)
    return coef, spike_output

def setup_inputs(seed: int = 0):
    key = jax.random.key(seed)
    k1, k2, k3 = jax.random.split(key, 3)
    vmem = jax.random.normal(k1, (1024, 10, 512), dtype=jnp.float32)
    vlastmem = jax.random.normal(k2, (1024, 10, 512), dtype=jnp.float32)
    labels = jax.random.randint(k3, (1024,), 0, 10, dtype=jnp.int32)
    return {"vmem": vmem, "vlastmem": vlastmem, "labels": labels}

def reference(vmem, vlastmem, labels):
    # The STCA loss is a linear combination of data-dependently selected vmem entries;
    # _compute_coef builds the selection coefficients (max/mean/random-pick terms).
    coef, spike_output = _compute_coef(vmem, labels, _C)
    loss = jnp.sum(coef * vmem)
    return loss, spike_output

if __name__ == "__main__":
    import jax
    _d = setup_inputs()
    print(jax.jit(kernel)(*tuple(_d.values())))

</pallas_src>

<mosaic_0001>
#map = affine_map<(d0, d1) -> (0)>
module attributes {stable_mosaic.version = 14 : i64} {
  func.func @_stca_sc(%arg0: i32, %arg1: i32, %arg2: memref<2621440xf32, #tpu.memory_space<hbm>>, %arg3: memref<5120xf32, #tpu.memory_space<hbm>>, %arg4: memref<5120xf32, #tpu.memory_space<hbm>>, %arg5: memref<512xf32, #tpu.memory_space<hbm>>, %arg6: memref<8192xf32, #tpu.memory_space<vmem>>, %arg7: memref<8192xf32, #tpu.memory_space<vmem>>, %arg8: memref<160xf32, #tpu.memory_space<vmem>>, %arg9: memref<160xf32, #tpu.memory_space<vmem>>, %arg10: memref<16xf32, #tpu.memory_space<vmem>>, %arg11: memref<!tpu.dma_semaphore, #tpu.memory_space<semaphore_mem>>, %arg12: memref<!tpu.dma_semaphore, #tpu.memory_space<semaphore_mem>>) attributes {dimension_semantics = [#tpu.dimension_semantics<core_parallel>, #tpu.dimension_semantics<subcore_parallel>], iteration_bounds = array<i64: 2, 16>, scalar_prefetch = 0 : i64, scratch_operands = 7 : i64, tpu.core_type = #tpu.core_type<sc_vector_subcore>, window_params = [{transform_indices = #map}, {transform_indices = #map}, {transform_indices = #map}, {transform_indices = #map}]} {
    %mul3A = arith.constant 2 : i32
    %mul3A_0 = arith.muli %arg1, %mul3A : i32
    %add3A = arith.addi %mul3A_0, %arg0 : i32
    %mul3A_1 = arith.constant 160 : i32
    %mul3A_2 = arith.muli %add3A, %mul3A_1 : i32
    "tpu.region"() ({
      %run_scoped3A = tpu.sem_alloc : memref<!tpu.dma_semaphore, #tpu.memory_space<semaphore_mem>>
      %dma_start3A_398 = tpu.memref_slice %arg3[%mul3A_2] : memref<5120xf32, #tpu.memory_space<hbm>> -> memref<160xf32, #tpu.memory_space<hbm>>
      %dma_start3A_399 = tpu.memref_slice %arg3[%mul3A_2] : memref<5120xf32, #tpu.memory_space<hbm>> -> memref<160xf32, #tpu.memory_space<hbm>>
      tpu.enqueue_dma source(%dma_start3A_399 : memref<160xf32, #tpu.memory_space<hbm>>) target(%arg8 : memref<160xf32, #tpu.memory_space<vmem>>) target_semaphore(%run_scoped3A : memref<!tpu.dma_semaphore, #tpu.memory_space<semaphore_mem>>)
      %dma_wait3A_400 = tpu.memref_slice %arg3[%mul3A_2] : memref<5120xf32, #tpu.memory_space<hbm>> -> memref<160xf32, #tpu.memory_space<hbm>>
      %dma_wait3A_401 = tpu.memref_slice %arg3[%mul3A_2] : memref<5120xf32, #tpu.memory_space<hbm>> -> memref<160xf32, #tpu.memory_space<hbm>>
      tpu.wait_dma2 semaphore(%run_scoped3A : memref<!tpu.dma_semaphore, #tpu.memory_space<semaphore_mem>>) src(%dma_wait3A_401 : memref<160xf32, #tpu.memory_space<hbm>>) dst(%arg8 : memref<160xf32, #tpu.memory_space<vmem>>)
      tpu.yield
    }) : () -> ()
    %iota3A = tpu.iota {dimensions = array<i32: 0>} : vector<16xi32>
    %broadcast_in_dim3A = arith.constant 0.000000e+00 : f32
    %broadcast_in_dim3A_3 = vector.broadcast %broadcast_in_dim3A : f32 to vector<16xf32>
    %broadcast_in_dim3A_4 = arith.constant 1.000000e+00 : f32
    %broadcast_in_dim3A_5 = vector.broadcast %broadcast_in_dim3A_4 : f32 to vector<16xf32>
    %broadcast_in_dim3A_6 = arith.constant 5.000000e+00 : f32
    %broadcast_in_dim3A_7 = vector.broadcast %broadcast_in_dim3A_6 : f32 to vector<16xf32>
    %broadcast_in_dim3A_8 = arith.constant 1.000000e+30 : f32
    %broadcast_in_dim3A_9 = vector.broadcast %broadcast_in_dim3A_8 : f32 to vector<16xf32>
    %broadcast_in_dim3A_10 = arith.constant 5.000000e-01 : f32
    %broadcast_in_dim3A_11 = vector.broadcast %broadcast_in_dim3A_10 : f32 to vector<16xf32>
    %broadcast_in_dim3A_12 = arith.constant -1.000000e+30 : f32
    %broadcast_in_dim3A_13 = vector.broadcast %broadcast_in_dim3A_12 : f32 to vector<16xf32>
    %mul3A_14 = arith.constant 512 : i32
    %mul3A_15 = vector.broadcast %mul3A_14 : i32 to vector<16xi32>
    %mul3A_16 = arith.muli %iota3A, %mul3A_15 : vector<16xi32>
    %add3A_17 = arith.constant 0 : i32
    %add3A_18 = arith.addi %mul3A_2, %add3A_17 : i32
    %mul3A_19 = arith.constant 512 : i32
    %mul3A_20 = arith.muli %add3A_18, %mul3A_19 : i32
    %dma_start3A = tpu.memref_slice %arg2[%mul3A_20] : memref<2621440xf32, #tpu.memory_space<hbm>> -> memref<8192xf32, #tpu.memory_space<hbm>>
    %dma_start3A_21 = tpu.memref_slice %arg2[%mul3A_20] : memref<2621440xf32, #tpu.memory_space<hbm>> -> memref<8192xf32, #tpu.memory_space<hbm>>
    tpu.enqueue_dma source(%dma_start3A_21 : memref<8192xf32, #tpu.memory_space<hbm>>) target(%arg6 : memref<8192xf32, #tpu.memory_space<vmem>>) target_semaphore(%arg11 : memref<!tpu.dma_semaphore, #tpu.memory_space<semaphore_mem>>)
    %dma_wait3A = tpu.memref_slice %arg2[%mul3A_20] : memref<2621440xf32, #tpu.memory_space<hbm>> -> memref<8192xf32, #tpu.memory_space<hbm>>
    %dma_wait3A_22 = tpu.memref_slice %arg2[%mul3A_20] : memref<2621440xf32, #tpu.memory_space<hbm>> -> memref<8192xf32, #tpu.memory_space<hbm>>
    tpu.wait_dma2 semaphore(%arg11 : memref<!tpu.dma_semaphore, #tpu.memory_space<semaphore_mem>>) src(%dma_wait3A_22 : memref<8192xf32, #tpu.memory_space<hbm>>) dst(%arg6 : memref<8192xf32, #tpu.memory_space<vmem>>)
    %add3A_23 = arith.constant 16 : i32
    %add3A_24 = arith.addi %mul3A_2, %add3A_23 : i32
    %mul3A_25 = arith.constant 512 : i32
    %mul3A_26 = arith.muli %add3A_24, %mul3A_25 : i32
    %dma_start3A_27 = tpu.memref_slice %arg2[%mul3A_26] : memref<2621440xf32, #tpu.memory_space<hbm>> -> memref<8192xf32, #tpu.memory_space<hbm>>
    %dma_start3A_28 = tpu.memref_slice %arg2[%mul3A_26] : memref<2621440xf32, #tpu.memory_space<hbm>> -> memref<8192xf32, #tpu.memory_space<hbm>>
    tpu.enqueue_dma source(%dma_start3A_28 : memref<8192xf32, #tpu.memory_space<hbm>>) target(%arg7 : memref<8192xf32, #tpu.memory_space<vmem>>) target_semaphore(%arg12 : memref<!tpu.dma_semaphore, #tpu.memory_space<semaphore_mem>>)
    %scan3A = arith.constant 0 : i32
    %scan3A_29 = arith.constant 64 : i32
    %scan3A_30 = arith.addi %scan3A, %scan3A_29 : i32
    %scan3A_31 = arith.constant 1 : i32
    %scan3A_32:10 = scf.for %scan3A_398 = %scan3A to %scan3A_30 step %scan3A_31 iter_args(%scan3A_399 = %mul3A_16, %scan3A_400 = %broadcast_in_dim3A_9, %scan3A_401 = %broadcast_in_dim3A_9, %scan3A_402 = %broadcast_in_dim3A_3, %scan3A_403 = %broadcast_in_dim3A_3, %scan3A_404 = %broadcast_in_dim3A_9, %scan3A_405 = %broadcast_in_dim3A_3, %scan3A_406 = %broadcast_in_dim3A_3, %scan3A_407 = %broadcast_in_dim3A_3, %scan3A_408 = %broadcast_in_dim3A_13) -> (vector<16xi32>, vector<16xf32>, vector<16xf32>, vector<16xf32>, vector<16xf32>, vector<16xf32>, vector<16xf32>, vector<16xf32>, vector<16xf32>, vector<16xf32>)  : i32 {
      %gather3A_409 = tpu.vector_load_idx %arg6[%scan3A_399] : memref<8192xf32, #tpu.memory_space<vmem>>[vector<16xi32>], vector<16xf32>,
      %ge3A = arith.cmpf oge, %gather3A_409, %broadcast_in_dim3A_3 : vector<16xf32>
      %gt3A_410 = arith.cmpf ogt, %gather3A_409, %broadcast_in_dim3A_3 : vector<16xf32>
      %gt3A_411 = arith.cmpf ogt, %scan3A_400, %broadcast_in_dim3A_7 : vector<16xf32>
      %and3A_412 = arith.andi %ge3A, %gt3A_411 : vector<16xi1>
      %lt3A_413 = arith.cmpf olt, %scan3A_401, %scan3A_404 : vector<16xf32>
      %and3A_414 = arith.andi %and3A_412, %lt3A_413 : vector<16xi1>
      %select_n3A_415 = arith.select %and3A_414, %scan3A_401, %scan3A_404 : vector<16xi1>, vector<16xf32>
      %select_n3A_416 = arith.select %and3A_414, %scan3A_402, %scan3A_405 : vector<16xi1>, vector<16xf32>
      %select_n3A_417 = arith.select %and3A_414, %scan3A_403, %scan3A_406 : vector<16xi1>, vector<16xf32>
      %select_n3A_418 = arith.select %ge3A, %broadcast_in_dim3A_5, %broadcast_in_dim3A_3 : vector<16xi1>, vector<16xf32>
      %select_n3A_419 = arith.select %gt3A_410, %gather3A_409, %broadcast_in_dim3A_3 : vector<16xi1>, vector<16xf32>
      %select_n3A_420 = arith.select %gt3A_410, %broadcast_in_dim3A_5, %broadcast_in_dim3A_3 : vector<16xi1>, vector<16xf32>
      %add3A_421 = arith.addf %scan3A_401, %select_n3A_418 : vector<16xf32>
      %select_n3A_422 = arith.select %and3A_412, %broadcast_in_dim3A_5, %add3A_421 : vector<16xi1>, vector<16xf32>
      %add3A_423 = arith.addf %scan3A_402, %select_n3A_419 : vector<16xf32>
      %select_n3A_424 = arith.select %and3A_412, %select_n3A_419, %add3A_423 : vector<16xi1>, vector<16xf32>
      %add3A_425 = arith.addf %scan3A_403, %select_n3A_420 : vector<16xf32>
      %select_n3A_426 = arith.select %and3A_412, %select_n3A_420, %add3A_425 : vector<16xi1>, vector<16xf32>
      %select_n3A_427 = arith.select %and3A_412, %broadcast_in_dim3A_5, %broadcast_in_dim3A_3 : vector<16xi1>, vector<16xf32>
      %add3A_428 = arith.addf %scan3A_407, %select_n3A_427 : vector<16xf32>
      %max3A_429 = arith.maximumf %scan3A_408, %gather3A_409 : vector<16xf32>
      %add3A_430 = arith.addf %scan3A_400, %broadcast_in_dim3A_5 : vector<16xf32>
      %select_n3A_431 = arith.select %ge3A, %broadcast_in_dim3A_5, %add3A_430 : vector<16xi1>, vector<16xf32>
      %add3A_432 = arith.constant 1 : i32
      %add3A_433 = vector.broadcast %add3A_432 : i32 to vector<16xi32>
      %add3A_434 = arith.addi %scan3A_399, %add3A_433 : vector<16xi32>
      %gather3A_435 = tpu.vector_load_idx %arg6[%add3A_434] : memref<8192xf32, #tpu.memory_space<vmem>>[vector<16xi32>], vector<16xf32>,
      %ge3A_436 = arith.cmpf oge, %gather3A_435, %broadcast_in_dim3A_3 : vector<16xf32>
      %gt3A_437 = arith.cmpf ogt, %gather3A_435, %broadcast_in_dim3A_3 : vector<16xf32>
      %gt3A_438 = arith.cmpf ogt, %select_n3A_431, %broadcast_in_dim3A_7 : vector<16xf32>
      %and3A_439 = arith.andi %ge3A_436, %gt3A_438 : vector<16xi1>
      %lt3A_440 = arith.cmpf olt, %select_n3A_422, %select_n3A_415 : vector<16xf32>
      %and3A_441 = arith.andi %and3A_439, %lt3A_440 : vector<16xi1>
      %select_n3A_442 = arith.select %and3A_441, %select_n3A_422, %select_n3A_415 : vector<16xi1>, vector<16xf32>
      %select_n3A_443 = arith.select %and3A_441, %select_n3A_424, %select_n3A_416 : vector<16xi1>, vector<16xf32>
      %select_n3A_444 = arith.select %and3A_441, %select_n3A_426, %select_n3A_417 : vector<16xi1>, vector<16xf32>
      %select_n3A_445 = arith.select %ge3A_436, %broadcast_in_dim3A_5, %broadcast_in_dim3A_3 : vector<16xi1>, vector<16xf32>
      %select_n3A_446 = arith.select %gt3A_437, %gather3A_435, %broadcast_in_dim3A_3 : vector<16xi1>, vector<16xf32>
      %select_n3A_447 = arith.select %gt3A_437, %broadcast_in_dim3A_5, %broadcast_in_dim3A_3 : vector<16xi1>, vector<16xf32>
      %add3A_448 = arith.addf %select_n3A_422, %select_n3A_445 : vector<16xf32>
      %select_n3A_449 = arith.select %and3A_439, %broadcast_in_dim3A_5, %add3A_448 : vector<16xi1>, vector<16xf32>
      %add3A_450 = arith.addf %select_n3A_424, %select_n3A_446 : vector<16xf32>
      %select_n3A_451 = arith.select %and3A_439, %select_n3A_446, %add3A_450 : vector<16xi1>, vector<16xf32>
      %add3A_452 = arith.addf %select_n3A_426, %select_n3A_447 : vector<16xf32>
      %select_n3A_453 = arith.select %and3A_439, %select_n3A_447, %add3A_452 : vector<16xi1>, vector<16xf32>
      %select_n3A_454 = arith.select %and3A_439, %broadcast_in_dim3A_5, %broadcast_in_dim3A_3 : vector<16xi1>, vector<16xf32>
      %add3A_455 = arith.addf %add3A_428, %select_n3A_454 : vector<16xf32>
      %max3A_456 = arith.maximumf %max3A_429, %gather3A_435 : vector<16xf32>
      %add3A_457 = arith.addf %select_n3A_431, %broadcast_in_dim3A_5 : vector<16xf32>
      %select_n3A_458 = arith.select %ge3A_436, %broadcast_in_dim3A_5, %add3A_457 : vector<16xi1>, vector<16xf32>
      %add3A_459 = arith.constant 1 : i32
      %add3A_460 = vector.broadcast %add3A_459 : i32 to vector<16xi32>
      %add3A_461 = arith.addi %add3A_434, %add3A_460 : vector<16xi32>
      %gather3A_462 = tpu.vector_load_idx %arg6[%add3A_461] : memref<8192xf32, #tpu.memory_space<vmem>>[vector<16xi32>], vector<16xf32>,
      %ge3A_463 = arith.cmpf oge, %gather3A_462, %broadcast_in_dim3A_3 : vector<16xf32>
      %gt3A_464 = arith.cmpf ogt, %gather3A_462, %broadcast_in_dim3A_3 : vector<16xf32>
      %gt3A_465 = arith.cmpf ogt, %select_n3A_458, %broadcast_in_dim3A_7 : vector<16xf32>
      %and3A_466 = arith.andi %ge3A_463, %gt3A_465 : vector<16xi1>
      %lt3A_467 = arith.cmpf olt, %select_n3A_449, %select_n3A_442 : vector<16xf32>
      %and3A_468 = arith.andi %and3A_466, %lt3A_467 : vector<16xi1>
      %select_n3A_469 = arith.select %and3A_468, %select_n3A_449, %select_n3A_442 : vector<16xi1>, vector<16xf32>
      %select_n3A_470 = arith.select %and3A_468, %select_n3A_451, %select_n3A_443 : vector<16xi1>, vector<16xf32>
      %select_n3A_471 = arith.select %and3A_468, %select_n3A_453, %select_n3A_444 : vector<16xi1>, vector<16xf32>
      %select_n3A_472 = arith.select %ge3A_463, %broadcast_in_dim3A_5, %broadcast_in_dim3A_3 : vector<16xi1>, vector<16xf32>
      %select_n3A_473 = arith.select %gt3A_464, %gather3A_462, %broadcast_in_dim3A_3 : vector<16xi1>, vector<16xf32>
      %select_n3A_474 = arith.select %gt3A_464, %broadcast_in_dim3A_5, %broadcast_in_dim3A_3 : vector<16xi1>, vector<16xf32>
      %add3A_475 = arith.addf %select_n3A_449, %select_n3A_472 : vector<16xf32>
      %select_n3A_476 = arith.select %and3A_466, %broadcast_in_dim3A_5, %add3A_475 : vector<16xi1>, vector<16xf32>
      %add3A_477 = arith.addf %select_n3A_451, %select_n3A_473 : vector<16xf32>
      %select_n3A_478 = arith.select %and3A_466, %select_n3A_473, %add3A_477 : vector<16xi1>, vector<16xf32>
      %add3A_479 = arith.addf %select_n3A_453, %select_n3A_474 : vector<16xf32>
      %select_n3A_480 = arith.select %and3A_466, %select_n3A_474, %add3A_479 : vector<16xi1>, vector<16xf32>
      %select_n3A_481 = arith.select %and3A_466, %broadcast_in_dim3A_5, %broadcast_in_dim3A_3 : vector<16xi1>, vector<16xf32>
      %add3A_482 = arith.addf %add3A_455, %select_n3A_481 : vector<16xf32>
      %max3A_483 = arith.maximumf %max3A_456, %gather3A_462 : vector<16xf32>
      %add3A_484 = arith.addf %select_n3A_458, %broadcast_in_dim3A_5 : vector<16xf32>
      %select_n3A_485 = arith.select %ge3A_463, %broadcast_in_dim3A_5, %add3A_484 : vector<16xi1>, vector<16xf32>
      %add3A_486 = arith.constant 1 : i32
      %add3A_487 = vector.broadcast %add3A_486 : i32 to vector<16xi32>
      %add3A_488 = arith.addi %add3A_461, %add3A_487 : vector<16xi32>
      %gather3A_489 = tpu.vector_load_idx %arg6[%add3A_488] : memref<8192xf32, #tpu.memory_space<vmem>>[vector<16xi32>], vector<16xf32>,
      %ge3A_490 = arith.cmpf oge, %gather3A_489, %broadcast_in_dim3A_3 : vector<16xf32>
      %gt3A_491 = arith.cmpf ogt, %gather3A_489, %broadcast_in_dim3A_3 : vector<16xf32>
      %gt3A_492 = arith.cmpf ogt, %select_n3A_485, %broadcast_in_dim3A_7 : vector<16xf32>
      %and3A_493 = arith.andi %ge3A_490, %gt3A_492 : vector<16xi1>
      %lt3A_494 = arith.cmpf olt, %select_n3A_476, %select_n3A_469 : vector<16xf32>
      %and3A_495 = arith.andi %and3A_493, %lt3A_494 : vector<16xi1>
      %select_n3A_496 = arith.select %and3A_495, %select_n3A_476, %select_n3A_469 : vector<16xi1>, vector<16xf32>
      %select_n3A_497 = arith.select %and3A_495, %select_n3A_478, %select_n3A_470 : vector<16xi1>, vector<16xf32>
      %select_n3A_498 = arith.select %and3A_495, %select_n3A_480, %select_n3A_471 : vector<16xi1>, vector<16xf32>
      %select_n3A_499 = arith.select %ge3A_490, %broadcast_in_dim3A_5, %broadcast_in_dim3A_3 : vector<16xi1>, vector<16xf32>
      %select_n3A_500 = arith.select %gt3A_491, %gather3A_489, %broadcast_in_dim3A_3 : vector<16xi1>, vector<16xf32>
      %select_n3A_501 = arith.select %gt3A_491, %broadcast_in_dim3A_5, %broadcast_in_dim3A_3 : vector<16xi1>, vector<16xf32>
      %add3A_502 = arith.addf %select_n3A_476, %select_n3A_499 : vector<16xf32>
      %select_n3A_503 = arith.select %and3A_493, %broadcast_in_dim3A_5, %add3A_502 : vector<16xi1>, vector<16xf32>
      %add3A_504 = arith.addf %select_n3A_478, %select_n3A_500 : vector<16xf32>
      %select_n3A_505 = arith.select %and3A_493, %select_n3A_500, %add3A_504 : vector<16xi1>, vector<16xf32>
      %add3A_506 = arith.addf %select_n3A_480, %select_n3A_501 : vector<16xf32>
      %select_n3A_507 = arith.select %and3A_493, %select_n3A_501, %add3A_506 : vector<16xi1>, vector<16xf32>
      %select_n3A_508 = arith.select %and3A_493, %broadcast_in_dim3A_5, %broadcast_in_dim3A_3 : vector<16xi1>, vector<16xf32>
      %add3A_509 = arith.addf %add3A_482, %select_n3A_508 : vector<16xf32>
      %max3A_510 = arith.maximumf %max3A_483, %gather3A_489 : vector<16xf32>
      %add3A_511 = arith.addf %select_n3A_485, %broadcast_in_dim3A_5 : vector<16xf32>
      %select_n3A_512 = arith.select %ge3A_490, %broadcast_in_dim3A_5, %add3A_511 : vector<16xi1>, vector<16xf32>
      %add3A_513 = arith.constant 1 : i32
      %add3A_514 = vector.broadcast %add3A_513 : i32 to vector<16xi32>
      %add3A_515 = arith.addi %add3A_488, %add3A_514 : vector<16xi32>
      %gather3A_516 = tpu.vector_load_idx %arg6[%add3A_515] : memref<8192xf32, #tpu.memory_space<vmem>>[vector<16xi32>], vector<16xf32>,
      %ge3A_517 = arith.cmpf oge, %gather3A_516, %broadcast_in_dim3A_3 : vector<16xf32>
      %gt3A_518 = arith.cmpf ogt, %gather3A_516, %broadcast_in_dim3A_3 : vector<16xf32>
      %gt3A_519 = arith.cmpf ogt, %select_n3A_512, %broadcast_in_dim3A_7 : vector<16xf32>
      %and3A_520 = arith.andi %ge3A_517, %gt3A_519 : vector<16xi1>
      %lt3A_521 = arith.cmpf olt, %select_n3A_503, %select_n3A_496 : vector<16xf32>
      %and3A_522 = arith.andi %and3A_520, %lt3A_521 : vector<16xi1>
      %select_n3A_523 = arith.select %and3A_522, %select_n3A_503, %select_n3A_496 : vector<16xi1>, vector<16xf32>
      %select_n3A_524 = arith.select %and3A_522, %select_n3A_505, %select_n3A_497 : vector<16xi1>, vector<16xf32>
      %select_n3A_525 = arith.select %and3A_522, %select_n3A_507, %select_n3A_498 : vector<16xi1>, vector<16xf32>
      %select_n3A_526 = arith.select %ge3A_517, %broadcast_in_dim3A_5, %broadcast_in_dim3A_3 : vector<16xi1>, vector<16xf32>
      %select_n3A_527 = arith.select %gt3A_518, %gather3A_516, %broadcast_in_dim3A_3 : vector<16xi1>, vector<16xf32>
      %select_n3A_528 = arith.select %gt3A_518, %broadcast_in_dim3A_5, %broadcast_in_dim3A_3 : vector<16xi1>, vector<16xf32>
      %add3A_529 = arith.addf %select_n3A_503, %select_n3A_526 : vector<16xf32>
      %select_n3A_530 = arith.select %and3A_520, %broadcast_in_dim3A_5, %add3A_529 : vector<16xi1>, vector<16xf32>
      %add3A_531 = arith.addf %select_n3A_505, %select_n3A_527 : vector<16xf32>
      %select_n3A_532 = arith.select %and3A_520, %select_n3A_527, %add3A_531 : vector<16xi1>, vector<16xf32>
      %add3A_533 = arith.addf %select_n3A_507, %select_n3A_528 : vector<16xf32>
      %select_n3A_534 = arith.select %and3A_520, %select_n3A_528, %add3A_533 : vector<16xi1>, vector<16xf32>
      %select_n3A_535 = arith.select %and3A_520, %broadcast_in_dim3A_5, %broadcast_in_dim3A_3 : vector<16xi1>, vector<16xf32>
      %add3A_536 = arith.addf %add3A_509, %select_n3A_535 : vector<16xf32>
      %max3A_537 = arith.maximumf %max3A_510, %gather3A_516 : vector<16xf32>
      %add3A_538 = arith.addf %select_n3A_512, %broadcast_in_dim3A_5 : vector<16xf32>
      %select_n3A_539 = arith.select %ge3A_517, %broadcast_in_dim3A_5, %add3A_538 : vector<16xi1>, vector<16xf32>
      %add3A_540 = arith.constant 1 : i32
      %add3A_541 = vector.broadcast %add3A_540 : i32 to vector<16xi32>
      %add3A_542 = arith.addi %add3A_515, %add3A_541 : vector<16xi32>
      %gather3A_543 = tpu.vector_load_idx %arg6[%add3A_542] : memref<8192xf32, #tpu.memory_space<vmem>>[vector<16xi32>], vector<16xf32>,
      %ge3A_544 = arith.cmpf oge, %gather3A_543, %broadcast_in_dim3A_3 : vector<16xf32>
      %gt3A_545 = arith.cmpf ogt, %gather3A_543, %broadcast_in_dim3A_3 : vector<16xf32>
      %gt3A_546 = arith.cmpf ogt, %select_n3A_539, %broadcast_in_dim3A_7 : vector<16xf32>
      %and3A_547 = arith.andi %ge3A_544, %gt3A_546 : vector<16xi1>
      %lt3A_548 = arith.cmpf olt, %select_n3A_530, %select_n3A_523 : vector<16xf32>
      %and3A_549 = arith.andi %and3A_547, %lt3A_548 : vector<16xi1>
      %select_n3A_550 = arith.select %and3A_549, %select_n3A_530, %select_n3A_523 : vector<16xi1>, vector<16xf32>
      %select_n3A_551 = arith.select %and3A_549, %select_n3A_532, %select_n3A_524 : vector<16xi1>, vector<16xf32>
      %select_n3A_552 = arith.select %and3A_549, %select_n3A_534, %select_n3A_525 : vector<16xi1>, vector<16xf32>
      %select_n3A_553 = arith.select %ge3A_544, %broadcast_in_dim3A_5, %broadcast_in_dim3A_3 : vector<16xi1>, vector<16xf32>
      %select_n3A_554 = arith.select %gt3A_545, %gather3A_543, %broadcast_in_dim3A_3 : vector<16xi1>, vector<16xf32>
      %select_n3A_555 = arith.select %gt3A_545, %broadcast_in_dim3A_5, %broadcast_in_dim3A_3 : vector<16xi1>, vector<16xf32>
      %add3A_556 = arith.addf %select_n3A_530, %select_n3A_553 : vector<16xf32>
      %select_n3A_557 = arith.select %and3A_547, %broadcast_in_dim3A_5, %add3A_556 : vector<16xi1>, vector<16xf32>
      %add3A_558 = arith.addf %select_n3A_532, %select_n3A_554 : vector<16xf32>
      %select_n3A_559 = arith.select %and3A_547, %select_n3A_554, %add3A_558 : vector<16xi1>, vector<16xf32>
      %add3A_560 = arith.addf %select_n3A_534, %select_n3A_555 : vector<16xf32>
      %select_n3A_561 = arith.select %and3A_547, %select_n3A_555, %add3A_560 : vector<16xi1>, vector<16xf32>
      %select_n3A_562 = arith.select %and3A_547, %broadcast_in_dim3A_5, %broadcast_in_dim3A_3 : vector<16xi1>, vector<16xf32>
      %add3A_563 = arith.addf %add3A_536, %select_n3A_562 : vector<16xf32>
      %max3A_564 = arith.maximumf %max3A_537, %gather3A_543 : vector<16xf32>
      %add3A_565 = arith.addf %select_n3A_539, %broadcast_in_dim3A_5 : vector<16xf32>
      %select_n3A_566 = arith.select %ge3A_544, %broadcast_in_dim3A_5, %add3A_565 : vector<16xi1>, vector<16xf32>
      %add3A_567 = arith.constant 1 : i32
      %add3A_568 = vector.broadcast %add3A_567 : i32 to vector<16xi32>
      %add3A_569 = arith.addi %add3A_542, %add3A_568 : vector<16xi32>
      %gather3A_570 = tpu.vector_load_idx %arg6[%add3A_569] : memref<8192xf32, #tpu.memory_space<vmem>>[vector<16xi32>], vector<16xf32>,
      %ge3A_571 = arith.cmpf oge, %gather3A_570, %broadcast_in_dim3A_3 : vector<16xf32>
      %gt3A_572 = arith.cmpf ogt, %gather3A_570, %broadcast_in_dim3A_3 : vector<16xf32>
      %gt3A_573 = arith.cmpf ogt, %select_n3A_566, %broadcast_in_dim3A_7 : vector<16xf32>
      %and3A_574 = arith.andi %ge3A_571, %gt3A_573 : vector<16xi1>
      %lt3A_575 = arith.cmpf olt, %select_n3A_557, %select_n3A_550 : vector<16xf32>
      %and3A_576 = arith.andi %and3A_574, %lt3A_575 : vector<16xi1>
      %select_n3A_577 = arith.select %and3A_576, %select_n3A_557, %select_n3A_550 : vector<16xi1>, vector<16xf32>
      %select_n3A_578 = arith.select %and3A_576, %select_n3A_559, %select_n3A_551 : vector<16xi1>, vector<16xf32>
      %select_n3A_579 = arith.select %and3A_576, %select_n3A_561, %select_n3A_552 : vector<16xi1>, vector<16xf32>
      %select_n3A_580 = arith.select %ge3A_571, %broadcast_in_dim3A_5, %broadcast_in_dim3A_3 : vector<16xi1>, vector<16xf32>
      %select_n3A_581 = arith.select %gt3A_572, %gather3A_570, %broadcast_in_dim3A_3 : vector<16xi1>, vector<16xf32>
      %select_n3A_582 = arith.select %gt3A_572, %broadcast_in_dim3A_5, %broadcast_in_dim3A_3 : vector<16xi1>, vector<16xf32>
      %add3A_583 = arith.addf %select_n3A_557, %select_n3A_580 : vector<16xf32>
      %select_n3A_584 = arith.select %and3A_574, %broadcast_in_dim3A_5, %add3A_583 : vector<16xi1>, vector<16xf32>
      %add3A_585 = arith.addf %select_n3A_559, %select_n3A_581 : vector<16xf32>
      %select_n3A_586 = arith.select %and3A_574, %select_n3A_581, %add3A_585 : vector<16xi1>, vector<16xf32>
      %add3A_587 = arith.addf %select_n3A_561, %select_n3A_582 : vector<16xf32>
      %select_n3A_588 = arith.select %and3A_574, %select_n3A_582, %add3A_587 : vector<16xi1>, vector<16xf32>
      %select_n3A_589 = arith.select %and3A_574, %broadcast_in_dim3A_5, %broadcast_in_dim3A_3 : vector<16xi1>, vector<16xf32>
      %add3A_590 = arith.addf %add3A_563, %select_n3A_589 : vector<16xf32>
      %max3A_591 = arith.maximumf %max3A_564, %gather3A_570 : vector<16xf32>
      %add3A_592 = arith.addf %select_n3A_566, %broadcast_in_dim3A_5 : vector<16xf32>
      %select_n3A_593 = arith.select %ge3A_571, %broadcast_in_dim3A_5, %add3A_592 : vector<16xi1>, vector<16xf32>
      %add3A_594 = arith.constant 1 : i32
      %add3A_595 = vector.broadcast %add3A_594 : i32 to vector<16xi32>
      %add3A_596 = arith.addi %add3A_569, %add3A_595 : vector<16xi32>
      %gather3A_597 = tpu.vector_load_idx %arg6[%add3A_596] : memref<8192xf32, #tpu.memory_space<vmem>>[vector<16xi32>], vector<16xf32>,
      %ge3A_598 = arith.cmpf oge, %gather3A_597, %broadcast_in_dim3A_3 : vector<16xf32>
      %gt3A_599 = arith.cmpf ogt, %gather3A_597, %broadcast_in_dim3A_3 : vector<16xf32>
      %gt3A_600 = arith.cmpf ogt, %select_n3A_593, %broadcast_in_dim3A_7 : vector<16xf32>
      %and3A_601 = arith.andi %ge3A_598, %gt3A_600 : vector<16xi1>
      %lt3A_602 = arith.cmpf olt, %select_n3A_584, %select_n3A_577 : vector<16xf32>
      %and3A_603 = arith.andi %and3A_601, %lt3A_602 : vector<16xi1>
      %select_n3A_604 = arith.select %and3A_603, %select_n3A_584, %select_n3A_577 : vector<16xi1>, vector<16xf32>
      %select_n3A_605 = arith.select %and3A_603, %select_n3A_586, %select_n3A_578 : vector<16xi1>, vector<16xf32>
      %select_n3A_606 = arith.select %and3A_603, %select_n3A_588, %select_n3A_579 : vector<16xi1>, vector<16xf32>
      %select_n3A_607 = arith.select %ge3A_598, %broadcast_in_dim3A_5, %broadcast_in_dim3A_3 : vector<16xi1>, vector<16xf32>
      %select_n3A_608 = arith.select %gt3A_599, %gather3A_597, %broadcast_in_dim3A_3 : vector<16xi1>, vector<16xf32>
      %select_n3A_609 = arith.select %gt3A_599, %broadcast_in_dim3A_5, %broadcast_in_dim3A_3 : vector<16xi1>, vector<16xf32>
      %add3A_610 = arith.addf %select_n3A_584, %select_n3A_607 : vector<16xf32>
      %select_n3A_611 = arith.select %and3A_601, %broadcast_in_dim3A_5, %add3A_610 : vector<16xi1>, vector<16xf32>
      %add3A_612 = arith.addf %select_n3A_586, %select_n3A_608 : vector<16xf32>
      %select_n3A_613 = arith.select %and3A_601, %select_n3A_608, %add3A_612 : vector<16xi1>, vector<16xf32>
      %add3A_614 = arith.addf %select_n3A_588, %select_n3A_609 : vector<16xf32>
      %select_n3A_615 = arith.select %and3A_601, %select_n3A_609, %add3A_614 : vector<16xi1>, vector<16xf32>
      %select_n3A_616 = arith.select %and3A_601, %broadcast_in_dim3A_5, %broadcast_in_dim3A_3 : vector<16xi1>, vector<16xf32>
      %add3A_617 = arith.addf %add3A_590, %select_n3A_616 : vector<16xf32>
      %max3A_618 = arith.maximumf %max3A_591, %gather3A_597 : vector<16xf32>
      %add3A_619 = arith.addf %select_n3A_593, %broadcast_in_dim3A_5 : vector<16xf32>
      %select_n3A_620 = arith.select %ge3A_598, %broadcast_in_dim3A_5, %add3A_619 : vector<16xi1>, vector<16xf32>
      %add3A_621 = arith.constant 1 : i32
      %add3A_622 = vector.broadcast %add3A_621 : i32 to vector<16xi32>
      %add3A_623 = arith.addi %add3A_596, %add3A_622 : vector<16xi32>
      scf.yield %add3A_623, %select_n3A_620, %select_n3A_611, %select_n3A_613, %select_n3A_615, %select_n3A_604, %select_n3A_605, %select_n3A_606, %add3A_617, %max3A_618 : vector<16xi32>, vector<16xf32>, vector<16xf32>, vector<16xf32>, vector<16xf32>, vector<16xf32>, vector<16xf32>, vector<16xf32>, vector<16xf32>, vector<16xf32>
    }
    %scan3A_33 = arith.constant 64 : i32
    %add3A_34 = arith.constant 0 : i32
    %add3A_35 = vector.broadcast %add3A_34 : i32 to vector<16xi32>
    %add3A_36 = arith.addi %iota3A, %add3A_35 : vector<16xi32>
    %lt3A = arith.cmpf olt, %scan3A_32#2, %scan3A_32#5 : vector<16xf32>
    %select_n3A = arith.select %lt3A, %scan3A_32#3, %scan3A_32#6 : vector<16xi1>, vector<16xf32>
    %select_n3A_37 = arith.select %lt3A, %scan3A_32#4, %scan3A_32#7 : vector<16xi1>, vector<16xf32>
    %gather3A = tpu.vector_load_idx %arg8[%add3A_36] : memref<160xf32, #tpu.memory_space<vmem>>[vector<16xi32>], vector<16xf32>,
    %gt3A = arith.cmpf ogt, %gather3A, %broadcast_in_dim3A_11 : vector<16xf32>
    %gt3A_38 = arith.cmpf ogt, %scan3A_32#8, %broadcast_in_dim3A_11 : vector<16xf32>
    %gt3A_39 = arith.cmpf ogt, %select_n3A_37, %broadcast_in_dim3A_3 : vector<16xf32>
    %max3A = arith.maximumf %select_n3A_37, %broadcast_in_dim3A_5 : vector<16xf32>
    %div3A = arith.divf %select_n3A, %max3A : vector<16xf32>
    %select_n3A_40 = arith.select %gt3A_39, %div3A, %broadcast_in_dim3A_3 : vector<16xi1>, vector<16xf32>
    %not3A = arith.constant dense<true> : vector<16xi1>
    %not3A_41 = arith.xori %gt3A_38, %not3A : vector<16xi1>
    %and3A = arith.andi %gt3A, %not3A_41 : vector<16xi1>
    %neg3A = arith.constant 0.000000e+00 : f32
    %neg3A_42 = vector.broadcast %neg3A : f32 to vector<16xf32>
    %neg3A_43 = arith.subf %neg3A_42, %scan3A_32#9 : vector<16xf32>
    %not3A_44 = arith.constant dense<true> : vector<16xi1>
    %not3A_45 = arith.xori %gt3A, %not3A_44 : vector<16xi1>
    %and3A_46 = arith.andi %not3A_45, %gt3A_38 : vector<16xi1>
    %select_n3A_47 = arith.select %and3A_46, %select_n3A_40, %broadcast_in_dim3A_3 : vector<16xi1>, vector<16xf32>
    %select_n3A_48 = arith.select %and3A, %neg3A_43, %select_n3A_47 : vector<16xi1>, vector<16xf32>
    tpu.vector_store_idx %arg9[%add3A_36], %scan3A_32#8 : memref<160xf32, #tpu.memory_space<vmem>>[vector<16xi32>], vector<16xf32>,
    %add3A_49 = arith.addf %broadcast_in_dim3A_3, %select_n3A_48 : vector<16xf32>
    %dma_wait3A_50 = tpu.memref_slice %arg2[%mul3A_26] : memref<2621440xf32, #tpu.memory_space<hbm>> -> memref<8192xf32, #tpu.memory_space<hbm>>
    %dma_wait3A_51 = tpu.memref_slice %arg2[%mul3A_26] : memref<2621440xf32, #tpu.memory_space<hbm>> -> memref<8192xf32, #tpu.memory_space<hbm>>
    tpu.wait_dma2 semaphore(%arg12 : memref<!tpu.dma_semaphore, #tpu.memory_space<semaphore_mem>>) src(%dma_wait3A_51 : memref<8192xf32, #tpu.memory_space<hbm>>) dst(%arg7 : memref<8192xf32, #tpu.memory_space<vmem>>)
    %add3A_52 = arith.constant 32 : i32
    %add3A_53 = arith.addi %mul3A_2, %add3A_52 : i32
    %mul3A_54 = arith.constant 512 : i32
    %mul3A_55 = arith.muli %add3A_53, %mul3A_54 : i32
    %dma_start3A_56 = tpu.memref_slice %arg2[%mul3A_55] : memref<2621440xf32, #tpu.memory_space<hbm>> -> memref<8192xf32, #tpu.memory_space<hbm>>
    %dma_start3A_57 = tpu.memref_slice %arg2[%mul3A_55] : memref<2621440xf32, #tpu.memory_space<hbm>> -> memref<8192xf32, #tpu.memory_space<hbm>>
    tpu.enqueue_dma source(%dma_start3A_57 : memref<8192xf32, #tpu.memory_space<hbm>>) target(%arg6 : memref<8192xf32, #tpu.memory_space<vmem>>) target_semaphore(%arg11 : memref<!tpu.dma_semaphore, #tpu.memory_space<semaphore_mem>>)
    %scan3A_58 = arith.constant 0 : i32
    %scan3A_59 = arith.constant 64 : i32
    %scan3A_60 = arith.addi %scan3A_58, %scan3A_59 : i32
    %scan3A_61 = arith.constant 1 : i32
    %scan3A_62:10 = scf.for %scan3A_398 = %scan3A_58 to %scan3A_60 step %scan3A_61 iter_args(%scan3A_399 = %mul3A_16, %scan3A_400 = %broadcast_in_dim3A_9, %scan3A_401 = %broadcast_in_dim3A_9, %scan3A_402 = %broadcast_in_dim3A_3, %scan3A_403 = %broadcast_in_dim3A_3, %scan3A_404 = %broadcast_in_dim3A_9, %scan3A_405 = %broadcast_in_dim3A_3, %scan3A_406 = %broadcast_in_dim3A_3, %scan3A_407 = %broadcast_in_dim3A_3, %scan3A_408 = %broadcast_in_dim3A_13) -> (vector<16xi32>, vector<16xf32>, vector<16xf32>, vector<16xf32>, vector<16xf32>, vector<16xf32>, vector<16xf32>, vector<16xf32>, vector<16xf32>, vector<16xf32>)  : i32 {
      %gather3A_409 = tpu.vector_load_idx %arg7[%scan3A_399] : memref<8192xf32, #tpu.memory_space<vmem>>[vector<16xi32>], vector<16xf32>,
      %ge3A = arith.cmpf oge, %gather3A_409, %broadcast_in_dim3A_3 : vector<16xf32>
      %gt3A_410 = arith.cmpf ogt, %gather3A_409, %broadcast_in_dim3A_3 : vector<16xf32>
      %gt3A_411 = arith.cmpf ogt, %scan3A_400, %broadcast_in_dim3A_7 : vector<16xf32>
      %and3A_412 = arith.andi %ge3A, %gt3A_411 : vector<16xi1>
      %lt3A_413 = arith.cmpf olt, %scan3A_401, %scan3A_404 : vector<16xf32>
      %and3A_414 = arith.andi %and3A_412, %lt3A_413 : vector<16xi1>
      %select_n3A_415 = arith.select %and3A_414, %scan3A_401, %scan3A_404 : vector<16xi1>, vector<16xf32>
      %select_n3A_416 = arith.select %and3A_414, %scan3A_402, %scan3A_405 : vector<16xi1>, vector<16xf32>
      %select_n3A_417 = arith.select %and3A_414, %scan3A_403, %scan3A_406 : vector<16xi1>, vector<16xf32>
      %select_n3A_418 = arith.select %ge3A, %broadcast_in_dim3A_5, %broadcast_in_dim3A_3 : vector<16xi1>, vector<16xf32>
      %select_n3A_419 = arith.select %gt3A_410, %gather3A_409, %broadcast_in_dim3A_3 : vector<16xi1>, vector<16xf32>
      %select_n3A_420 = arith.select %gt3A_410, %broadcast_in_dim3A_5, %broadcast_in_dim3A_3 : vector<16xi1>, vector<16xf32>
      %add3A_421 = arith.addf %scan3A_401, %select_n3A_418 : vector<16xf32>
      %select_n3A_422 = arith.select %and3A_412, %broadcast_in_dim3A_5, %add3A_421 : vector<16xi1>, vector<16xf32>
      %add3A_423 = arith.addf %scan3A_402, %select_n3A_419 : vector<16xf32>
      %select_n3A_424 = arith.select %and3A_412, %select_n3A_419, %add3A_423 : vector<16xi1>, vector<16xf32>
      %add3A_425 = arith.addf %scan3A_403, %select_n3A_420 : vector<16xf32>
      %select_n3A_426 = arith.select %and3A_412, %select_n3A_420, %add3A_425 : vector<16xi1>, vector<16xf32>
      %select_n3A_427 = arith.select %and3A_412, %broadcast_in_dim3A_5, %broadcast_in_dim3A_3 : vector<16xi1>, vector<16xf32>
      %add3A_428 = arith.addf %scan3A_407, %select_n3A_427 : vector<16xf32>
      %max3A_429 = arith.maximumf %scan3A_408, %gather3A_409 : vector<16xf32>
      %add3A_430 = arith.addf %scan3A_400, %broadcast_in_dim3A_5 : vector<16xf32>
      %select_n3A_431 = arith.select %ge3A, %broadcast_in_dim3A_5, %add3A_430 : vector<16xi1>, vector<16xf32>
      %add3A_432 = arith.constant 1 : i32
      %add3A_433 = vector.broadcast %add3A_432 : i32 to vector<16xi32>
      %add3A_434 = arith.addi %scan3A_399, %add3A_433 : vector<16xi32>
      %gather3A_435 = tpu.vector_load_idx %arg7[%add3A_434] : memref<8192xf32, #tpu.memory_space<vmem>>[vector<16xi32>], vector<16xf32>,
      %ge3A_436 = arith.cmpf oge, %gather3A_435, %broadcast_in_dim3A_3 : vector<16xf32>
      %gt3A_437 = arith.cmpf ogt, %gather3A_435, %broadcast_in_dim3A_3 : vector<16xf32>
      %gt3A_438 = arith.cmpf ogt, %select_n3A_431, %broadcast_in_dim3A_7 : vector<16xf32>
      %and3A_439 = arith.andi %ge3A_436, %gt3A_438 : vector<16xi1>
      %lt3A_440 = arith.cmpf olt, %select_n3A_422, %select_n3A_415 : vector<16xf32>
      %and3A_441 = arith.andi %and3A_439, %lt3A_440 : vector<16xi1>
      %select_n3A_442 = arith.select %and3A_441, %select_n3A_422, %select_n3A_415 : vector<16xi1>, vector<16xf32>
      %select_n3A_443 = arith.select %and3A_441, %select_n3A_424, %select_n3A_416 : vector<16xi1>, vector<16xf32>
      %select_n3A_444 = arith.select %and3A_441, %select_n3A_426, %select_n3A_417 : vector<16xi1>, vector<16xf32>
      %select_n3A_445 = arith.select %ge3A_436, %broadcast_in_dim3A_5, %broadcast_in_dim3A_3 : vector<16xi1>, vector<16xf32>
      %select_n3A_446 = arith.select %gt3A_437, %gather3A_435, %broadcast_in_dim3A_3 : vector<16xi1>, vector<16xf32>
      %select_n3A_447 = arith.select %gt3A_437, %broadcast_in_dim3A_5, %broadcast_in_dim3A_3 : vector<16xi1>, vector<16xf32>
      %add3A_448 = arith.addf %select_n3A_422, %select_n3A_445 : vector<16xf32>
      %select_n3A_449 = arith.select %and3A_439, %broadcast_in_dim3A_5, %add3A_448 : vector<16xi1>, vector<16xf32>
      %add3A_450 = arith.addf %select_n3A_424, %select_n3A_446 : vector<16xf32>
      %select_n3A_451 = arith.select %and3A_439, %select_n3A_446, %add3A_450 : vector<16xi1>, vector<16xf32>
      %add3A_452 = arith.addf %select_n3A_426, %select_n3A_447 : vector<16xf32>
      %select_n3A_453 = arith.select %and3A_439, %select_n3A_447, %add3A_452 : vector<16xi1>, vector<16xf32>
      %select_n3A_454 = arith.select %and3A_439, %broadcast_in_dim3A_5, %broadcast_in_dim3A_3 : vector<16xi1>, vector<16xf32>
      %add3A_455 = arith.addf %add3A_428, %select_n3A_454 : vector<16xf32>
      %max3A_456 = arith.maximumf %max3A_429, %gather3A_435 : vector<16xf32>
      %add3A_457 = arith.addf %select_n3A_431, %broadcast_in_dim3A_5 : vector<16xf32>
      %select_n3A_458 = arith.select %ge3A_436, %broadcast_in_dim3A_5, %add3A_457 : vector<16xi1>, vector<16xf32>
      %add3A_459 = arith.constant 1 : i32
      %add3A_460 = vector.broadcast %add3A_459 : i32 to vector<16xi32>
      %add3A_461 = arith.addi %add3A_434, %add3A_460 : vector<16xi32>
      %gather3A_462 = tpu.vector_load_idx %arg7[%add3A_461] : memref<8192xf32, #tpu.memory_space<vmem>>[vector<16xi32>], vector<16xf32>,
      %ge3A_463 = arith.cmpf oge, %gather3A_462, %broadcast_in_dim3A_3 : vector<16xf32>
      %gt3A_464 = arith.cmpf ogt, %gather3A_462, %broadcast_in_dim3A_3 : vector<16xf32>
      %gt3A_465 = arith.cmpf ogt, %select_n3A_458, %broadcast_in_dim3A_7 : vector<16xf32>
      %and3A_466 = arith.andi %ge3A_463, %gt3A_465 : vector<16xi1>
      %lt3A_467 = arith.cmpf olt, %select_n3A_449, %select_n3A_442 : vector<16xf32>
      %and3A_468 = arith.andi %and3A_466, %lt3A_467 : vector<16xi1>
      %select_n3A_469 = arith.select %and3A_468, %select_n3A_449, %select_n3A_442 : vector<16xi1>, vector<16xf32>
      %select_n3A_470 = arith.select %and3A_468, %select_n3A_451, %select_n3A_443 : vector<16xi1>, vector<16xf32>
      %select_n3A_471 = arith.select %and3A_468, %select_n3A_453, %select_n3A_444 : vector<16xi1>, vector<16xf32>
      %select_n3A_472 = arith.select %ge3A_463, %broadcast_in_dim3A_5, %broadcast_in_dim3A_3 : vector<16xi1>, vector<16xf32>
      %select_n3A_473 = arith.select %gt3A_464, %gather3A_462, %broadcast_in_dim3A_3 : vector<16xi1>, vector<16xf32>
      %select_n3A_474 = arith.select %gt3A_464, %broadcast_in_dim3A_5, %broadcast_in_dim3A_3 : vector<16xi1>, vector<16xf32>
      %add3A_475 = arith.addf %select_n3A_449, %select_n3A_472 : vector<16xf32>
      %select_n3A_476 = arith.select %and3A_466, %broadcast_in_dim3A_5, %add3A_475 : vector<16xi1>, vector<16xf32>
      %add3A_477 = arith.addf %select_n3A_451, %select_n3A_473 : vector<16xf32>
      %select_n3A_478 = arith.select %and3A_466, %select_n3A_473, %add3A_477 : vector<16xi1>, vector<16xf32>
      %add3A_479 = arith.addf %select_n3A_453, %select_n3A_474 : vector<16xf32>
      %select_n3A_480 = arith.select %and3A_466, %select_n3A_474, %add3A_479 : vector<16xi1>, vector<16xf32>
      %select_n3A_481 = arith.select %and3A_466, %broadcast_in_dim3A_5, %broadcast_in_dim3A_3 : vector<16xi1>, vector<16xf32>
      %add3A_482 = arith.addf %add3A_455, %select_n3A_481 : vector<16xf32>
      %max3A_483 = arith.maximumf %max3A_456, %gather3A_462 : vector<16xf32>
      %add3A_484 = arith.addf %select_n3A_458, %broadcast_in_dim3A_5 : vector<16xf32>
      %select_n3A_485 = arith.select %ge3A_463, %broadcast_in_dim3A_5, %add3A_484 : vector<16xi1>, vector<16xf32>
      %add3A_486 = arith.constant 1 : i32
      %add3A_487 = vector.broadcast %add3A_486 : i32 to vector<16xi32>
      %add3A_488 = arith.addi %add3A_461, %add3A_487 : vector<16xi32>
      %gather3A_489 = tpu.vector_load_idx %arg7[%add3A_488] : memref<8192xf32, #tpu.memory_space<vmem>>[vector<16xi32>], vector<16xf32>,
      %ge3A_490 = arith.cmpf oge, %gather3A_489, %broadcast_in_dim3A_3 : vector<16xf32>
      %gt3A_491 = arith.cmpf ogt, %gather3A_489, %broadcast_in_dim3A_3 : vector<16xf32>
      %gt3A_492 = arith.cmpf ogt, %select_n3A_485, %broadcast_in_dim3A_7 : vector<16xf32>
      %and3A_493 = arith.andi %ge3A_490, %gt3A_492 : vector<16xi1>
      %lt3A_494 = arith.cmpf olt, %select_n3A_476, %select_n3A_469 : vector<16xf32>
      %and3A_495 = arith.andi %and3A_493, %lt3A_494 : vector<16xi1>
      %select_n3A_496 = arith.select %and3A_495, %select_n3A_476, %select_n3A_469 : vector<16xi1>, vector<16xf32>
      %select_n3A_497 = arith.select %and3A_495, %select_n3A_478, %select_n3A_470 : vector<16xi1>, vector<16xf32>
      %select_n3A_498 = arith.select %and3A_495, %select_n3A_480, %select_n3A_471 : vector<16xi1>, vector<16xf32>
      %select_n3A_499 = arith.select %ge3A_490, %broadcast_in_dim3A_5, %broadcast_in_dim3A_3 : vector<16xi1>, vector<16xf32>
      %select_n3A_500 = arith.select %gt3A_491, %gather3A_489, %broadcast_in_dim3A_3 : vector<16xi1>, vector<16xf32>
      %select_n3A_501 = arith.select %gt3A_491, %broadcast_in_dim3A_5, %broadcast_in_dim3A_3 : vector<16xi1>, vector<16xf32>
      %add3A_502 = arith.addf %select_n3A_476, %select_n3A_499 : vector<16xf32>
      %select_n3A_503 = arith.select %and3A_493, %broadcast_in_dim3A_5, %add3A_502 : vector<16xi1>, vector<16xf32>
      %add3A_504 = arith.addf %select_n3A_478, %select_n3A_500 : vector<16xf32>
      %select_n3A_505 = arith.select %and3A_493, %select_n3A_500, %add3A_504 : vector<16xi1>, vector<16xf32>
      %add3A_506 = arith.addf %select_n3A_480, %select_n3A_501 : vector<16xf32>
      %select_n3A_507 = arith.select %and3A_493, %select_n3A_501, %add3A_506 : vector<16xi1>, vector<16xf32>
      %select_n3A_508 = arith.select %and3A_493, %broadcast_in_dim3A_5, %broadcast_in_dim3A_3 : vector<16xi1>, vector<16xf32>
      %add3A_509 = arith.addf %add3A_482, %select_n3A_508 : vector<16xf32>
      %max3A_510 = arith.maximumf %max3A_483, %gather3A_489 : vector<16xf32>
      %add3A_511 = arith.addf %select_n3A_485, %broadcast_in_dim3A_5 : vector<16xf32>
      %select_n3A_512 = arith.select %ge3A_490, %broadcast_in_dim3A_5, %add3A_511 : vector<16xi1>, vector<16xf32>
      %add3A_513 = arith.constant 1 : i32
      %add3A_514 = vector.broadcast %add3A_513 : i32 to vector<16xi32>
      %add3A_515 = arith.addi %add3A_488, %add3A_514 : vector<16xi32>
      %gather3A_516 = tpu.vector_load_idx %arg7[%add3A_515] : memref<8192xf32, #tpu.memory_space<vmem>>[vector<16xi32>], vector<16xf32>,
      %ge3A_517 = arith.cmpf oge, %gather3A_516, %broadcast_in_dim3A_3 : vector<16xf32>
      %gt3A_518 = arith.cmpf ogt, %gather3A_516, %broadcast_in_dim3A_3 : vector<16xf32>
      %gt3A_519 = arith.cmpf ogt, %select_n3A_512, %broadcast_in_dim3A_7 : vector<16xf32>
      %and3A_520 = arith.andi %ge3A_517, %gt3A_519 : vector<16xi1>
      %lt3A_521 = arith.cmpf olt, %select_n3A_503, %select_n3A_496 : vector<16xf32>
      %and3A_522 = arith.andi %and3A_520, %lt3A_521 : vector<16xi1>
      %select_n3A_523 = arith.select %and3A_522, %select_n3A_503, %select_n3A_496 : vector<16xi1>, vector<16xf32>
      %select_n3A_524 = arith.select %and3A_522, %select_n3A_505, %select_n3A_497 : vector<16xi1>, vector<16xf32>
      %select_n3A_525 = arith.select %and3A_522, %select_n3A_507, %select_n3A_498 : vector<16xi1>, vector<16xf32>
      %select_n3A_526 = arith.select %ge3A_517, %broadcast_in_dim3A_5, %broadcast_in_dim3A_3 : vector<16xi1>, vector<16xf32>
      %select_n3A_527 = arith.select %gt3A_518, %gather3A_516, %broadcast_in_dim3A_3 : vector<16xi1>, vector<16xf32>
      %select_n3A_528 = arith.select %gt3A_518, %broadcast_in_dim3A_5, %broadcast_in_dim3A_3 : vector<16xi1>, vector<16xf32>
      %add3A_529 = arith.addf %select_n3A_503, %select_n3A_526 : vector<16xf32>
      %select_n3A_530 = arith.select %and3A_520, %broadcast_in_dim3A_5, %add3A_529 : vector<16xi1>, vector<16xf32>
      %add3A_531 = arith.addf %select_n3A_505, %select_n3A_527 : vector<16xf32>
      %select_n3A_532 = arith.select %and3A_520, %select_n3A_527, %add3A_531 : vector<16xi1>, vector<16xf32>
      %add3A_533 = arith.addf %select_n3A_507, %select_n3A_528 : vector<16xf32>
      %select_n3A_534 = arith.select %and3A_520, %select_n3A_528, %add3A_533 : vector<16xi1>, vector<16xf32>
      %select_n3A_535 = arith.select %and3A_520, %broadcast_in_dim3A_5, %broadcast_in_dim3A_3 : vector<16xi1>, vector<16xf32>
      %add3A_536 = arith.addf %add3A_509, %select_n3A_535 : vector<16xf32>
      %max3A_537 = arith.maximumf %max3A_510, %gather3A_516 : vector<16xf32>
      %add3A_538 = arith.addf %select_n3A_512, %broadcast_in_dim3A_5 : vector<16xf32>
      %select_n3A_539 = arith.select %ge3A_517, %broadcast_in_dim3A_5, %add3A_538 : vector<16xi1>, vector<16xf32>
      %add3A_540 = arith.constant 1 : i32
      %add3A_541 = vector.broadcast %add3A_540 : i32 to vector<16xi32>
      %add3A_542 = arith.addi %add3A_515, %add3A_541 : vector<16xi32>
      %gather3A_543 = tpu.vector_load_idx %arg7[%add3A_542] : memref<8192xf32, #tpu.memory_space<vmem>>[vector<16xi32>], vector<16xf32>,
      %ge3A_544 = arith.cmpf oge, %gather3A_543, %broadcast_in_dim3A_3 : vector<16xf32>
      %gt3A_545 = arith.cmpf ogt, %gather3A_543, %broadcast_in_dim3A_3 : vector<16xf32>
      %gt3A_546 = arith.cmpf ogt, %select_n3A_539, %broadcast_in_dim3A_7 : vector<16xf32>
      %and3A_547 = arith.andi %ge3A_544, %gt3A_546 : vector<16xi1>
      %lt3A_548 = arith.cmpf olt, %select_n3A_530, %select_n3A_523 : vector<16xf32>
      %and3A_549 = arith.andi %and3A_547, %lt3A_548 : vector<16xi1>
      %select_n3A_550 = arith.select %and3A_549, %select_n3A_530, %select_n3A_523 : vector<16xi1>, vector<16xf32>
      %select_n3A_551 = arith.select %and3A_549, %select_n3A_532, %select_n3A_524 : vector<16xi1>, vector<16xf32>
      %select_n3A_552 = arith.select %and3A_549, %select_n3A_534, %select_n3A_525 : vector<16xi1>, vector<16xf32>
      %select_n3A_553 = arith.select %ge3A_544, %broadcast_in_dim3A_5, %broadcast_in_dim3A_3 : vector<16xi1>, vector<16xf32>
      %select_n3A_554 = arith.select %gt3A_545, %gather3A_543, %broadcast_in_dim3A_3 : vector<16xi1>, vector<16xf32>
      %select_n3A_555 = arith.select %gt3A_545, %broadcast_in_dim3A_5, %broadcast_in_dim3A_3 : vector<16xi1>, vector<16xf32>
      %add3A_556 = arith.addf %select_n3A_530, %select_n3A_553 : vector<16xf32>
      %select_n3A_557 = arith.select %and3A_547, %broadcast_in_dim3A_5, %add3A_556 : vector<16xi1>, vector<16xf32>
      %add3A_558 = arith.addf %select_n3A_532, %select_n3A_554 : vector<16xf32>
      %select_n3A_559 = arith.select %and3A_547, %select_n3A_554, %add3A_558 : vector<16xi1>, vector<16xf32>
      %add3A_560 = arith.addf %select_n3A_534, %select_n3A_555 : vector<16xf32>
      %select_n3A_561 = arith.select %and3A_547, %select_n3A_555, %add3A_560 : vector<16xi1>, vector<16xf32>
      %select_n3A_562 = arith.select %and3A_547, %broadcast_in_dim3A_5, %broadcast_in_dim3A_3 : vector<16xi1>, vector<16xf32>
      %add3A_563 = arith.addf %add3A_536, %select_n3A_562 : vector<16xf32>
      %max3A_564 = arith.maximumf %max3A_537, %gather3A_543 : vector<16xf32>
      %add3A_565 = arith.addf %select_n3A_539, %broadcast_in_dim3A_5 : vector<16xf32>
      %select_n3A_566 = arith.select %ge3A_544, %broadcast_in_dim3A_5, %add3A_565 : vector<16xi1>, vector<16xf32>
      %add3A_567 = arith.constant 1 : i32
      %add3A_568 = vector.broadcast %add3A_567 : i32 to vector<16xi32>
      %add3A_569 = arith.addi %add3A_542, %add3A_568 : vector<16xi32>
      %gather3A_570 = tpu.vector_load_idx %arg7[%add3A_569] : memref<8192xf32, #tpu.memory_space<vmem>>[vector<16xi32>], vector<16xf32>,
      %ge3A_571 = arith.cmpf oge, %gather3A_570, %broadcast_in_dim3A_3 : vector<16xf32>
      %gt3A_572 = arith.cmpf ogt, %gather3A_570, %broadcast_in_dim3A_3 : vector<16xf32>
      %gt3A_573 = arith.cmpf ogt, %select_n3A_566, %broadcast_in_dim3A_7 : vector<16xf32>
      %and3A_574 = arith.andi %ge3A_571, %gt3A_573 : vector<16xi1>
      %lt3A_575 = arith.cmpf olt, %select_n3A_557, %select_n3A_550 : vector<16xf32>
      %and3A_576 = arith.andi %and3A_574, %lt3A_575 : vector<16xi1>
      %select_n3A_577 = arith.select %and3A_576, %select_n3A_557, %select_n3A_550 : vector<16xi1>, vector<16xf32>
      %select_n3A_578 = arith.select %and3A_576, %select_n3A_559, %select_n3A_551 : vector<16xi1>, vector<16xf32>
      %select_n3A_579 = arith.select %and3A_576, %select_n3A_561, %select_n3A_552 : vector<16xi1>, vector<16xf32>
      %select_n3A_580 = arith.select %ge3A_571, %broadcast_in_dim3A_5, %broadcast_in_dim3A_3 : vector<16xi1>, vector<16xf32>
      %select_n3A_581 = arith.select %gt3A_572, %gather3A_570, %broadcast_in_dim3A_3 : vector<16xi1>, vector<16xf32>
      %select_n3A_582 = arith.select %gt3A_572, %broadcast_in_dim3A_5, %broadcast_in_dim3A_3 : vector<16xi1>, vector<16xf32>
      %add3A_583 = arith.addf %select_n3A_557, %select_n3A_580 : vector<16xf32>
      %select_n3A_584 = arith.select %and3A_574, %broadcast_in_dim3A_5, %add3A_583 : vector<16xi1>, vector<16xf32>
      %add3A_585 = arith.addf %select_n3A_559, %select_n3A_581 : vector<16xf32>
      %select_n3A_586 = arith.select %and3A_574, %select_n3A_581, %add3A_585 : vector<16xi1>, vector<16xf32>
      %add3A_587 = arith.addf %select_n3A_561, %select_n3A_582 : vector<16xf32>
      %select_n3A_588 = arith.select %and3A_574, %select_n3A_582, %add3A_587 : vector<16xi1>, vector<16xf32>
      %select_n3A_589 = arith.select %and3A_574, %broadcast_in_dim3A_5, %broadcast_in_dim3A_3 : vector<16xi1>, vector<16xf32>
      %add3A_590 = arith.addf %add3A_563, %select_n3A_589 : vector<16xf32>
      %max3A_591 = arith.maximumf %max3A_564, %gather3A_570 : vector<16xf32>
      %add3A_592 = arith.addf %select_n3A_566, %broadcast_in_dim3A_5 : vector<16xf32>
      %select_n3A_593 = arith.select %ge3A_571, %broadcast_in_dim3A_5, %add3A_592 : vector<16xi1>, vector<16xf32>
      %add3A_594 = arith.constant 1 : i32
      %add3A_595 = vector.broadcast %add3A_594 : i32 to vector<16xi32>
      %add3A_596 = arith.addi %add3A_569, %add3A_595 : vector<16xi32>
      %gather3A_597 = tpu.vector_load_idx %arg7[%add3A_596] : memref<8192xf32, #tpu.memory_space<vmem>>[vector<16xi32>], vector<16xf32>,
      %ge3A_598 = arith.cmpf oge, %gather3A_597, %broadcast_in_dim3A_3 : vector<16xf32>
      %gt3A_599 = arith.cmpf ogt, %gather3A_597, %broadcast_in_dim3A_3 : vector<16xf32>
      %gt3A_600 = arith.cmpf ogt, %select_n3A_593, %broadcast_in_dim3A_7 : vector<16xf32>
      %and3A_601 = arith.andi %ge3A_598, %gt3A_600 : vector<16xi1>
      %lt3A_602 = arith.cmpf olt, %select_n3A_584, %select_n3A_577 : vector<16xf32>
      %and3A_603 = arith.andi %and3A_601, %lt3A_602 : vector<16xi1>
      %select_n3A_604 = arith.select %and3A_603, %select_n3A_584, %select_n3A_577 : vector<16xi1>, vector<16xf32>
      %select_n3A_605 = arith.select %and3A_603, %select_n3A_586, %select_n3A_578 : vector<16xi1>, vector<16xf32>
      %select_n3A_606 = arith.select %and3A_603, %select_n3A_588, %select_n3A_579 : vector<16xi1>, vector<16xf32>
      %select_n3A_607 = arith.select %ge3A_598, %broadcast_in_dim3A_5, %broadcast_in_dim3A_3 : vector<16xi1>, vector<16xf32>
      %select_n3A_608 = arith.select %gt3A_599, %gather3A_597, %broadcast_in_dim3A_3 : vector<16xi1>, vector<16xf32>
      %select_n3A_609 = arith.select %gt3A_599, %broadcast_in_dim3A_5, %broadcast_in_dim3A_3 : vector<16xi1>, vector<16xf32>
      %add3A_610 = arith.addf %select_n3A_584, %select_n3A_607 : vector<16xf32>
      %select_n3A_611 = arith.select %and3A_601, %broadcast_in_dim3A_5, %add3A_610 : vector<16xi1>, vector<16xf32>
      %add3A_612 = arith.addf %select_n3A_586, %select_n3A_608 : vector<16xf32>
      %select_n3A_613 = arith.select %and3A_601, %select_n3A_608, %add3A_612 : vector<16xi1>, vector<16xf32>
      %add3A_614 = arith.addf %select_n3A_588, %select_n3A_609 : vector<16xf32>
      %select_n3A_615 = arith.select %and3A_601, %select_n3A_609, %add3A_614 : vector<16xi1>, vector<16xf32>
      %select_n3A_616 = arith.select %and3A_601, %broadcast_in_dim3A_5, %broadcast_in_dim3A_3 : vector<16xi1>, vector<16xf32>
      %add3A_617 = arith.addf %add3A_590, %select_n3A_616 : vector<16xf32>
      %max3A_618 = arith.maximumf %max3A_591, %gather3A_597 : vector<16xf32>
      %add3A_619 = arith.addf %select_n3A_593, %broadcast_in_dim3A_5 : vector<16xf32>
      %select_n3A_620 = arith.select %ge3A_598, %broadcast_in_dim3A_5, %add3A_619 : vector<16xi1>, vector<16xf32>
      %add3A_621 = arith.constant 1 : i32
      %add3A_622 = vector.broadcast %add3A_621 : i32 to vector<16xi32>
      %add3A_623 = arith.addi %add3A_596, %add3A_622 : vector<16xi32>
      scf.yield %add3A_623, %select_n3A_620, %select_n3A_611, %select_n3A_613, %select_n3A_615, %select_n3A_604, %select_n3A_605, %select_n3A_606, %add3A_617, %max3A_618 : vector<16xi32>, vector<16xf32>, vector<16xf32>, vector<16xf32>, vector<16xf32>, vector<16xf32>, vector<16xf32>, vector<16xf32>, vector<16xf32>, vector<16xf32>
    }
    %scan3A_63 = arith.constant 64 : i32
    %add3A_64 = arith.constant 16 : i32
    %add3A_65 = vector.broadcast %add3A_64 : i32 to vector<16xi32>
    %add3A_66 = arith.addi %iota3A, %add3A_65 : vector<16xi32>
    %lt3A_67 = arith.cmpf olt, %scan3A_62#2, %scan3A_62#5 : vector<16xf32>
    %select_n3A_68 = arith.select %lt3A_67, %scan3A_62#3, %scan3A_62#6 : vector<16xi1>, vector<16xf32>
    %select_n3A_69 = arith.select %lt3A_67, %scan3A_62#4, %scan3A_62#7 : vector<16xi1>, vector<16xf32>
    %gather3A_70 = tpu.vector_load_idx %arg8[%add3A_66] : memref<160xf32, #tpu.memory_space<vmem>>[vector<16xi32>], vector<16xf32>,
    %gt3A_71 = arith.cmpf ogt, %gather3A_70, %broadcast_in_dim3A_11 : vector<16xf32>
    %gt3A_72 = arith.cmpf ogt, %scan3A_62#8, %broadcast_in_dim3A_11 : vector<16xf32>
    %gt3A_73 = arith.cmpf ogt, %select_n3A_69, %broadcast_in_dim3A_3 : vector<16xf32>
    %max3A_74 = arith.maximumf %select_n3A_69, %broadcast_in_dim3A_5 : vector<16xf32>
    %div3A_75 = arith.divf %select_n3A_68, %max3A_74 : vector<16xf32>
    %select_n3A_76 = arith.select %gt3A_73, %div3A_75, %broadcast_in_dim3A_3 : vector<16xi1>, vector<16xf32>
    %not3A_77 = arith.constant dense<true> : vector<16xi1>
    %not3A_78 = arith.xori %gt3A_72, %not3A_77 : vector<16xi1>
    %and3A_79 = arith.andi %gt3A_71, %not3A_78 : vector<16xi1>
    %neg3A_80 = arith.constant 0.000000e+00 : f32
    %neg3A_81 = vector.broadcast %neg3A_80 : f32 to vector<16xf32>
    %neg3A_82 = arith.subf %neg3A_81, %scan3A_62#9 : vector<16xf32>
    %not3A_83 = arith.constant dense<true> : vector<16xi1>
    %not3A_84 = arith.xori %gt3A_71, %not3A_83 : vector<16xi1>
    %and3A_85 = arith.andi %not3A_84, %gt3A_72 : vector<16xi1>
    %select_n3A_86 = arith.select %and3A_85, %select_n3A_76, %broadcast_in_dim3A_3 : vector<16xi1>, vector<16xf32>
    %select_n3A_87 = arith.select %and3A_79, %neg3A_82, %select_n3A_86 : vector<16xi1>, vector<16xf32>
    tpu.vector_store_idx %arg9[%add3A_66], %scan3A_62#8 : memref<160xf32, #tpu.memory_space<vmem>>[vector<16xi32>], vector<16xf32>,
    %add3A_88 = arith.addf %add3A_49, %select_n3A_87 : vector<16xf32>
    %dma_wait3A_89 = tpu.memref_slice %arg2[%mul3A_55] : memref<2621440xf32, #tpu.memory_space<hbm>> -> memref<8192xf32, #tpu.memory_space<hbm>>
    %dma_wait3A_90 = tpu.memref_slice %arg2[%mul3A_55] : memref<2621440xf32, #tpu.memory_space<hbm>> -> memref<8192xf32, #tpu.memory_space<hbm>>
    tpu.wait_dma2 semaphore(%arg11 : memref<!tpu.dma_semaphore, #tpu.memory_space<semaphore_mem>>) src(%dma_wait3A_90 : memref<8192xf32, #tpu.memory_space<hbm>>) dst(%arg6 : memref<8192xf32, #tpu.memory_space<vmem>>)
    %add3A_91 = arith.constant 48 : i32
    %add3A_92 = arith.addi %mul3A_2, %add3A_91 : i32
    %mul3A_93 = arith.constant 512 : i32
    %mul3A_94 = arith.muli %add3A_92, %mul3A_93 : i32
    %dma_start3A_95 = tpu.memref_slice %arg2[%mul3A_94] : memref<2621440xf32, #tpu.memory_space<hbm>> -> memref<8192xf32, #tpu.memory_space<hbm>>
    %dma_start3A_96 = tpu.memref_slice %arg2[%mul3A_94] : memref<2621440xf32, #tpu.memory_space<hbm>> -> memref<8192xf32, #tpu.memory_space<hbm>>
    tpu.enqueue_dma source(%dma_start3A_96 : memref<8192xf32, #tpu.memory_space<hbm>>) target(%arg7 : memref<8192xf32, #tpu.memory_space<vmem>>) target_semaphore(%arg12 : memref<!tpu.dma_semaphore, #tpu.memory_space<semaphore_mem>>)
    %scan3A_97 = arith.constant 0 : i32
    %scan3A_98 = arith.constant 64 : i32
    %scan3A_99 = arith.addi %scan3A_97, %scan3A_98 : i32
    %scan3A_100 = arith.constant 1 : i32
    %scan3A_101:10 = scf.for %scan3A_398 = %scan3A_97 to %scan3A_99 step %scan3A_100 iter_args(%scan3A_399 = %mul3A_16, %scan3A_400 = %broadcast_in_dim3A_9, %scan3A_401 = %broadcast_in_dim3A_9, %scan3A_402 = %broadcast_in_dim3A_3, %scan3A_403 = %broadcast_in_dim3A_3, %scan3A_404 = %broadcast_in_dim3A_9, %scan3A_405 = %broadcast_in_dim3A_3, %scan3A_406 = %broadcast_in_dim3A_3, %scan3A_407 = %broadcast_in_dim3A_3, %scan3A_408 = %broadcast_in_dim3A_13) -> (vector<16xi32>, vector<16xf32>, vector<16xf32>, vector<16xf32>, vector<16xf32>, vector<16xf32>, vector<16xf32>, vector<16xf32>, vector<16xf32>, vector<16xf32>)  : i32 {
      %gather3A_409 = tpu.vector_load_idx %arg6[%scan3A_399] : memref<8192xf32, #tpu.memory_space<vmem>>[vector<16xi32>], vector<16xf32>,
      %ge3A = arith.cmpf oge, %gather3A_409, %broadcast_in_dim3A_3 : vector<16xf32>
      %gt3A_410 = arith.cmpf ogt, %gather3A_409, %broadcast_in_dim3A_3 : vector<16xf32>
      %gt3A_411 = arith.cmpf ogt, %scan3A_400, %broadcast_in_dim3A_7 : vector<16xf32>
      %and3A_412 = arith.andi %ge3A, %gt3A_411 : vector<16xi1>
      %lt3A_413 = arith.cmpf olt, %scan3A_401, %scan3A_404 : vector<16xf32>
      %and3A_414 = arith.andi %and3A_412, %lt3A_413 : vector<16xi1>
      %select_n3A_415 = arith.select %and3A_414, %scan3A_401, %scan3A_404 : vector<16xi1>, vector<16xf32>
      %select_n3A_416 = arith.select %and3A_414, %scan3A_402, %scan3A_405 : vector<16xi1>, vector<16xf32>
      %select_n3A_417 = arith.select %and3A_414, %scan3A_403, %scan3A_406 : vector<16xi1>, vector<16xf32>
      %select_n3A_418 = arith.select %ge3A, %broadcast_in_dim3A_5, %broadcast_in_dim3A_3 : vector<16xi1>, vector<16xf32>
      %select_n3A_419 = arith.select %gt3A_410, %gather3A_409, %broadcast_in_dim3A_3 : vector<16xi1>, vector<16xf32>
      %select_n3A_420 = arith.select %gt3A_410, %broadcast_in_dim3A_5, %broadcast_in_dim3A_3 : vector<16xi1>, vector<16xf32>
      %add3A_421 = arith.addf %scan3A_401, %select_n3A_418 : vector<16xf32>
      %select_n3A_422 = arith.select %and3A_412, %broadcast_in_dim3A_5, %add3A_421 : vector<16xi1>, vector<16xf32>
      %add3A_423 = arith.addf %scan3A_402, %select_n3A_419 : vector<16xf32>
      %select_n3A_424 = arith.select %and3A_412, %select_n3A_419, %add3A_423 : vector<16xi1>, vector<16xf32>
      %add3A_425 = arith.addf %scan3A_403, %select_n3A_420 : vector<16xf32>
      %select_n3A_426 = arith.select %and3A_412, %select_n3A_420, %add3A_425 : vector<16xi1>, vector<16xf32>
      %select_n3A_427 = arith.select %and3A_412, %broadcast_in_dim3A_5, %broadcast_in_dim3A_3 : vector<16xi1>, vector<16xf32>
      %add3A_428 = arith.addf %scan3A_407, %select_n3A_427 : vector<16xf32>
      %max3A_429 = arith.maximumf %scan3A_408, %gather3A_409 : vector<16xf32>
      %add3A_430 = arith.addf %scan3A_400, %broadcast_in_dim3A_5 : vector<16xf32>
      %select_n3A_431 = arith.select %ge3A, %broadcast_in_dim3A_5, %add3A_430 : vector<16xi1>, vector<16xf32>
      %add3A_432 = arith.constant 1 : i32
      %add3A_433 = vector.broadcast %add3A_432 : i32 to vector<16xi32>
      %add3A_434 = arith.addi %scan3A_399, %add3A_433 : vector<16xi32>
      %gather3A_435 = tpu.vector_load_idx %arg6[%add3A_434] : memref<8192xf32, #tpu.memory_space<vmem>>[vector<16xi32>], vector<16xf32>,
      %ge3A_436 = arith.cmpf oge, %gather3A_435, %broadcast_in_dim3A_3 : vector<16xf32>
      %gt3A_437 = arith.cmpf ogt, %gather3A_435, %broadcast_in_dim3A_3 : vector<16xf32>
      %gt3A_438 = arith.cmpf ogt, %select_n3A_431, %broadcast_in_dim3A_7 : vector<16xf32>
      %and3A_439 = arith.andi %ge3A_436, %gt3A_438 : vector<16xi1>
      %lt3A_440 = arith.cmpf olt, %select_n3A_422, %select_n3A_415 : vector<16xf32>
      %and3A_441 = arith.andi %and3A_439, %lt3A_440 : vector<16xi1>
      %select_n3A_442 = arith.select %and3A_441, %select_n3A_422, %select_n3A_415 : vector<16xi1>, vector<16xf32>
      %select_n3A_443 = arith.select %and3A_441, %select_n3A_424, %select_n3A_416 : vector<16xi1>, vector<16xf32>
      %select_n3A_444 = arith.select %and3A_441, %select_n3A_426, %select_n3A_417 : vector<16xi1>, vector<16xf32>
      %select_n3A_445 = arith.select %ge3A_436, %broadcast_in_dim3A_5, %broadcast_in_dim3A_3 : vector<16xi1>, vector<16xf32>
      %select_n3A_446 = arith.select %gt3A_437, %gather3A_435, %broadcast_in_dim3A_3 : vector<16xi1>, vector<16xf32>
      %select_n3A_447 = arith.select %gt3A_437, %broadcast_in_dim3A_5, %broadcast_in_dim3A_3 : vector<16xi1>, vector<16xf32>
      %add3A_448 = arith.addf %select_n3A_422, %select_n3A_445 : vector<16xf32>
      %select_n3A_449 = arith.select %and3A_439, %broadcast_in_dim3A_5, %add3A_448 : vector<16xi1>, vector<16xf32>
      %add3A_450 = arith.addf %select_n3A_424, %select_n3A_446 : vector<16xf32>
      %select_n3A_451 = arith.select %and3A_439, %select_n3A_446, %add3A_450 : vector<16xi1>, vector<16xf32>
      %add3A_452 = arith.addf %select_n3A_426, %select_n3A_447 : vector<16xf32>
      %select_n3A_453 = arith.select %and3A_439, %select_n3A_447, %add3A_452 : vector<16xi1>, vector<16xf32>
      %select_n3A_454 = arith.select %and3A_439, %broadcast_in_dim3A_5, %broadcast_in_dim3A_3 : vector<16xi1>, vector<16xf32>
      %add3A_455 = arith.addf %add3A_428, %select_n3A_454 : vector<16xf32>
      %max3A_456 = arith.maximumf %max3A_429, %gather3A_435 : vector<16xf32>
      %add3A_457 = arith.addf %select_n3A_431, %broadcast_in_dim3A_5 : vector<16xf32>
      %select_n3A_458 = arith.select %ge3A_436, %broadcast_in_dim3A_5, %add3A_457 : vector<16xi1>, vector<16xf32>
      %add3A_459 = arith.constant 1 : i32
      %add3A_460 = vector.broadcast %add3A_459 : i32 to vector<16xi32>
      %add3A_461 = arith.addi %add3A_434, %add3A_460 : vector<16xi32>
      %gather3A_462 = tpu.vector_load_idx %arg6[%add3A_461] : memref<8192xf32, #tpu.memory_space<vmem>>[vector<16xi32>], vector<16xf32>,
      %ge3A_463 = arith.cmpf oge, %gather3A_462, %broadcast_in_dim3A_3 : vector<16xf32>
      %gt3A_464 = arith.cmpf ogt, %gather3A_462, %broadcast_in_dim3A_3 : vector<16xf32>
      %gt3A_465 = arith.cmpf ogt, %select_n3A_458, %broadcast_in_dim3A_7 : vector<16xf32>
      %and3A_466 = arith.andi %ge3A_463, %gt3A_465 : vector<16xi1>
      %lt3A_467 = arith.cmpf olt, %select_n3A_449, %select_n3A_442 : vector<16xf32>
      %and3A_468 = arith.andi %and3A_466, %lt3A_467 : vector<16xi1>
      %select_n3A_469 = arith.select %and3A_468, %select_n3A_449, %select_n3A_442 : vector<16xi1>, vector<16xf32>
      %select_n3A_470 = arith.select %and3A_468, %select_n3A_451, %select_n3A_443 : vector<16xi1>, vector<16xf32>
      %select_n3A_471 = arith.select %and3A_468, %select_n3A_453, %select_n3A_444 : vector<16xi1>, vector<16xf32>
      %select_n3A_472 = arith.select %ge3A_463, %broadcast_in_dim3A_5, %broadcast_in_dim3A_3 : vector<16xi1>, vector<16xf32>
      %select_n3A_473 = arith.select %gt3A_464, %gather3A_462, %broadcast_in_dim3A_3 : vector<16xi1>, vector<16xf32>
      %select_n3A_474 = arith.select %gt3A_464, %broadcast_in_dim3A_5, %broadcast_in_dim3A_3 : vector<16xi1>, vector<16xf32>
      %add3A_475 = arith.addf %select_n3A_449, %select_n3A_472 : vector<16xf32>
      %select_n3A_476 = arith.select %and3A_466, %broadcast_in_dim3A_5, %add3A_475 : vector<16xi1>, vector<16xf32>
      %add3A_477 = arith.addf %select_n3A_451, %select_n3A_473 : vector<16xf32>
      %select_n3A_478 = arith.select %and3A_466, %select_n3A_473, %add3A_477 : vector<16xi1>, vector<16xf32>
      %add3A_479 = arith.addf %select_n3A_453, %select_n3A_474 : vector<16xf32>
      %select_n3A_480 = arith.select %and3A_466, %select_n3A_474, %add3A_479 : vector<16xi1>, vector<16xf32>
      %select_n3A_481 = arith.select %and3A_466, %broadcast_in_dim3A_5, %broadcast_in_dim3A_3 : vector<16xi1>, vector<16xf32>
      %add3A_482 = arith.addf %add3A_455, %select_n3A_481 : vector<16xf32>
      %max3A_483 = arith.maximumf %max3A_456, %gather3A_462 : vector<16xf32>
      %add3A_484 = arith.addf %select_n3A_458, %broadcast_in_dim3A_5 : vector<16xf32>
      %select_n3A_485 = arith.select %ge3A_463, %broadcast_in_dim3A_5, %add3A_484 : vector<16xi1>, vector<16xf32>
      %add3A_486 = arith.constant 1 : i32
      %add3A_487 = vector.broadcast %add3A_486 : i32 to vector<16xi32>
      %add3A_488 = arith.addi %add3A_461, %add3A_487 : vector<16xi32>
      %gather3A_489 = tpu.vector_load_idx %arg6[%add3A_488] : memref<8192xf32, #tpu.memory_space<vmem>>[vector<16xi32>], vector<16xf32>,
      %ge3A_490 = arith.cmpf oge, %gather3A_489, %broadcast_in_dim3A_3 : vector<16xf32>
      %gt3A_491 = arith.cmpf ogt, %gather3A_489, %broadcast_in_dim3A_3 : vector<16xf32>
      %gt3A_492 = arith.cmpf ogt, %select_n3A_485, %broadcast_in_dim3A_7 : vector<16xf32>
      %and3A_493 = arith.andi %ge3A_490, %gt3A_492 : vector<16xi1>
      %lt3A_494 = arith.cmpf olt, %select_n3A_476, %select_n3A_469 : vector<16xf32>
      %and3A_495 = arith.andi %and3A_493, %lt3A_494 : vector<16xi1>
      %select_n3A_496 = arith.select %and3A_495, %select_n3A_476, %select_n3A_469 : vector<16xi1>, vector<16xf32>
      %select_n3A_497 = arith.select %and3A_495, %select_n3A_478, %select_n3A_470 : vector<16xi1>, vector<16xf32>
      %select_n3A_498 = arith.select %and3A_495, %select_n3A_480, %select_n3A_471 : vector<16xi1>, vector<16xf32>
      %select_n3A_499 = arith.select %ge3A_490, %broadcast_in_dim3A_5, %broadcast_in_dim3A_3 : vector<16xi1>, vector<16xf32>
      %select_n3A_500 = arith.select %gt3A_491, %gather3A_489, %broadcast_in_dim3A_3 : vector<16xi1>, vector<16xf32>
      %select_n3A_501 = arith.select %gt3A_491, %broadcast_in_dim3A_5, %broadcast_in_dim3A_3 : vector<16xi1>, vector<16xf32>
      %add3A_502 = arith.addf %select_n3A_476, %select_n3A_499 : vector<16xf32>
      %select_n3A_503 = arith.select %and3A_493, %broadcast_in_dim3A_5, %add3A_502 : vector<16xi1>, vector<16xf32>
      %add3A_504 = arith.addf %select_n3A_478, %select_n3A_500 : vector<16xf32>
      %select_n3A_505 = arith.select %and3A_493, %select_n3A_500, %add3A_504 : vector<16xi1>, vector<16xf32>
      %add3A_506 = arith.addf %select_n3A_480, %select_n3A_501 : vector<16xf32>
      %select_n3A_507 = arith.select %and3A_493, %select_n3A_501, %add3A_506 : vector<16xi1>, vector<16xf32>
      %select_n3A_508 = arith.select %and3A_493, %broadcast_in_dim3A_5, %broadcast_in_dim3A_3 : vector<16xi1>, vector<16xf32>
      %add3A_509 = arith.addf %add3A_482, %select_n3A_508 : vector<16xf32>
      %max3A_510 = arith.maximumf %max3A_483, %gather3A_489 : vector<16xf32>
      %add3A_511 = arith.addf %select_n3A_485, %broadcast_in_dim3A_5 : vector<16xf32>
      %select_n3A_512 = arith.select %ge3A_490, %broadcast_in_dim3A_5, %add3A_511 : vector<16xi1>, vector<16xf32>
      %add3A_513 = arith.constant 1 : i32
      %add3A_514 = vector.broadcast %add3A_513 : i32 to vector<16xi32>
      %add3A_515 = arith.addi %add3A_488, %add3A_514 : vector<16xi32>
      %gather3A_516 = tpu.vector_load_idx %arg6[%add3A_515] : memref<8192xf32, #tpu.memory_space<vmem>>[vector<16xi32>], vector<16xf32>,
      %ge3A_517 = arith.cmpf oge, %gather3A_516, %broadcast_in_dim3A_3 : vector<16xf32>
      %gt3A_518 = arith.cmpf ogt, %gather3A_516, %broadcast_in_dim3A_3 : vector<16xf32>
      %gt3A_519 = arith.cmpf ogt, %select_n3A_512, %broadcast_in_dim3A_7 : vector<16xf32>
      %and3A_520 = arith.andi %ge3A_517, %gt3A_519 : vector<16xi1>
      %lt3A_521 = arith.cmpf olt, %select_n3A_503, %select_n3A_496 : vector<16xf32>
      %and3A_522 = arith.andi %and3A_520, %lt3A_521 : vector<16xi1>
      %select_n3A_523 = arith.select %and3A_522, %select_n3A_503, %select_n3A_496 : vector<16xi1>, vector<16xf32>
      %select_n3A_524 = arith.select %and3A_522, %select_n3A_505, %select_n3A_497 : vector<16xi1>, vector<16xf32>
      %select_n3A_525 = arith.select %and3A_522, %select_n3A_507, %select_n3A_498 : vector<16xi1>, vector<16xf32>
      %select_n3A_526 = arith.select %ge3A_517, %broadcast_in_dim3A_5, %broadcast_in_dim3A_3 : vector<16xi1>, vector<16xf32>
      %select_n3A_527 = arith.select %gt3A_518, %gather3A_516, %broadcast_in_dim3A_3 : vector<16xi1>, vector<16xf32>
      %select_n3A_528 = arith.select %gt3A_518, %broadcast_in_dim3A_5, %broadcast_in_dim3A_3 : vector<16xi1>, vector<16xf32>
      %add3A_529 = arith.addf %select_n3A_503, %select_n3A_526 : vector<16xf32>
      %select_n3A_530 = arith.select %and3A_520, %broadcast_in_dim3A_5, %add3A_529 : vector<16xi1>, vector<16xf32>
      %add3A_531 = arith.addf %select_n3A_505, %select_n3A_527 : vector<16xf32>
      %select_n3A_532 = arith.select %and3A_520, %select_n3A_527, %add3A_531 : vector<16xi1>, vector<16xf32>
      %add3A_533 = arith.addf %select_n3A_507, %select_n3A_528 : vector<16xf32>
      %select_n3A_534 = arith.select %and3A_520, %select_n3A_528, %add3A_533 : vector<16xi1>, vector<16xf32>
      %select_n3A_535 = arith.select %and3A_520, %broadcast_in_dim3A_5, %broadcast_in_dim3A_3 : vector<16xi1>, vector<16xf32>
      %add3A_536 = arith.addf %add3A_509, %select_n3A_535 : vector<16xf32>
      %max3A_537 = arith.maximumf %max3A_510, %gather3A_516 : vector<16xf32>
      %add3A_538 = arith.addf %select_n3A_512, %broadcast_in_dim3A_5 : vector<16xf32>
      %select_n3A_539 = arith.select %ge3A_517, %broadcast_in_dim3A_5, %add3A_538 : vector<16xi1>, vector<16xf32>
      %add3A_540 = arith.constant 1 : i32
      %add3A_541 = vector.broadcast %add3A_540 : i32 to vector<16xi32>
      %add3A_542 = arith.addi %add3A_515, %add3A_541 : vector<16xi32>
      %gather3A_543 = tpu.vector_load_idx %arg6[%add3A_542] : memref<8192xf32, #tpu.memory_space<vmem>>[vector<16xi32>], vector<16xf32>,
      %ge3A_544 = arith.cmpf oge, %gather3A_543, %broadcast_in_dim3A_3 : vector<16xf32>
      %gt3A_545 = arith.cmpf ogt, %gather3A_543, %broadcast_in_dim3A_3 : vector<16xf32>
      %gt3A_546 = arith.cmpf ogt, %select_n3A_539, %broadcast_in_dim3A_7 : vector<16xf32>
      %and3A_547 = arith.andi %ge3A_544, %gt3A_546 : vector<16xi1>
      %lt3A_548 = arith.cmpf olt, %select_n3A_530, %select_n3A_523 : vector<16xf32>
      %and3A_549 = arith.andi %and3A_547, %lt3A_548 : vector<16xi1>
      %select_n3A_550 = arith.select %and3A_549, %select_n3A_530, %select_n3A_523 : vector<16xi1>, vector<16xf32>
      %select_n3A_551 = arith.select %and3A_549, %select_n3A_532, %select_n3A_524 : vector<16xi1>, vector<16xf32>
      %select_n3A_552 = arith.select %and3A_549, %select_n3A_534, %select_n3A_525 : vector<16xi1>, vector<16xf32>
      %select_n3A_553 = arith.select %ge3A_544, %broadcast_in_dim3A_5, %broadcast_in_dim3A_3 : vector<16xi1>, vector<16xf32>
      %select_n3A_554 = arith.select %gt3A_545, %gather3A_543, %broadcast_in_dim3A_3 : vector<16xi1>, vector<16xf32>
      %select_n3A_555 = arith.select %gt3A_545, %broadcast_in_dim3A_5, %broadcast_in_dim3A_3 : vector<16xi1>, vector<16xf32>
      %add3A_556 = arith.addf %select_n3A_530, %select_n3A_553 : vector<16xf32>
      %select_n3A_557 = arith.select %and3A_547, %broadcast_in_dim3A_5, %add3A_556 : vector<16xi1>, vector<16xf32>
      %add3A_558 = arith.addf %select_n3A_532, %select_n3A_554 : vector<16xf32>
      %select_n3A_559 = arith.select %and3A_547, %select_n3A_554, %add3A_558 : vector<16xi1>, vector<16xf32>
      %add3A_560 = arith.addf %select_n3A_534, %select_n3A_555 : vector<16xf32>
      %select_n3A_561 = arith.select %and3A_547, %select_n3A_555, %add3A_560 : vector<16xi1>, vector<16xf32>
      %select_n3A_562 = arith.select %and3A_547, %broadcast_in_dim3A_5, %broadcast_in_dim3A_3 : vector<16xi1>, vector<16xf32>
      %add3A_563 = arith.addf %add3A_536, %select_n3A_562 : vector<16xf32>
      %max3A_564 = arith.maximumf %max3A_537, %gather3A_543 : vector<16xf32>
      %add3A_565 = arith.addf %select_n3A_539, %broadcast_in_dim3A_5 : vector<16xf32>
      %select_n3A_566 = arith.select %ge3A_544, %broadcast_in_dim3A_5, %add3A_565 : vector<16xi1>, vector<16xf32>
      %add3A_567 = arith.constant 1 : i32
      %add3A_568 = vector.broadcast %add3A_567 : i32 to vector<16xi32>
      %add3A_569 = arith.addi %add3A_542, %add3A_568 : vector<16xi32>
      %gather3A_570 = tpu.vector_load_idx %arg6[%add3A_569] : memref<8192xf32, #tpu.memory_space<vmem>>[vector<16xi32>], vector<16xf32>,
      %ge3A_571 = arith.cmpf oge, %gather3A_570, %broadcast_in_dim3A_3 : vector<16xf32>
      %gt3A_572 = arith.cmpf ogt, %gather3A_570, %broadcast_in_dim3A_3 : vector<16xf32>
      %gt3A_573 = arith.cmpf ogt, %select_n3A_566, %broadcast_in_dim3A_7 : vector<16xf32>
      %and3A_574 = arith.andi %ge3A_571, %gt3A_573 : vector<16xi1>
      %lt3A_575 = arith.cmpf olt, %select_n3A_557, %select_n3A_550 : vector<16xf32>
      %and3A_576 = arith.andi %and3A_574, %lt3A_575 : vector<16xi1>
      %select_n3A_577 = arith.select %and3A_576, %select_n3A_557, %select_n3A_550 : vector<16xi1>, vector<16xf32>
      %select_n3A_578 = arith.select %and3A_576, %select_n3A_559, %select_n3A_551 : vector<16xi1>, vector<16xf32>
      %select_n3A_579 = arith.select %and3A_576, %select_n3A_561, %select_n3A_552 : vector<16xi1>, vector<16xf32>
      %select_n3A_580 = arith.select %ge3A_571, %broadcast_in_dim3A_5, %broadcast_in_dim3A_3 : vector<16xi1>, vector<16xf32>
      %select_n3A_581 = arith.select %gt3A_572, %gather3A_570, %broadcast_in_dim3A_3 : vector<16xi1>, vector<16xf32>
      %select_n3A_582 = arith.select %gt3A_572, %broadcast_in_dim3A_5, %broadcast_in_dim3A_3 : vector<16xi1>, vector<16xf32>
      %add3A_583 = arith.addf %select_n3A_557, %select_n3A_580 : vector<16xf32>
      %select_n3A_584 = arith.select %and3A_574, %broadcast_in_dim3A_5, %add3A_583 : vector<16xi1>, vector<16xf32>
      %add3A_585 = arith.addf %select_n3A_559, %select_n3A_581 : vector<16xf32>
      %select_n3A_586 = arith.select %and3A_574, %select_n3A_581, %add3A_585 : vector<16xi1>, vector<16xf32>
      %add3A_587 = arith.addf %select_n3A_561, %select_n3A_582 : vector<16xf32>
      %select_n3A_588 = arith.select %and3A_574, %select_n3A_582, %add3A_587 : vector<16xi1>, vector<16xf32>
      %select_n3A_589 = arith.select %and3A_574, %broadcast_in_dim3A_5, %broadcast_in_dim3A_3 : vector<16xi1>, vector<16xf32>
      %add3A_590 = arith.addf %add3A_563, %select_n3A_589 : vector<16xf32>
      %max3A_591 = arith.maximumf %max3A_564, %gather3A_570 : vector<16xf32>
      %add3A_592 = arith.addf %select_n3A_566, %broadcast_in_dim3A_5 : vector<16xf32>
      %select_n3A_593 = arith.select %ge3A_571, %broadcast_in_dim3A_5, %add3A_592 : vector<16xi1>, vector<16xf32>
      %add3A_594 = arith.constant 1 : i32
      %add3A_595 = vector.broadcast %add3A_594 : i32 to vector<16xi32>
      %add3A_596 = arith.addi %add3A_569, %add3A_595 : vector<16xi32>
      %gather3A_597 = tpu.vector_load_idx %arg6[%add3A_596] : memref<8192xf32, #tpu.memory_space<vmem>>[vector<16xi32>], vector<16xf32>,
      %ge3A_598 = arith.cmpf oge, %gather3A_597, %broadcast_in_dim3A_3 : vector<16xf32>
      %gt3A_599 = arith.cmpf ogt, %gather3A_597, %broadcast_in_dim3A_3 : vector<16xf32>
      %gt3A_600 = arith.cmpf ogt, %select_n3A_593, %broadcast_in_dim3A_7 : vector<16xf32>
      %and3A_601 = arith.andi %ge3A_598, %gt3A_600 : vector<16xi1>
      %lt3A_602 = arith.cmpf olt, %select_n3A_584, %select_n3A_577 : vector<16xf32>
      %and3A_603 = arith.andi %and3A_601, %lt3A_602 : vector<16xi1>
      %select_n3A_604 = arith.select %and3A_603, %select_n3A_584, %select_n3A_577 : vector<16xi1>, vector<16xf32>
      %select_n3A_605 = arith.select %and3A_603, %select_n3A_586, %select_n3A_578 : vector<16xi1>, vector<16xf32>
      %select_n3A_606 = arith.select %and3A_603, %select_n3A_588, %select_n3A_579 : vector<16xi1>, vector<16xf32>
      %select_n3A_607 = arith.select %ge3A_598, %broadcast_in_dim3A_5, %broadcast_in_dim3A_3 : vector<16xi1>, vector<16xf32>
      %select_n3A_608 = arith.select %gt3A_599, %gather3A_597, %broadcast_in_dim3A_3 : vector<16xi1>, vector<16xf32>
      %select_n3A_609 = arith.select %gt3A_599, %broadcast_in_dim3A_5, %broadcast_in_dim3A_3 : vector<16xi1>, vector<16xf32>
      %add3A_610 = arith.addf %select_n3A_584, %select_n3A_607 : vector<16xf32>
      %select_n3A_611 = arith.select %and3A_601, %broadcast_in_dim3A_5, %add3A_610 : vector<16xi1>, vector<16xf32>
      %add3A_612 = arith.addf %select_n3A_586, %select_n3A_608 : vector<16xf32>
      %select_n3A_613 = arith.select %and3A_601, %select_n3A_608, %add3A_612 : vector<16xi1>, vector<16xf32>
      %add3A_614 = arith.addf %select_n3A_588, %select_n3A_609 : vector<16xf32>
      %select_n3A_615 = arith.select %and3A_601, %select_n3A_609, %add3A_614 : vector<16xi1>, vector<16xf32>
      %select_n3A_616 = arith.select %and3A_601, %broadcast_in_dim3A_5, %broadcast_in_dim3A_3 : vector<16xi1>, vector<16xf32>
      %add3A_617 = arith.addf %add3A_590, %select_n3A_616 : vector<16xf32>
      %max3A_618 = arith.maximumf %max3A_591, %gather3A_597 : vector<16xf32>
      %add3A_619 = arith.addf %select_n3A_593, %broadcast_in_dim3A_5 : vector<16xf32>
      %select_n3A_620 = arith.select %ge3A_598, %broadcast_in_dim3A_5, %add3A_619 : vector<16xi1>, vector<16xf32>
      %add3A_621 = arith.constant 1 : i32
      %add3A_622 = vector.broadcast %add3A_621 : i32 to vector<16xi32>
      %add3A_623 = arith.addi %add3A_596, %add3A_622 : vector<16xi32>
      scf.yield %add3A_623, %select_n3A_620, %select_n3A_611, %select_n3A_613, %select_n3A_615, %select_n3A_604, %select_n3A_605, %select_n3A_606, %add3A_617, %max3A_618 : vector<16xi32>, vector<16xf32>, vector<16xf32>, vector<16xf32>, vector<16xf32>, vector<16xf32>, vector<16xf32>, vector<16xf32>, vector<16xf32>, vector<16xf32>
    }
    %scan3A_102 = arith.constant 64 : i32
    %add3A_103 = arith.constant 32 : i32
    %add3A_104 = vector.broadcast %add3A_103 : i32 to vector<16xi32>
    %add3A_105 = arith.addi %iota3A, %add3A_104 : vector<16xi32>
    %lt3A_106 = arith.cmpf olt, %scan3A_101#2, %scan3A_101#5 : vector<16xf32>
    %select_n3A_107 = arith.select %lt3A_106, %scan3A_101#3, %scan3A_101#6 : vector<16xi1>, vector<16xf32>
    %select_n3A_108 = arith.select %lt3A_106, %scan3A_101#4, %scan3A_101#7 : vector<16xi1>, vector<16xf32>
    %gather3A_109 = tpu.vector_load_idx %arg8[%add3A_105] : memref<160xf32, #tpu.memory_space<vmem>>[vector<16xi32>], vector<16xf32>,
    %gt3A_110 = arith.cmpf ogt, %gather3A_109, %broadcast_in_dim3A_11 : vector<16xf32>
    %gt3A_111 = arith.cmpf ogt, %scan3A_101#8, %broadcast_in_dim3A_11 : vector<16xf32>
    %gt3A_112 = arith.cmpf ogt, %select_n3A_108, %broadcast_in_dim3A_3 : vector<16xf32>
    %max3A_113 = arith.maximumf %select_n3A_108, %broadcast_in_dim3A_5 : vector<16xf32>
    %div3A_114 = arith.divf %select_n3A_107, %max3A_113 : vector<16xf32>
    %select_n3A_115 = arith.select %gt3A_112, %div3A_114, %broadcast_in_dim3A_3 : vector<16xi1>, vector<16xf32>
    %not3A_116 = arith.constant dense<true> : vector<16xi1>
    %not3A_117 = arith.xori %gt3A_111, %not3A_116 : vector<16xi1>
    %and3A_118 = arith.andi %gt3A_110, %not3A_117 : vector<16xi1>
    %neg3A_119 = arith.constant 0.000000e+00 : f32
    %neg3A_120 = vector.broadcast %neg3A_119 : f32 to vector<16xf32>
    %neg3A_121 = arith.subf %neg3A_120, %scan3A_101#9 : vector<16xf32>
    %not3A_122 = arith.constant dense<true> : vector<16xi1>
    %not3A_123 = arith.xori %gt3A_110, %not3A_122 : vector<16xi1>
    %and3A_124 = arith.andi %not3A_123, %gt3A_111 : vector<16xi1>
    %select_n3A_125 = arith.select %and3A_124, %select_n3A_115, %broadcast_in_dim3A_3 : vector<16xi1>, vector<16xf32>
    %select_n3A_126 = arith.select %and3A_118, %neg3A_121, %select_n3A_125 : vector<16xi1>, vector<16xf32>
    tpu.vector_store_idx %arg9[%add3A_105], %scan3A_101#8 : memref<160xf32, #tpu.memory_space<vmem>>[vector<16xi32>], vector<16xf32>,
    %add3A_127 = arith.addf %add3A_88, %select_n3A_126 : vector<16xf32>
    %dma_wait3A_128 = tpu.memref_slice %arg2[%mul3A_94] : memref<2621440xf32, #tpu.memory_space<hbm>> -> memref<8192xf32, #tpu.memory_space<hbm>>
    %dma_wait3A_129 = tpu.memref_slice %arg2[%mul3A_94] : memref<2621440xf32, #tpu.memory_space<hbm>> -> memref<8192xf32, #tpu.memory_space<hbm>>
    tpu.wait_dma2 semaphore(%arg12 : memref<!tpu.dma_semaphore, #tpu.memory_space<semaphore_mem>>) src(%dma_wait3A_129 : memref<8192xf32, #tpu.memory_space<hbm>>) dst(%arg7 : memref<8192xf32, #tpu.memory_space<vmem>>)
    %add3A_130 = arith.constant 64 : i32
    %add3A_131 = arith.addi %mul3A_2, %add3A_130 : i32
    %mul3A_132 = arith.constant 512 : i32
    %mul3A_133 = arith.muli %add3A_131, %mul3A_132 : i32
    %dma_start3A_134 = tpu.memref_slice %arg2[%mul3A_133] : memref<2621440xf32, #tpu.memory_space<hbm>> -> memref<8192xf32, #tpu.memory_space<hbm>>
    %dma_start3A_135 = tpu.memref_slice %arg2[%mul3A_133] : memref<2621440xf32, #tpu.memory_space<hbm>> -> memref<8192xf32, #tpu.memory_space<hbm>>
    tpu.enqueue_dma source(%dma_start3A_135 : memref<8192xf32, #tpu.memory_space<hbm>>) target(%arg6 : memref<8192xf32, #tpu.memory_space<vmem>>) target_semaphore(%arg11 : memref<!tpu.dma_semaphore, #tpu.memory_space<semaphore_mem>>)
    %scan3A_136 = arith.constant 0 : i32
    %scan3A_137 = arith.constant 64 : i32
    %scan3A_138 = arith.addi %scan3A_136, %scan3A_137 : i32
    %scan3A_139 = arith.constant 1 : i32
    %scan3A_140:10 = scf.for %scan3A_398 = %scan3A_136 to %scan3A_138 step %scan3A_139 iter_args(%scan3A_399 = %mul3A_16, %scan3A_400 = %broadcast_in_dim3A_9, %scan3A_401 = %broadcast_in_dim3A_9, %scan3A_402 = %broadcast_in_dim3A_3, %scan3A_403 = %broadcast_in_dim3A_3, %scan3A_404 = %broadcast_in_dim3A_9, %scan3A_405 = %broadcast_in_dim3A_3, %scan3A_406 = %broadcast_in_dim3A_3, %scan3A_407 = %broadcast_in_dim3A_3, %scan3A_408 = %broadcast_in_dim3A_13) -> (vector<16xi32>, vector<16xf32>, vector<16xf32>, vector<16xf32>, vector<16xf32>, vector<16xf32>, vector<16xf32>, vector<16xf32>, vector<16xf32>, vector<16xf32>)  : i32 {
      %gather3A_409 = tpu.vector_load_idx %arg7[%scan3A_399] : memref<8192xf32, #tpu.memory_space<vmem>>[vector<16xi32>], vector<16xf32>,
      %ge3A = arith.cmpf oge, %gather3A_409, %broadcast_in_dim3A_3 : vector<16xf32>
      %gt3A_410 = arith.cmpf ogt, %gather3A_409, %broadcast_in_dim3A_3 : vector<16xf32>
      %gt3A_411 = arith.cmpf ogt, %scan3A_400, %broadcast_in_dim3A_7 : vector<16xf32>
      %and3A_412 = arith.andi %ge3A, %gt3A_411 : vector<16xi1>
      %lt3A_413 = arith.cmpf olt, %scan3A_401, %scan3A_404 : vector<16xf32>
      %and3A_414 = arith.andi %and3A_412, %lt3A_413 : vector<16xi1>
      %select_n3A_415 = arith.select %and3A_414, %scan3A_401, %scan3A_404 : vector<16xi1>, vector<16xf32>
      %select_n3A_416 = arith.select %and3A_414, %scan3A_402, %scan3A_405 : vector<16xi1>, vector<16xf32>
      %select_n3A_417 = arith.select %and3A_414, %scan3A_403, %scan3A_406 : vector<16xi1>, vector<16xf32>
      %select_n3A_418 = arith.select %ge3A, %broadcast_in_dim3A_5, %broadcast_in_dim3A_3 : vector<16xi1>, vector<16xf32>
      %select_n3A_419 = arith.select %gt3A_410, %gather3A_409, %broadcast_in_dim3A_3 : vector<16xi1>, vector<16xf32>
      %select_n3A_420 = arith.select %gt3A_410, %broadcast_in_dim3A_5, %broadcast_in_dim3A_3 : vector<16xi1>, vector<16xf32>
      %add3A_421 = arith.addf %scan3A_401, %select_n3A_418 : vector<16xf32>
      %select_n3A_422 = arith.select %and3A_412, %broadcast_in_dim3A_5, %add3A_421 : vector<16xi1>, vector<16xf32>
      %add3A_423 = arith.addf %scan3A_402, %select_n3A_419 : vector<16xf32>
      %select_n3A_424 = arith.select %and3A_412, %select_n3A_419, %add3A_423 : vector<16xi1>, vector<16xf32>
      %add3A_425 = arith.addf %scan3A_403, %select_n3A_420 : vector<16xf32>
      %select_n3A_426 = arith.select %and3A_412, %select_n3A_420, %add3A_425 : vector<16xi1>, vector<16xf32>
      %select_n3A_427 = arith.select %and3A_412, %broadcast_in_dim3A_5, %broadcast_in_dim3A_3 : vector<16xi1>, vector<16xf32>
      %add3A_428 = arith.addf %scan3A_407, %select_n3A_427 : vector<16xf32>
      %max3A_429 = arith.maximumf %scan3A_408, %gather3A_409 : vector<16xf32>
      %add3A_430 = arith.addf %scan3A_400, %broadcast_in_dim3A_5 : vector<16xf32>
      %select_n3A_431 = arith.select %ge3A, %broadcast_in_dim3A_5, %add3A_430 : vector<16xi1>, vector<16xf32>
      %add3A_432 = arith.constant 1 : i32
      %add3A_433 = vector.broadcast %add3A_432 : i32 to vector<16xi32>
      %add3A_434 = arith.addi %scan3A_399, %add3A_433 : vector<16xi32>
      %gather3A_435 = tpu.vector_load_idx %arg7[%add3A_434] : memref<8192xf32, #tpu.memory_space<vmem>>[vector<16xi32>], vector<16xf32>,
      %ge3A_436 = arith.cmpf oge, %gather3A_435, %broadcast_in_dim3A_3 : vector<16xf32>
      %gt3A_437 = arith.cmpf ogt, %gather3A_435, %broadcast_in_dim3A_3 : vector<16xf32>
      %gt3A_438 = arith.cmpf ogt, %select_n3A_431, %broadcast_in_dim3A_7 : vector<16xf32>
      %and3A_439 = arith.andi %ge3A_436, %gt3A_438 : vector<16xi1>
      %lt3A_440 = arith.cmpf olt, %select_n3A_422, %select_n3A_415 : vector<16xf32>
      %and3A_441 = arith.andi %and3A_439, %lt3A_440 : vector<16xi1>
      %select_n3A_442 = arith.select %and3A_441, %select_n3A_422, %select_n3A_415 : vector<16xi1>, vector<16xf32>
      %select_n3A_443 = arith.select %and3A_441, %select_n3A_424, %select_n3A_416 : vector<16xi1>, vector<16xf32>
      %select_n3A_444 = arith.select %and3A_441, %select_n3A_426, %select_n3A_417 : vector<16xi1>, vector<16xf32>
      %select_n3A_445 = arith.select %ge3A_436, %broadcast_in_dim3A_5, %broadcast_in_dim3A_3 : vector<16xi1>, vector<16xf32>
      %select_n3A_446 = arith.select %gt3A_437, %gather3A_435, %broadcast_in_dim3A_3 : vector<16xi1>, vector<16xf32>
      %select_n3A_447 = arith.select %gt3A_437, %broadcast_in_dim3A_5, %broadcast_in_dim3A_3 : vector<16xi1>, vector<16xf32>
      %add3A_448 = arith.addf %select_n3A_422, %select_n3A_445 : vector<16xf32>
      %select_n3A_449 = arith.select %and3A_439, %broadcast_in_dim3A_5, %add3A_448 : vector<16xi1>, vector<16xf32>
      %add3A_450 = arith.addf %select_n3A_424, %select_n3A_446 : vector<16xf32>
      %select_n3A_451 = arith.select %and3A_439, %select_n3A_446, %add3A_450 : vector<16xi1>, vector<16xf32>
      %add3A_452 = arith.addf %select_n3A_426, %select_n3A_447 : vector<16xf32>
      %select_n3A_453 = arith.select %and3A_439, %select_n3A_447, %add3A_452 : vector<16xi1>, vector<16xf32>
      %select_n3A_454 = arith.select %and3A_439, %broadcast_in_dim3A_5, %broadcast_in_dim3A_3 : vector<16xi1>, vector<16xf32>
      %add3A_455 = arith.addf %add3A_428, %select_n3A_454 : vector<16xf32>
      %max3A_456 = arith.maximumf %max3A_429, %gather3A_435 : vector<16xf32>
      %add3A_457 = arith.addf %select_n3A_431, %broadcast_in_dim3A_5 : vector<16xf32>
      %select_n3A_458 = arith.select %ge3A_436, %broadcast_in_dim3A_5, %add3A_457 : vector<16xi1>, vector<16xf32>
      %add3A_459 = arith.constant 1 : i32
      %add3A_460 = vector.broadcast %add3A_459 : i32 to vector<16xi32>
      %add3A_461 = arith.addi %add3A_434, %add3A_460 : vector<16xi32>
      %gather3A_462 = tpu.vector_load_idx %arg7[%add3A_461] : memref<8192xf32, #tpu.memory_space<vmem>>[vector<16xi32>], vector<16xf32>,
      %ge3A_463 = arith.cmpf oge, %gather3A_462, %broadcast_in_dim3A_3 : vector<16xf32>
      %gt3A_464 = arith.cmpf ogt, %gather3A_462, %broadcast_in_dim3A_3 : vector<16xf32>
      %gt3A_465 = arith.cmpf ogt, %select_n3A_458, %broadcast_in_dim3A_7 : vector<16xf32>
      %and3A_466 = arith.andi %ge3A_463, %gt3A_465 : vector<16xi1>
      %lt3A_467 = arith.cmpf olt, %select_n3A_449, %select_n3A_442 : vector<16xf32>
      %and3A_468 = arith.andi %and3A_466, %lt3A_467 : vector<16xi1>
      %select_n3A_469 = arith.select %and3A_468, %select_n3A_449, %select_n3A_442 : vector<16xi1>, vector<16xf32>
      %select_n3A_470 = arith.select %and3A_468, %select_n3A_451, %select_n3A_443 : vector<16xi1>, vector<16xf32>
      %select_n3A_471 = arith.select %and3A_468, %select_n3A_453, %select_n3A_444 : vector<16xi1>, vector<16xf32>
      %select_n3A_472 = arith.select %ge3A_463, %broadcast_in_dim3A_5, %broadcast_in_dim3A_3 : vector<16xi1>, vector<16xf32>
      %select_n3A_473 = arith.select %gt3A_464, %gather3A_462, %broadcast_in_dim3A_3 : vector<16xi1>, vector<16xf32>
      %select_n3A_474 = arith.select %gt3A_464, %broadcast_in_dim3A_5, %broadcast_in_dim3A_3 : vector<16xi1>, vector<16xf32>
      %add3A_475 = arith.addf %select_n3A_449, %select_n3A_472 : vector<16xf32>
      %select_n3A_476 = arith.select %and3A_466, %broadcast_in_dim3A_5, %add3A_475 : vector<16xi1>, vector<16xf32>
      %add3A_477 = arith.addf %select_n3A_451, %select_n3A_473 : vector<16xf32>
      %select_n3A_478 = arith.select %and3A_466, %select_n3A_473, %add3A_477 : vector<16xi1>, vector<16xf32>
      %add3A_479 = arith.addf %select_n3A_453, %select_n3A_474 : vector<16xf32>
      %select_n3A_480 = arith.select %and3A_466, %select_n3A_474, %add3A_479 : vector<16xi1>, vector<16xf32>
      %select_n3A_481 = arith.select %and3A_466, %broadcast_in_dim3A_5, %broadcast_in_dim3A_3 : vector<16xi1>, vector<16xf32>
      %add3A_482 = arith.addf %add3A_455, %select_n3A_481 : vector<16xf32>
      %max3A_483 = arith.maximumf %max3A_456, %gather3A_462 : vector<16xf32>
      %add3A_484 = arith.addf %select_n3A_458, %broadcast_in_dim3A_5 : vector<16xf32>
      %select_n3A_485 = arith.select %ge3A_463, %broadcast_in_dim3A_5, %add3A_484 : vector<16xi1>, vector<16xf32>
      %add3A_486 = arith.constant 1 : i32
      %add3A_487 = vector.broadcast %add3A_486 : i32 to vector<16xi32>
      %add3A_488 = arith.addi %add3A_461, %add3A_487 : vector<16xi32>
      %gather3A_489 = tpu.vector_load_idx %arg7[%add3A_488] : memref<8192xf32, #tpu.memory_space<vmem>>[vector<16xi32>], vector<16xf32>,
      %ge3A_490 = arith.cmpf oge, %gather3A_489, %broadcast_in_dim3A_3 : vector<16xf32>
      %gt3A_491 = arith.cmpf ogt, %gather3A_489, %broadcast_in_dim3A_3 : vector<16xf32>
      %gt3A_492 = arith.cmpf ogt, %select_n3A_485, %broadcast_in_dim3A_7 : vector<16xf32>
      %and3A_493 = arith.andi %ge3A_490, %gt3A_492 : vector<16xi1>
      %lt3A_494 = arith.cmpf olt, %select_n3A_476, %select_n3A_469 : vector<16xf32>
      %and3A_495 = arith.andi %and3A_493, %lt3A_494 : vector<16xi1>
      %select_n3A_496 = arith.select %and3A_495, %select_n3A_476, %select_n3A_469 : vector<16xi1>, vector<16xf32>
      %select_n3A_497 = arith.select %and3A_495, %select_n3A_478, %select_n3A_470 : vector<16xi1>, vector<16xf32>
      %select_n3A_498 = arith.select %and3A_495, %select_n3A_480, %select_n3A_471 : vector<16xi1>, vector<16xf32>
      %select_n3A_499 = arith.select %ge3A_490, %broadcast_in_dim3A_5, %broadcast_in_dim3A_3 : vector<16xi1>, vector<16xf32>
      %select_n3A_500 = arith.select %gt3A_491, %gather3A_489, %broadcast_in_dim3A_3 : vector<16xi1>, vector<16xf32>
      %select_n3A_501 = arith.select %gt3A_491, %broadcast_in_dim3A_5, %broadcast_in_dim3A_3 : vector<16xi1>, vector<16xf32>
      %add3A_502 = arith.addf %select_n3A_476, %select_n3A_499 : vector<16xf32>
      %select_n3A_503 = arith.select %and3A_493, %broadcast_in_dim3A_5, %add3A_502 : vector<16xi1>, vector<16xf32>
      %add3A_504 = arith.addf %select_n3A_478, %select_n3A_500 : vector<16xf32>
      %select_n3A_505 = arith.select %and3A_493, %select_n3A_500, %add3A_504 : vector<16xi1>, vector<16xf32>
      %add3A_506 = arith.addf %select_n3A_480, %select_n3A_501 : vector<16xf32>
      %select_n3A_507 = arith.select %and3A_493, %select_n3A_501, %add3A_506 : vector<16xi1>, vector<16xf32>
      %select_n3A_508 = arith.select %and3A_493, %broadcast_in_dim3A_5, %broadcast_in_dim3A_3 : vector<16xi1>, vector<16xf32>
      %add3A_509 = arith.addf %add3A_482, %select_n3A_508 : vector<16xf32>
      %max3A_510 = arith.maximumf %max3A_483, %gather3A_489 : vector<16xf32>
      %add3A_511 = arith.addf %select_n3A_485, %broadcast_in_dim3A_5 : vector<16xf32>
      %select_n3A_512 = arith.select %ge3A_490, %broadcast_in_dim3A_5, %add3A_511 : vector<16xi1>, vector<16xf32>
      %add3A_513 = arith.constant 1 : i32
      %add3A_514 = vector.broadcast %add3A_513 : i32 to vector<16xi32>
      %add3A_515 = arith.addi %add3A_488, %add3A_514 : vector<16xi32>
      %gather3A_516 = tpu.vector_load_idx %arg7[%add3A_515] : memref<8192xf32, #tpu.memory_space<vmem>>[vector<16xi32>], vector<16xf32>,
      %ge3A_517 = arith.cmpf oge, %gather3A_516, %broadcast_in_dim3A_3 : vector<16xf32>
      %gt3A_518 = arith.cmpf ogt, %gather3A_516, %broadcast_in_dim3A_3 : vector<16xf32>
      %gt3A_519 = arith.cmpf ogt, %select_n3A_512, %broadcast_in_dim3A_7 : vector<16xf32>
      %and3A_520 = arith.andi %ge3A_517, %gt3A_519 : vector<16xi1>
      %lt3A_521 = arith.cmpf olt, %select_n3A_503, %select_n3A_496 : vector<16xf32>
      %and3A_522 = arith.andi %and3A_520, %lt3A_521 : vector<16xi1>
      %select_n3A_523 = arith.select %and3A_522, %select_n3A_503, %select_n3A_496 : vector<16xi1>, vector<16xf32>
      %select_n3A_524 = arith.select %and3A_522, %select_n3A_505, %select_n3A_497 : vector<16xi1>, vector<16xf32>
      %select_n3A_525 = arith.select %and3A_522, %select_n3A_507, %select_n3A_498 : vector<16xi1>, vector<16xf32>
      %select_n3A_526 = arith.select %ge3A_517, %broadcast_in_dim3A_5, %broadcast_in_dim3A_3 : vector<16xi1>, vector<16xf32>
      %select_n3A_527 = arith.select %gt3A_518, %gather3A_516, %broadcast_in_dim3A_3 : vector<16xi1>, vector<16xf32>
      %select_n3A_528 = arith.select %gt3A_518, %broadcast_in_dim3A_5, %broadcast_in_dim3A_3 : vector<16xi1>, vector<16xf32>
      %add3A_529 = arith.addf %select_n3A_503, %select_n3A_526 : vector<16xf32>
      %select_n3A_530 = arith.select %and3A_520, %broadcast_in_dim3A_5, %add3A_529 : vector<16xi1>, vector<16xf32>
      %add3A_531 = arith.addf %select_n3A_505, %select_n3A_527 : vector<16xf32>
      %select_n3A_532 = arith.select %and3A_520, %select_n3A_527, %add3A_531 : vector<16xi1>, vector<16xf32>
      %add3A_533 = arith.addf %select_n3A_507, %select_n3A_528 : vector<16xf32>
      %select_n3A_534 = arith.select %and3A_520, %select_n3A_528, %add3A_533 : vector<16xi1>, vector<16xf32>
      %select_n3A_535 = arith.select %and3A_520, %broadcast_in_dim3A_5, %broadcast_in_dim3A_3 : vector<16xi1>, vector<16xf32>
      %add3A_536 = arith.addf %add3A_509, %select_n3A_535 : vector<16xf32>
      %max3A_537 = arith.maximumf %max3A_510, %gather3A_516 : vector<16xf32>
      %add3A_538 = arith.addf %select_n3A_512, %broadcast_in_dim3A_5 : vector<16xf32>
      %select_n3A_539 = arith.select %ge3A_517, %broadcast_in_dim3A_5, %add3A_538 : vector<16xi1>, vector<16xf32>
      %add3A_540 = arith.constant 1 : i32
      %add3A_541 = vector.broadcast %add3A_540 : i32 to vector<16xi32>
      %add3A_542 = arith.addi %add3A_515, %add3A_541 : vector<16xi32>
      %gather3A_543 = tpu.vector_load_idx %arg7[%add3A_542] : memref<8192xf32, #tpu.memory_space<vmem>>[vector<16xi32>], vector<16xf32>,
      %ge3A_544 = arith.cmpf oge, %gather3A_543, %broadcast_in_dim3A_3 : vector<16xf32>
      %gt3A_545 = arith.cmpf ogt, %gather3A_543, %broadcast_in_dim3A_3 : vector<16xf32>
      %gt3A_546 = arith.cmpf ogt, %select_n3A_539, %broadcast_in_dim3A_7 : vector<16xf32>
      %and3A_547 = arith.andi %ge3A_544, %gt3A_546 : vector<16xi1>
      %lt3A_548 = arith.cmpf olt, %select_n3A_530, %select_n3A_523 : vector<16xf32>
      %and3A_549 = arith.andi %and3A_547, %lt3A_548 : vector<16xi1>
      %select_n3A_550 = arith.select %and3A_549, %select_n3A_530, %select_n3A_523 : vector<16xi1>, vector<16xf32>
      %select_n3A_551 = arith.select %and3A_549, %select_n3A_532, %select_n3A_524 : vector<16xi1>, vector<16xf32>
      %select_n3A_552 = arith.select %and3A_549, %select_n3A_534, %select_n3A_525 : vector<16xi1>, vector<16xf32>
      %select_n3A_553 = arith.select %ge3A_544, %broadcast_in_dim3A_5, %broadcast_in_dim3A_3 : vector<16xi1>, vector<16xf32>
      %select_n3A_554 = arith.select %gt3A_545, %gather3A_543, %broadcast_in_dim3A_3 : vector<16xi1>, vector<16xf32>
      %select_n3A_555 = arith.select %gt3A_545, %broadcast_in_dim3A_5, %broadcast_in_dim3A_3 : vector<16xi1>, vector<16xf32>
      %add3A_556 = arith.addf %select_n3A_530, %select_n3A_553 : vector<16xf32>
      %select_n3A_557 = arith.select %and3A_547, %broadcast_in_dim3A_5, %add3A_556 : vector<16xi1>, vector<16xf32>
      %add3A_558 = arith.addf %select_n3A_532, %select_n3A_554 : vector<16xf32>
      %select_n3A_559 = arith.select %and3A_547, %select_n3A_554, %add3A_558 : vector<16xi1>, vector<16xf32>
      %add3A_560 = arith.addf %select_n3A_534, %select_n3A_555 : vector<16xf32>
      %select_n3A_561 = arith.select %and3A_547, %select_n3A_555, %add3A_560 : vector<16xi1>, vector<16xf32>
      %select_n3A_562 = arith.select %and3A_547, %broadcast_in_dim3A_5, %broadcast_in_dim3A_3 : vector<16xi1>, vector<16xf32>
      %add3A_563 = arith.addf %add3A_536, %select_n3A_562 : vector<16xf32>
      %max3A_564 = arith.maximumf %max3A_537, %gather3A_543 : vector<16xf32>
      %add3A_565 = arith.addf %select_n3A_539, %broadcast_in_dim3A_5 : vector<16xf32>
      %select_n3A_566 = arith.select %ge3A_544, %broadcast_in_dim3A_5, %add3A_565 : vector<16xi1>, vector<16xf32>
      %add3A_567 = arith.constant 1 : i32
      %add3A_568 = vector.broadcast %add3A_567 : i32 to vector<16xi32>
      %add3A_569 = arith.addi %add3A_542, %add3A_568 : vector<16xi32>
      %gather3A_570 = tpu.vector_load_idx %arg7[%add3A_569] : memref<8192xf32, #tpu.memory_space<vmem>>[vector<16xi32>], vector<16xf32>,
      %ge3A_571 = arith.cmpf oge, %gather3A_570, %broadcast_in_dim3A_3 : vector<16xf32>
      %gt3A_572 = arith.cmpf ogt, %gather3A_570, %broadcast_in_dim3A_3 : vector<16xf32>
      %gt3A_573 = arith.cmpf ogt, %select_n3A_566, %broadcast_in_dim3A_7 : vector<16xf32>
      %and3A_574 = arith.andi %ge3A_571, %gt3A_573 : vector<16xi1>
      %lt3A_575 = arith.cmpf olt, %select_n3A_557, %select_n3A_550 : vector<16xf32>
      %and3A_576 = arith.andi %and3A_574, %lt3A_575 : vector<16xi1>
      %select_n3A_577 = arith.select %and3A_576, %select_n3A_557, %select_n3A_550 : vector<16xi1>, vector<16xf32>
      %select_n3A_578 = arith.select %and3A_576, %select_n3A_559, %select_n3A_551 : vector<16xi1>, vector<16xf32>
      %select_n3A_579 = arith.select %and3A_576, %select_n3A_561, %select_n3A_552 : vector<16xi1>, vector<16xf32>
      %select_n3A_580 = arith.select %ge3A_571, %broadcast_in_dim3A_5, %broadcast_in_dim3A_3 : vector<16xi1>, vector<16xf32>
      %select_n3A_581 = arith.select %gt3A_572, %gather3A_570, %broadcast_in_dim3A_3 : vector<16xi1>, vector<16xf32>
      %select_n3A_582 = arith.select %gt3A_572, %broadcast_in_dim3A_5, %broadcast_in_dim3A_3 : vector<16xi1>, vector<16xf32>
      %add3A_583 = arith.addf %select_n3A_557, %select_n3A_580 : vector<16xf32>
      %select_n3A_584 = arith.select %and3A_574, %broadcast_in_dim3A_5, %add3A_583 : vector<16xi1>, vector<16xf32>
      %add3A_585 = arith.addf %select_n3A_559, %select_n3A_581 : vector<16xf32>
      %select_n3A_586 = arith.select %and3A_574, %select_n3A_581, %add3A_585 : vector<16xi1>, vector<16xf32>
      %add3A_587 = arith.addf %select_n3A_561, %select_n3A_582 : vector<16xf32>
      %select_n3A_588 = arith.select %and3A_574, %select_n3A_582, %add3A_587 : vector<16xi1>, vector<16xf32>
      %select_n3A_589 = arith.select %and3A_574, %broadcast_in_dim3A_5, %broadcast_in_dim3A_3 : vector<16xi1>, vector<16xf32>
      %add3A_590 = arith.addf %add3A_563, %select_n3A_589 : vector<16xf32>
      %max3A_591 = arith.maximumf %max3A_564, %gather3A_570 : vector<16xf32>
      %add3A_592 = arith.addf %select_n3A_566, %broadcast_in_dim3A_5 : vector<16xf32>
      %select_n3A_593 = arith.select %ge3A_571, %broadcast_in_dim3A_5, %add3A_592 : vector<16xi1>, vector<16xf32>
      %add3A_594 = arith.constant 1 : i32
      %add3A_595 = vector.broadcast %add3A_594 : i32 to vector<16xi32>
      %add3A_596 = arith.addi %add3A_569, %add3A_595 : vector<16xi32>
      %gather3A_597 = tpu.vector_load_idx %arg7[%add3A_596] : memref<8192xf32, #tpu.memory_space<vmem>>[vector<16xi32>], vector<16xf32>,
      %ge3A_598 = arith.cmpf oge, %gather3A_597, %broadcast_in_dim3A_3 : vector<16xf32>
      %gt3A_599 = arith.cmpf ogt, %gather3A_597, %broadcast_in_dim3A_3 : vector<16xf32>
      %gt3A_600 = arith.cmpf ogt, %select_n3A_593, %broadcast_in_dim3A_7 : vector<16xf32>
      %and3A_601 = arith.andi %ge3A_598, %gt3A_600 : vector<16xi1>
      %lt3A_602 = arith.cmpf olt, %select_n3A_584, %select_n3A_577 : vector<16xf32>
      %and3A_603 = arith.andi %and3A_601, %lt3A_602 : vector<16xi1>
      %select_n3A_604 = arith.select %and3A_603, %select_n3A_584, %select_n3A_577 : vector<16xi1>, vector<16xf32>
      %select_n3A_605 = arith.select %and3A_603, %select_n3A_586, %select_n3A_578 : vector<16xi1>, vector<16xf32>
      %select_n3A_606 = arith.select %and3A_603, %select_n3A_588, %select_n3A_579 : vector<16xi1>, vector<16xf32>
      %select_n3A_607 = arith.select %ge3A_598, %broadcast_in_dim3A_5, %broadcast_in_dim3A_3 : vector<16xi1>, vector<16xf32>
      %select_n3A_608 = arith.select %gt3A_599, %gather3A_597, %broadcast_in_dim3A_3 : vector<16xi1>, vector<16xf32>
      %select_n3A_609 = arith.select %gt3A_599, %broadcast_in_dim3A_5, %broadcast_in_dim3A_3 : vector<16xi1>, vector<16xf32>
      %add3A_610 = arith.addf %select_n3A_584, %select_n3A_607 : vector<16xf32>
      %select_n3A_611 = arith.select %and3A_601, %broadcast_in_dim3A_5, %add3A_610 : vector<16xi1>, vector<16xf32>
      %add3A_612 = arith.addf %select_n3A_586, %select_n3A_608 : vector<16xf32>
      %select_n3A_613 = arith.select %and3A_601, %select_n3A_608, %add3A_612 : vector<16xi1>, vector<16xf32>
      %add3A_614 = arith.addf %select_n3A_588, %select_n3A_609 : vector<16xf32>
      %select_n3A_615 = arith.select %and3A_601, %select_n3A_609, %add3A_614 : vector<16xi1>, vector<16xf32>
      %select_n3A_616 = arith.select %and3A_601, %broadcast_in_dim3A_5, %broadcast_in_dim3A_3 : vector<16xi1>, vector<16xf32>
      %add3A_617 = arith.addf %add3A_590, %select_n3A_616 : vector<16xf32>
      %max3A_618 = arith.maximumf %max3A_591, %gather3A_597 : vector<16xf32>
      %add3A_619 = arith.addf %select_n3A_593, %broadcast_in_dim3A_5 : vector<16xf32>
      %select_n3A_620 = arith.select %ge3A_598, %broadcast_in_dim3A_5, %add3A_619 : vector<16xi1>, vector<16xf32>
      %add3A_621 = arith.constant 1 : i32
      %add3A_622 = vector.broadcast %add3A_621 : i32 to vector<16xi32>
      %add3A_623 = arith.addi %add3A_596, %add3A_622 : vector<16xi32>
      scf.yield %add3A_623, %select_n3A_620, %select_n3A_611, %select_n3A_613, %select_n3A_615, %select_n3A_604, %select_n3A_605, %select_n3A_606, %add3A_617, %max3A_618 : vector<16xi32>, vector<16xf32>, vector<16xf32>, vector<16xf32>, vector<16xf32>, vector<16xf32>, vector<16xf32>, vector<16xf32>, vector<16xf32>, vector<16xf32>
    }
    %scan3A_141 = arith.constant 64 : i32
    %add3A_142 = arith.constant 48 : i32
    %add3A_143 = vector.broadcast %add3A_142 : i32 to vector<16xi32>
    %add3A_144 = arith.addi %iota3A, %add3A_143 : vector<16xi32>
    %lt3A_145 = arith.cmpf olt, %scan3A_140#2, %scan3A_140#5 : vector<16xf32>
    %select_n3A_146 = arith.select %lt3A_145, %scan3A_140#3, %scan3A_140#6 : vector<16xi1>, vector<16xf32>
    %select_n3A_147 = arith.select %lt3A_145, %scan3A_140#4, %scan3A_140#7 : vector<16xi1>, vector<16xf32>
    %gather3A_148 = tpu.vector_load_idx %arg8[%add3A_144] : memref<160xf32, #tpu.memory_space<vmem>>[vector<16xi32>], vector<16xf32>,
    %gt3A_149 = arith.cmpf ogt, %gather3A_148, %broadcast_in_dim3A_11 : vector<16xf32>
    %gt3A_150 = arith.cmpf ogt, %scan3A_140#8, %broadcast_in_dim3A_11 : vector<16xf32>
    %gt3A_151 = arith.cmpf ogt, %select_n3A_147, %broadcast_in_dim3A_3 : vector<16xf32>
    %max3A_152 = arith.maximumf %select_n3A_147, %broadcast_in_dim3A_5 : vector<16xf32>
    %div3A_153 = arith.divf %select_n3A_146, %max3A_152 : vector<16xf32>
    %select_n3A_154 = arith.select %gt3A_151, %div3A_153, %broadcast_in_dim3A_3 : vector<16xi1>, vector<16xf32>
    %not3A_155 = arith.constant dense<true> : vector<16xi1>
    %not3A_156 = arith.xori %gt3A_150, %not3A_155 : vector<16xi1>
    %and3A_157 = arith.andi %gt3A_149, %not3A_156 : vector<16xi1>
    %neg3A_158 = arith.constant 0.000000e+00 : f32
    %neg3A_159 = vector.broadcast %neg3A_158 : f32 to vector<16xf32>
    %neg3A_160 = arith.subf %neg3A_159, %scan3A_140#9 : vector<16xf32>
    %not3A_161 = arith.constant dense<true> : vector<16xi1>
    %not3A_162 = arith.xori %gt3A_149, %not3A_161 : vector<16xi1>
    %and3A_163 = arith.andi %not3A_162, %gt3A_150 : vector<16xi1>
    %select_n3A_164 = arith.select %and3A_163, %select_n3A_154, %broadcast_in_dim3A_3 : vector<16xi1>, vector<16xf32>
    %select_n3A_165 = arith.select %and3A_157, %neg3A_160, %select_n3A_164 : vector<16xi1>, vector<16xf32>
    tpu.vector_store_idx %arg9[%add3A_144], %scan3A_140#8 : memref<160xf32, #tpu.memory_space<vmem>>[vector<16xi32>], vector<16xf32>,
    %add3A_166 = arith.addf %add3A_127, %select_n3A_165 : vector<16xf32>
    %dma_wait3A_167 = tpu.memref_slice %arg2[%mul3A_133] : memref<2621440xf32, #tpu.memory_space<hbm>> -> memref<8192xf32, #tpu.memory_space<hbm>>
    %dma_wait3A_168 = tpu.memref_slice %arg2[%mul3A_133] : memref<2621440xf32, #tpu.memory_space<hbm>> -> memref<8192xf32, #tpu.memory_space<hbm>>
    tpu.wait_dma2 semaphore(%arg11 : memref<!tpu.dma_semaphore, #tpu.memory_space<semaphore_mem>>) src(%dma_wait3A_168 : memref<8192xf32, #tpu.memory_space<hbm>>) dst(%arg6 : memref<8192xf32, #tpu.memory_space<vmem>>)
    %add3A_169 = arith.constant 80 : i32
    %add3A_170 = arith.addi %mul3A_2, %add3A_169 : i32
    %mul3A_171 = arith.constant 512 : i32
    %mul3A_172 = arith.muli %add3A_170, %mul3A_171 : i32
    %dma_start3A_173 = tpu.memref_slice %arg2[%mul3A_172] : memref<2621440xf32, #tpu.memory_space<hbm>> -> memref<8192xf32, #tpu.memory_space<hbm>>
    %dma_start3A_174 = tpu.memref_slice %arg2[%mul3A_172] : memref<2621440xf32, #tpu.memory_space<hbm>> -> memref<8192xf32, #tpu.memory_space<hbm>>
    tpu.enqueue_dma source(%dma_start3A_174 : memref<8192xf32, #tpu.memory_space<hbm>>) target(%arg7 : memref<8192xf32, #tpu.memory_space<vmem>>) target_semaphore(%arg12 : memref<!tpu.dma_semaphore, #tpu.memory_space<semaphore_mem>>)
    %scan3A_175 = arith.constant 0 : i32
    %scan3A_176 = arith.constant 64 : i32
    %scan3A_177 = arith.addi %scan3A_175, %scan3A_176 : i32
    %scan3A_178 = arith.constant 1 : i32
    %scan3A_179:10 = scf.for %scan3A_398 = %scan3A_175 to %scan3A_177 step %scan3A_178 iter_args(%scan3A_399 = %mul3A_16, %scan3A_400 = %broadcast_in_dim3A_9, %scan3A_401 = %broadcast_in_dim3A_9, %scan3A_402 = %broadcast_in_dim3A_3, %scan3A_403 = %broadcast_in_dim3A_3, %scan3A_404 = %broadcast_in_dim3A_9, %scan3A_405 = %broadcast_in_dim3A_3, %scan3A_406 = %broadcast_in_dim3A_3, %scan3A_407 = %broadcast_in_dim3A_3, %scan3A_408 = %broadcast_in_dim3A_13) -> (vector<16xi32>, vector<16xf32>, vector<16xf32>, vector<16xf32>, vector<16xf32>, vector<16xf32>, vector<16xf32>, vector<16xf32>, vector<16xf32>, vector<16xf32>)  : i32 {
      %gather3A_409 = tpu.vector_load_idx %arg6[%scan3A_399] : memref<8192xf32, #tpu.memory_space<vmem>>[vector<16xi32>], vector<16xf32>,
      %ge3A = arith.cmpf oge, %gather3A_409, %broadcast_in_dim3A_3 : vector<16xf32>
      %gt3A_410 = arith.cmpf ogt, %gather3A_409, %broadcast_in_dim3A_3 : vector<16xf32>
      %gt3A_411 = arith.cmpf ogt, %scan3A_400, %broadcast_in_dim3A_7 : vector<16xf32>
      %and3A_412 = arith.andi %ge3A, %gt3A_411 : vector<16xi1>
      %lt3A_413 = arith.cmpf olt, %scan3A_401, %scan3A_404 : vector<16xf32>
      %and3A_414 = arith.andi %and3A_412, %lt3A_413 : vector<16xi1>
      %select_n3A_415 = arith.select %and3A_414, %scan3A_401, %scan3A_404 : vector<16xi1>, vector<16xf32>
      %select_n3A_416 = arith.select %and3A_414, %scan3A_402, %scan3A_405 : vector<16xi1>, vector<16xf32>
      %select_n3A_417 = arith.select %and3A_414, %scan3A_403, %scan3A_406 : vector<16xi1>, vector<16xf32>
      %select_n3A_418 = arith.select %ge3A, %broadcast_in_dim3A_5, %broadcast_in_dim3A_3 : vector<16xi1>, vector<16xf32>
      %select_n3A_419 = arith.select %gt3A_410, %gather3A_409, %broadcast_in_dim3A_3 : vector<16xi1>, vector<16xf32>
      %select_n3A_420 = arith.select %gt3A_410, %broadcast_in_dim3A_5, %broadcast_in_dim3A_3 : vector<16xi1>, vector<16xf32>
      %add3A_421 = arith.addf %scan3A_401, %select_n3A_418 : vector<16xf32>
      %select_n3A_422 = arith.select %and3A_412, %broadcast_in_dim3A_5, %add3A_421 : vector<16xi1>, vector<16xf32>
      %add3A_423 = arith.addf %scan3A_402, %select_n3A_419 : vector<16xf32>
      %select_n3A_424 = arith.select %and3A_412, %select_n3A_419, %add3A_423 : vector<16xi1>, vector<16xf32>
      %add3A_425 = arith.addf %scan3A_403, %select_n3A_420 : vector<16xf32>
      %select_n3A_426 = arith.select %and3A_412, %select_n3A_420, %add3A_425 : vector<16xi1>, vector<16xf32>
      %select_n3A_427 = arith.select %and3A_412, %broadcast_in_dim3A_5, %broadcast_in_dim3A_3 : vector<16xi1>, vector<16xf32>
      %add3A_428 = arith.addf %scan3A_407, %select_n3A_427 : vector<16xf32>
      %max3A_429 = arith.maximumf %scan3A_408, %gather3A_409 : vector<16xf32>
      %add3A_430 = arith.addf %scan3A_400, %broadcast_in_dim3A_5 : vector<16xf32>
      %select_n3A_431 = arith.select %ge3A, %broadcast_in_dim3A_5, %add3A_430 : vector<16xi1>, vector<16xf32>
      %add3A_432 = arith.constant 1 : i32
      %add3A_433 = vector.broadcast %add3A_432 : i32 to vector<16xi32>
      %add3A_434 = arith.addi %scan3A_399, %add3A_433 : vector<16xi32>
      %gather3A_435 = tpu.vector_load_idx %arg6[%add3A_434] : memref<8192xf32, #tpu.memory_space<vmem>>[vector<16xi32>], vector<16xf32>,
      %ge3A_436 = arith.cmpf oge, %gather3A_435, %broadcast_in_dim3A_3 : vector<16xf32>
      %gt3A_437 = arith.cmpf ogt, %gather3A_435, %broadcast_in_dim3A_3 : vector<16xf32>
      %gt3A_438 = arith.cmpf ogt, %select_n3A_431, %broadcast_in_dim3A_7 : vector<16xf32>
      %and3A_439 = arith.andi %ge3A_436, %gt3A_438 : vector<16xi1>
      %lt3A_440 = arith.cmpf olt, %select_n3A_422, %select_n3A_415 : vector<16xf32>
      %and3A_441 = arith.andi %and3A_439, %lt3A_440 : vector<16xi1>
      %select_n3A_442 = arith.select %and3A_441, %select_n3A_422, %select_n3A_415 : vector<16xi1>, vector<16xf32>
      %select_n3A_443 = arith.select %and3A_441, %select_n3A_424, %select_n3A_416 : vector<16xi1>, vector<16xf32>
      %select_n3A_444 = arith.select %and3A_441, %select_n3A_426, %select_n3A_417 : vector<16xi1>, vector<16xf32>
      %select_n3A_445 = arith.select %ge3A_436, %broadcast_in_dim3A_5, %broadcast_in_dim3A_3 : vector<16xi1>, vector<16xf32>
      %select_n3A_446 = arith.select %gt3A_437, %gather3A_435, %broadcast_in_dim3A_3 : vector<16xi1>, vector<16xf32>
      %select_n3A_447 = arith.select %gt3A_437, %broadcast_in_dim3A_5, %broadcast_in_dim3A_3 : vector<16xi1>, vector<16xf32>
      %add3A_448 = arith.addf %select_n3A_422, %select_n3A_445 : vector<16xf32>
      %select_n3A_449 = arith.select %and3A_439, %broadcast_in_dim3A_5, %add3A_448 : vector<16xi1>, vector<16xf32>
      %add3A_450 = arith.addf %select_n3A_424, %select_n3A_446 : vector<16xf32>
      %select_n3A_451 = arith.select %and3A_439, %select_n3A_446, %add3A_450 : vector<16xi1>, vector<16xf32>
      %add3A_452 = arith.addf %select_n3A_426, %select_n3A_447 : vector<16xf32>
      %select_n3A_453 = arith.select %and3A_439, %select_n3A_447, %add3A_452 : vector<16xi1>, vector<16xf32>
      %select_n3A_454 = arith.select %and3A_439, %broadcast_in_dim3A_5, %broadcast_in_dim3A_3 : vector<16xi1>, vector<16xf32>
      %add3A_455 = arith.addf %add3A_428, %select_n3A_454 : vector<16xf32>
      %max3A_456 = arith.maximumf %max3A_429, %gather3A_435 : vector<16xf32>
      %add3A_457 = arith.addf %select_n3A_431, %broadcast_in_dim3A_5 : vector<16xf32>
      %select_n3A_458 = arith.select %ge3A_436, %broadcast_in_dim3A_5, %add3A_457 : vector<16xi1>, vector<16xf32>
      %add3A_459 = arith.constant 1 : i32
      %add3A_460 = vector.broadcast %add3A_459 : i32 to vector<16xi32>
      %add3A_461 = arith.addi %add3A_434, %add3A_460 : vector<16xi32>
      %gather3A_462 = tpu.vector_load_idx %arg6[%add3A_461] : memref<8192xf32, #tpu.memory_space<vmem>>[vector<16xi32>], vector<16xf32>,
      %ge3A_463 = arith.cmpf oge, %gather3A_462, %broadcast_in_dim3A_3 : vector<16xf32>
      %gt3A_464 = arith.cmpf ogt, %gather3A_462, %broadcast_in_dim3A_3 : vector<16xf32>
      %gt3A_465 = arith.cmpf ogt, %select_n3A_458, %broadcast_in_dim3A_7 : vector<16xf32>
      %and3A_466 = arith.andi %ge3A_463, %gt3A_465 : vector<16xi1>
      %lt3A_467 = arith.cmpf olt, %select_n3A_449, %select_n3A_442 : vector<16xf32>
      %and3A_468 = arith.andi %and3A_466, %lt3A_467 : vector<16xi1>
      %select_n3A_469 = arith.select %and3A_468, %select_n3A_449, %select_n3A_442 : vector<16xi1>, vector<16xf32>
      %select_n3A_470 = arith.select %and3A_468, %select_n3A_451, %select_n3A_443 : vector<16xi1>, vector<16xf32>
      %select_n3A_471 = arith.select %and3A_468, %select_n3A_453, %select_n3A_444 : vector<16xi1>, vector<16xf32>
      %select_n3A_472 = arith.select %ge3A_463, %broadcast_in_dim3A_5, %broadcast_in_dim3A_3 : vector<16xi1>, vector<16xf32>
      %select_n3A_473 = arith.select %gt3A_464, %gather3A_462, %broadcast_in_dim3A_3 : vector<16xi1>, vector<16xf32>
      %select_n3A_474 = arith.select %gt3A_464, %broadcast_in_dim3A_5, %broadcast_in_dim3A_3 : vector<16xi1>, vector<16xf32>
      %add3A_475 = arith.addf %select_n3A_449, %select_n3A_472 : vector<16xf32>
      %select_n3A_476 = arith.select %and3A_466, %broadcast_in_dim3A_5, %add3A_475 : vector<16xi1>, vector<16xf32>
      %add3A_477 = arith.addf %select_n3A_451, %select_n3A_473 : vector<16xf32>
      %select_n3A_478 = arith.select %and3A_466, %select_n3A_473, %add3A_477 : vector<16xi1>, vector<16xf32>
      %add3A_479 = arith.addf %select_n3A_453, %select_n3A_474 : vector<16xf32>
      %select_n3A_480 = arith.select %and3A_466, %select_n3A_474, %add3A_479 : vector<16xi1>, vector<16xf32>
      %select_n3A_481 = arith.select %and3A_466, %broadcast_in_dim3A_5, %broadcast_in_dim3A_3 : vector<16xi1>, vector<16xf32>
      %add3A_482 = arith.addf %add3A_455, %select_n3A_481 : vector<16xf32>
      %max3A_483 = arith.maximumf %max3A_456, %gather3A_462 : vector<16xf32>
      %add3A_484 = arith.addf %select_n3A_458, %broadcast_in_dim3A_5 : vector<16xf32>
      %select_n3A_485 = arith.select %ge3A_463, %broadcast_in_dim3A_5, %add3A_484 : vector<16xi1>, vector<16xf32>
      %add3A_486 = arith.constant 1 : i32
      %add3A_487 = vector.broadcast %add3A_486 : i32 to vector<16xi32>
      %add3A_488 = arith.addi %add3A_461, %add3A_487 : vector<16xi32>
      %gather3A_489 = tpu.vector_load_idx %arg6[%add3A_488] : memref<8192xf32, #tpu.memory_space<vmem>>[vector<16xi32>], vector<16xf32>,
      %ge3A_490 = arith.cmpf oge, %gather3A_489, %broadcast_in_dim3A_3 : vector<16xf32>
      %gt3A_491 = arith.cmpf ogt, %gather3A_489, %broadcast_in_dim3A_3 : vector<16xf32>
      %gt3A_492 = arith.cmpf ogt, %select_n3A_485, %broadcast_in_dim3A_7 : vector<16xf32>
      %and3A_493 = arith.andi %ge3A_490, %gt3A_492 : vector<16xi1>
      %lt3A_494 = arith.cmpf olt, %select_n3A_476, %select_n3A_469 : vector<16xf32>
      %and3A_495 = arith.andi %and3A_493, %lt3A_494 : vector<16xi1>
      %select_n3A_496 = arith.select %and3A_495, %select_n3A_476, %select_n3A_469 : vector<16xi1>, vector<16xf32>
      %select_n3A_497 = arith.select %and3A_495, %select_n3A_478, %select_n3A_470 : vector<16xi1>, vector<16xf32>
      %select_n3A_498 = arith.select %and3A_495, %select_n3A_480, %select_n3A_471 : vector<16xi1>, vector<16xf32>
      %select_n3A_499 = arith.select %ge3A_490, %broadcast_in_dim3A_5, %broadcast_in_dim3A_3 : vector<16xi1>, vector<16xf32>
      %select_n3A_500 = arith.select %gt3A_491, %gather3A_489, %broadcast_in_dim3A_3 : vector<16xi1>, vector<16xf32>
      %select_n3A_501 = arith.select %gt3A_491, %broadcast_in_dim3A_5, %broadcast_in_dim3A_3 : vector<16xi1>, vector<16xf32>
      %add3A_502 = arith.addf %select_n3A_476, %select_n3A_499 : vector<16xf32>
      %select_n3A_503 = arith.select %and3A_493, %broadcast_in_dim3A_5, %add3A_502 : vector<16xi1>, vector<16xf32>
      %add3A_504 = arith.addf %select_n3A_478, %select_n3A_500 : vector<16xf32>
      %select_n3A_505 = arith.select %and3A_493, %select_n3A_500, %add3A_504 : vector<16xi1>, vector<16xf32>
      %add3A_506 = arith.addf %select_n3A_480, %select_n3A_501 : vector<16xf32>
      %select_n3A_507 = arith.select %and3A_493, %select_n3A_501, %add3A_506 : vector<16xi1>, vector<16xf32>
      %select_n3A_508 = arith.select %and3A_493, %broadcast_in_dim3A_5, %broadcast_in_dim3A_3 : vector<16xi1>, vector<16xf32>
      %add3A_509 = arith.addf %add3A_482, %select_n3A_508 : vector<16xf32>
      %max3A_510 = arith.maximumf %max3A_483, %gather3A_489 : vector<16xf32>
      %add3A_511 = arith.addf %select_n3A_485, %broadcast_in_dim3A_5 : vector<16xf32>
      %select_n3A_512 = arith.select %ge3A_490, %broadcast_in_dim3A_5, %add3A_511 : vector<16xi1>, vector<16xf32>
      %add3A_513 = arith.constant 1 : i32
      %add3A_514 = vector.broadcast %add3A_513 : i32 to vector<16xi32>
      %add3A_515 = arith.addi %add3A_488, %add3A_514 : vector<16xi32>
      %gather3A_516 = tpu.vector_load_idx %arg6[%add3A_515] : memref<8192xf32, #tpu.memory_space<vmem>>[vector<16xi32>], vector<16xf32>,
      %ge3A_517 = arith.cmpf oge, %gather3A_516, %broadcast_in_dim3A_3 : vector<16xf32>
      %gt3A_518 = arith.cmpf ogt, %gather3A_516, %broadcast_in_dim3A_3 : vector<16xf32>
      %gt3A_519 = arith.cmpf ogt, %select_n3A_512, %broadcast_in_dim3A_7 : vector<16xf32>
      %and3A_520 = arith.andi %ge3A_517, %gt3A_519 : vector<16xi1>
      %lt3A_521 = arith.cmpf olt, %select_n3A_503, %select_n3A_496 : vector<16xf32>
      %and3A_522 = arith.andi %and3A_520, %lt3A_521 : vector<16xi1>
      %select_n3A_523 = arith.select %and3A_522, %select_n3A_503, %select_n3A_496 : vector<16xi1>, vector<16xf32>
      %select_n3A_524 = arith.select %and3A_522, %select_n3A_505, %select_n3A_497 : vector<16xi1>, vector<16xf32>
      %select_n3A_525 = arith.select %and3A_522, %select_n3A_507, %select_n3A_498 : vector<16xi1>, vector<16xf32>
      %select_n3A_526 = arith.select %ge3A_517, %broadcast_in_dim3A_5, %broadcast_in_dim3A_3 : vector<16xi1>, vector<16xf32>
      %select_n3A_527 = arith.select %gt3A_518, %gather3A_516, %broadcast_in_dim3A_3 : vector<16xi1>, vector<16xf32>
      %select_n3A_528 = arith.select %gt3A_518, %broadcast_in_dim3A_5, %broadcast_in_dim3A_3 : vector<16xi1>, vector<16xf32>
      %add3A_529 = arith.addf %select_n3A_503, %select_n3A_526 : vector<16xf32>
      %select_n3A_530 = arith.select %and3A_520, %broadcast_in_dim3A_5, %add3A_529 : vector<16xi1>, vector<16xf32>
      %add3A_531 = arith.addf %select_n3A_505, %select_n3A_527 : vector<16xf32>
      %select_n3A_532 = arith.select %and3A_520, %select_n3A_527, %add3A_531 : vector<16xi1>, vector<16xf32>
      %add3A_533 = arith.addf %select_n3A_507, %select_n3A_528 : vector<16xf32>
      %select_n3A_534 = arith.select %and3A_520, %select_n3A_528, %add3A_533 : vector<16xi1>, vector<16xf32>
      %select_n3A_535 = arith.select %and3A_520, %broadcast_in_dim3A_5, %broadcast_in_dim3A_3 : vector<16xi1>, vector<16xf32>
      %add3A_536 = arith.addf %add3A_509, %select_n3A_535 : vector<16xf32>
      %max3A_537 = arith.maximumf %max3A_510, %gather3A_516 : vector<16xf32>
      %add3A_538 = arith.addf %select_n3A_512, %broadcast_in_dim3A_5 : vector<16xf32>
      %select_n3A_539 = arith.select %ge3A_517, %broadcast_in_dim3A_5, %add3A_538 : vector<16xi1>, vector<16xf32>
      %add3A_540 = arith.constant 1 : i32
      %add3A_541 = vector.broadcast %add3A_540 : i32 to vector<16xi32>
      %add3A_542 = arith.addi %add3A_515, %add3A_541 : vector<16xi32>
      %gather3A_543 = tpu.vector_load_idx %arg6[%add3A_542] : memref<8192xf32, #tpu.memory_space<vmem>>[vector<16xi32>], vector<16xf32>,
      %ge3A_544 = arith.cmpf oge, %gather3A_543, %broadcast_in_dim3A_3 : vector<16xf32>
      %gt3A_545 = arith.cmpf ogt, %gather3A_543, %broadcast_in_dim3A_3 : vector<16xf32>
      %gt3A_546 = arith.cmpf ogt, %select_n3A_539, %broadcast_in_dim3A_7 : vector<16xf32>
      %and3A_547 = arith.andi %ge3A_544, %gt3A_546 : vector<16xi1>
      %lt3A_548 = arith.cmpf olt, %select_n3A_530, %select_n3A_523 : vector<16xf32>
      %and3A_549 = arith.andi %and3A_547, %lt3A_548 : vector<16xi1>
      %select_n3A_550 = arith.select %and3A_549, %select_n3A_530, %select_n3A_523 : vector<16xi1>, vector<16xf32>
      %select_n3A_551 = arith.select %and3A_549, %select_n3A_532, %select_n3A_524 : vector<16xi1>, vector<16xf32>
      %select_n3A_552 = arith.select %and3A_549, %select_n3A_534, %select_n3A_525 : vector<16xi1>, vector<16xf32>
      %select_n3A_553 = arith.select %ge3A_544, %broadcast_in_dim3A_5, %broadcast_in_dim3A_3 : vector<16xi1>, vector<16xf32>
      %select_n3A_554 = arith.select %gt3A_545, %gather3A_543, %broadcast_in_dim3A_3 : vector<16xi1>, vector<16xf32>
      %select_n3A_555 = arith.select %gt3A_545, %broadcast_in_dim3A_5, %broadcast_in_dim3A_3 : vector<16xi1>, vector<16xf32>
      %add3A_556 = arith.addf %select_n3A_530, %select_n3A_553 : vector<16xf32>
      %select_n3A_557 = arith.select %and3A_547, %broadcast_in_dim3A_5, %add3A_556 : vector<16xi1>, vector<16xf32>
      %add3A_558 = arith.addf %select_n3A_532, %select_n3A_554 : vector<16xf32>
      %select_n3A_559 = arith.select %and3A_547, %select_n3A_554, %add3A_558 : vector<16xi1>, vector<16xf32>
      %add3A_560 = arith.addf %select_n3A_534, %select_n3A_555 : vector<16xf32>
      %select_n3A_561 = arith.select %and3A_547, %select_n3A_555, %add3A_560 : vector<16xi1>, vector<16xf32>
      %select_n3A_562 = arith.select %and3A_547, %broadcast_in_dim3A_5, %broadcast_in_dim3A_3 : vector<16xi1>, vector<16xf32>
      %add3A_563 = arith.addf %add3A_536, %select_n3A_562 : vector<16xf32>
      %max3A_564 = arith.maximumf %max3A_537, %gather3A_543 : vector<16xf32>
      %add3A_565 = arith.addf %select_n3A_539, %broadcast_in_dim3A_5 : vector<16xf32>
      %select_n3A_566 = arith.select %ge3A_544, %broadcast_in_dim3A_5, %add3A_565 : vector<16xi1>, vector<16xf32>
      %add3A_567 = arith.constant 1 : i32
      %add3A_568 = vector.broadcast %add3A_567 : i32 to vector<16xi32>
      %add3A_569 = arith.addi %add3A_542, %add3A_568 : vector<16xi32>
      %gather3A_570 = tpu.vector_load_idx %arg6[%add3A_569] : memref<8192xf32, #tpu.memory_space<vmem>>[vector<16xi32>], vector<16xf32>,
      %ge3A_571 = arith.cmpf oge, %gather3A_570, %broadcast_in_dim3A_3 : vector<16xf32>
      %gt3A_572 = arith.cmpf ogt, %gather3A_570, %broadcast_in_dim3A_3 : vector<16xf32>
      %gt3A_573 = arith.cmpf ogt, %select_n3A_566, %broadcast_in_dim3A_7 : vector<16xf32>
      %and3A_574 = arith.andi %ge3A_571, %gt3A_573 : vector<16xi1>
      %lt3A_575 = arith.cmpf olt, %select_n3A_557, %select_n3A_550 : vector<16xf32>
      %and3A_576 = arith.andi %and3A_574, %lt3A_575 : vector<16xi1>
      %select_n3A_577 = arith.select %and3A_576, %select_n3A_557, %select_n3A_550 : vector<16xi1>, vector<16xf32>
      %select_n3A_578 = arith.select %and3A_576, %select_n3A_559, %select_n3A_551 : vector<16xi1>, vector<16xf32>
      %select_n3A_579 = arith.select %and3A_576, %select_n3A_561, %select_n3A_552 : vector<16xi1>, vector<16xf32>
      %select_n3A_580 = arith.select %ge3A_571, %broadcast_in_dim3A_5, %broadcast_in_dim3A_3 : vector<16xi1>, vector<16xf32>
      %select_n3A_581 = arith.select %gt3A_572, %gather3A_570, %broadcast_in_dim3A_3 : vector<16xi1>, vector<16xf32>
      %select_n3A_582 = arith.select %gt3A_572, %broadcast_in_dim3A_5, %broadcast_in_dim3A_3 : vector<16xi1>, vector<16xf32>
      %add3A_583 = arith.addf %select_n3A_557, %select_n3A_580 : vector<16xf32>
      %select_n3A_584 = arith.select %and3A_574, %broadcast_in_dim3A_5, %add3A_583 : vector<16xi1>, vector<16xf32>
      %add3A_585 = arith.addf %select_n3A_559, %select_n3A_581 : vector<16xf32>
      %select_n3A_586 = arith.select %and3A_574, %select_n3A_581, %add3A_585 : vector<16xi1>, vector<16xf32>
      %add3A_587 = arith.addf %select_n3A_561, %select_n3A_582 : vector<16xf32>
      %select_n3A_588 = arith.select %and3A_574, %select_n3A_582, %add3A_587 : vector<16xi1>, vector<16xf32>
      %select_n3A_589 = arith.select %and3A_574, %broadcast_in_dim3A_5, %broadcast_in_dim3A_3 : vector<16xi1>, vector<16xf32>
      %add3A_590 = arith.addf %add3A_563, %select_n3A_589 : vector<16xf32>
      %max3A_591 = arith.maximumf %max3A_564, %gather3A_570 : vector<16xf32>
      %add3A_592 = arith.addf %select_n3A_566, %broadcast_in_dim3A_5 : vector<16xf32>
      %select_n3A_593 = arith.select %ge3A_571, %broadcast_in_dim3A_5, %add3A_592 : vector<16xi1>, vector<16xf32>
      %add3A_594 = arith.constant 1 : i32
      %add3A_595 = vector.broadcast %add3A_594 : i32 to vector<16xi32>
      %add3A_596 = arith.addi %add3A_569, %add3A_595 : vector<16xi32>
      %gather3A_597 = tpu.vector_load_idx %arg6[%add3A_596] : memref<8192xf32, #tpu.memory_space<vmem>>[vector<16xi32>], vector<16xf32>,
      %ge3A_598 = arith.cmpf oge, %gather3A_597, %broadcast_in_dim3A_3 : vector<16xf32>
      %gt3A_599 = arith.cmpf ogt, %gather3A_597, %broadcast_in_dim3A_3 : vector<16xf32>
      %gt3A_600 = arith.cmpf ogt, %select_n3A_593, %broadcast_in_dim3A_7 : vector<16xf32>
      %and3A_601 = arith.andi %ge3A_598, %gt3A_600 : vector<16xi1>
      %lt3A_602 = arith.cmpf olt, %select_n3A_584, %select_n3A_577 : vector<16xf32>
      %and3A_603 = arith.andi %and3A_601, %lt3A_602 : vector<16xi1>
      %select_n3A_604 = arith.select %and3A_603, %select_n3A_584, %select_n3A_577 : vector<16xi1>, vector<16xf32>
      %select_n3A_605 = arith.select %and3A_603, %select_n3A_586, %select_n3A_578 : vector<16xi1>, vector<16xf32>
      %select_n3A_606 = arith.select %and3A_603, %select_n3A_588, %select_n3A_579 : vector<16xi1>, vector<16xf32>
      %select_n3A_607 = arith.select %ge3A_598, %broadcast_in_dim3A_5, %broadcast_in_dim3A_3 : vector<16xi1>, vector<16xf32>
      %select_n3A_608 = arith.select %gt3A_599, %gather3A_597, %broadcast_in_dim3A_3 : vector<16xi1>, vector<16xf32>
      %select_n3A_609 = arith.select %gt3A_599, %broadcast_in_dim3A_5, %broadcast_in_dim3A_3 : vector<16xi1>, vector<16xf32>
      %add3A_610 = arith.addf %select_n3A_584, %select_n3A_607 : vector<16xf32>
      %select_n3A_611 = arith.select %and3A_601, %broadcast_in_dim3A_5, %add3A_610 : vector<16xi1>, vector<16xf32>
      %add3A_612 = arith.addf %select_n3A_586, %select_n3A_608 : vector<16xf32>
      %select_n3A_613 = arith.select %and3A_601, %select_n3A_608, %add3A_612 : vector<16xi1>, vector<16xf32>
      %add3A_614 = arith.addf %select_n3A_588, %select_n3A_609 : vector<16xf32>
      %select_n3A_615 = arith.select %and3A_601, %select_n3A_609, %add3A_614 : vector<16xi1>, vector<16xf32>
      %select_n3A_616 = arith.select %and3A_601, %broadcast_in_dim3A_5, %broadcast_in_dim3A_3 : vector<16xi1>, vector<16xf32>
      %add3A_617 = arith.addf %add3A_590, %select_n3A_616 : vector<16xf32>
      %max3A_618 = arith.maximumf %max3A_591, %gather3A_597 : vector<16xf32>
      %add3A_619 = arith.addf %select_n3A_593, %broadcast_in_dim3A_5 : vector<16xf32>
      %select_n3A_620 = arith.select %ge3A_598, %broadcast_in_dim3A_5, %add3A_619 : vector<16xi1>, vector<16xf32>
      %add3A_621 = arith.constant 1 : i32
      %add3A_622 = vector.broadcast %add3A_621 : i32 to vector<16xi32>
      %add3A_623 = arith.addi %add3A_596, %add3A_622 : vector<16xi32>
      scf.yield %add3A_623, %select_n3A_620, %select_n3A_611, %select_n3A_613, %select_n3A_615, %select_n3A_604, %select_n3A_605, %select_n3A_606, %add3A_617, %max3A_618 : vector<16xi32>, vector<16xf32>, vector<16xf32>, vector<16xf32>, vector<16xf32>, vector<16xf32>, vector<16xf32>, vector<16xf32>, vector<16xf32>, vector<16xf32>
    }
    %scan3A_180 = arith.constant 64 : i32
    %add3A_181 = arith.constant 64 : i32
    %add3A_182 = vector.broadcast %add3A_181 : i32 to vector<16xi32>
    %add3A_183 = arith.addi %iota3A, %add3A_182 : vector<16xi32>
    %lt3A_184 = arith.cmpf olt, %scan3A_179#2, %scan3A_179#5 : vector<16xf32>
    %select_n3A_185 = arith.select %lt3A_184, %scan3A_179#3, %scan3A_179#6 : vector<16xi1>, vector<16xf32>
    %select_n3A_186 = arith.select %lt3A_184, %scan3A_179#4, %scan3A_179#7 : vector<16xi1>, vector<16xf32>
    %gather3A_187 = tpu.vector_load_idx %arg8[%add3A_183] : memref<160xf32, #tpu.memory_space<vmem>>[vector<16xi32>], vector<16xf32>,
    %gt3A_188 = arith.cmpf ogt, %gather3A_187, %broadcast_in_dim3A_11 : vector<16xf32>
    %gt3A_189 = arith.cmpf ogt, %scan3A_179#8, %broadcast_in_dim3A_11 : vector<16xf32>
    %gt3A_190 = arith.cmpf ogt, %select_n3A_186, %broadcast_in_dim3A_3 : vector<16xf32>
    %max3A_191 = arith.maximumf %select_n3A_186, %broadcast_in_dim3A_5 : vector<16xf32>
    %div3A_192 = arith.divf %select_n3A_185, %max3A_191 : vector<16xf32>
    %select_n3A_193 = arith.select %gt3A_190, %div3A_192, %broadcast_in_dim3A_3 : vector<16xi1>, vector<16xf32>
    %not3A_194 = arith.constant dense<true> : vector<16xi1>
    %not3A_195 = arith.xori %gt3A_189, %not3A_194 : vector<16xi1>
    %and3A_196 = arith.andi %gt3A_188, %not3A_195 : vector<16xi1>
    %neg3A_197 = arith.constant 0.000000e+00 : f32
    %neg3A_198 = vector.broadcast %neg3A_197 : f32 to vector<16xf32>
    %neg3A_199 = arith.subf %neg3A_198, %scan3A_179#9 : vector<16xf32>
    %not3A_200 = arith.constant dense<true> : vector<16xi1>
    %not3A_201 = arith.xori %gt3A_188, %not3A_200 : vector<16xi1>
    %and3A_202 = arith.andi %not3A_201, %gt3A_189 : vector<16xi1>
    %select_n3A_203 = arith.select %and3A_202, %select_n3A_193, %broadcast_in_dim3A_3 : vector<16xi1>, vector<16xf32>
    %select_n3A_204 = arith.select %and3A_196, %neg3A_199, %select_n3A_203 : vector<16xi1>, vector<16xf32>
    tpu.vector_store_idx %arg9[%add3A_183], %scan3A_179#8 : memref<160xf32, #tpu.memory_space<vmem>>[vector<16xi32>], vector<16xf32>,
    %add3A_205 = arith.addf %add3A_166, %select_n3A_204 : vector<16xf32>
    %dma_wait3A_206 = tpu.memref_slice %arg2[%mul3A_172] : memref<2621440xf32, #tpu.memory_space<hbm>> -> memref<8192xf32, #tpu.memory_space<hbm>>
    %dma_wait3A_207 = tpu.memref_slice %arg2[%mul3A_172] : memref<2621440xf32, #tpu.memory_space<hbm>> -> memref<8192xf32, #tpu.memory_space<hbm>>
    tpu.wait_dma2 semaphore(%arg12 : memref<!tpu.dma_semaphore, #tpu.memory_space<semaphore_mem>>) src(%dma_wait3A_207 : memref<8192xf32, #tpu.memory_space<hbm>>) dst(%arg7 : memref<8192xf32, #tpu.memory_space<vmem>>)
    %add3A_208 = arith.constant 96 : i32
    %add3A_209 = arith.addi %mul3A_2, %add3A_208 : i32
    %mul3A_210 = arith.constant 512 : i32
    %mul3A_211 = arith.muli %add3A_209, %mul3A_210 : i32
    %dma_start3A_212 = tpu.memref_slice %arg2[%mul3A_211] : memref<2621440xf32, #tpu.memory_space<hbm>> -> memref<8192xf32, #tpu.memory_space<hbm>>
    %dma_start3A_213 = tpu.memref_slice %arg2[%mul3A_211] : memref<2621440xf32, #tpu.memory_space<hbm>> -> memref<8192xf32, #tpu.memory_space<hbm>>
    tpu.enqueue_dma source(%dma_start3A_213 : memref<8192xf32, #tpu.memory_space<hbm>>) target(%arg6 : memref<8192xf32, #tpu.memory_space<vmem>>) target_semaphore(%arg11 : memref<!tpu.dma_semaphore, #tpu.memory_space<semaphore_mem>>)
    %scan3A_214 = arith.constant 0 : i32
    %scan3A_215 = arith.constant 64 : i32
    %scan3A_216 = arith.addi %scan3A_214, %scan3A_215 : i32
    %scan3A_217 = arith.constant 1 : i32
    %scan3A_218:10 = scf.for %scan3A_398 = %scan3A_214 to %scan3A_216 step %scan3A_217 iter_args(%scan3A_399 = %mul3A_16, %scan3A_400 = %broadcast_in_dim3A_9, %scan3A_401 = %broadcast_in_dim3A_9, %scan3A_402 = %broadcast_in_dim3A_3, %scan3A_403 = %broadcast_in_dim3A_3, %scan3A_404 = %broadcast_in_dim3A_9, %scan3A_405 = %broadcast_in_dim3A_3, %scan3A_406 = %broadcast_in_dim3A_3, %scan3A_407 = %broadcast_in_dim3A_3, %scan3A_408 = %broadcast_in_dim3A_13) -> (vector<16xi32>, vector<16xf32>, vector<16xf32>, vector<16xf32>, vector<16xf32>, vector<16xf32>, vector<16xf32>, vector<16xf32>, vector<16xf32>, vector<16xf32>)  : i32 {
      %gather3A_409 = tpu.vector_load_idx %arg7[%scan3A_399] : memref<8192xf32, #tpu.memory_space<vmem>>[vector<16xi32>], vector<16xf32>,
      %ge3A = arith.cmpf oge, %gather3A_409, %broadcast_in_dim3A_3 : vector<16xf32>
      %gt3A_410 = arith.cmpf ogt, %gather3A_409, %broadcast_in_dim3A_3 : vector<16xf32>
      %gt3A_411 = arith.cmpf ogt, %scan3A_400, %broadcast_in_dim3A_7 : vector<16xf32>
      %and3A_412 = arith.andi %ge3A, %gt3A_411 : vector<16xi1>
      %lt3A_413 = arith.cmpf olt, %scan3A_401, %scan3A_404 : vector<16xf32>
      %and3A_414 = arith.andi %and3A_412, %lt3A_413 : vector<16xi1>
      %select_n3A_415 = arith.select %and3A_414, %scan3A_401, %scan3A_404 : vector<16xi1>, vector<16xf32>
      %select_n3A_416 = arith.select %and3A_414, %scan3A_402, %scan3A_405 : vector<16xi1>, vector<16xf32>
      %select_n3A_417 = arith.select %and3A_414, %scan3A_403, %scan3A_406 : vector<16xi1>, vector<16xf32>
      %select_n3A_418 = arith.select %ge3A, %broadcast_in_dim3A_5, %broadcast_in_dim3A_3 : vector<16xi1>, vector<16xf32>
      %select_n3A_419 = arith.select %gt3A_410, %gather3A_409, %broadcast_in_dim3A_3 : vector<16xi1>, vector<16xf32>
      %select_n3A_420 = arith.select %gt3A_410, %broadcast_in_dim3A_5, %broadcast_in_dim3A_3 : vector<16xi1>, vector<16xf32>
      %add3A_421 = arith.addf %scan3A_401, %select_n3A_418 : vector<16xf32>
      %select_n3A_422 = arith.select %and3A_412, %broadcast_in_dim3A_5, %add3A_421 : vector<16xi1>, vector<16xf32>
      %add3A_423 = arith.addf %scan3A_402, %select_n3A_419 : vector<16xf32>
      %select_n3A_424 = arith.select %and3A_412, %select_n3A_419, %add3A_423 : vector<16xi1>, vector<16xf32>
      %add3A_425 = arith.addf %scan3A_403, %select_n3A_420 : vector<16xf32>
      %select_n3A_426 = arith.select %and3A_412, %select_n3A_420, %add3A_425 : vector<16xi1>, vector<16xf32>
      %select_n3A_427 = arith.select %and3A_412, %broadcast_in_dim3A_5, %broadcast_in_dim3A_3 : vector<16xi1>, vector<16xf32>
      %add3A_428 = arith.addf %scan3A_407, %select_n3A_427 : vector<16xf32>
      %max3A_429 = arith.maximumf %scan3A_408, %gather3A_409 : vector<16xf32>
      %add3A_430 = arith.addf %scan3A_400, %broadcast_in_dim3A_5 : vector<16xf32>
      %select_n3A_431 = arith.select %ge3A, %broadcast_in_dim3A_5, %add3A_430 : vector<16xi1>, vector<16xf32>
      %add3A_432 = arith.constant 1 : i32
      %add3A_433 = vector.broadcast %add3A_432 : i32 to vector<16xi32>
      %add3A_434 = arith.addi %scan3A_399, %add3A_433 : vector<16xi32>
      %gather3A_435 = tpu.vector_load_idx %arg7[%add3A_434] : memref<8192xf32, #tpu.memory_space<vmem>>[vector<16xi32>], vector<16xf32>,
      %ge3A_436 = arith.cmpf oge, %gather3A_435, %broadcast_in_dim3A_3 : vector<16xf32>
      %gt3A_437 = arith.cmpf ogt, %gather3A_435, %broadcast_in_dim3A_3 : vector<16xf32>
      %gt3A_438 = arith.cmpf ogt, %select_n3A_431, %broadcast_in_dim3A_7 : vector<16xf32>
      %and3A_439 = arith.andi %ge3A_436, %gt3A_438 : vector<16xi1>
      %lt3A_440 = arith.cmpf olt, %select_n3A_422, %select_n3A_415 : vector<16xf32>
      %and3A_441 = arith.andi %and3A_439, %lt3A_440 : vector<16xi1>
      %select_n3A_442 = arith.select %and3A_441, %select_n3A_422, %select_n3A_415 : vector<16xi1>, vector<16xf32>
      %select_n3A_443 = arith.select %and3A_441, %select_n3A_424, %select_n3A_416 : vector<16xi1>, vector<16xf32>
      %select_n3A_444 = arith.select %and3A_441, %select_n3A_426, %select_n3A_417 : vector<16xi1>, vector<16xf32>
      %select_n3A_445 = arith.select %ge3A_436, %broadcast_in_dim3A_5, %broadcast_in_dim3A_3 : vector<16xi1>, vector<16xf32>
      %select_n3A_446 = arith.select %gt3A_437, %gather3A_435, %broadcast_in_dim3A_3 : vector<16xi1>, vector<16xf32>
      %select_n3A_447 = arith.select %gt3A_437, %broadcast_in_dim3A_5, %broadcast_in_dim3A_3 : vector<16xi1>, vector<16xf32>
      %add3A_448 = arith.addf %select_n3A_422, %select_n3A_445 : vector<16xf32>
      %select_n3A_449 = arith.select %and3A_439, %broadcast_in_dim3A_5, %add3A_448 : vector<16xi1>, vector<16xf32>
      %add3A_450 = arith.addf %select_n3A_424, %select_n3A_446 : vector<16xf32>
      %select_n3A_451 = arith.select %and3A_439, %select_n3A_446, %add3A_450 : vector<16xi1>, vector<16xf32>
      %add3A_452 = arith.addf %select_n3A_426, %select_n3A_447 : vector<16xf32>
      %select_n3A_453 = arith.select %and3A_439, %select_n3A_447, %add3A_452 : vector<16xi1>, vector<16xf32>
      %select_n3A_454 = arith.select %and3A_439, %broadcast_in_dim3A_5, %broadcast_in_dim3A_3 : vector<16xi1>, vector<16xf32>
      %add3A_455 = arith.addf %add3A_428, %select_n3A_454 : vector<16xf32>
      %max3A_456 = arith.maximumf %max3A_429, %gather3A_435 : vector<16xf32>
      %add3A_457 = arith.addf %select_n3A_431, %broadcast_in_dim3A_5 : vector<16xf32>
      %select_n3A_458 = arith.select %ge3A_436, %broadcast_in_dim3A_5, %add3A_457 : vector<16xi1>, vector<16xf32>
      %add3A_459 = arith.constant 1 : i32
      %add3A_460 = vector.broadcast %add3A_459 : i32 to vector<16xi32>
      %add3A_461 = arith.addi %add3A_434, %add3A_460 : vector<16xi32>
      %gather3A_462 = tpu.vector_load_idx %arg7[%add3A_461] : memref<8192xf32, #tpu.memory_space<vmem>>[vector<16xi32>], vector<16xf32>,
      %ge3A_463 = arith.cmpf oge, %gather3A_462, %broadcast_in_dim3A_3 : vector<16xf32>
      %gt3A_464 = arith.cmpf ogt, %gather3A_462, %broadcast_in_dim3A_3 : vector<16xf32>
      %gt3A_465 = arith.cmpf ogt, %select_n3A_458, %broadcast_in_dim3A_7 : vector<16xf32>
      %and3A_466 = arith.andi %ge3A_463, %gt3A_465 : vector<16xi1>
      %lt3A_467 = arith.cmpf olt, %select_n3A_449, %select_n3A_442 : vector<16xf32>
      %and3A_468 = arith.andi %and3A_466, %lt3A_467 : vector<16xi1>
      %select_n3A_469 = arith.select %and3A_468, %select_n3A_449, %select_n3A_442 : vector<16xi1>, vector<16xf32>
      %select_n3A_470 = arith.select %and3A_468, %select_n3A_451, %select_n3A_443 : vector<16xi1>, vector<16xf32>
      %select_n3A_471 = arith.select %and3A_468, %select_n3A_453, %select_n3A_444 : vector<16xi1>, vector<16xf32>
      %select_n3A_472 = arith.select %ge3A_463, %broadcast_in_dim3A_5, %broadcast_in_dim3A_3 : vector<16xi1>, vector<16xf32>
      %select_n3A_473 = arith.select %gt3A_464, %gather3A_462, %broadcast_in_dim3A_3 : vector<16xi1>, vector<16xf32>
      %select_n3A_474 = arith.select %gt3A_464, %broadcast_in_dim3A_5, %broadcast_in_dim3A_3 : vector<16xi1>, vector<16xf32>
      %add3A_475 = arith.addf %select_n3A_449, %select_n3A_472 : vector<16xf32>
      %select_n3A_476 = arith.select %and3A_466, %broadcast_in_dim3A_5, %add3A_475 : vector<16xi1>, vector<16xf32>
      %add3A_477 = arith.addf %select_n3A_451, %select_n3A_473 : vector<16xf32>
      %select_n3A_478 = arith.select %and3A_466, %select_n3A_473, %add3A_477 : vector<16xi1>, vector<16xf32>
      %add3A_479 = arith.addf %select_n3A_453, %select_n3A_474 : vector<16xf32>
      %select_n3A_480 = arith.select %and3A_466, %select_n3A_474, %add3A_479 : vector<16xi1>, vector<16xf32>
      %select_n3A_481 = arith.select %and3A_466, %broadcast_in_dim3A_5, %broadcast_in_dim3A_3 : vector<16xi1>, vector<16xf32>
      %add3A_482 = arith.addf %add3A_455, %select_n3A_481 : vector<16xf32>
      %max3A_483 = arith.maximumf %max3A_456, %gather3A_462 : vector<16xf32>
      %add3A_484 = arith.addf %select_n3A_458, %broadcast_in_dim3A_5 : vector<16xf32>
      %select_n3A_485 = arith.select %ge3A_463, %broadcast_in_dim3A_5, %add3A_484 : vector<16xi1>, vector<16xf32>
      %add3A_486 = arith.constant 1 : i32
      %add3A_487 = vector.broadcast %add3A_486 : i32 to vector<16xi32>
      %add3A_488 = arith.addi %add3A_461, %add3A_487 : vector<16xi32>
      %gather3A_489 = tpu.vector_load_idx %arg7[%add3A_488] : memref<8192xf32, #tpu.memory_space<vmem>>[vector<16xi32>], vector<16xf32>,
      %ge3A_490 = arith.cmpf oge, %gather3A_489, %broadcast_in_dim3A_3 : vector<16xf32>
      %gt3A_491 = arith.cmpf ogt, %gather3A_489, %broadcast_in_dim3A_3 : vector<16xf32>
      %gt3A_492 = arith.cmpf ogt, %select_n3A_485, %broadcast_in_dim3A_7 : vector<16xf32>
      %and3A_493 = arith.andi %ge3A_490, %gt3A_492 : vector<16xi1>
      %lt3A_494 = arith.cmpf olt, %select_n3A_476, %select_n3A_469 : vector<16xf32>
      %and3A_495 = arith.andi %and3A_493, %lt3A_494 : vector<16xi1>
      %select_n3A_496 = arith.select %and3A_495, %select_n3A_476, %select_n3A_469 : vector<16xi1>, vector<16xf32>
      %select_n3A_497 = arith.select %and3A_495, %select_n3A_478, %select_n3A_470 : vector<16xi1>, vector<16xf32>
      %select_n3A_498 = arith.select %and3A_495, %select_n3A_480, %select_n3A_471 : vector<16xi1>, vector<16xf32>
      %select_n3A_499 = arith.select %ge3A_490, %broadcast_in_dim3A_5, %broadcast_in_dim3A_3 : vector<16xi1>, vector<16xf32>
      %select_n3A_500 = arith.select %gt3A_491, %gather3A_489, %broadcast_in_dim3A_3 : vector<16xi1>, vector<16xf32>
      %select_n3A_501 = arith.select %gt3A_491, %broadcast_in_dim3A_5, %broadcast_in_dim3A_3 : vector<16xi1>, vector<16xf32>
      %add3A_502 = arith.addf %select_n3A_476, %select_n3A_499 : vector<16xf32>
      %select_n3A_503 = arith.select %and3A_493, %broadcast_in_dim3A_5, %add3A_502 : vector<16xi1>, vector<16xf32>
      %add3A_504 = arith.addf %select_n3A_478, %select_n3A_500 : vector<16xf32>
      %select_n3A_505 = arith.select %and3A_493, %select_n3A_500, %add3A_504 : vector<16xi1>, vector<16xf32>
      %add3A_506 = arith.addf %select_n3A_480, %select_n3A_501 : vector<16xf32>
      %select_n3A_507 = arith.select %and3A_493, %select_n3A_501, %add3A_506 : vector<16xi1>, vector<16xf32>
      %select_n3A_508 = arith.select %and3A_493, %broadcast_in_dim3A_5, %broadcast_in_dim3A_3 : vector<16xi1>, vector<16xf32>
      %add3A_509 = arith.addf %add3A_482, %select_n3A_508 : vector<16xf32>
      %max3A_510 = arith.maximumf %max3A_483, %gather3A_489 : vector<16xf32>
      %add3A_511 = arith.addf %select_n3A_485, %broadcast_in_dim3A_5 : vector<16xf32>
      %select_n3A_512 = arith.select %ge3A_490, %broadcast_in_dim3A_5, %add3A_511 : vector<16xi1>, vector<16xf32>
      %add3A_513 = arith.constant 1 : i32
      %add3A_514 = vector.broadcast %add3A_513 : i32 to vector<16xi32>
      %add3A_515 = arith.addi %add3A_488, %add3A_514 : vector<16xi32>
      %gather3A_516 = tpu.vector_load_idx %arg7[%add3A_515] : memref<8192xf32, #tpu.memory_space<vmem>>[vector<16xi32>], vector<16xf32>,
      %ge3A_517 = arith.cmpf oge, %gather3A_516, %broadcast_in_dim3A_3 : vector<16xf32>
      %gt3A_518 = arith.cmpf ogt, %gather3A_516, %broadcast_in_dim3A_3 : vector<16xf32>
      %gt3A_519 = arith.cmpf ogt, %select_n3A_512, %broadcast_in_dim3A_7 : vector<16xf32>
      %and3A_520 = arith.andi %ge3A_517, %gt3A_519 : vector<16xi1>
      %lt3A_521 = arith.cmpf olt, %select_n3A_503, %select_n3A_496 : vector<16xf32>
      %and3A_522 = arith.andi %and3A_520, %lt3A_521 : vector<16xi1>
      %select_n3A_523 = arith.select %and3A_522, %select_n3A_503, %select_n3A_496 : vector<16xi1>, vector<16xf32>
      %select_n3A_524 = arith.select %and3A_522, %select_n3A_505, %select_n3A_497 : vector<16xi1>, vector<16xf32>
      %select_n3A_525 = arith.select %and3A_522, %select_n3A_507, %select_n3A_498 : vector<16xi1>, vector<16xf32>
      %select_n3A_526 = arith.select %ge3A_517, %broadcast_in_dim3A_5, %broadcast_in_dim3A_3 : vector<16xi1>, vector<16xf32>
      %select_n3A_527 = arith.select %gt3A_518, %gather3A_516, %broadcast_in_dim3A_3 : vector<16xi1>, vector<16xf32>
      %select_n3A_528 = arith.select %gt3A_518, %broadcast_in_dim3A_5, %broadcast_in_dim3A_3 : vector<16xi1>, vector<16xf32>
      %add3A_529 = arith.addf %select_n3A_503, %select_n3A_526 : vector<16xf32>
      %select_n3A_530 = arith.select %and3A_520, %broadcast_in_dim3A_5, %add3A_529 : vector<16xi1>, vector<16xf32>
      %add3A_531 = arith.addf %select_n3A_505, %select_n3A_527 : vector<16xf32>
      %select_n3A_532 = arith.select %and3A_520, %select_n3A_527, %add3A_531 : vector<16xi1>, vector<16xf32>
      %add3A_533 = arith.addf %select_n3A_507, %select_n3A_528 : vector<16xf32>
      %select_n3A_534 = arith.select %and3A_520, %select_n3A_528, %add3A_533 : vector<16xi1>, vector<16xf32>
      %select_n3A_535 = arith.select %and3A_520, %broadcast_in_dim3A_5, %broadcast_in_dim3A_3 : vector<16xi1>, vector<16xf32>
      %add3A_536 = arith.addf %add3A_509, %select_n3A_535 : vector<16xf32>
      %max3A_537 = arith.maximumf %max3A_510, %gather3A_516 : vector<16xf32>
      %add3A_538 = arith.addf %select_n3A_512, %broadcast_in_dim3A_5 : vector<16xf32>
      %select_n3A_539 = arith.select %ge3A_517, %broadcast_in_dim3A_5, %add3A_538 : vector<16xi1>, vector<16xf32>
      %add3A_540 = arith.constant 1 : i32
      %add3A_541 = vector.broadcast %add3A_540 : i32 to vector<16xi32>
      %add3A_542 = arith.addi %add3A_515, %add3A_541 : vector<16xi32>
      %gather3A_543 = tpu.vector_load_idx %arg7[%add3A_542] : memref<8192xf32, #tpu.memory_space<vmem>>[vector<16xi32>], vector<16xf32>,
      %ge3A_544 = arith.cmpf oge, %gather3A_543, %broadcast_in_dim3A_3 : vector<16xf32>
      %gt3A_545 = arith.cmpf ogt, %gather3A_543, %broadcast_in_dim3A_3 : vector<16xf32>
      %gt3A_546 = arith.cmpf ogt, %select_n3A_539, %broadcast_in_dim3A_7 : vector<16xf32>
      %and3A_547 = arith.andi %ge3A_544, %gt3A_546 : vector<16xi1>
      %lt3A_548 = arith.cmpf olt, %select_n3A_530, %select_n3A_523 : vector<16xf32>
      %and3A_549 = arith.andi %and3A_547, %lt3A_548 : vector<16xi1>
      %select_n3A_550 = arith.select %and3A_549, %select_n3A_530, %select_n3A_523 : vector<16xi1>, vector<16xf32>
      %select_n3A_551 = arith.select %and3A_549, %select_n3A_532, %select_n3A_524 : vector<16xi1>, vector<16xf32>
      %select_n3A_552 = arith.select %and3A_549, %select_n3A_534, %select_n3A_525 : vector<16xi1>, vector<16xf32>
      %select_n3A_553 = arith.select %ge3A_544, %broadcast_in_dim3A_5, %broadcast_in_dim3A_3 : vector<16xi1>, vector<16xf32>
      %select_n3A_554 = arith.select %gt3A_545, %gather3A_543, %broadcast_in_dim3A_3 : vector<16xi1>, vector<16xf32>
      %select_n3A_555 = arith.select %gt3A_545, %broadcast_in_dim3A_5, %broadcast_in_dim3A_3 : vector<16xi1>, vector<16xf32>
      %add3A_556 = arith.addf %select_n3A_530, %select_n3A_553 : vector<16xf32>
      %select_n3A_557 = arith.select %and3A_547, %broadcast_in_dim3A_5, %add3A_556 : vector<16xi1>, vector<16xf32>
      %add3A_558 = arith.addf %select_n3A_532, %select_n3A_554 : vector<16xf32>
      %select_n3A_559 = arith.select %and3A_547, %select_n3A_554, %add3A_558 : vector<16xi1>, vector<16xf32>
      %add3A_560 = arith.addf %select_n3A_534, %select_n3A_555 : vector<16xf32>
      %select_n3A_561 = arith.select %and3A_547, %select_n3A_555, %add3A_560 : vector<16xi1>, vector<16xf32>
      %select_n3A_562 = arith.select %and3A_547, %broadcast_in_dim3A_5, %broadcast_in_dim3A_3 : vector<16xi1>, vector<16xf32>
      %add3A_563 = arith.addf %add3A_536, %select_n3A_562 : vector<16xf32>
      %max3A_564 = arith.maximumf %max3A_537, %gather3A_543 : vector<16xf32>
      %add3A_565 = arith.addf %select_n3A_539, %broadcast_in_dim3A_5 : vector<16xf32>
      %select_n3A_566 = arith.select %ge3A_544, %broadcast_in_dim3A_5, %add3A_565 : vector<16xi1>, vector<16xf32>
      %add3A_567 = arith.constant 1 : i32
      %add3A_568 = vector.broadcast %add3A_567 : i32 to vector<16xi32>
      %add3A_569 = arith.addi %add3A_542, %add3A_568 : vector<16xi32>
      %gather3A_570 = tpu.vector_load_idx %arg7[%add3A_569] : memref<8192xf32, #tpu.memory_space<vmem>>[vector<16xi32>], vector<16xf32>,
      %ge3A_571 = arith.cmpf oge, %gather3A_570, %broadcast_in_dim3A_3 : vector<16xf32>
      %gt3A_572 = arith.cmpf ogt, %gather3A_570, %broadcast_in_dim3A_3 : vector<16xf32>
      %gt3A_573 = arith.cmpf ogt, %select_n3A_566, %broadcast_in_dim3A_7 : vector<16xf32>
      %and3A_574 = arith.andi %ge3A_571, %gt3A_573 : vector<16xi1>
      %lt3A_575 = arith.cmpf olt, %select_n3A_557, %select_n3A_550 : vector<16xf32>
      %and3A_576 = arith.andi %and3A_574, %lt3A_575 : vector<16xi1>
      %select_n3A_577 = arith.select %and3A_576, %select_n3A_557, %select_n3A_550 : vector<16xi1>, vector<16xf32>
      %select_n3A_578 = arith.select %and3A_576, %select_n3A_559, %select_n3A_551 : vector<16xi1>, vector<16xf32>
      %select_n3A_579 = arith.select %and3A_576, %select_n3A_561, %select_n3A_552 : vector<16xi1>, vector<16xf32>
      %select_n3A_580 = arith.select %ge3A_571, %broadcast_in_dim3A_5, %broadcast_in_dim3A_3 : vector<16xi1>, vector<16xf32>
      %select_n3A_581 = arith.select %gt3A_572, %gather3A_570, %broadcast_in_dim3A_3 : vector<16xi1>, vector<16xf32>
      %select_n3A_582 = arith.select %gt3A_572, %broadcast_in_dim3A_5, %broadcast_in_dim3A_3 : vector<16xi1>, vector<16xf32>
      %add3A_583 = arith.addf %select_n3A_557, %select_n3A_580 : vector<16xf32>
      %select_n3A_584 = arith.select %and3A_574, %broadcast_in_dim3A_5, %add3A_583 : vector<16xi1>, vector<16xf32>
      %add3A_585 = arith.addf %select_n3A_559, %select_n3A_581 : vector<16xf32>
      %select_n3A_586 = arith.select %and3A_574, %select_n3A_581, %add3A_585 : vector<16xi1>, vector<16xf32>
      %add3A_587 = arith.addf %select_n3A_561, %select_n3A_582 : vector<16xf32>
      %select_n3A_588 = arith.select %and3A_574, %select_n3A_582, %add3A_587 : vector<16xi1>, vector<16xf32>
      %select_n3A_589 = arith.select %and3A_574, %broadcast_in_dim3A_5, %broadcast_in_dim3A_3 : vector<16xi1>, vector<16xf32>
      %add3A_590 = arith.addf %add3A_563, %select_n3A_589 : vector<16xf32>
      %max3A_591 = arith.maximumf %max3A_564, %gather3A_570 : vector<16xf32>
      %add3A_592 = arith.addf %select_n3A_566, %broadcast_in_dim3A_5 : vector<16xf32>
      %select_n3A_593 = arith.select %ge3A_571, %broadcast_in_dim3A_5, %add3A_592 : vector<16xi1>, vector<16xf32>
      %add3A_594 = arith.constant 1 : i32
      %add3A_595 = vector.broadcast %add3A_594 : i32 to vector<16xi32>
      %add3A_596 = arith.addi %add3A_569, %add3A_595 : vector<16xi32>
      %gather3A_597 = tpu.vector_load_idx %arg7[%add3A_596] : memref<8192xf32, #tpu.memory_space<vmem>>[vector<16xi32>], vector<16xf32>,
      %ge3A_598 = arith.cmpf oge, %gather3A_597, %broadcast_in_dim3A_3 : vector<16xf32>
      %gt3A_599 = arith.cmpf ogt, %gather3A_597, %broadcast_in_dim3A_3 : vector<16xf32>
      %gt3A_600 = arith.cmpf ogt, %select_n3A_593, %broadcast_in_dim3A_7 : vector<16xf32>
      %and3A_601 = arith.andi %ge3A_598, %gt3A_600 : vector<16xi1>
      %lt3A_602 = arith.cmpf olt, %select_n3A_584, %select_n3A_577 : vector<16xf32>
      %and3A_603 = arith.andi %and3A_601, %lt3A_602 : vector<16xi1>
      %select_n3A_604 = arith.select %and3A_603, %select_n3A_584, %select_n3A_577 : vector<16xi1>, vector<16xf32>
      %select_n3A_605 = arith.select %and3A_603, %select_n3A_586, %select_n3A_578 : vector<16xi1>, vector<16xf32>
      %select_n3A_606 = arith.select %and3A_603, %select_n3A_588, %select_n3A_579 : vector<16xi1>, vector<16xf32>
      %select_n3A_607 = arith.select %ge3A_598, %broadcast_in_dim3A_5, %broadcast_in_dim3A_3 : vector<16xi1>, vector<16xf32>
      %select_n3A_608 = arith.select %gt3A_599, %gather3A_597, %broadcast_in_dim3A_3 : vector<16xi1>, vector<16xf32>
      %select_n3A_609 = arith.select %gt3A_599, %broadcast_in_dim3A_5, %broadcast_in_dim3A_3 : vector<16xi1>, vector<16xf32>
      %add3A_610 = arith.addf %select_n3A_584, %select_n3A_607 : vector<16xf32>
      %select_n3A_611 = arith.select %and3A_601, %broadcast_in_dim3A_5, %add3A_610 : vector<16xi1>, vector<16xf32>
      %add3A_612 = arith.addf %select_n3A_586, %select_n3A_608 : vector<16xf32>
      %select_n3A_613 = arith.select %and3A_601, %select_n3A_608, %add3A_612 : vector<16xi1>, vector<16xf32>
      %add3A_614 = arith.addf %select_n3A_588, %select_n3A_609 : vector<16xf32>
      %select_n3A_615 = arith.select %and3A_601, %select_n3A_609, %add3A_614 : vector<16xi1>, vector<16xf32>
      %select_n3A_616 = arith.select %and3A_601, %broadcast_in_dim3A_5, %broadcast_in_dim3A_3 : vector<16xi1>, vector<16xf32>
      %add3A_617 = arith.addf %add3A_590, %select_n3A_616 : vector<16xf32>
      %max3A_618 = arith.maximumf %max3A_591, %gather3A_597 : vector<16xf32>
      %add3A_619 = arith.addf %select_n3A_593, %broadcast_in_dim3A_5 : vector<16xf32>
      %select_n3A_620 = arith.select %ge3A_598, %broadcast_in_dim3A_5, %add3A_619 : vector<16xi1>, vector<16xf32>
      %add3A_621 = arith.constant 1 : i32
      %add3A_622 = vector.broadcast %add3A_621 : i32 to vector<16xi32>
      %add3A_623 = arith.addi %add3A_596, %add3A_622 : vector<16xi32>
      scf.yield %add3A_623, %select_n3A_620, %select_n3A_611, %select_n3A_613, %select_n3A_615, %select_n3A_604, %select_n3A_605, %select_n3A_606, %add3A_617, %max3A_618 : vector<16xi32>, vector<16xf32>, vector<16xf32>, vector<16xf32>, vector<16xf32>, vector<16xf32>, vector<16xf32>, vector<16xf32>, vector<16xf32>, vector<16xf32>
    }
    %scan3A_219 = arith.constant 64 : i32
    %add3A_220 = arith.constant 80 : i32
    %add3A_221 = vector.broadcast %add3A_220 : i32 to vector<16xi32>
    %add3A_222 = arith.addi %iota3A, %add3A_221 : vector<16xi32>
    %lt3A_223 = arith.cmpf olt, %scan3A_218#2, %scan3A_218#5 : vector<16xf32>
    %select_n3A_224 = arith.select %lt3A_223, %scan3A_218#3, %scan3A_218#6 : vector<16xi1>, vector<16xf32>
    %select_n3A_225 = arith.select %lt3A_223, %scan3A_218#4, %scan3A_218#7 : vector<16xi1>, vector<16xf32>
    %gather3A_226 = tpu.vector_load_idx %arg8[%add3A_222] : memref<160xf32, #tpu.memory_space<vmem>>[vector<16xi32>], vector<16xf32>,
    %gt3A_227 = arith.cmpf ogt, %gather3A_226, %broadcast_in_dim3A_11 : vector<16xf32>
    %gt3A_228 = arith.cmpf ogt, %scan3A_218#8, %broadcast_in_dim3A_11 : vector<16xf32>
    %gt3A_229 = arith.cmpf ogt, %select_n3A_225, %broadcast_in_dim3A_3 : vector<16xf32>
    %max3A_230 = arith.maximumf %select_n3A_225, %broadcast_in_dim3A_5 : vector<16xf32>
    %div3A_231 = arith.divf %select_n3A_224, %max3A_230 : vector<16xf32>
    %select_n3A_232 = arith.select %gt3A_229, %div3A_231, %broadcast_in_dim3A_3 : vector<16xi1>, vector<16xf32>
    %not3A_233 = arith.constant dense<true> : vector<16xi1>
    %not3A_234 = arith.xori %gt3A_228, %not3A_233 : vector<16xi1>
    %and3A_235 = arith.andi %gt3A_227, %not3A_234 : vector<16xi1>
    %neg3A_236 = arith.constant 0.000000e+00 : f32
    %neg3A_237 = vector.broadcast %neg3A_236 : f32 to vector<16xf32>
    %neg3A_238 = arith.subf %neg3A_237, %scan3A_218#9 : vector<16xf32>
    %not3A_239 = arith.constant dense<true> : vector<16xi1>
    %not3A_240 = arith.xori %gt3A_227, %not3A_239 : vector<16xi1>
    %and3A_241 = arith.andi %not3A_240, %gt3A_228 : vector<16xi1>
    %select_n3A_242 = arith.select %and3A_241, %select_n3A_232, %broadcast_in_dim3A_3 : vector<16xi1>, vector<16xf32>
    %select_n3A_243 = arith.select %and3A_235, %neg3A_238, %select_n3A_242 : vector<16xi1>, vector<16xf32>
    tpu.vector_store_idx %arg9[%add3A_222], %scan3A_218#8 : memref<160xf32, #tpu.memory_space<vmem>>[vector<16xi32>], vector<16xf32>,
    %add3A_244 = arith.addf %add3A_205, %select_n3A_243 : vector<16xf32>
    %dma_wait3A_245 = tpu.memref_slice %arg2[%mul3A_211] : memref<2621440xf32, #tpu.memory_space<hbm>> -> memref<8192xf32, #tpu.memory_space<hbm>>
    %dma_wait3A_246 = tpu.memref_slice %arg2[%mul3A_211] : memref<2621440xf32, #tpu.memory_space<hbm>> -> memref<8192xf32, #tpu.memory_space<hbm>>
    tpu.wait_dma2 semaphore(%arg11 : memref<!tpu.dma_semaphore, #tpu.memory_space<semaphore_mem>>) src(%dma_wait3A_246 : memref<8192xf32, #tpu.memory_space<hbm>>) dst(%arg6 : memref<8192xf32, #tpu.memory_space<vmem>>)
    %add3A_247 = arith.constant 112 : i32
    %add3A_248 = arith.addi %mul3A_2, %add3A_247 : i32
    %mul3A_249 = arith.constant 512 : i32
    %mul3A_250 = arith.muli %add3A_248, %mul3A_249 : i32
    %dma_start3A_251 = tpu.memref_slice %arg2[%mul3A_250] : memref<2621440xf32, #tpu.memory_space<hbm>> -> memref<8192xf32, #tpu.memory_space<hbm>>
    %dma_start3A_252 = tpu.memref_slice %arg2[%mul3A_250] : memref<2621440xf32, #tpu.memory_space<hbm>> -> memref<8192xf32, #tpu.memory_space<hbm>>
    tpu.enqueue_dma source(%dma_start3A_252 : memref<8192xf32, #tpu.memory_space<hbm>>) target(%arg7 : memref<8192xf32, #tpu.memory_space<vmem>>) target_semaphore(%arg12 : memref<!tpu.dma_semaphore, #tpu.memory_space<semaphore_mem>>)
    %scan3A_253 = arith.constant 0 : i32
    %scan3A_254 = arith.constant 64 : i32
    %scan3A_255 = arith.addi %scan3A_253, %scan3A_254 : i32
    %scan3A_256 = arith.constant 1 : i32
    %scan3A_257:10 = scf.for %scan3A_398 = %scan3A_253 to %scan3A_255 step %scan3A_256 iter_args(%scan3A_399 = %mul3A_16, %scan3A_400 = %broadcast_in_dim3A_9, %scan3A_401 = %broadcast_in_dim3A_9, %scan3A_402 = %broadcast_in_dim3A_3, %scan3A_403 = %broadcast_in_dim3A_3, %scan3A_404 = %broadcast_in_dim3A_9, %scan3A_405 = %broadcast_in_dim3A_3, %scan3A_406 = %broadcast_in_dim3A_3, %scan3A_407 = %broadcast_in_dim3A_3, %scan3A_408 = %broadcast_in_dim3A_13) -> (vector<16xi32>, vector<16xf32>, vector<16xf32>, vector<16xf32>, vector<16xf32>, vector<16xf32>, vector<16xf32>, vector<16xf32>, vector<16xf32>, vector<16xf32>)  : i32 {
      %gather3A_409 = tpu.vector_load_idx %arg6[%scan3A_399] : memref<8192xf32, #tpu.memory_space<vmem>>[vector<16xi32>], vector<16xf32>,
      %ge3A = arith.cmpf oge, %gather3A_409, %broadcast_in_dim3A_3 : vector<16xf32>
      %gt3A_410 = arith.cmpf ogt, %gather3A_409, %broadcast_in_dim3A_3 : vector<16xf32>
      %gt3A_411 = arith.cmpf ogt, %scan3A_400, %broadcast_in_dim3A_7 : vector<16xf32>
      %and3A_412 = arith.andi %ge3A, %gt3A_411 : vector<16xi1>
      %lt3A_413 = arith.cmpf olt, %scan3A_401, %scan3A_404 : vector<16xf32>
      %and3A_414 = arith.andi %and3A_412, %lt3A_413 : vector<16xi1>
      %select_n3A_415 = arith.select %and3A_414, %scan3A_401, %scan3A_404 : vector<16xi1>, vector<16xf32>
      %select_n3A_416 = arith.select %and3A_414, %scan3A_402, %scan3A_405 : vector<16xi1>, vector<16xf32>
      %select_n3A_417 = arith.select %and3A_414, %scan3A_403, %scan3A_406 : vector<16xi1>, vector<16xf32>
      %select_n3A_418 = arith.select %ge3A, %broadcast_in_dim3A_5, %broadcast_in_dim3A_3 : vector<16xi1>, vector<16xf32>
      %select_n3A_419 = arith.select %gt3A_410, %gather3A_409, %broadcast_in_dim3A_3 : vector<16xi1>, vector<16xf32>
      %select_n3A_420 = arith.select %gt3A_410, %broadcast_in_dim3A_5, %broadcast_in_dim3A_3 : vector<16xi1>, vector<16xf32>
      %add3A_421 = arith.addf %scan3A_401, %select_n3A_418 : vector<16xf32>
      %select_n3A_422 = arith.select %and3A_412, %broadcast_in_dim3A_5, %add3A_421 : vector<16xi1>, vector<16xf32>
      %add3A_423 = arith.addf %scan3A_402, %select_n3A_419 : vector<16xf32>
      %select_n3A_424 = arith.select %and3A_412, %select_n3A_419, %add3A_423 : vector<16xi1>, vector<16xf32>
      %add3A_425 = arith.addf %scan3A_403, %select_n3A_420 : vector<16xf32>
      %select_n3A_426 = arith.select %and3A_412, %select_n3A_420, %add3A_425 : vector<16xi1>, vector<16xf32>
      %select_n3A_427 = arith.select %and3A_412, %broadcast_in_dim3A_5, %broadcast_in_dim3A_3 : vector<16xi1>, vector<16xf32>
      %add3A_428 = arith.addf %scan3A_407, %select_n3A_427 : vector<16xf32>
      %max3A_429 = arith.maximumf %scan3A_408, %gather3A_409 : vector<16xf32>
      %add3A_430 = arith.addf %scan3A_400, %broadcast_in_dim3A_5 : vector<16xf32>
      %select_n3A_431 = arith.select %ge3A, %broadcast_in_dim3A_5, %add3A_430 : vector<16xi1>, vector<16xf32>
      %add3A_432 = arith.constant 1 : i32
      %add3A_433 = vector.broadcast %add3A_432 : i32 to vector<16xi32>
      %add3A_434 = arith.addi %scan3A_399, %add3A_433 : vector<16xi32>
      %gather3A_435 = tpu.vector_load_idx %arg6[%add3A_434] : memref<8192xf32, #tpu.memory_space<vmem>>[vector<16xi32>], vector<16xf32>,
      %ge3A_436 = arith.cmpf oge, %gather3A_435, %broadcast_in_dim3A_3 : vector<16xf32>
      %gt3A_437 = arith.cmpf ogt, %gather3A_435, %broadcast_in_dim3A_3 : vector<16xf32>
      %gt3A_438 = arith.cmpf ogt, %select_n3A_431, %broadcast_in_dim3A_7 : vector<16xf32>
      %and3A_439 = arith.andi %ge3A_436, %gt3A_438 : vector<16xi1>
      %lt3A_440 = arith.cmpf olt, %select_n3A_422, %select_n3A_415 : vector<16xf32>
      %and3A_441 = arith.andi %and3A_439, %lt3A_440 : vector<16xi1>
      %select_n3A_442 = arith.select %and3A_441, %select_n3A_422, %select_n3A_415 : vector<16xi1>, vector<16xf32>
      %select_n3A_443 = arith.select %and3A_441, %select_n3A_424, %select_n3A_416 : vector<16xi1>, vector<16xf32>
      %select_n3A_444 = arith.select %and3A_441, %select_n3A_426, %select_n3A_417 : vector<16xi1>, vector<16xf32>
      %select_n3A_445 = arith.select %ge3A_436, %broadcast_in_dim3A_5, %broadcast_in_dim3A_3 : vector<16xi1>, vector<16xf32>
      %select_n3A_446 = arith.select %gt3A_437, %gather3A_435, %broadcast_in_dim3A_3 : vector<16xi1>, vector<16xf32>
      %select_n3A_447 = arith.select %gt3A_437, %broadcast_in_dim3A_5, %broadcast_in_dim3A_3 : vector<16xi1>, vector<16xf32>
      %add3A_448 = arith.addf %select_n3A_422, %select_n3A_445 : vector<16xf32>
      %select_n3A_449 = arith.select %and3A_439, %broadcast_in_dim3A_5, %add3A_448 : vector<16xi1>, vector<16xf32>
      %add3A_450 = arith.addf %select_n3A_424, %select_n3A_446 : vector<16xf32>
      %select_n3A_451 = arith.select %and3A_439, %select_n3A_446, %add3A_450 : vector<16xi1>, vector<16xf32>
      %add3A_452 = arith.addf %select_n3A_426, %select_n3A_447 : vector<16xf32>
      %select_n3A_453 = arith.select %and3A_439, %select_n3A_447, %add3A_452 : vector<16xi1>, vector<16xf32>
      %select_n3A_454 = arith.select %and3A_439, %broadcast_in_dim3A_5, %broadcast_in_dim3A_3 : vector<16xi1>, vector<16xf32>
      %add3A_455 = arith.addf %add3A_428, %select_n3A_454 : vector<16xf32>
      %max3A_456 = arith.maximumf %max3A_429, %gather3A_435 : vector<16xf32>
      %add3A_457 = arith.addf %select_n3A_431, %broadcast_in_dim3A_5 : vector<16xf32>
      %select_n3A_458 = arith.select %ge3A_436, %broadcast_in_dim3A_5, %add3A_457 : vector<16xi1>, vector<16xf32>
      %add3A_459 = arith.constant 1 : i32
      %add3A_460 = vector.broadcast %add3A_459 : i32 to vector<16xi32>
      %add3A_461 = arith.addi %add3A_434, %add3A_460 : vector<16xi32>
      %gather3A_462 = tpu.vector_load_idx %arg6[%add3A_461] : memref<8192xf32, #tpu.memory_space<vmem>>[vector<16xi32>], vector<16xf32>,
      %ge3A_463 = arith.cmpf oge, %gather3A_462, %broadcast_in_dim3A_3 : vector<16xf32>
      %gt3A_464 = arith.cmpf ogt, %gather3A_462, %broadcast_in_dim3A_3 : vector<16xf32>
      %gt3A_465 = arith.cmpf ogt, %select_n3A_458, %broadcast_in_dim3A_7 : vector<16xf32>
      %and3A_466 = arith.andi %ge3A_463, %gt3A_465 : vector<16xi1>
      %lt3A_467 = arith.cmpf olt, %select_n3A_449, %select_n3A_442 : vector<16xf32>
      %and3A_468 = arith.andi %and3A_466, %lt3A_467 : vector<16xi1>
      %select_n3A_469 = arith.select %and3A_468, %select_n3A_449, %select_n3A_442 : vector<16xi1>, vector<16xf32>
      %select_n3A_470 = arith.select %and3A_468, %select_n3A_451, %select_n3A_443 : vector<16xi1>, vector<16xf32>
      %select_n3A_471 = arith.select %and3A_468, %select_n3A_453, %select_n3A_444 : vector<16xi1>, vector<16xf32>
      %select_n3A_472 = arith.select %ge3A_463, %broadcast_in_dim3A_5, %broadcast_in_dim3A_3 : vector<16xi1>, vector<16xf32>
      %select_n3A_473 = arith.select %gt3A_464, %gather3A_462, %broadcast_in_dim3A_3 : vector<16xi1>, vector<16xf32>
      %select_n3A_474 = arith.select %gt3A_464, %broadcast_in_dim3A_5, %broadcast_in_dim3A_3 : vector<16xi1>, vector<16xf32>
      %add3A_475 = arith.addf %select_n3A_449, %select_n3A_472 : vector<16xf32>
      %select_n3A_476 = arith.select %and3A_466, %broadcast_in_dim3A_5, %add3A_475 : vector<16xi1>, vector<16xf32>
      %add3A_477 = arith.addf %select_n3A_451, %select_n3A_473 : vector<16xf32>
      %select_n3A_478 = arith.select %and3A_466, %select_n3A_473, %add3A_477 : vector<16xi1>, vector<16xf32>
      %add3A_479 = arith.addf %select_n3A_453, %select_n3A_474 : vector<16xf32>
      %select_n3A_480 = arith.select %and3A_466, %select_n3A_474, %add3A_479 : vector<16xi1>, vector<16xf32>
      %select_n3A_481 = arith.select %and3A_466, %broadcast_in_dim3A_5, %broadcast_in_dim3A_3 : vector<16xi1>, vector<16xf32>
      %add3A_482 = arith.addf %add3A_455, %select_n3A_481 : vector<16xf32>
      %max3A_483 = arith.maximumf %max3A_456, %gather3A_462 : vector<16xf32>
      %add3A_484 = arith.addf %select_n3A_458, %broadcast_in_dim3A_5 : vector<16xf32>
      %select_n3A_485 = arith.select %ge3A_463, %broadcast_in_dim3A_5, %add3A_484 : vector<16xi1>, vector<16xf32>
      %add3A_486 = arith.constant 1 : i32
      %add3A_487 = vector.broadcast %add3A_486 : i32 to vector<16xi32>
      %add3A_488 = arith.addi %add3A_461, %add3A_487 : vector<16xi32>
      %gather3A_489 = tpu.vector_load_idx %arg6[%add3A_488] : memref<8192xf32, #tpu.memory_space<vmem>>[vector<16xi32>], vector<16xf32>,
      %ge3A_490 = arith.cmpf oge, %gather3A_489, %broadcast_in_dim3A_3 : vector<16xf32>
      %gt3A_491 = arith.cmpf ogt, %gather3A_489, %broadcast_in_dim3A_3 : vector<16xf32>
      %gt3A_492 = arith.cmpf ogt, %select_n3A_485, %broadcast_in_dim3A_7 : vector<16xf32>
      %and3A_493 = arith.andi %ge3A_490, %gt3A_492 : vector<16xi1>
      %lt3A_494 = arith.cmpf olt, %select_n3A_476, %select_n3A_469 : vector<16xf32>
      %and3A_495 = arith.andi %and3A_493, %lt3A_494 : vector<16xi1>
      %select_n3A_496 = arith.select %and3A_495, %select_n3A_476, %select_n3A_469 : vector<16xi1>, vector<16xf32>
      %select_n3A_497 = arith.select %and3A_495, %select_n3A_478, %select_n3A_470 : vector<16xi1>, vector<16xf32>
      %select_n3A_498 = arith.select %and3A_495, %select_n3A_480, %select_n3A_471 : vector<16xi1>, vector<16xf32>
      %select_n3A_499 = arith.select %ge3A_490, %broadcast_in_dim3A_5, %broadcast_in_dim3A_3 : vector<16xi1>, vector<16xf32>
      %select_n3A_500 = arith.select %gt3A_491, %gather3A_489, %broadcast_in_dim3A_3 : vector<16xi1>, vector<16xf32>
      %select_n3A_501 = arith.select %gt3A_491, %broadcast_in_dim3A_5, %broadcast_in_dim3A_3 : vector<16xi1>, vector<16xf32>
      %add3A_502 = arith.addf %select_n3A_476, %select_n3A_499 : vector<16xf32>
      %select_n3A_503 = arith.select %and3A_493, %broadcast_in_dim3A_5, %add3A_502 : vector<16xi1>, vector<16xf32>
      %add3A_504 = arith.addf %select_n3A_478, %select_n3A_500 : vector<16xf32>
      %select_n3A_505 = arith.select %and3A_493, %select_n3A_500, %add3A_504 : vector<16xi1>, vector<16xf32>
      %add3A_506 = arith.addf %select_n3A_480, %select_n3A_501 : vector<16xf32>
      %select_n3A_507 = arith.select %and3A_493, %select_n3A_501, %add3A_506 : vector<16xi1>, vector<16xf32>
      %select_n3A_508 = arith.select %and3A_493, %broadcast_in_dim3A_5, %broadcast_in_dim3A_3 : vector<16xi1>, vector<16xf32>
      %add3A_509 = arith.addf %add3A_482, %select_n3A_508 : vector<16xf32>
      %max3A_510 = arith.maximumf %max3A_483, %gather3A_489 : vector<16xf32>
      %add3A_511 = arith.addf %select_n3A_485, %broadcast_in_dim3A_5 : vector<16xf32>
      %select_n3A_512 = arith.select %ge3A_490, %broadcast_in_dim3A_5, %add3A_511 : vector<16xi1>, vector<16xf32>
      %add3A_513 = arith.constant 1 : i32
      %add3A_514 = vector.broadcast %add3A_513 : i32 to vector<16xi32>
      %add3A_515 = arith.addi %add3A_488, %add3A_514 : vector<16xi32>
      %gather3A_516 = tpu.vector_load_idx %arg6[%add3A_515] : memref<8192xf32, #tpu.memory_space<vmem>>[vector<16xi32>], vector<16xf32>,
      %ge3A_517 = arith.cmpf oge, %gather3A_516, %broadcast_in_dim3A_3 : vector<16xf32>
      %gt3A_518 = arith.cmpf ogt, %gather3A_516, %broadcast_in_dim3A_3 : vector<16xf32>
      %gt3A_519 = arith.cmpf ogt, %select_n3A_512, %broadcast_in_dim3A_7 : vector<16xf32>
      %and3A_520 = arith.andi %ge3A_517, %gt3A_519 : vector<16xi1>
      %lt3A_521 = arith.cmpf olt, %select_n3A_503, %select_n3A_496 : vector<16xf32>
      %and3A_522 = arith.andi %and3A_520, %lt3A_521 : vector<16xi1>
      %select_n3A_523 = arith.select %and3A_522, %select_n3A_503, %select_n3A_496 : vector<16xi1>, vector<16xf32>
      %select_n3A_524 = arith.select %and3A_522, %select_n3A_505, %select_n3A_497 : vector<16xi1>, vector<16xf32>
      %select_n3A_525 = arith.select %and3A_522, %select_n3A_507, %select_n3A_498 : vector<16xi1>, vector<16xf32>
      %select_n3A_526 = arith.select %ge3A_517, %broadcast_in_dim3A_5, %broadcast_in_dim3A_3 : vector<16xi1>, vector<16xf32>
      %select_n3A_527 = arith.select %gt3A_518, %gather3A_516, %broadcast_in_dim3A_3 : vector<16xi1>, vector<16xf32>
      %select_n3A_528 = arith.select %gt3A_518, %broadcast_in_dim3A_5, %broadcast_in_dim3A_3 : vector<16xi1>, vector<16xf32>
      %add3A_529 = arith.addf %select_n3A_503, %select_n3A_526 : vector<16xf32>
      %select_n3A_530 = arith.select %and3A_520, %broadcast_in_dim3A_5, %add3A_529 : vector<16xi1>, vector<16xf32>
      %add3A_531 = arith.addf %select_n3A_505, %select_n3A_527 : vector<16xf32>
      %select_n3A_532 = arith.select %and3A_520, %select_n3A_527, %add3A_531 : vector<16xi1>, vector<16xf32>
      %add3A_533 = arith.addf %select_n3A_507, %select_n3A_528 : vector<16xf32>
      %select_n3A_534 = arith.select %and3A_520, %select_n3A_528, %add3A_533 : vector<16xi1>, vector<16xf32>
      %select_n3A_535 = arith.select %and3A_520, %broadcast_in_dim3A_5, %broadcast_in_dim3A_3 : vector<16xi1>, vector<16xf32>
      %add3A_536 = arith.addf %add3A_509, %select_n3A_535 : vector<16xf32>
      %max3A_537 = arith.maximumf %max3A_510, %gather3A_516 : vector<16xf32>
      %add3A_538 = arith.addf %select_n3A_512, %broadcast_in_dim3A_5 : vector<16xf32>
      %select_n3A_539 = arith.select %ge3A_517, %broadcast_in_dim3A_5, %add3A_538 : vector<16xi1>, vector<16xf32>
      %add3A_540 = arith.constant 1 : i32
      %add3A_541 = vector.broadcast %add3A_540 : i32 to vector<16xi32>
      %add3A_542 = arith.addi %add3A_515, %add3A_541 : vector<16xi32>
      %gather3A_543 = tpu.vector_load_idx %arg6[%add3A_542] : memref<8192xf32, #tpu.memory_space<vmem>>[vector<16xi32>], vector<16xf32>,
      %ge3A_544 = arith.cmpf oge, %gather3A_543, %broadcast_in_dim3A_3 : vector<16xf32>
      %gt3A_545 = arith.cmpf ogt, %gather3A_543, %broadcast_in_dim3A_3 : vector<16xf32>
      %gt3A_546 = arith.cmpf ogt, %select_n3A_539, %broadcast_in_dim3A_7 : vector<16xf32>
      %and3A_547 = arith.andi %ge3A_544, %gt3A_546 : vector<16xi1>
      %lt3A_548 = arith.cmpf olt, %select_n3A_530, %select_n3A_523 : vector<16xf32>
      %and3A_549 = arith.andi %and3A_547, %lt3A_548 : vector<16xi1>
      %select_n3A_550 = arith.select %and3A_549, %select_n3A_530, %select_n3A_523 : vector<16xi1>, vector<16xf32>
      %select_n3A_551 = arith.select %and3A_549, %select_n3A_532, %select_n3A_524 : vector<16xi1>, vector<16xf32>
      %select_n3A_552 = arith.select %and3A_549, %select_n3A_534, %select_n3A_525 : vector<16xi1>, vector<16xf32>
      %select_n3A_553 = arith.select %ge3A_544, %broadcast_in_dim3A_5, %broadcast_in_dim3A_3 : vector<16xi1>, vector<16xf32>
      %select_n3A_554 = arith.select %gt3A_545, %gather3A_543, %broadcast_in_dim3A_3 : vector<16xi1>, vector<16xf32>
      %select_n3A_555 = arith.select %gt3A_545, %broadcast_in_dim3A_5, %broadcast_in_dim3A_3 : vector<16xi1>, vector<16xf32>
      %add3A_556 = arith.addf %select_n3A_530, %select_n3A_553 : vector<16xf32>
      %select_n3A_557 = arith.select %and3A_547, %broadcast_in_dim3A_5, %add3A_556 : vector<16xi1>, vector<16xf32>
      %add3A_558 = arith.addf %select_n3A_532, %select_n3A_554 : vector<16xf32>
      %select_n3A_559 = arith.select %and3A_547, %select_n3A_554, %add3A_558 : vector<16xi1>, vector<16xf32>
      %add3A_560 = arith.addf %select_n3A_534, %select_n3A_555 : vector<16xf32>
      %select_n3A_561 = arith.select %and3A_547, %select_n3A_555, %add3A_560 : vector<16xi1>, vector<16xf32>
      %select_n3A_562 = arith.select %and3A_547, %broadcast_in_dim3A_5, %broadcast_in_dim3A_3 : vector<16xi1>, vector<16xf32>
      %add3A_563 = arith.addf %add3A_536, %select_n3A_562 : vector<16xf32>
      %max3A_564 = arith.maximumf %max3A_537, %gather3A_543 : vector<16xf32>
      %add3A_565 = arith.addf %select_n3A_539, %broadcast_in_dim3A_5 : vector<16xf32>
      %select_n3A_566 = arith.select %ge3A_544, %broadcast_in_dim3A_5, %add3A_565 : vector<16xi1>, vector<16xf32>
      %add3A_567 = arith.constant 1 : i32
      %add3A_568 = vector.broadcast %add3A_567 : i32 to vector<16xi32>
      %add3A_569 = arith.addi %add3A_542, %add3A_568 : vector<16xi32>
      %gather3A_570 = tpu.vector_load_idx %arg6[%add3A_569] : memref<8192xf32, #tpu.memory_space<vmem>>[vector<16xi32>], vector<16xf32>,
      %ge3A_571 = arith.cmpf oge, %gather3A_570, %broadcast_in_dim3A_3 : vector<16xf32>
      %gt3A_572 = arith.cmpf ogt, %gather3A_570, %broadcast_in_dim3A_3 : vector<16xf32>
      %gt3A_573 = arith.cmpf ogt, %select_n3A_566, %broadcast_in_dim3A_7 : vector<16xf32>
      %and3A_574 = arith.andi %ge3A_571, %gt3A_573 : vector<16xi1>
      %lt3A_575 = arith.cmpf olt, %select_n3A_557, %select_n3A_550 : vector<16xf32>
      %and3A_576 = arith.andi %and3A_574, %lt3A_575 : vector<16xi1>
      %select_n3A_577 = arith.select %and3A_576, %select_n3A_557, %select_n3A_550 : vector<16xi1>, vector<16xf32>
      %select_n3A_578 = arith.select %and3A_576, %select_n3A_559, %select_n3A_551 : vector<16xi1>, vector<16xf32>
      %select_n3A_579 = arith.select %and3A_576, %select_n3A_561, %select_n3A_552 : vector<16xi1>, vector<16xf32>
      %select_n3A_580 = arith.select %ge3A_571, %broadcast_in_dim3A_5, %broadcast_in_dim3A_3 : vector<16xi1>, vector<16xf32>
      %select_n3A_581 = arith.select %gt3A_572, %gather3A_570, %broadcast_in_dim3A_3 : vector<16xi1>, vector<16xf32>
      %select_n3A_582 = arith.select %gt3A_572, %broadcast_in_dim3A_5, %broadcast_in_dim3A_3 : vector<16xi1>, vector<16xf32>
      %add3A_583 = arith.addf %select_n3A_557, %select_n3A_580 : vector<16xf32>
      %select_n3A_584 = arith.select %and3A_574, %broadcast_in_dim3A_5, %add3A_583 : vector<16xi1>, vector<16xf32>
      %add3A_585 = arith.addf %select_n3A_559, %select_n3A_581 : vector<16xf32>
      %select_n3A_586 = arith.select %and3A_574, %select_n3A_581, %add3A_585 : vector<16xi1>, vector<16xf32>
      %add3A_587 = arith.addf %select_n3A_561, %select_n3A_582 : vector<16xf32>
      %select_n3A_588 = arith.select %and3A_574, %select_n3A_582, %add3A_587 : vector<16xi1>, vector<16xf32>
      %select_n3A_589 = arith.select %and3A_574, %broadcast_in_dim3A_5, %broadcast_in_dim3A_3 : vector<16xi1>, vector<16xf32>
      %add3A_590 = arith.addf %add3A_563, %select_n3A_589 : vector<16xf32>
      %max3A_591 = arith.maximumf %max3A_564, %gather3A_570 : vector<16xf32>
      %add3A_592 = arith.addf %select_n3A_566, %broadcast_in_dim3A_5 : vector<16xf32>
      %select_n3A_593 = arith.select %ge3A_571, %broadcast_in_dim3A_5, %add3A_592 : vector<16xi1>, vector<16xf32>
      %add3A_594 = arith.constant 1 : i32
      %add3A_595 = vector.broadcast %add3A_594 : i32 to vector<16xi32>
      %add3A_596 = arith.addi %add3A_569, %add3A_595 : vector<16xi32>
      %gather3A_597 = tpu.vector_load_idx %arg6[%add3A_596] : memref<8192xf32, #tpu.memory_space<vmem>>[vector<16xi32>], vector<16xf32>,
      %ge3A_598 = arith.cmpf oge, %gather3A_597, %broadcast_in_dim3A_3 : vector<16xf32>
      %gt3A_599 = arith.cmpf ogt, %gather3A_597, %broadcast_in_dim3A_3 : vector<16xf32>
      %gt3A_600 = arith.cmpf ogt, %select_n3A_593, %broadcast_in_dim3A_7 : vector<16xf32>
      %and3A_601 = arith.andi %ge3A_598, %gt3A_600 : vector<16xi1>
      %lt3A_602 = arith.cmpf olt, %select_n3A_584, %select_n3A_577 : vector<16xf32>
      %and3A_603 = arith.andi %and3A_601, %lt3A_602 : vector<16xi1>
      %select_n3A_604 = arith.select %and3A_603, %select_n3A_584, %select_n3A_577 : vector<16xi1>, vector<16xf32>
      %select_n3A_605 = arith.select %and3A_603, %select_n3A_586, %select_n3A_578 : vector<16xi1>, vector<16xf32>
      %select_n3A_606 = arith.select %and3A_603, %select_n3A_588, %select_n3A_579 : vector<16xi1>, vector<16xf32>
      %select_n3A_607 = arith.select %ge3A_598, %broadcast_in_dim3A_5, %broadcast_in_dim3A_3 : vector<16xi1>, vector<16xf32>
      %select_n3A_608 = arith.select %gt3A_599, %gather3A_597, %broadcast_in_dim3A_3 : vector<16xi1>, vector<16xf32>
      %select_n3A_609 = arith.select %gt3A_599, %broadcast_in_dim3A_5, %broadcast_in_dim3A_3 : vector<16xi1>, vector<16xf32>
      %add3A_610 = arith.addf %select_n3A_584, %select_n3A_607 : vector<16xf32>
      %select_n3A_611 = arith.select %and3A_601, %broadcast_in_dim3A_5, %add3A_610 : vector<16xi1>, vector<16xf32>
      %add3A_612 = arith.addf %select_n3A_586, %select_n3A_608 : vector<16xf32>
      %select_n3A_613 = arith.select %and3A_601, %select_n3A_608, %add3A_612 : vector<16xi1>, vector<16xf32>
      %add3A_614 = arith.addf %select_n3A_588, %select_n3A_609 : vector<16xf32>
      %select_n3A_615 = arith.select %and3A_601, %select_n3A_609, %add3A_614 : vector<16xi1>, vector<16xf32>
      %select_n3A_616 = arith.select %and3A_601, %broadcast_in_dim3A_5, %broadcast_in_dim3A_3 : vector<16xi1>, vector<16xf32>
      %add3A_617 = arith.addf %add3A_590, %select_n3A_616 : vector<16xf32>
      %max3A_618 = arith.maximumf %max3A_591, %gather3A_597 : vector<16xf32>
      %add3A_619 = arith.addf %select_n3A_593, %broadcast_in_dim3A_5 : vector<16xf32>
      %select_n3A_620 = arith.select %ge3A_598, %broadcast_in_dim3A_5, %add3A_619 : vector<16xi1>, vector<16xf32>
      %add3A_621 = arith.constant 1 : i32
      %add3A_622 = vector.broadcast %add3A_621 : i32 to vector<16xi32>
      %add3A_623 = arith.addi %add3A_596, %add3A_622 : vector<16xi32>
      scf.yield %add3A_623, %select_n3A_620, %select_n3A_611, %select_n3A_613, %select_n3A_615, %select_n3A_604, %select_n3A_605, %select_n3A_606, %add3A_617, %max3A_618 : vector<16xi32>, vector<16xf32>, vector<16xf32>, vector<16xf32>, vector<16xf32>, vector<16xf32>, vector<16xf32>, vector<16xf32>, vector<16xf32>, vector<16xf32>
    }
    %scan3A_258 = arith.constant 64 : i32
    %add3A_259 = arith.constant 96 : i32
    %add3A_260 = vector.broadcast %add3A_259 : i32 to vector<16xi32>
    %add3A_261 = arith.addi %iota3A, %add3A_260 : vector<16xi32>
    %lt3A_262 = arith.cmpf olt, %scan3A_257#2, %scan3A_257#5 : vector<16xf32>
    %select_n3A_263 = arith.select %lt3A_262, %scan3A_257#3, %scan3A_257#6 : vector<16xi1>, vector<16xf32>
    %select_n3A_264 = arith.select %lt3A_262, %scan3A_257#4, %scan3A_257#7 : vector<16xi1>, vector<16xf32>
    %gather3A_265 = tpu.vector_load_idx %arg8[%add3A_261] : memref<160xf32, #tpu.memory_space<vmem>>[vector<16xi32>], vector<16xf32>,
    %gt3A_266 = arith.cmpf ogt, %gather3A_265, %broadcast_in_dim3A_11 : vector<16xf32>
    %gt3A_267 = arith.cmpf ogt, %scan3A_257#8, %broadcast_in_dim3A_11 : vector<16xf32>
    %gt3A_268 = arith.cmpf ogt, %select_n3A_264, %broadcast_in_dim3A_3 : vector<16xf32>
    %max3A_269 = arith.maximumf %select_n3A_264, %broadcast_in_dim3A_5 : vector<16xf32>
    %div3A_270 = arith.divf %select_n3A_263, %max3A_269 : vector<16xf32>
    %select_n3A_271 = arith.select %gt3A_268, %div3A_270, %broadcast_in_dim3A_3 : vector<16xi1>, vector<16xf32>
    %not3A_272 = arith.constant dense<true> : vector<16xi1>
    %not3A_273 = arith.xori %gt3A_267, %not3A_272 : vector<16xi1>
    %and3A_274 = arith.andi %gt3A_266, %not3A_273 : vector<16xi1>
    %neg3A_275 = arith.constant 0.000000e+00 : f32
    %neg3A_276 = vector.broadcast %neg3A_275 : f32 to vector<16xf32>
    %neg3A_277 = arith.subf %neg3A_276, %scan3A_257#9 : vector<16xf32>
    %not3A_278 = arith.constant dense<true> : vector<16xi1>
    %not3A_279 = arith.xori %gt3A_266, %not3A_278 : vector<16xi1>
    %and3A_280 = arith.andi %not3A_279, %gt3A_267 : vector<16xi1>
    %select_n3A_281 = arith.select %and3A_280, %select_n3A_271, %broadcast_in_dim3A_3 : vector<16xi1>, vector<16xf32>
    %select_n3A_282 = arith.select %and3A_274, %neg3A_277, %select_n3A_281 : vector<16xi1>, vector<16xf32>
    tpu.vector_store_idx %arg9[%add3A_261], %scan3A_257#8 : memref<160xf32, #tpu.memory_space<vmem>>[vector<16xi32>], vector<16xf32>,
    %add3A_283 = arith.addf %add3A_244, %select_n3A_282 : vector<16xf32>
    %dma_wait3A_284 = tpu.memref_slice %arg2[%mul3A_250] : memref<2621440xf32, #tpu.memory_space<hbm>> -> memref<8192xf32, #tpu.memory_space<hbm>>
    %dma_wait3A_285 = tpu.memref_slice %arg2[%mul3A_250] : memref<2621440xf32, #tpu.memory_space<hbm>> -> memref<8192xf32, #tpu.memory_space<hbm>>
    tpu.wait_dma2 semaphore(%arg12 : memref<!tpu.dma_semaphore, #tpu.memory_space<semaphore_mem>>) src(%dma_wait3A_285 : memref<8192xf32, #tpu.memory_space<hbm>>) dst(%arg7 : memref<8192xf32, #tpu.memory_space<vmem>>)
    %add3A_286 = arith.constant 128 : i32
    %add3A_287 = arith.addi %mul3A_2, %add3A_286 : i32
    %mul3A_288 = arith.constant 512 : i32
    %mul3A_289 = arith.muli %add3A_287, %mul3A_288 : i32
    %dma_start3A_290 = tpu.memref_slice %arg2[%mul3A_289] : memref<2621440xf32, #tpu.memory_space<hbm>> -> memref<8192xf32, #tpu.memory_space<hbm>>
    %dma_start3A_291 = tpu.memref_slice %arg2[%mul3A_289] : memref<2621440xf32, #tpu.memory_space<hbm>> -> memref<8192xf32, #tpu.memory_space<hbm>>
    tpu.enqueue_dma source(%dma_start3A_291 : memref<8192xf32, #tpu.memory_space<hbm>>) target(%arg6 : memref<8192xf32, #tpu.memory_space<vmem>>) target_semaphore(%arg11 : memref<!tpu.dma_semaphore, #tpu.memory_space<semaphore_mem>>)
    %scan3A_292 = arith.constant 0 : i32
    %scan3A_293 = arith.constant 64 : i32
    %scan3A_294 = arith.addi %scan3A_292, %scan3A_293 : i32
    %scan3A_295 = arith.constant 1 : i32
    %scan3A_296:10 = scf.for %scan3A_398 = %scan3A_292 to %scan3A_294 step %scan3A_295 iter_args(%scan3A_399 = %mul3A_16, %scan3A_400 = %broadcast_in_dim3A_9, %scan3A_401 = %broadcast_in_dim3A_9, %scan3A_402 = %broadcast_in_dim3A_3, %scan3A_403 = %broadcast_in_dim3A_3, %scan3A_404 = %broadcast_in_dim3A_9, %scan3A_405 = %broadcast_in_dim3A_3, %scan3A_406 = %broadcast_in_dim3A_3, %scan3A_407 = %broadcast_in_dim3A_3, %scan3A_408 = %broadcast_in_dim3A_13) -> (vector<16xi32>, vector<16xf32>, vector<16xf32>, vector<16xf32>, vector<16xf32>, vector<16xf32>, vector<16xf32>, vector<16xf32>, vector<16xf32>, vector<16xf32>)  : i32 {
      %gather3A_409 = tpu.vector_load_idx %arg7[%scan3A_399] : memref<8192xf32, #tpu.memory_space<vmem>>[vector<16xi32>], vector<16xf32>,
      %ge3A = arith.cmpf oge, %gather3A_409, %broadcast_in_dim3A_3 : vector<16xf32>
      %gt3A_410 = arith.cmpf ogt, %gather3A_409, %broadcast_in_dim3A_3 : vector<16xf32>
      %gt3A_411 = arith.cmpf ogt, %scan3A_400, %broadcast_in_dim3A_7 : vector<16xf32>
      %and3A_412 = arith.andi %ge3A, %gt3A_411 : vector<16xi1>
      %lt3A_413 = arith.cmpf olt, %scan3A_401, %scan3A_404 : vector<16xf32>
      %and3A_414 = arith.andi %and3A_412, %lt3A_413 : vector<16xi1>
      %select_n3A_415 = arith.select %and3A_414, %scan3A_401, %scan3A_404 : vector<16xi1>, vector<16xf32>
      %select_n3A_416 = arith.select %and3A_414, %scan3A_402, %scan3A_405 : vector<16xi1>, vector<16xf32>
      %select_n3A_417 = arith.select %and3A_414, %scan3A_403, %scan3A_406 : vector<16xi1>, vector<16xf32>
      %select_n3A_418 = arith.select %ge3A, %broadcast_in_dim3A_5, %broadcast_in_dim3A_3 : vector<16xi1>, vector<16xf32>
      %select_n3A_419 = arith.select %gt3A_410, %gather3A_409, %broadcast_in_dim3A_3 : vector<16xi1>, vector<16xf32>
      %select_n3A_420 = arith.select %gt3A_410, %broadcast_in_dim3A_5, %broadcast_in_dim3A_3 : vector<16xi1>, vector<16xf32>
      %add3A_421 = arith.addf %scan3A_401, %select_n3A_418 : vector<16xf32>
      %select_n3A_422 = arith.select %and3A_412, %broadcast_in_dim3A_5, %add3A_421 : vector<16xi1>, vector<16xf32>
      %add3A_423 = arith.addf %scan3A_402, %select_n3A_419 : vector<16xf32>
      %select_n3A_424 = arith.select %and3A_412, %select_n3A_419, %add3A_423 : vector<16xi1>, vector<16xf32>
      %add3A_425 = arith.addf %scan3A_403, %select_n3A_420 : vector<16xf32>
      %select_n3A_426 = arith.select %and3A_412, %select_n3A_420, %add3A_425 : vector<16xi1>, vector<16xf32>
      %select_n3A_427 = arith.select %and3A_412, %broadcast_in_dim3A_5, %broadcast_in_dim3A_3 : vector<16xi1>, vector<16xf32>
      %add3A_428 = arith.addf %scan3A_407, %select_n3A_427 : vector<16xf32>
      %max3A_429 = arith.maximumf %scan3A_408, %gather3A_409 : vector<16xf32>
      %add3A_430 = arith.addf %scan3A_400, %broadcast_in_dim3A_5 : vector<16xf32>
      %select_n3A_431 = arith.select %ge3A, %broadcast_in_dim3A_5, %add3A_430 : vector<16xi1>, vector<16xf32>
      %add3A_432 = arith.constant 1 : i32
      %add3A_433 = vector.broadcast %add3A_432 : i32 to vector<16xi32>
      %add3A_434 = arith.addi %scan3A_399, %add3A_433 : vector<16xi32>
      %gather3A_435 = tpu.vector_load_idx %arg7[%add3A_434] : memref<8192xf32, #tpu.memory_space<vmem>>[vector<16xi32>], vector<16xf32>,
      %ge3A_436 = arith.cmpf oge, %gather3A_435, %broadcast_in_dim3A_3 : vector<16xf32>
      %gt3A_437 = arith.cmpf ogt, %gather3A_435, %broadcast_in_dim3A_3 : vector<16xf32>
      %gt3A_438 = arith.cmpf ogt, %select_n3A_431, %broadcast_in_dim3A_7 : vector<16xf32>
      %and3A_439 = arith.andi %ge3A_436, %gt3A_438 : vector<16xi1>
      %lt3A_440 = arith.cmpf olt, %select_n3A_422, %select_n3A_415 : vector<16xf32>
      %and3A_441 = arith.andi %and3A_439, %lt3A_440 : vector<16xi1>
      %select_n3A_442 = arith.select %and3A_441, %select_n3A_422, %select_n3A_415 : vector<16xi1>, vector<16xf32>
      %select_n3A_443 = arith.select %and3A_441, %select_n3A_424, %select_n3A_416 : vector<16xi1>, vector<16xf32>
      %select_n3A_444 = arith.select %and3A_441, %select_n3A_426, %select_n3A_417 : vector<16xi1>, vector<16xf32>
      %select_n3A_445 = arith.select %ge3A_436, %broadcast_in_dim3A_5, %broadcast_in_dim3A_3 : vector<16xi1>, vector<16xf32>
      %select_n3A_446 = arith.select %gt3A_437, %gather3A_435, %broadcast_in_dim3A_3 : vector<16xi1>, vector<16xf32>
      %select_n3A_447 = arith.select %gt3A_437, %broadcast_in_dim3A_5, %broadcast_in_dim3A_3 : vector<16xi1>, vector<16xf32>
      %add3A_448 = arith.addf %select_n3A_422, %select_n3A_445 : vector<16xf32>
      %select_n3A_449 = arith.select %and3A_439, %broadcast_in_dim3A_5, %add3A_448 : vector<16xi1>, vector<16xf32>
      %add3A_450 = arith.addf %select_n3A_424, %select_n3A_446 : vector<16xf32>
      %select_n3A_451 = arith.select %and3A_439, %select_n3A_446, %add3A_450 : vector<16xi1>, vector<16xf32>
      %add3A_452 = arith.addf %select_n3A_426, %select_n3A_447 : vector<16xf32>
      %select_n3A_453 = arith.select %and3A_439, %select_n3A_447, %add3A_452 : vector<16xi1>, vector<16xf32>
      %select_n3A_454 = arith.select %and3A_439, %broadcast_in_dim3A_5, %broadcast_in_dim3A_3 : vector<16xi1>, vector<16xf32>
      %add3A_455 = arith.addf %add3A_428, %select_n3A_454 : vector<16xf32>
      %max3A_456 = arith.maximumf %max3A_429, %gather3A_435 : vector<16xf32>
      %add3A_457 = arith.addf %select_n3A_431, %broadcast_in_dim3A_5 : vector<16xf32>
      %select_n3A_458 = arith.select %ge3A_436, %broadcast_in_dim3A_5, %add3A_457 : vector<16xi1>, vector<16xf32>
      %add3A_459 = arith.constant 1 : i32
      %add3A_460 = vector.broadcast %add3A_459 : i32 to vector<16xi32>
      %add3A_461 = arith.addi %add3A_434, %add3A_460 : vector<16xi32>
      %gather3A_462 = tpu.vector_load_idx %arg7[%add3A_461] : memref<8192xf32, #tpu.memory_space<vmem>>[vector<16xi32>], vector<16xf32>,
      %ge3A_463 = arith.cmpf oge, %gather3A_462, %broadcast_in_dim3A_3 : vector<16xf32>
      %gt3A_464 = arith.cmpf ogt, %gather3A_462, %broadcast_in_dim3A_3 : vector<16xf32>
      %gt3A_465 = arith.cmpf ogt, %select_n3A_458, %broadcast_in_dim3A_7 : vector<16xf32>
      %and3A_466 = arith.andi %ge3A_463, %gt3A_465 : vector<16xi1>
      %lt3A_467 = arith.cmpf olt, %select_n3A_449, %select_n3A_442 : vector<16xf32>
      %and3A_468 = arith.andi %and3A_466, %lt3A_467 : vector<16xi1>
      %select_n3A_469 = arith.select %and3A_468, %select_n3A_449, %select_n3A_442 : vector<16xi1>, vector<16xf32>
      %select_n3A_470 = arith.select %and3A_468, %select_n3A_451, %select_n3A_443 : vector<16xi1>, vector<16xf32>
      %select_n3A_471 = arith.select %and3A_468, %select_n3A_453, %select_n3A_444 : vector<16xi1>, vector<16xf32>
      %select_n3A_472 = arith.select %ge3A_463, %broadcast_in_dim3A_5, %broadcast_in_dim3A_3 : vector<16xi1>, vector<16xf32>
      %select_n3A_473 = arith.select %gt3A_464, %gather3A_462, %broadcast_in_dim3A_3 : vector<16xi1>, vector<16xf32>
      %select_n3A_474 = arith.select %gt3A_464, %broadcast_in_dim3A_5, %broadcast_in_dim3A_3 : vector<16xi1>, vector<16xf32>
      %add3A_475 = arith.addf %select_n3A_449, %select_n3A_472 : vector<16xf32>
      %select_n3A_476 = arith.select %and3A_466, %broadcast_in_dim3A_5, %add3A_475 : vector<16xi1>, vector<16xf32>
      %add3A_477 = arith.addf %select_n3A_451, %select_n3A_473 : vector<16xf32>
      %select_n3A_478 = arith.select %and3A_466, %select_n3A_473, %add3A_477 : vector<16xi1>, vector<16xf32>
      %add3A_479 = arith.addf %select_n3A_453, %select_n3A_474 : vector<16xf32>
      %select_n3A_480 = arith.select %and3A_466, %select_n3A_474, %add3A_479 : vector<16xi1>, vector<16xf32>
      %select_n3A_481 = arith.select %and3A_466, %broadcast_in_dim3A_5, %broadcast_in_dim3A_3 : vector<16xi1>, vector<16xf32>
      %add3A_482 = arith.addf %add3A_455, %select_n3A_481 : vector<16xf32>
      %max3A_483 = arith.maximumf %max3A_456, %gather3A_462 : vector<16xf32>
      %add3A_484 = arith.addf %select_n3A_458, %broadcast_in_dim3A_5 : vector<16xf32>
      %select_n3A_485 = arith.select %ge3A_463, %broadcast_in_dim3A_5, %add3A_484 : vector<16xi1>, vector<16xf32>
      %add3A_486 = arith.constant 1 : i32
      %add3A_487 = vector.broadcast %add3A_486 : i32 to vector<16xi32>
      %add3A_488 = arith.addi %add3A_461, %add3A_487 : vector<16xi32>
      %gather3A_489 = tpu.vector_load_idx %arg7[%add3A_488] : memref<8192xf32, #tpu.memory_space<vmem>>[vector<16xi32>], vector<16xf32>,
      %ge3A_490 = arith.cmpf oge, %gather3A_489, %broadcast_in_dim3A_3 : vector<16xf32>
      %gt3A_491 = arith.cmpf ogt, %gather3A_489, %broadcast_in_dim3A_3 : vector<16xf32>
      %gt3A_492 = arith.cmpf ogt, %select_n3A_485, %broadcast_in_dim3A_7 : vector<16xf32>
      %and3A_493 = arith.andi %ge3A_490, %gt3A_492 : vector<16xi1>
      %lt3A_494 = arith.cmpf olt, %select_n3A_476, %select_n3A_469 : vector<16xf32>
      %and3A_495 = arith.andi %and3A_493, %lt3A_494 : vector<16xi1>
      %select_n3A_496 = arith.select %and3A_495, %select_n3A_476, %select_n3A_469 : vector<16xi1>, vector<16xf32>
      %select_n3A_497 = arith.select %and3A_495, %select_n3A_478, %select_n3A_470 : vector<16xi1>, vector<16xf32>
      %select_n3A_498 = arith.select %and3A_495, %select_n3A_480, %select_n3A_471 : vector<16xi1>, vector<16xf32>
      %select_n3A_499 = arith.select %ge3A_490, %broadcast_in_dim3A_5, %broadcast_in_dim3A_3 : vector<16xi1>, vector<16xf32>
      %select_n3A_500 = arith.select %gt3A_491, %gather3A_489, %broadcast_in_dim3A_3 : vector<16xi1>, vector<16xf32>
      %select_n3A_501 = arith.select %gt3A_491, %broadcast_in_dim3A_5, %broadcast_in_dim3A_3 : vector<16xi1>, vector<16xf32>
      %add3A_502 = arith.addf %select_n3A_476, %select_n3A_499 : vector<16xf32>
      %select_n3A_503 = arith.select %and3A_493, %broadcast_in_dim3A_5, %add3A_502 : vector<16xi1>, vector<16xf32>
      %add3A_504 = arith.addf %select_n3A_478, %select_n3A_500 : vector<16xf32>
      %select_n3A_505 = arith.select %and3A_493, %select_n3A_500, %add3A_504 : vector<16xi1>, vector<16xf32>
      %add3A_506 = arith.addf %select_n3A_480, %select_n3A_501 : vector<16xf32>
      %select_n3A_507 = arith.select %and3A_493, %select_n3A_501, %add3A_506 : vector<16xi1>, vector<16xf32>
      %select_n3A_508 = arith.select %and3A_493, %broadcast_in_dim3A_5, %broadcast_in_dim3A_3 : vector<16xi1>, vector<16xf32>
      %add3A_509 = arith.addf %add3A_482, %select_n3A_508 : vector<16xf32>
      %max3A_510 = arith.maximumf %max3A_483, %gather3A_489 : vector<16xf32>
      %add3A_511 = arith.addf %select_n3A_485, %broadcast_in_dim3A_5 : vector<16xf32>
      %select_n3A_512 = arith.select %ge3A_490, %broadcast_in_dim3A_5, %add3A_511 : vector<16xi1>, vector<16xf32>
      %add3A_513 = arith.constant 1 : i32
      %add3A_514 = vector.broadcast %add3A_513 : i32 to vector<16xi32>
      %add3A_515 = arith.addi %add3A_488, %add3A_514 : vector<16xi32>
      %gather3A_516 = tpu.vector_load_idx %arg7[%add3A_515] : memref<8192xf32, #tpu.memory_space<vmem>>[vector<16xi32>], vector<16xf32>,
      %ge3A_517 = arith.cmpf oge, %gather3A_516, %broadcast_in_dim3A_3 : vector<16xf32>
      %gt3A_518 = arith.cmpf ogt, %gather3A_516, %broadcast_in_dim3A_3 : vector<16xf32>
      %gt3A_519 = arith.cmpf ogt, %select_n3A_512, %broadcast_in_dim3A_7 : vector<16xf32>
      %and3A_520 = arith.andi %ge3A_517, %gt3A_519 : vector<16xi1>
      %lt3A_521 = arith.cmpf olt, %select_n3A_503, %select_n3A_496 : vector<16xf32>
      %and3A_522 = arith.andi %and3A_520, %lt3A_521 : vector<16xi1>
      %select_n3A_523 = arith.select %and3A_522, %select_n3A_503, %select_n3A_496 : vector<16xi1>, vector<16xf32>
      %select_n3A_524 = arith.select %and3A_522, %select_n3A_505, %select_n3A_497 : vector<16xi1>, vector<16xf32>
      %select_n3A_525 = arith.select %and3A_522, %select_n3A_507, %select_n3A_498 : vector<16xi1>, vector<16xf32>
      %select_n3A_526 = arith.select %ge3A_517, %broadcast_in_dim3A_5, %broadcast_in_dim3A_3 : vector<16xi1>, vector<16xf32>
      %select_n3A_527 = arith.select %gt3A_518, %gather3A_516, %broadcast_in_dim3A_3 : vector<16xi1>, vector<16xf32>
      %select_n3A_528 = arith.select %gt3A_518, %broadcast_in_dim3A_5, %broadcast_in_dim3A_3 : vector<16xi1>, vector<16xf32>
      %add3A_529 = arith.addf %select_n3A_503, %select_n3A_526 : vector<16xf32>
      %select_n3A_530 = arith.select %and3A_520, %broadcast_in_dim3A_5, %add3A_529 : vector<16xi1>, vector<16xf32>
      %add3A_531 = arith.addf %select_n3A_505, %select_n3A_527 : vector<16xf32>
      %select_n3A_532 = arith.select %and3A_520, %select_n3A_527, %add3A_531 : vector<16xi1>, vector<16xf32>
      %add3A_533 = arith.addf %select_n3A_507, %select_n3A_528 : vector<16xf32>
      %select_n3A_534 = arith.select %and3A_520, %select_n3A_528, %add3A_533 : vector<16xi1>, vector<16xf32>
      %select_n3A_535 = arith.select %and3A_520, %broadcast_in_dim3A_5, %broadcast_in_dim3A_3 : vector<16xi1>, vector<16xf32>
      %add3A_536 = arith.addf %add3A_509, %select_n3A_535 : vector<16xf32>
      %max3A_537 = arith.maximumf %max3A_510, %gather3A_516 : vector<16xf32>
      %add3A_538 = arith.addf %select_n3A_512, %broadcast_in_dim3A_5 : vector<16xf32>
      %select_n3A_539 = arith.select %ge3A_517, %broadcast_in_dim3A_5, %add3A_538 : vector<16xi1>, vector<16xf32>
      %add3A_540 = arith.constant 1 : i32
      %add3A_541 = vector.broadcast %add3A_540 : i32 to vector<16xi32>
      %add3A_542 = arith.addi %add3A_515, %add3A_541 : vector<16xi32>
      %gather3A_543 = tpu.vector_load_idx %arg7[%add3A_542] : memref<8192xf32, #tpu.memory_space<vmem>>[vector<16xi32>], vector<16xf32>,
      %ge3A_544 = arith.cmpf oge, %gather3A_543, %broadcast_in_dim3A_3 : vector<16xf32>
      %gt3A_545 = arith.cmpf ogt, %gather3A_543, %broadcast_in_dim3A_3 : vector<16xf32>
      %gt3A_546 = arith.cmpf ogt, %select_n3A_539, %broadcast_in_dim3A_7 : vector<16xf32>
      %and3A_547 = arith.andi %ge3A_544, %gt3A_546 : vector<16xi1>
      %lt3A_548 = arith.cmpf olt, %select_n3A_530, %select_n3A_523 : vector<16xf32>
      %and3A_549 = arith.andi %and3A_547, %lt3A_548 : vector<16xi1>
      %select_n3A_550 = arith.select %and3A_549, %select_n3A_530, %select_n3A_523 : vector<16xi1>, vector<16xf32>
      %select_n3A_551 = arith.select %and3A_549, %select_n3A_532, %select_n3A_524 : vector<16xi1>, vector<16xf32>
      %select_n3A_552 = arith.select %and3A_549, %select_n3A_534, %select_n3A_525 : vector<16xi1>, vector<16xf32>
      %select_n3A_553 = arith.select %ge3A_544, %broadcast_in_dim3A_5, %broadcast_in_dim3A_3 : vector<16xi1>, vector<16xf32>
      %select_n3A_554 = arith.select %gt3A_545, %gather3A_543, %broadcast_in_dim3A_3 : vector<16xi1>, vector<16xf32>
      %select_n3A_555 = arith.select %gt3A_545, %broadcast_in_dim3A_5, %broadcast_in_dim3A_3 : vector<16xi1>, vector<16xf32>
      %add3A_556 = arith.addf %select_n3A_530, %select_n3A_553 : vector<16xf32>
      %select_n3A_557 = arith.select %and3A_547, %broadcast_in_dim3A_5, %add3A_556 : vector<16xi1>, vector<16xf32>
      %add3A_558 = arith.addf %select_n3A_532, %select_n3A_554 : vector<16xf32>
      %select_n3A_559 = arith.select %and3A_547, %select_n3A_554, %add3A_558 : vector<16xi1>, vector<16xf32>
      %add3A_560 = arith.addf %select_n3A_534, %select_n3A_555 : vector<16xf32>
      %select_n3A_561 = arith.select %and3A_547, %select_n3A_555, %add3A_560 : vector<16xi1>, vector<16xf32>
      %select_n3A_562 = arith.select %and3A_547, %broadcast_in_dim3A_5, %broadcast_in_dim3A_3 : vector<16xi1>, vector<16xf32>
      %add3A_563 = arith.addf %add3A_536, %select_n3A_562 : vector<16xf32>
      %max3A_564 = arith.maximumf %max3A_537, %gather3A_543 : vector<16xf32>
      %add3A_565 = arith.addf %select_n3A_539, %broadcast_in_dim3A_5 : vector<16xf32>
      %select_n3A_566 = arith.select %ge3A_544, %broadcast_in_dim3A_5, %add3A_565 : vector<16xi1>, vector<16xf32>
      %add3A_567 = arith.constant 1 : i32
      %add3A_568 = vector.broadcast %add3A_567 : i32 to vector<16xi32>
      %add3A_569 = arith.addi %add3A_542, %add3A_568 : vector<16xi32>
      %gather3A_570 = tpu.vector_load_idx %arg7[%add3A_569] : memref<8192xf32, #tpu.memory_space<vmem>>[vector<16xi32>], vector<16xf32>,
      %ge3A_571 = arith.cmpf oge, %gather3A_570, %broadcast_in_dim3A_3 : vector<16xf32>
      %gt3A_572 = arith.cmpf ogt, %gather3A_570, %broadcast_in_dim3A_3 : vector<16xf32>
      %gt3A_573 = arith.cmpf ogt, %select_n3A_566, %broadcast_in_dim3A_7 : vector<16xf32>
      %and3A_574 = arith.andi %ge3A_571, %gt3A_573 : vector<16xi1>
      %lt3A_575 = arith.cmpf olt, %select_n3A_557, %select_n3A_550 : vector<16xf32>
      %and3A_576 = arith.andi %and3A_574, %lt3A_575 : vector<16xi1>
      %select_n3A_577 = arith.select %and3A_576, %select_n3A_557, %select_n3A_550 : vector<16xi1>, vector<16xf32>
      %select_n3A_578 = arith.select %and3A_576, %select_n3A_559, %select_n3A_551 : vector<16xi1>, vector<16xf32>
      %select_n3A_579 = arith.select %and3A_576, %select_n3A_561, %select_n3A_552 : vector<16xi1>, vector<16xf32>
      %select_n3A_580 = arith.select %ge3A_571, %broadcast_in_dim3A_5, %broadcast_in_dim3A_3 : vector<16xi1>, vector<16xf32>
      %select_n3A_581 = arith.select %gt3A_572, %gather3A_570, %broadcast_in_dim3A_3 : vector<16xi1>, vector<16xf32>
      %select_n3A_582 = arith.select %gt3A_572, %broadcast_in_dim3A_5, %broadcast_in_dim3A_3 : vector<16xi1>, vector<16xf32>
      %add3A_583 = arith.addf %select_n3A_557, %select_n3A_580 : vector<16xf32>
      %select_n3A_584 = arith.select %and3A_574, %broadcast_in_dim3A_5, %add3A_583 : vector<16xi1>, vector<16xf32>
      %add3A_585 = arith.addf %select_n3A_559, %select_n3A_581 : vector<16xf32>
      %select_n3A_586 = arith.select %and3A_574, %select_n3A_581, %add3A_585 : vector<16xi1>, vector<16xf32>
      %add3A_587 = arith.addf %select_n3A_561, %select_n3A_582 : vector<16xf32>
      %select_n3A_588 = arith.select %and3A_574, %select_n3A_582, %add3A_587 : vector<16xi1>, vector<16xf32>
      %select_n3A_589 = arith.select %and3A_574, %broadcast_in_dim3A_5, %broadcast_in_dim3A_3 : vector<16xi1>, vector<16xf32>
      %add3A_590 = arith.addf %add3A_563, %select_n3A_589 : vector<16xf32>
      %max3A_591 = arith.maximumf %max3A_564, %gather3A_570 : vector<16xf32>
      %add3A_592 = arith.addf %select_n3A_566, %broadcast_in_dim3A_5 : vector<16xf32>
      %select_n3A_593 = arith.select %ge3A_571, %broadcast_in_dim3A_5, %add3A_592 : vector<16xi1>, vector<16xf32>
      %add3A_594 = arith.constant 1 : i32
      %add3A_595 = vector.broadcast %add3A_594 : i32 to vector<16xi32>
      %add3A_596 = arith.addi %add3A_569, %add3A_595 : vector<16xi32>
      %gather3A_597 = tpu.vector_load_idx %arg7[%add3A_596] : memref<8192xf32, #tpu.memory_space<vmem>>[vector<16xi32>], vector<16xf32>,
      %ge3A_598 = arith.cmpf oge, %gather3A_597, %broadcast_in_dim3A_3 : vector<16xf32>
      %gt3A_599 = arith.cmpf ogt, %gather3A_597, %broadcast_in_dim3A_3 : vector<16xf32>
      %gt3A_600 = arith.cmpf ogt, %select_n3A_593, %broadcast_in_dim3A_7 : vector<16xf32>
      %and3A_601 = arith.andi %ge3A_598, %gt3A_600 : vector<16xi1>
      %lt3A_602 = arith.cmpf olt, %select_n3A_584, %select_n3A_577 : vector<16xf32>
      %and3A_603 = arith.andi %and3A_601, %lt3A_602 : vector<16xi1>
      %select_n3A_604 = arith.select %and3A_603, %select_n3A_584, %select_n3A_577 : vector<16xi1>, vector<16xf32>
      %select_n3A_605 = arith.select %and3A_603, %select_n3A_586, %select_n3A_578 : vector<16xi1>, vector<16xf32>
      %select_n3A_606 = arith.select %and3A_603, %select_n3A_588, %select_n3A_579 : vector<16xi1>, vector<16xf32>
      %select_n3A_607 = arith.select %ge3A_598, %broadcast_in_dim3A_5, %broadcast_in_dim3A_3 : vector<16xi1>, vector<16xf32>
      %select_n3A_608 = arith.select %gt3A_599, %gather3A_597, %broadcast_in_dim3A_3 : vector<16xi1>, vector<16xf32>
      %select_n3A_609 = arith.select %gt3A_599, %broadcast_in_dim3A_5, %broadcast_in_dim3A_3 : vector<16xi1>, vector<16xf32>
      %add3A_610 = arith.addf %select_n3A_584, %select_n3A_607 : vector<16xf32>
      %select_n3A_611 = arith.select %and3A_601, %broadcast_in_dim3A_5, %add3A_610 : vector<16xi1>, vector<16xf32>
      %add3A_612 = arith.addf %select_n3A_586, %select_n3A_608 : vector<16xf32>
      %select_n3A_613 = arith.select %and3A_601, %select_n3A_608, %add3A_612 : vector<16xi1>, vector<16xf32>
      %add3A_614 = arith.addf %select_n3A_588, %select_n3A_609 : vector<16xf32>
      %select_n3A_615 = arith.select %and3A_601, %select_n3A_609, %add3A_614 : vector<16xi1>, vector<16xf32>
      %select_n3A_616 = arith.select %and3A_601, %broadcast_in_dim3A_5, %broadcast_in_dim3A_3 : vector<16xi1>, vector<16xf32>
      %add3A_617 = arith.addf %add3A_590, %select_n3A_616 : vector<16xf32>
      %max3A_618 = arith.maximumf %max3A_591, %gather3A_597 : vector<16xf32>
      %add3A_619 = arith.addf %select_n3A_593, %broadcast_in_dim3A_5 : vector<16xf32>
      %select_n3A_620 = arith.select %ge3A_598, %broadcast_in_dim3A_5, %add3A_619 : vector<16xi1>, vector<16xf32>
      %add3A_621 = arith.constant 1 : i32
      %add3A_622 = vector.broadcast %add3A_621 : i32 to vector<16xi32>
      %add3A_623 = arith.addi %add3A_596, %add3A_622 : vector<16xi32>
      scf.yield %add3A_623, %select_n3A_620, %select_n3A_611, %select_n3A_613, %select_n3A_615, %select_n3A_604, %select_n3A_605, %select_n3A_606, %add3A_617, %max3A_618 : vector<16xi32>, vector<16xf32>, vector<16xf32>, vector<16xf32>, vector<16xf32>, vector<16xf32>, vector<16xf32>, vector<16xf32>, vector<16xf32>, vector<16xf32>
    }
    %scan3A_297 = arith.constant 64 : i32
    %add3A_298 = arith.constant 112 : i32
    %add3A_299 = vector.broadcast %add3A_298 : i32 to vector<16xi32>
    %add3A_300 = arith.addi %iota3A, %add3A_299 : vector<16xi32>
    %lt3A_301 = arith.cmpf olt, %scan3A_296#2, %scan3A_296#5 : vector<16xf32>
    %select_n3A_302 = arith.select %lt3A_301, %scan3A_296#3, %scan3A_296#6 : vector<16xi1>, vector<16xf32>
    %select_n3A_303 = arith.select %lt3A_301, %scan3A_296#4, %scan3A_296#7 : vector<16xi1>, vector<16xf32>
    %gather3A_304 = tpu.vector_load_idx %arg8[%add3A_300] : memref<160xf32, #tpu.memory_space<vmem>>[vector<16xi32>], vector<16xf32>,
    %gt3A_305 = arith.cmpf ogt, %gather3A_304, %broadcast_in_dim3A_11 : vector<16xf32>
    %gt3A_306 = arith.cmpf ogt, %scan3A_296#8, %broadcast_in_dim3A_11 : vector<16xf32>
    %gt3A_307 = arith.cmpf ogt, %select_n3A_303, %broadcast_in_dim3A_3 : vector<16xf32>
    %max3A_308 = arith.maximumf %select_n3A_303, %broadcast_in_dim3A_5 : vector<16xf32>
    %div3A_309 = arith.divf %select_n3A_302, %max3A_308 : vector<16xf32>
    %select_n3A_310 = arith.select %gt3A_307, %div3A_309, %broadcast_in_dim3A_3 : vector<16xi1>, vector<16xf32>
    %not3A_311 = arith.constant dense<true> : vector<16xi1>
    %not3A_312 = arith.xori %gt3A_306, %not3A_311 : vector<16xi1>
    %and3A_313 = arith.andi %gt3A_305, %not3A_312 : vector<16xi1>
    %neg3A_314 = arith.constant 0.000000e+00 : f32
    %neg3A_315 = vector.broadcast %neg3A_314 : f32 to vector<16xf32>
    %neg3A_316 = arith.subf %neg3A_315, %scan3A_296#9 : vector<16xf32>
    %not3A_317 = arith.constant dense<true> : vector<16xi1>
    %not3A_318 = arith.xori %gt3A_305, %not3A_317 : vector<16xi1>
    %and3A_319 = arith.andi %not3A_318, %gt3A_306 : vector<16xi1>
    %select_n3A_320 = arith.select %and3A_319, %select_n3A_310, %broadcast_in_dim3A_3 : vector<16xi1>, vector<16xf32>
    %select_n3A_321 = arith.select %and3A_313, %neg3A_316, %select_n3A_320 : vector<16xi1>, vector<16xf32>
    tpu.vector_store_idx %arg9[%add3A_300], %scan3A_296#8 : memref<160xf32, #tpu.memory_space<vmem>>[vector<16xi32>], vector<16xf32>,
    %add3A_322 = arith.addf %add3A_283, %select_n3A_321 : vector<16xf32>
    %dma_wait3A_323 = tpu.memref_slice %arg2[%mul3A_289] : memref<2621440xf32, #tpu.memory_space<hbm>> -> memref<8192xf32, #tpu.memory_space<hbm>>
    %dma_wait3A_324 = tpu.memref_slice %arg2[%mul3A_289] : memref<2621440xf32, #tpu.memory_space<hbm>> -> memref<8192xf32, #tpu.memory_space<hbm>>
    tpu.wait_dma2 semaphore(%arg11 : memref<!tpu.dma_semaphore, #tpu.memory_space<semaphore_mem>>) src(%dma_wait3A_324 : memref<8192xf32, #tpu.memory_space<hbm>>) dst(%arg6 : memref<8192xf32, #tpu.memory_space<vmem>>)
    %add3A_325 = arith.constant 144 : i32
    %add3A_326 = arith.addi %mul3A_2, %add3A_325 : i32
    %mul3A_327 = arith.constant 512 : i32
    %mul3A_328 = arith.muli %add3A_326, %mul3A_327 : i32
    %dma_start3A_329 = tpu.memref_slice %arg2[%mul3A_328] : memref<2621440xf32, #tpu.memory_space<hbm>> -> memref<8192xf32, #tpu.memory_space<hbm>>
    %dma_start3A_330 = tpu.memref_slice %arg2[%mul3A_328] : memref<2621440xf32, #tpu.memory_space<hbm>> -> memref<8192xf32, #tpu.memory_space<hbm>>
    tpu.enqueue_dma source(%dma_start3A_330 : memref<8192xf32, #tpu.memory_space<hbm>>) target(%arg7 : memref<8192xf32, #tpu.memory_space<vmem>>) target_semaphore(%arg12 : memref<!tpu.dma_semaphore, #tpu.memory_space<semaphore_mem>>)
    %scan3A_331 = arith.constant 0 : i32
    %scan3A_332 = arith.constant 64 : i32
    %scan3A_333 = arith.addi %scan3A_331, %scan3A_332 : i32
    %scan3A_334 = arith.constant 1 : i32
    %scan3A_335:10 = scf.for %scan3A_398 = %scan3A_331 to %scan3A_333 step %scan3A_334 iter_args(%scan3A_399 = %mul3A_16, %scan3A_400 = %broadcast_in_dim3A_9, %scan3A_401 = %broadcast_in_dim3A_9, %scan3A_402 = %broadcast_in_dim3A_3, %scan3A_403 = %broadcast_in_dim3A_3, %scan3A_404 = %broadcast_in_dim3A_9, %scan3A_405 = %broadcast_in_dim3A_3, %scan3A_406 = %broadcast_in_dim3A_3, %scan3A_407 = %broadcast_in_dim3A_3, %scan3A_408 = %broadcast_in_dim3A_13) -> (vector<16xi32>, vector<16xf32>, vector<16xf32>, vector<16xf32>, vector<16xf32>, vector<16xf32>, vector<16xf32>, vector<16xf32>, vector<16xf32>, vector<16xf32>)  : i32 {
      %gather3A_409 = tpu.vector_load_idx %arg6[%scan3A_399] : memref<8192xf32, #tpu.memory_space<vmem>>[vector<16xi32>], vector<16xf32>,
      %ge3A = arith.cmpf oge, %gather3A_409, %broadcast_in_dim3A_3 : vector<16xf32>
      %gt3A_410 = arith.cmpf ogt, %gather3A_409, %broadcast_in_dim3A_3 : vector<16xf32>
      %gt3A_411 = arith.cmpf ogt, %scan3A_400, %broadcast_in_dim3A_7 : vector<16xf32>
      %and3A_412 = arith.andi %ge3A, %gt3A_411 : vector<16xi1>
      %lt3A_413 = arith.cmpf olt, %scan3A_401, %scan3A_404 : vector<16xf32>
      %and3A_414 = arith.andi %and3A_412, %lt3A_413 : vector<16xi1>
      %select_n3A_415 = arith.select %and3A_414, %scan3A_401, %scan3A_404 : vector<16xi1>, vector<16xf32>
      %select_n3A_416 = arith.select %and3A_414, %scan3A_402, %scan3A_405 : vector<16xi1>, vector<16xf32>
      %select_n3A_417 = arith.select %and3A_414, %scan3A_403, %scan3A_406 : vector<16xi1>, vector<16xf32>
      %select_n3A_418 = arith.select %ge3A, %broadcast_in_dim3A_5, %broadcast_in_dim3A_3 : vector<16xi1>, vector<16xf32>
      %select_n3A_419 = arith.select %gt3A_410, %gather3A_409, %broadcast_in_dim3A_3 : vector<16xi1>, vector<16xf32>
      %select_n3A_420 = arith.select %gt3A_410, %broadcast_in_dim3A_5, %broadcast_in_dim3A_3 : vector<16xi1>, vector<16xf32>
      %add3A_421 = arith.addf %scan3A_401, %select_n3A_418 : vector<16xf32>
      %select_n3A_422 = arith.select %and3A_412, %broadcast_in_dim3A_5, %add3A_421 : vector<16xi1>, vector<16xf32>
      %add3A_423 = arith.addf %scan3A_402, %select_n3A_419 : vector<16xf32>
      %select_n3A_424 = arith.select %and3A_412, %select_n3A_419, %add3A_423 : vector<16xi1>, vector<16xf32>
      %add3A_425 = arith.addf %scan3A_403, %select_n3A_420 : vector<16xf32>
      %select_n3A_426 = arith.select %and3A_412, %select_n3A_420, %add3A_425 : vector<16xi1>, vector<16xf32>
      %select_n3A_427 = arith.select %and3A_412, %broadcast_in_dim3A_5, %broadcast_in_dim3A_3 : vector<16xi1>, vector<16xf32>
      %add3A_428 = arith.addf %scan3A_407, %select_n3A_427 : vector<16xf32>
      %max3A_429 = arith.maximumf %scan3A_408, %gather3A_409 : vector<16xf32>
      %add3A_430 = arith.addf %scan3A_400, %broadcast_in_dim3A_5 : vector<16xf32>
      %select_n3A_431 = arith.select %ge3A, %broadcast_in_dim3A_5, %add3A_430 : vector<16xi1>, vector<16xf32>
      %add3A_432 = arith.constant 1 : i32
      %add3A_433 = vector.broadcast %add3A_432 : i32 to vector<16xi32>
      %add3A_434 = arith.addi %scan3A_399, %add3A_433 : vector<16xi32>
      %gather3A_435 = tpu.vector_load_idx %arg6[%add3A_434] : memref<8192xf32, #tpu.memory_space<vmem>>[vector<16xi32>], vector<16xf32>,
      %ge3A_436 = arith.cmpf oge, %gather3A_435, %broadcast_in_dim3A_3 : vector<16xf32>
      %gt3A_437 = arith.cmpf ogt, %gather3A_435, %broadcast_in_dim3A_3 : vector<16xf32>
      %gt3A_438 = arith.cmpf ogt, %select_n3A_431, %broadcast_in_dim3A_7 : vector<16xf32>
      %and3A_439 = arith.andi %ge3A_436, %gt3A_438 : vector<16xi1>
      %lt3A_440 = arith.cmpf olt, %select_n3A_422, %select_n3A_415 : vector<16xf32>
      %and3A_441 = arith.andi %and3A_439, %lt3A_440 : vector<16xi1>
      %select_n3A_442 = arith.select %and3A_441, %select_n3A_422, %select_n3A_415 : vector<16xi1>, vector<16xf32>
      %select_n3A_443 = arith.select %and3A_441, %select_n3A_424, %select_n3A_416 : vector<16xi1>, vector<16xf32>
      %select_n3A_444 = arith.select %and3A_441, %select_n3A_426, %select_n3A_417 : vector<16xi1>, vector<16xf32>
      %select_n3A_445 = arith.select %ge3A_436, %broadcast_in_dim3A_5, %broadcast_in_dim3A_3 : vector<16xi1>, vector<16xf32>
      %select_n3A_446 = arith.select %gt3A_437, %gather3A_435, %broadcast_in_dim3A_3 : vector<16xi1>, vector<16xf32>
      %select_n3A_447 = arith.select %gt3A_437, %broadcast_in_dim3A_5, %broadcast_in_dim3A_3 : vector<16xi1>, vector<16xf32>
      %add3A_448 = arith.addf %select_n3A_422, %select_n3A_445 : vector<16xf32>
      %select_n3A_449 = arith.select %and3A_439, %broadcast_in_dim3A_5, %add3A_448 : vector<16xi1>, vector<16xf32>
      %add3A_450 = arith.addf %select_n3A_424, %select_n3A_446 : vector<16xf32>
      %select_n3A_451 = arith.select %and3A_439, %select_n3A_446, %add3A_450 : vector<16xi1>, vector<16xf32>
      %add3A_452 = arith.addf %select_n3A_426, %select_n3A_447 : vector<16xf32>
      %select_n3A_453 = arith.select %and3A_439, %select_n3A_447, %add3A_452 : vector<16xi1>, vector<16xf32>
      %select_n3A_454 = arith.select %and3A_439, %broadcast_in_dim3A_5, %broadcast_in_dim3A_3 : vector<16xi1>, vector<16xf32>
      %add3A_455 = arith.addf %add3A_428, %select_n3A_454 : vector<16xf32>
      %max3A_456 = arith.maximumf %max3A_429, %gather3A_435 : vector<16xf32>
      %add3A_457 = arith.addf %select_n3A_431, %broadcast_in_dim3A_5 : vector<16xf32>
      %select_n3A_458 = arith.select %ge3A_436, %broadcast_in_dim3A_5, %add3A_457 : vector<16xi1>, vector<16xf32>
      %add3A_459 = arith.constant 1 : i32
      %add3A_460 = vector.broadcast %add3A_459 : i32 to vector<16xi32>
      %add3A_461 = arith.addi %add3A_434, %add3A_460 : vector<16xi32>
      %gather3A_462 = tpu.vector_load_idx %arg6[%add3A_461] : memref<8192xf32, #tpu.memory_space<vmem>>[vector<16xi32>], vector<16xf32>,
      %ge3A_463 = arith.cmpf oge, %gather3A_462, %broadcast_in_dim3A_3 : vector<16xf32>
      %gt3A_464 = arith.cmpf ogt, %gather3A_462, %broadcast_in_dim3A_3 : vector<16xf32>
      %gt3A_465 = arith.cmpf ogt, %select_n3A_458, %broadcast_in_dim3A_7 : vector<16xf32>
      %and3A_466 = arith.andi %ge3A_463, %gt3A_465 : vector<16xi1>
      %lt3A_467 = arith.cmpf olt, %select_n3A_449, %select_n3A_442 : vector<16xf32>
      %and3A_468 = arith.andi %and3A_466, %lt3A_467 : vector<16xi1>
      %select_n3A_469 = arith.select %and3A_468, %select_n3A_449, %select_n3A_442 : vector<16xi1>, vector<16xf32>
      %select_n3A_470 = arith.select %and3A_468, %select_n3A_451, %select_n3A_443 : vector<16xi1>, vector<16xf32>
      %select_n3A_471 = arith.select %and3A_468, %select_n3A_453, %select_n3A_444 : vector<16xi1>, vector<16xf32>
      %select_n3A_472 = arith.select %ge3A_463, %broadcast_in_dim3A_5, %broadcast_in_dim3A_3 : vector<16xi1>, vector<16xf32>
      %select_n3A_473 = arith.select %gt3A_464, %gather3A_462, %broadcast_in_dim3A_3 : vector<16xi1>, vector<16xf32>
      %select_n3A_474 = arith.select %gt3A_464, %broadcast_in_dim3A_5, %broadcast_in_dim3A_3 : vector<16xi1>, vector<16xf32>
      %add3A_475 = arith.addf %select_n3A_449, %select_n3A_472 : vector<16xf32>
      %select_n3A_476 = arith.select %and3A_466, %broadcast_in_dim3A_5, %add3A_475 : vector<16xi1>, vector<16xf32>
      %add3A_477 = arith.addf %select_n3A_451, %select_n3A_473 : vector<16xf32>
      %select_n3A_478 = arith.select %and3A_466, %select_n3A_473, %add3A_477 : vector<16xi1>, vector<16xf32>
      %add3A_479 = arith.addf %select_n3A_453, %select_n3A_474 : vector<16xf32>
      %select_n3A_480 = arith.select %and3A_466, %select_n3A_474, %add3A_479 : vector<16xi1>, vector<16xf32>
      %select_n3A_481 = arith.select %and3A_466, %broadcast_in_dim3A_5, %broadcast_in_dim3A_3 : vector<16xi1>, vector<16xf32>
      %add3A_482 = arith.addf %add3A_455, %select_n3A_481 : vector<16xf32>
      %max3A_483 = arith.maximumf %max3A_456, %gather3A_462 : vector<16xf32>
      %add3A_484 = arith.addf %select_n3A_458, %broadcast_in_dim3A_5 : vector<16xf32>
      %select_n3A_485 = arith.select %ge3A_463, %broadcast_in_dim3A_5, %add3A_484 : vector<16xi1>, vector<16xf32>
      %add3A_486 = arith.constant 1 : i32
      %add3A_487 = vector.broadcast %add3A_486 : i32 to vector<16xi32>
      %add3A_488 = arith.addi %add3A_461, %add3A_487 : vector<16xi32>
      %gather3A_489 = tpu.vector_load_idx %arg6[%add3A_488] : memref<8192xf32, #tpu.memory_space<vmem>>[vector<16xi32>], vector<16xf32>,
      %ge3A_490 = arith.cmpf oge, %gather3A_489, %broadcast_in_dim3A_3 : vector<16xf32>
      %gt3A_491 = arith.cmpf ogt, %gather3A_489, %broadcast_in_dim3A_3 : vector<16xf32>
      %gt3A_492 = arith.cmpf ogt, %select_n3A_485, %broadcast_in_dim3A_7 : vector<16xf32>
      %and3A_493 = arith.andi %ge3A_490, %gt3A_492 : vector<16xi1>
      %lt3A_494 = arith.cmpf olt, %select_n3A_476, %select_n3A_469 : vector<16xf32>
      %and3A_495 = arith.andi %and3A_493, %lt3A_494 : vector<16xi1>
      %select_n3A_496 = arith.select %and3A_495, %select_n3A_476, %select_n3A_469 : vector<16xi1>, vector<16xf32>
      %select_n3A_497 = arith.select %and3A_495, %select_n3A_478, %select_n3A_470 : vector<16xi1>, vector<16xf32>
      %select_n3A_498 = arith.select %and3A_495, %select_n3A_480, %select_n3A_471 : vector<16xi1>, vector<16xf32>
      %select_n3A_499 = arith.select %ge3A_490, %broadcast_in_dim3A_5, %broadcast_in_dim3A_3 : vector<16xi1>, vector<16xf32>
      %select_n3A_500 = arith.select %gt3A_491, %gather3A_489, %broadcast_in_dim3A_3 : vector<16xi1>, vector<16xf32>
      %select_n3A_501 = arith.select %gt3A_491, %broadcast_in_dim3A_5, %broadcast_in_dim3A_3 : vector<16xi1>, vector<16xf32>
      %add3A_502 = arith.addf %select_n3A_476, %select_n3A_499 : vector<16xf32>
      %select_n3A_503 = arith.select %and3A_493, %broadcast_in_dim3A_5, %add3A_502 : vector<16xi1>, vector<16xf32>
      %add3A_504 = arith.addf %select_n3A_478, %select_n3A_500 : vector<16xf32>
      %select_n3A_505 = arith.select %and3A_493, %select_n3A_500, %add3A_504 : vector<16xi1>, vector<16xf32>
      %add3A_506 = arith.addf %select_n3A_480, %select_n3A_501 : vector<16xf32>
      %select_n3A_507 = arith.select %and3A_493, %select_n3A_501, %add3A_506 : vector<16xi1>, vector<16xf32>
      %select_n3A_508 = arith.select %and3A_493, %broadcast_in_dim3A_5, %broadcast_in_dim3A_3 : vector<16xi1>, vector<16xf32>
      %add3A_509 = arith.addf %add3A_482, %select_n3A_508 : vector<16xf32>
      %max3A_510 = arith.maximumf %max3A_483, %gather3A_489 : vector<16xf32>
      %add3A_511 = arith.addf %select_n3A_485, %broadcast_in_dim3A_5 : vector<16xf32>
      %select_n3A_512 = arith.select %ge3A_490, %broadcast_in_dim3A_5, %add3A_511 : vector<16xi1>, vector<16xf32>
      %add3A_513 = arith.constant 1 : i32
      %add3A_514 = vector.broadcast %add3A_513 : i32 to vector<16xi32>
      %add3A_515 = arith.addi %add3A_488, %add3A_514 : vector<16xi32>
      %gather3A_516 = tpu.vector_load_idx %arg6[%add3A_515] : memref<8192xf32, #tpu.memory_space<vmem>>[vector<16xi32>], vector<16xf32>,
      %ge3A_517 = arith.cmpf oge, %gather3A_516, %broadcast_in_dim3A_3 : vector<16xf32>
      %gt3A_518 = arith.cmpf ogt, %gather3A_516, %broadcast_in_dim3A_3 : vector<16xf32>
      %gt3A_519 = arith.cmpf ogt, %select_n3A_512, %broadcast_in_dim3A_7 : vector<16xf32>
      %and3A_520 = arith.andi %ge3A_517, %gt3A_519 : vector<16xi1>
      %lt3A_521 = arith.cmpf olt, %select_n3A_503, %select_n3A_496 : vector<16xf32>
      %and3A_522 = arith.andi %and3A_520, %lt3A_521 : vector<16xi1>
      %select_n3A_523 = arith.select %and3A_522, %select_n3A_503, %select_n3A_496 : vector<16xi1>, vector<16xf32>
      %select_n3A_524 = arith.select %and3A_522, %select_n3A_505, %select_n3A_497 : vector<16xi1>, vector<16xf32>
      %select_n3A_525 = arith.select %and3A_522, %select_n3A_507, %select_n3A_498 : vector<16xi1>, vector<16xf32>
      %select_n3A_526 = arith.select %ge3A_517, %broadcast_in_dim3A_5, %broadcast_in_dim3A_3 : vector<16xi1>, vector<16xf32>
      %select_n3A_527 = arith.select %gt3A_518, %gather3A_516, %broadcast_in_dim3A_3 : vector<16xi1>, vector<16xf32>
      %select_n3A_528 = arith.select %gt3A_518, %broadcast_in_dim3A_5, %broadcast_in_dim3A_3 : vector<16xi1>, vector<16xf32>
      %add3A_529 = arith.addf %select_n3A_503, %select_n3A_526 : vector<16xf32>
      %select_n3A_530 = arith.select %and3A_520, %broadcast_in_dim3A_5, %add3A_529 : vector<16xi1>, vector<16xf32>
      %add3A_531 = arith.addf %select_n3A_505, %select_n3A_527 : vector<16xf32>
      %select_n3A_532 = arith.select %and3A_520, %select_n3A_527, %add3A_531 : vector<16xi1>, vector<16xf32>
      %add3A_533 = arith.addf %select_n3A_507, %select_n3A_528 : vector<16xf32>
      %select_n3A_534 = arith.select %and3A_520, %select_n3A_528, %add3A_533 : vector<16xi1>, vector<16xf32>
      %select_n3A_535 = arith.select %and3A_520, %broadcast_in_dim3A_5, %broadcast_in_dim3A_3 : vector<16xi1>, vector<16xf32>
      %add3A_536 = arith.addf %add3A_509, %select_n3A_535 : vector<16xf32>
      %max3A_537 = arith.maximumf %max3A_510, %gather3A_516 : vector<16xf32>
      %add3A_538 = arith.addf %select_n3A_512, %broadcast_in_dim3A_5 : vector<16xf32>
      %select_n3A_539 = arith.select %ge3A_517, %broadcast_in_dim3A_5, %add3A_538 : vector<16xi1>, vector<16xf32>
      %add3A_540 = arith.constant 1 : i32
      %add3A_541 = vector.broadcast %add3A_540 : i32 to vector<16xi32>
      %add3A_542 = arith.addi %add3A_515, %add3A_541 : vector<16xi32>
      %gather3A_543 = tpu.vector_load_idx %arg6[%add3A_542] : memref<8192xf32, #tpu.memory_space<vmem>>[vector<16xi32>], vector<16xf32>,
      %ge3A_544 = arith.cmpf oge, %gather3A_543, %broadcast_in_dim3A_3 : vector<16xf32>
      %gt3A_545 = arith.cmpf ogt, %gather3A_543, %broadcast_in_dim3A_3 : vector<16xf32>
      %gt3A_546 = arith.cmpf ogt, %select_n3A_539, %broadcast_in_dim3A_7 : vector<16xf32>
      %and3A_547 = arith.andi %ge3A_544, %gt3A_546 : vector<16xi1>
      %lt3A_548 = arith.cmpf olt, %select_n3A_530, %select_n3A_523 : vector<16xf32>
      %and3A_549 = arith.andi %and3A_547, %lt3A_548 : vector<16xi1>
      %select_n3A_550 = arith.select %and3A_549, %select_n3A_530, %select_n3A_523 : vector<16xi1>, vector<16xf32>
      %select_n3A_551 = arith.select %and3A_549, %select_n3A_532, %select_n3A_524 : vector<16xi1>, vector<16xf32>
      %select_n3A_552 = arith.select %and3A_549, %select_n3A_534, %select_n3A_525 : vector<16xi1>, vector<16xf32>
      %select_n3A_553 = arith.select %ge3A_544, %broadcast_in_dim3A_5, %broadcast_in_dim3A_3 : vector<16xi1>, vector<16xf32>
      %select_n3A_554 = arith.select %gt3A_545, %gather3A_543, %broadcast_in_dim3A_3 : vector<16xi1>, vector<16xf32>
      %select_n3A_555 = arith.select %gt3A_545, %broadcast_in_dim3A_5, %broadcast_in_dim3A_3 : vector<16xi1>, vector<16xf32>
      %add3A_556 = arith.addf %select_n3A_530, %select_n3A_553 : vector<16xf32>
      %select_n3A_557 = arith.select %and3A_547, %broadcast_in_dim3A_5, %add3A_556 : vector<16xi1>, vector<16xf32>
      %add3A_558 = arith.addf %select_n3A_532, %select_n3A_554 : vector<16xf32>
      %select_n3A_559 = arith.select %and3A_547, %select_n3A_554, %add3A_558 : vector<16xi1>, vector<16xf32>
      %add3A_560 = arith.addf %select_n3A_534, %select_n3A_555 : vector<16xf32>
      %select_n3A_561 = arith.select %and3A_547, %select_n3A_555, %add3A_560 : vector<16xi1>, vector<16xf32>
      %select_n3A_562 = arith.select %and3A_547, %broadcast_in_dim3A_5, %broadcast_in_dim3A_3 : vector<16xi1>, vector<16xf32>
      %add3A_563 = arith.addf %add3A_536, %select_n3A_562 : vector<16xf32>
      %max3A_564 = arith.maximumf %max3A_537, %gather3A_543 : vector<16xf32>
      %add3A_565 = arith.addf %select_n3A_539, %broadcast_in_dim3A_5 : vector<16xf32>
      %select_n3A_566 = arith.select %ge3A_544, %broadcast_in_dim3A_5, %add3A_565 : vector<16xi1>, vector<16xf32>
      %add3A_567 = arith.constant 1 : i32
      %add3A_568 = vector.broadcast %add3A_567 : i32 to vector<16xi32>
      %add3A_569 = arith.addi %add3A_542, %add3A_568 : vector<16xi32>
      %gather3A_570 = tpu.vector_load_idx %arg6[%add3A_569] : memref<8192xf32, #tpu.memory_space<vmem>>[vector<16xi32>], vector<16xf32>,
      %ge3A_571 = arith.cmpf oge, %gather3A_570, %broadcast_in_dim3A_3 : vector<16xf32>
      %gt3A_572 = arith.cmpf ogt, %gather3A_570, %broadcast_in_dim3A_3 : vector<16xf32>
      %gt3A_573 = arith.cmpf ogt, %select_n3A_566, %broadcast_in_dim3A_7 : vector<16xf32>
      %and3A_574 = arith.andi %ge3A_571, %gt3A_573 : vector<16xi1>
      %lt3A_575 = arith.cmpf olt, %select_n3A_557, %select_n3A_550 : vector<16xf32>
      %and3A_576 = arith.andi %and3A_574, %lt3A_575 : vector<16xi1>
      %select_n3A_577 = arith.select %and3A_576, %select_n3A_557, %select_n3A_550 : vector<16xi1>, vector<16xf32>
      %select_n3A_578 = arith.select %and3A_576, %select_n3A_559, %select_n3A_551 : vector<16xi1>, vector<16xf32>
      %select_n3A_579 = arith.select %and3A_576, %select_n3A_561, %select_n3A_552 : vector<16xi1>, vector<16xf32>
      %select_n3A_580 = arith.select %ge3A_571, %broadcast_in_dim3A_5, %broadcast_in_dim3A_3 : vector<16xi1>, vector<16xf32>
      %select_n3A_581 = arith.select %gt3A_572, %gather3A_570, %broadcast_in_dim3A_3 : vector<16xi1>, vector<16xf32>
      %select_n3A_582 = arith.select %gt3A_572, %broadcast_in_dim3A_5, %broadcast_in_dim3A_3 : vector<16xi1>, vector<16xf32>
      %add3A_583 = arith.addf %select_n3A_557, %select_n3A_580 : vector<16xf32>
      %select_n3A_584 = arith.select %and3A_574, %broadcast_in_dim3A_5, %add3A_583 : vector<16xi1>, vector<16xf32>
      %add3A_585 = arith.addf %select_n3A_559, %select_n3A_581 : vector<16xf32>
      %select_n3A_586 = arith.select %and3A_574, %select_n3A_581, %add3A_585 : vector<16xi1>, vector<16xf32>
      %add3A_587 = arith.addf %select_n3A_561, %select_n3A_582 : vector<16xf32>
      %select_n3A_588 = arith.select %and3A_574, %select_n3A_582, %add3A_587 : vector<16xi1>, vector<16xf32>
      %select_n3A_589 = arith.select %and3A_574, %broadcast_in_dim3A_5, %broadcast_in_dim3A_3 : vector<16xi1>, vector<16xf32>
      %add3A_590 = arith.addf %add3A_563, %select_n3A_589 : vector<16xf32>
      %max3A_591 = arith.maximumf %max3A_564, %gather3A_570 : vector<16xf32>
      %add3A_592 = arith.addf %select_n3A_566, %broadcast_in_dim3A_5 : vector<16xf32>
      %select_n3A_593 = arith.select %ge3A_571, %broadcast_in_dim3A_5, %add3A_592 : vector<16xi1>, vector<16xf32>
      %add3A_594 = arith.constant 1 : i32
      %add3A_595 = vector.broadcast %add3A_594 : i32 to vector<16xi32>
      %add3A_596 = arith.addi %add3A_569, %add3A_595 : vector<16xi32>
      %gather3A_597 = tpu.vector_load_idx %arg6[%add3A_596] : memref<8192xf32, #tpu.memory_space<vmem>>[vector<16xi32>], vector<16xf32>,
      %ge3A_598 = arith.cmpf oge, %gather3A_597, %broadcast_in_dim3A_3 : vector<16xf32>
      %gt3A_599 = arith.cmpf ogt, %gather3A_597, %broadcast_in_dim3A_3 : vector<16xf32>
      %gt3A_600 = arith.cmpf ogt, %select_n3A_593, %broadcast_in_dim3A_7 : vector<16xf32>
      %and3A_601 = arith.andi %ge3A_598, %gt3A_600 : vector<16xi1>
      %lt3A_602 = arith.cmpf olt, %select_n3A_584, %select_n3A_577 : vector<16xf32>
      %and3A_603 = arith.andi %and3A_601, %lt3A_602 : vector<16xi1>
      %select_n3A_604 = arith.select %and3A_603, %select_n3A_584, %select_n3A_577 : vector<16xi1>, vector<16xf32>
      %select_n3A_605 = arith.select %and3A_603, %select_n3A_586, %select_n3A_578 : vector<16xi1>, vector<16xf32>
      %select_n3A_606 = arith.select %and3A_603, %select_n3A_588, %select_n3A_579 : vector<16xi1>, vector<16xf32>
      %select_n3A_607 = arith.select %ge3A_598, %broadcast_in_dim3A_5, %broadcast_in_dim3A_3 : vector<16xi1>, vector<16xf32>
      %select_n3A_608 = arith.select %gt3A_599, %gather3A_597, %broadcast_in_dim3A_3 : vector<16xi1>, vector<16xf32>
      %select_n3A_609 = arith.select %gt3A_599, %broadcast_in_dim3A_5, %broadcast_in_dim3A_3 : vector<16xi1>, vector<16xf32>
      %add3A_610 = arith.addf %select_n3A_584, %select_n3A_607 : vector<16xf32>
      %select_n3A_611 = arith.select %and3A_601, %broadcast_in_dim3A_5, %add3A_610 : vector<16xi1>, vector<16xf32>
      %add3A_612 = arith.addf %select_n3A_586, %select_n3A_608 : vector<16xf32>
      %select_n3A_613 = arith.select %and3A_601, %select_n3A_608, %add3A_612 : vector<16xi1>, vector<16xf32>
      %add3A_614 = arith.addf %select_n3A_588, %select_n3A_609 : vector<16xf32>
      %select_n3A_615 = arith.select %and3A_601, %select_n3A_609, %add3A_614 : vector<16xi1>, vector<16xf32>
      %select_n3A_616 = arith.select %and3A_601, %broadcast_in_dim3A_5, %broadcast_in_dim3A_3 : vector<16xi1>, vector<16xf32>
      %add3A_617 = arith.addf %add3A_590, %select_n3A_616 : vector<16xf32>
      %max3A_618 = arith.maximumf %max3A_591, %gather3A_597 : vector<16xf32>
      %add3A_619 = arith.addf %select_n3A_593, %broadcast_in_dim3A_5 : vector<16xf32>
      %select_n3A_620 = arith.select %ge3A_598, %broadcast_in_dim3A_5, %add3A_619 : vector<16xi1>, vector<16xf32>
      %add3A_621 = arith.constant 1 : i32
      %add3A_622 = vector.broadcast %add3A_621 : i32 to vector<16xi32>
      %add3A_623 = arith.addi %add3A_596, %add3A_622 : vector<16xi32>
      scf.yield %add3A_623, %select_n3A_620, %select_n3A_611, %select_n3A_613, %select_n3A_615, %select_n3A_604, %select_n3A_605, %select_n3A_606, %add3A_617, %max3A_618 : vector<16xi32>, vector<16xf32>, vector<16xf32>, vector<16xf32>, vector<16xf32>, vector<16xf32>, vector<16xf32>, vector<16xf32>, vector<16xf32>, vector<16xf32>
    }
    %scan3A_336 = arith.constant 64 : i32
    %add3A_337 = arith.constant 128 : i32
    %add3A_338 = vector.broadcast %add3A_337 : i32 to vector<16xi32>
    %add3A_339 = arith.addi %iota3A, %add3A_338 : vector<16xi32>
    %lt3A_340 = arith.cmpf olt, %scan3A_335#2, %scan3A_335#5 : vector<16xf32>
    %select_n3A_341 = arith.select %lt3A_340, %scan3A_335#3, %scan3A_335#6 : vector<16xi1>, vector<16xf32>
    %select_n3A_342 = arith.select %lt3A_340, %scan3A_335#4, %scan3A_335#7 : vector<16xi1>, vector<16xf32>
    %gather3A_343 = tpu.vector_load_idx %arg8[%add3A_339] : memref<160xf32, #tpu.memory_space<vmem>>[vector<16xi32>], vector<16xf32>,
    %gt3A_344 = arith.cmpf ogt, %gather3A_343, %broadcast_in_dim3A_11 : vector<16xf32>
    %gt3A_345 = arith.cmpf ogt, %scan3A_335#8, %broadcast_in_dim3A_11 : vector<16xf32>
    %gt3A_346 = arith.cmpf ogt, %select_n3A_342, %broadcast_in_dim3A_3 : vector<16xf32>
    %max3A_347 = arith.maximumf %select_n3A_342, %broadcast_in_dim3A_5 : vector<16xf32>
    %div3A_348 = arith.divf %select_n3A_341, %max3A_347 : vector<16xf32>
    %select_n3A_349 = arith.select %gt3A_346, %div3A_348, %broadcast_in_dim3A_3 : vector<16xi1>, vector<16xf32>
    %not3A_350 = arith.constant dense<true> : vector<16xi1>
    %not3A_351 = arith.xori %gt3A_345, %not3A_350 : vector<16xi1>
    %and3A_352 = arith.andi %gt3A_344, %not3A_351 : vector<16xi1>
    %neg3A_353 = arith.constant 0.000000e+00 : f32
    %neg3A_354 = vector.broadcast %neg3A_353 : f32 to vector<16xf32>
    %neg3A_355 = arith.subf %neg3A_354, %scan3A_335#9 : vector<16xf32>
    %not3A_356 = arith.constant dense<true> : vector<16xi1>
    %not3A_357 = arith.xori %gt3A_344, %not3A_356 : vector<16xi1>
    %and3A_358 = arith.andi %not3A_357, %gt3A_345 : vector<16xi1>
    %select_n3A_359 = arith.select %and3A_358, %select_n3A_349, %broadcast_in_dim3A_3 : vector<16xi1>, vector<16xf32>
    %select_n3A_360 = arith.select %and3A_352, %neg3A_355, %select_n3A_359 : vector<16xi1>, vector<16xf32>
    tpu.vector_store_idx %arg9[%add3A_339], %scan3A_335#8 : memref<160xf32, #tpu.memory_space<vmem>>[vector<16xi32>], vector<16xf32>,
    %add3A_361 = arith.addf %add3A_322, %select_n3A_360 : vector<16xf32>
    %dma_wait3A_362 = tpu.memref_slice %arg2[%mul3A_328] : memref<2621440xf32, #tpu.memory_space<hbm>> -> memref<8192xf32, #tpu.memory_space<hbm>>
    %dma_wait3A_363 = tpu.memref_slice %arg2[%mul3A_328] : memref<2621440xf32, #tpu.memory_space<hbm>> -> memref<8192xf32, #tpu.memory_space<hbm>>
    tpu.wait_dma2 semaphore(%arg12 : memref<!tpu.dma_semaphore, #tpu.memory_space<semaphore_mem>>) src(%dma_wait3A_363 : memref<8192xf32, #tpu.memory_space<hbm>>) dst(%arg7 : memref<8192xf32, #tpu.memory_space<vmem>>)
    %scan3A_364 = arith.constant 0 : i32
    %scan3A_365 = arith.constant 64 : i32
    %scan3A_366 = arith.addi %scan3A_364, %scan3A_365 : i32
    %scan3A_367 = arith.constant 1 : i32
    %scan3A_368:10 = scf.for %scan3A_398 = %scan3A_364 to %scan3A_366 step %scan3A_367 iter_args(%scan3A_399 = %mul3A_16, %scan3A_400 = %broadcast_in_dim3A_9, %scan3A_401 = %broadcast_in_dim3A_9, %scan3A_402 = %broadcast_in_dim3A_3, %scan3A_403 = %broadcast_in_dim3A_3, %scan3A_404 = %broadcast_in_dim3A_9, %scan3A_405 = %broadcast_in_dim3A_3, %scan3A_406 = %broadcast_in_dim3A_3, %scan3A_407 = %broadcast_in_dim3A_3, %scan3A_408 = %broadcast_in_dim3A_13) -> (vector<16xi32>, vector<16xf32>, vector<16xf32>, vector<16xf32>, vector<16xf32>, vector<16xf32>, vector<16xf32>, vector<16xf32>, vector<16xf32>, vector<16xf32>)  : i32 {
      %gather3A_409 = tpu.vector_load_idx %arg7[%scan3A_399] : memref<8192xf32, #tpu.memory_space<vmem>>[vector<16xi32>], vector<16xf32>,
      %ge3A = arith.cmpf oge, %gather3A_409, %broadcast_in_dim3A_3 : vector<16xf32>
      %gt3A_410 = arith.cmpf ogt, %gather3A_409, %broadcast_in_dim3A_3 : vector<16xf32>
      %gt3A_411 = arith.cmpf ogt, %scan3A_400, %broadcast_in_dim3A_7 : vector<16xf32>
      %and3A_412 = arith.andi %ge3A, %gt3A_411 : vector<16xi1>
      %lt3A_413 = arith.cmpf olt, %scan3A_401, %scan3A_404 : vector<16xf32>
      %and3A_414 = arith.andi %and3A_412, %lt3A_413 : vector<16xi1>
      %select_n3A_415 = arith.select %and3A_414, %scan3A_401, %scan3A_404 : vector<16xi1>, vector<16xf32>
      %select_n3A_416 = arith.select %and3A_414, %scan3A_402, %scan3A_405 : vector<16xi1>, vector<16xf32>
      %select_n3A_417 = arith.select %and3A_414, %scan3A_403, %scan3A_406 : vector<16xi1>, vector<16xf32>
      %select_n3A_418 = arith.select %ge3A, %broadcast_in_dim3A_5, %broadcast_in_dim3A_3 : vector<16xi1>, vector<16xf32>
      %select_n3A_419 = arith.select %gt3A_410, %gather3A_409, %broadcast_in_dim3A_3 : vector<16xi1>, vector<16xf32>
      %select_n3A_420 = arith.select %gt3A_410, %broadcast_in_dim3A_5, %broadcast_in_dim3A_3 : vector<16xi1>, vector<16xf32>
      %add3A_421 = arith.addf %scan3A_401, %select_n3A_418 : vector<16xf32>
      %select_n3A_422 = arith.select %and3A_412, %broadcast_in_dim3A_5, %add3A_421 : vector<16xi1>, vector<16xf32>
      %add3A_423 = arith.addf %scan3A_402, %select_n3A_419 : vector<16xf32>
      %select_n3A_424 = arith.select %and3A_412, %select_n3A_419, %add3A_423 : vector<16xi1>, vector<16xf32>
      %add3A_425 = arith.addf %scan3A_403, %select_n3A_420 : vector<16xf32>
      %select_n3A_426 = arith.select %and3A_412, %select_n3A_420, %add3A_425 : vector<16xi1>, vector<16xf32>
      %select_n3A_427 = arith.select %and3A_412, %broadcast_in_dim3A_5, %broadcast_in_dim3A_3 : vector<16xi1>, vector<16xf32>
      %add3A_428 = arith.addf %scan3A_407, %select_n3A_427 : vector<16xf32>
      %max3A_429 = arith.maximumf %scan3A_408, %gather3A_409 : vector<16xf32>
      %add3A_430 = arith.addf %scan3A_400, %broadcast_in_dim3A_5 : vector<16xf32>
      %select_n3A_431 = arith.select %ge3A, %broadcast_in_dim3A_5, %add3A_430 : vector<16xi1>, vector<16xf32>
      %add3A_432 = arith.constant 1 : i32
      %add3A_433 = vector.broadcast %add3A_432 : i32 to vector<16xi32>
      %add3A_434 = arith.addi %scan3A_399, %add3A_433 : vector<16xi32>
      %gather3A_435 = tpu.vector_load_idx %arg7[%add3A_434] : memref<8192xf32, #tpu.memory_space<vmem>>[vector<16xi32>], vector<16xf32>,
      %ge3A_436 = arith.cmpf oge, %gather3A_435, %broadcast_in_dim3A_3 : vector<16xf32>
      %gt3A_437 = arith.cmpf ogt, %gather3A_435, %broadcast_in_dim3A_3 : vector<16xf32>
      %gt3A_438 = arith.cmpf ogt, %select_n3A_431, %broadcast_in_dim3A_7 : vector<16xf32>
      %and3A_439 = arith.andi %ge3A_436, %gt3A_438 : vector<16xi1>
      %lt3A_440 = arith.cmpf olt, %select_n3A_422, %select_n3A_415 : vector<16xf32>
      %and3A_441 = arith.andi %and3A_439, %lt3A_440 : vector<16xi1>
      %select_n3A_442 = arith.select %and3A_441, %select_n3A_422, %select_n3A_415 : vector<16xi1>, vector<16xf32>
      %select_n3A_443 = arith.select %and3A_441, %select_n3A_424, %select_n3A_416 : vector<16xi1>, vector<16xf32>
      %select_n3A_444 = arith.select %and3A_441, %select_n3A_426, %select_n3A_417 : vector<16xi1>, vector<16xf32>
      %select_n3A_445 = arith.select %ge3A_436, %broadcast_in_dim3A_5, %broadcast_in_dim3A_3 : vector<16xi1>, vector<16xf32>
      %select_n3A_446 = arith.select %gt3A_437, %gather3A_435, %broadcast_in_dim3A_3 : vector<16xi1>, vector<16xf32>
      %select_n3A_447 = arith.select %gt3A_437, %broadcast_in_dim3A_5, %broadcast_in_dim3A_3 : vector<16xi1>, vector<16xf32>
      %add3A_448 = arith.addf %select_n3A_422, %select_n3A_445 : vector<16xf32>
      %select_n3A_449 = arith.select %and3A_439, %broadcast_in_dim3A_5, %add3A_448 : vector<16xi1>, vector<16xf32>
      %add3A_450 = arith.addf %select_n3A_424, %select_n3A_446 : vector<16xf32>
      %select_n3A_451 = arith.select %and3A_439, %select_n3A_446, %add3A_450 : vector<16xi1>, vector<16xf32>
      %add3A_452 = arith.addf %select_n3A_426, %select_n3A_447 : vector<16xf32>
      %select_n3A_453 = arith.select %and3A_439, %select_n3A_447, %add3A_452 : vector<16xi1>, vector<16xf32>
      %select_n3A_454 = arith.select %and3A_439, %broadcast_in_dim3A_5, %broadcast_in_dim3A_3 : vector<16xi1>, vector<16xf32>
      %add3A_455 = arith.addf %add3A_428, %select_n3A_454 : vector<16xf32>
      %max3A_456 = arith.maximumf %max3A_429, %gather3A_435 : vector<16xf32>
      %add3A_457 = arith.addf %select_n3A_431, %broadcast_in_dim3A_5 : vector<16xf32>
      %select_n3A_458 = arith.select %ge3A_436, %broadcast_in_dim3A_5, %add3A_457 : vector<16xi1>, vector<16xf32>
      %add3A_459 = arith.constant 1 : i32
      %add3A_460 = vector.broadcast %add3A_459 : i32 to vector<16xi32>
      %add3A_461 = arith.addi %add3A_434, %add3A_460 : vector<16xi32>
      %gather3A_462 = tpu.vector_load_idx %arg7[%add3A_461] : memref<8192xf32, #tpu.memory_space<vmem>>[vector<16xi32>], vector<16xf32>,
      %ge3A_463 = arith.cmpf oge, %gather3A_462, %broadcast_in_dim3A_3 : vector<16xf32>
      %gt3A_464 = arith.cmpf ogt, %gather3A_462, %broadcast_in_dim3A_3 : vector<16xf32>
      %gt3A_465 = arith.cmpf ogt, %select_n3A_458, %broadcast_in_dim3A_7 : vector<16xf32>
      %and3A_466 = arith.andi %ge3A_463, %gt3A_465 : vector<16xi1>
      %lt3A_467 = arith.cmpf olt, %select_n3A_449, %select_n3A_442 : vector<16xf32>
      %and3A_468 = arith.andi %and3A_466, %lt3A_467 : vector<16xi1>
      %select_n3A_469 = arith.select %and3A_468, %select_n3A_449, %select_n3A_442 : vector<16xi1>, vector<16xf32>
      %select_n3A_470 = arith.select %and3A_468, %select_n3A_451, %select_n3A_443 : vector<16xi1>, vector<16xf32>
      %select_n3A_471 = arith.select %and3A_468, %select_n3A_453, %select_n3A_444 : vector<16xi1>, vector<16xf32>
      %select_n3A_472 = arith.select %ge3A_463, %broadcast_in_dim3A_5, %broadcast_in_dim3A_3 : vector<16xi1>, vector<16xf32>
      %select_n3A_473 = arith.select %gt3A_464, %gather3A_462, %broadcast_in_dim3A_3 : vector<16xi1>, vector<16xf32>
      %select_n3A_474 = arith.select %gt3A_464, %broadcast_in_dim3A_5, %broadcast_in_dim3A_3 : vector<16xi1>, vector<16xf32>
      %add3A_475 = arith.addf %select_n3A_449, %select_n3A_472 : vector<16xf32>
      %select_n3A_476 = arith.select %and3A_466, %broadcast_in_dim3A_5, %add3A_475 : vector<16xi1>, vector<16xf32>
      %add3A_477 = arith.addf %select_n3A_451, %select_n3A_473 : vector<16xf32>
      %select_n3A_478 = arith.select %and3A_466, %select_n3A_473, %add3A_477 : vector<16xi1>, vector<16xf32>
      %add3A_479 = arith.addf %select_n3A_453, %select_n3A_474 : vector<16xf32>
      %select_n3A_480 = arith.select %and3A_466, %select_n3A_474, %add3A_479 : vector<16xi1>, vector<16xf32>
      %select_n3A_481 = arith.select %and3A_466, %broadcast_in_dim3A_5, %broadcast_in_dim3A_3 : vector<16xi1>, vector<16xf32>
      %add3A_482 = arith.addf %add3A_455, %select_n3A_481 : vector<16xf32>
      %max3A_483 = arith.maximumf %max3A_456, %gather3A_462 : vector<16xf32>
      %add3A_484 = arith.addf %select_n3A_458, %broadcast_in_dim3A_5 : vector<16xf32>
      %select_n3A_485 = arith.select %ge3A_463, %broadcast_in_dim3A_5, %add3A_484 : vector<16xi1>, vector<16xf32>
      %add3A_486 = arith.constant 1 : i32
      %add3A_487 = vector.broadcast %add3A_486 : i32 to vector<16xi32>
      %add3A_488 = arith.addi %add3A_461, %add3A_487 : vector<16xi32>
      %gather3A_489 = tpu.vector_load_idx %arg7[%add3A_488] : memref<8192xf32, #tpu.memory_space<vmem>>[vector<16xi32>], vector<16xf32>,
      %ge3A_490 = arith.cmpf oge, %gather3A_489, %broadcast_in_dim3A_3 : vector<16xf32>
      %gt3A_491 = arith.cmpf ogt, %gather3A_489, %broadcast_in_dim3A_3 : vector<16xf32>
      %gt3A_492 = arith.cmpf ogt, %select_n3A_485, %broadcast_in_dim3A_7 : vector<16xf32>
      %and3A_493 = arith.andi %ge3A_490, %gt3A_492 : vector<16xi1>
      %lt3A_494 = arith.cmpf olt, %select_n3A_476, %select_n3A_469 : vector<16xf32>
      %and3A_495 = arith.andi %and3A_493, %lt3A_494 : vector<16xi1>
      %select_n3A_496 = arith.select %and3A_495, %select_n3A_476, %select_n3A_469 : vector<16xi1>, vector<16xf32>
      %select_n3A_497 = arith.select %and3A_495, %select_n3A_478, %select_n3A_470 : vector<16xi1>, vector<16xf32>
      %select_n3A_498 = arith.select %and3A_495, %select_n3A_480, %select_n3A_471 : vector<16xi1>, vector<16xf32>
      %select_n3A_499 = arith.select %ge3A_490, %broadcast_in_dim3A_5, %broadcast_in_dim3A_3 : vector<16xi1>, vector<16xf32>
      %select_n3A_500 = arith.select %gt3A_491, %gather3A_489, %broadcast_in_dim3A_3 : vector<16xi1>, vector<16xf32>
      %select_n3A_501 = arith.select %gt3A_491, %broadcast_in_dim3A_5, %broadcast_in_dim3A_3 : vector<16xi1>, vector<16xf32>
      %add3A_502 = arith.addf %select_n3A_476, %select_n3A_499 : vector<16xf32>
      %select_n3A_503 = arith.select %and3A_493, %broadcast_in_dim3A_5, %add3A_502 : vector<16xi1>, vector<16xf32>
      %add3A_504 = arith.addf %select_n3A_478, %select_n3A_500 : vector<16xf32>
      %select_n3A_505 = arith.select %and3A_493, %select_n3A_500, %add3A_504 : vector<16xi1>, vector<16xf32>
      %add3A_506 = arith.addf %select_n3A_480, %select_n3A_501 : vector<16xf32>
      %select_n3A_507 = arith.select %and3A_493, %select_n3A_501, %add3A_506 : vector<16xi1>, vector<16xf32>
      %select_n3A_508 = arith.select %and3A_493, %broadcast_in_dim3A_5, %broadcast_in_dim3A_3 : vector<16xi1>, vector<16xf32>
      %add3A_509 = arith.addf %add3A_482, %select_n3A_508 : vector<16xf32>
      %max3A_510 = arith.maximumf %max3A_483, %gather3A_489 : vector<16xf32>
      %add3A_511 = arith.addf %select_n3A_485, %broadcast_in_dim3A_5 : vector<16xf32>
      %select_n3A_512 = arith.select %ge3A_490, %broadcast_in_dim3A_5, %add3A_511 : vector<16xi1>, vector<16xf32>
      %add3A_513 = arith.constant 1 : i32
      %add3A_514 = vector.broadcast %add3A_513 : i32 to vector<16xi32>
      %add3A_515 = arith.addi %add3A_488, %add3A_514 : vector<16xi32>
      %gather3A_516 = tpu.vector_load_idx %arg7[%add3A_515] : memref<8192xf32, #tpu.memory_space<vmem>>[vector<16xi32>], vector<16xf32>,
      %ge3A_517 = arith.cmpf oge, %gather3A_516, %broadcast_in_dim3A_3 : vector<16xf32>
      %gt3A_518 = arith.cmpf ogt, %gather3A_516, %broadcast_in_dim3A_3 : vector<16xf32>
      %gt3A_519 = arith.cmpf ogt, %select_n3A_512, %broadcast_in_dim3A_7 : vector<16xf32>
      %and3A_520 = arith.andi %ge3A_517, %gt3A_519 : vector<16xi1>
      %lt3A_521 = arith.cmpf olt, %select_n3A_503, %select_n3A_496 : vector<16xf32>
      %and3A_522 = arith.andi %and3A_520, %lt3A_521 : vector<16xi1>
      %select_n3A_523 = arith.select %and3A_522, %select_n3A_503, %select_n3A_496 : vector<16xi1>, vector<16xf32>
      %select_n3A_524 = arith.select %and3A_522, %select_n3A_505, %select_n3A_497 : vector<16xi1>, vector<16xf32>
      %select_n3A_525 = arith.select %and3A_522, %select_n3A_507, %select_n3A_498 : vector<16xi1>, vector<16xf32>
      %select_n3A_526 = arith.select %ge3A_517, %broadcast_in_dim3A_5, %broadcast_in_dim3A_3 : vector<16xi1>, vector<16xf32>
      %select_n3A_527 = arith.select %gt3A_518, %gather3A_516, %broadcast_in_dim3A_3 : vector<16xi1>, vector<16xf32>
      %select_n3A_528 = arith.select %gt3A_518, %broadcast_in_dim3A_5, %broadcast_in_dim3A_3 : vector<16xi1>, vector<16xf32>
      %add3A_529 = arith.addf %select_n3A_503, %select_n3A_526 : vector<16xf32>
      %select_n3A_530 = arith.select %and3A_520, %broadcast_in_dim3A_5, %add3A_529 : vector<16xi1>, vector<16xf32>
      %add3A_531 = arith.addf %select_n3A_505, %select_n3A_527 : vector<16xf32>
      %select_n3A_532 = arith.select %and3A_520, %select_n3A_527, %add3A_531 : vector<16xi1>, vector<16xf32>
      %add3A_533 = arith.addf %select_n3A_507, %select_n3A_528 : vector<16xf32>
      %select_n3A_534 = arith.select %and3A_520, %select_n3A_528, %add3A_533 : vector<16xi1>, vector<16xf32>
      %select_n3A_535 = arith.select %and3A_520, %broadcast_in_dim3A_5, %broadcast_in_dim3A_3 : vector<16xi1>, vector<16xf32>
      %add3A_536 = arith.addf %add3A_509, %select_n3A_535 : vector<16xf32>
      %max3A_537 = arith.maximumf %max3A_510, %gather3A_516 : vector<16xf32>
      %add3A_538 = arith.addf %select_n3A_512, %broadcast_in_dim3A_5 : vector<16xf32>
      %select_n3A_539 = arith.select %ge3A_517, %broadcast_in_dim3A_5, %add3A_538 : vector<16xi1>, vector<16xf32>
      %add3A_540 = arith.constant 1 : i32
      %add3A_541 = vector.broadcast %add3A_540 : i32 to vector<16xi32>
      %add3A_542 = arith.addi %add3A_515, %add3A_541 : vector<16xi32>
      %gather3A_543 = tpu.vector_load_idx %arg7[%add3A_542] : memref<8192xf32, #tpu.memory_space<vmem>>[vector<16xi32>], vector<16xf32>,
      %ge3A_544 = arith.cmpf oge, %gather3A_543, %broadcast_in_dim3A_3 : vector<16xf32>
      %gt3A_545 = arith.cmpf ogt, %gather3A_543, %broadcast_in_dim3A_3 : vector<16xf32>
      %gt3A_546 = arith.cmpf ogt, %select_n3A_539, %broadcast_in_dim3A_7 : vector<16xf32>
      %and3A_547 = arith.andi %ge3A_544, %gt3A_546 : vector<16xi1>
      %lt3A_548 = arith.cmpf olt, %select_n3A_530, %select_n3A_523 : vector<16xf32>
      %and3A_549 = arith.andi %and3A_547, %lt3A_548 : vector<16xi1>
      %select_n3A_550 = arith.select %and3A_549, %select_n3A_530, %select_n3A_523 : vector<16xi1>, vector<16xf32>
      %select_n3A_551 = arith.select %and3A_549, %select_n3A_532, %select_n3A_524 : vector<16xi1>, vector<16xf32>
      %select_n3A_552 = arith.select %and3A_549, %select_n3A_534, %select_n3A_525 : vector<16xi1>, vector<16xf32>
      %select_n3A_553 = arith.select %ge3A_544, %broadcast_in_dim3A_5, %broadcast_in_dim3A_3 : vector<16xi1>, vector<16xf32>
      %select_n3A_554 = arith.select %gt3A_545, %gather3A_543, %broadcast_in_dim3A_3 : vector<16xi1>, vector<16xf32>
      %select_n3A_555 = arith.select %gt3A_545, %broadcast_in_dim3A_5, %broadcast_in_dim3A_3 : vector<16xi1>, vector<16xf32>
      %add3A_556 = arith.addf %select_n3A_530, %select_n3A_553 : vector<16xf32>
      %select_n3A_557 = arith.select %and3A_547, %broadcast_in_dim3A_5, %add3A_556 : vector<16xi1>, vector<16xf32>
      %add3A_558 = arith.addf %select_n3A_532, %select_n3A_554 : vector<16xf32>
      %select_n3A_559 = arith.select %and3A_547, %select_n3A_554, %add3A_558 : vector<16xi1>, vector<16xf32>
      %add3A_560 = arith.addf %select_n3A_534, %select_n3A_555 : vector<16xf32>
      %select_n3A_561 = arith.select %and3A_547, %select_n3A_555, %add3A_560 : vector<16xi1>, vector<16xf32>
      %select_n3A_562 = arith.select %and3A_547, %broadcast_in_dim3A_5, %broadcast_in_dim3A_3 : vector<16xi1>, vector<16xf32>
      %add3A_563 = arith.addf %add3A_536, %select_n3A_562 : vector<16xf32>
      %max3A_564 = arith.maximumf %max3A_537, %gather3A_543 : vector<16xf32>
      %add3A_565 = arith.addf %select_n3A_539, %broadcast_in_dim3A_5 : vector<16xf32>
      %select_n3A_566 = arith.select %ge3A_544, %broadcast_in_dim3A_5, %add3A_565 : vector<16xi1>, vector<16xf32>
      %add3A_567 = arith.constant 1 : i32
      %add3A_568 = vector.broadcast %add3A_567 : i32 to vector<16xi32>
      %add3A_569 = arith.addi %add3A_542, %add3A_568 : vector<16xi32>
      %gather3A_570 = tpu.vector_load_idx %arg7[%add3A_569] : memref<8192xf32, #tpu.memory_space<vmem>>[vector<16xi32>], vector<16xf32>,
      %ge3A_571 = arith.cmpf oge, %gather3A_570, %broadcast_in_dim3A_3 : vector<16xf32>
      %gt3A_572 = arith.cmpf ogt, %gather3A_570, %broadcast_in_dim3A_3 : vector<16xf32>
      %gt3A_573 = arith.cmpf ogt, %select_n3A_566, %broadcast_in_dim3A_7 : vector<16xf32>
      %and3A_574 = arith.andi %ge3A_571, %gt3A_573 : vector<16xi1>
      %lt3A_575 = arith.cmpf olt, %select_n3A_557, %select_n3A_550 : vector<16xf32>
      %and3A_576 = arith.andi %and3A_574, %lt3A_575 : vector<16xi1>
      %select_n3A_577 = arith.select %and3A_576, %select_n3A_557, %select_n3A_550 : vector<16xi1>, vector<16xf32>
      %select_n3A_578 = arith.select %and3A_576, %select_n3A_559, %select_n3A_551 : vector<16xi1>, vector<16xf32>
      %select_n3A_579 = arith.select %and3A_576, %select_n3A_561, %select_n3A_552 : vector<16xi1>, vector<16xf32>
      %select_n3A_580 = arith.select %ge3A_571, %broadcast_in_dim3A_5, %broadcast_in_dim3A_3 : vector<16xi1>, vector<16xf32>
      %select_n3A_581 = arith.select %gt3A_572, %gather3A_570, %broadcast_in_dim3A_3 : vector<16xi1>, vector<16xf32>
      %select_n3A_582 = arith.select %gt3A_572, %broadcast_in_dim3A_5, %broadcast_in_dim3A_3 : vector<16xi1>, vector<16xf32>
      %add3A_583 = arith.addf %select_n3A_557, %select_n3A_580 : vector<16xf32>
      %select_n3A_584 = arith.select %and3A_574, %broadcast_in_dim3A_5, %add3A_583 : vector<16xi1>, vector<16xf32>
      %add3A_585 = arith.addf %select_n3A_559, %select_n3A_581 : vector<16xf32>
      %select_n3A_586 = arith.select %and3A_574, %select_n3A_581, %add3A_585 : vector<16xi1>, vector<16xf32>
      %add3A_587 = arith.addf %select_n3A_561, %select_n3A_582 : vector<16xf32>
      %select_n3A_588 = arith.select %and3A_574, %select_n3A_582, %add3A_587 : vector<16xi1>, vector<16xf32>
      %select_n3A_589 = arith.select %and3A_574, %broadcast_in_dim3A_5, %broadcast_in_dim3A_3 : vector<16xi1>, vector<16xf32>
      %add3A_590 = arith.addf %add3A_563, %select_n3A_589 : vector<16xf32>
      %max3A_591 = arith.maximumf %max3A_564, %gather3A_570 : vector<16xf32>
      %add3A_592 = arith.addf %select_n3A_566, %broadcast_in_dim3A_5 : vector<16xf32>
      %select_n3A_593 = arith.select %ge3A_571, %broadcast_in_dim3A_5, %add3A_592 : vector<16xi1>, vector<16xf32>
      %add3A_594 = arith.constant 1 : i32
      %add3A_595 = vector.broadcast %add3A_594 : i32 to vector<16xi32>
      %add3A_596 = arith.addi %add3A_569, %add3A_595 : vector<16xi32>
      %gather3A_597 = tpu.vector_load_idx %arg7[%add3A_596] : memref<8192xf32, #tpu.memory_space<vmem>>[vector<16xi32>], vector<16xf32>,
      %ge3A_598 = arith.cmpf oge, %gather3A_597, %broadcast_in_dim3A_3 : vector<16xf32>
      %gt3A_599 = arith.cmpf ogt, %gather3A_597, %broadcast_in_dim3A_3 : vector<16xf32>
      %gt3A_600 = arith.cmpf ogt, %select_n3A_593, %broadcast_in_dim3A_7 : vector<16xf32>
      %and3A_601 = arith.andi %ge3A_598, %gt3A_600 : vector<16xi1>
      %lt3A_602 = arith.cmpf olt, %select_n3A_584, %select_n3A_577 : vector<16xf32>
      %and3A_603 = arith.andi %and3A_601, %lt3A_602 : vector<16xi1>
      %select_n3A_604 = arith.select %and3A_603, %select_n3A_584, %select_n3A_577 : vector<16xi1>, vector<16xf32>
      %select_n3A_605 = arith.select %and3A_603, %select_n3A_586, %select_n3A_578 : vector<16xi1>, vector<16xf32>
      %select_n3A_606 = arith.select %and3A_603, %select_n3A_588, %select_n3A_579 : vector<16xi1>, vector<16xf32>
      %select_n3A_607 = arith.select %ge3A_598, %broadcast_in_dim3A_5, %broadcast_in_dim3A_3 : vector<16xi1>, vector<16xf32>
      %select_n3A_608 = arith.select %gt3A_599, %gather3A_597, %broadcast_in_dim3A_3 : vector<16xi1>, vector<16xf32>
      %select_n3A_609 = arith.select %gt3A_599, %broadcast_in_dim3A_5, %broadcast_in_dim3A_3 : vector<16xi1>, vector<16xf32>
      %add3A_610 = arith.addf %select_n3A_584, %select_n3A_607 : vector<16xf32>
      %select_n3A_611 = arith.select %and3A_601, %broadcast_in_dim3A_5, %add3A_610 : vector<16xi1>, vector<16xf32>
      %add3A_612 = arith.addf %select_n3A_586, %select_n3A_608 : vector<16xf32>
      %select_n3A_613 = arith.select %and3A_601, %select_n3A_608, %add3A_612 : vector<16xi1>, vector<16xf32>
      %add3A_614 = arith.addf %select_n3A_588, %select_n3A_609 : vector<16xf32>
      %select_n3A_615 = arith.select %and3A_601, %select_n3A_609, %add3A_614 : vector<16xi1>, vector<16xf32>
      %select_n3A_616 = arith.select %and3A_601, %broadcast_in_dim3A_5, %broadcast_in_dim3A_3 : vector<16xi1>, vector<16xf32>
      %add3A_617 = arith.addf %add3A_590, %select_n3A_616 : vector<16xf32>
      %max3A_618 = arith.maximumf %max3A_591, %gather3A_597 : vector<16xf32>
      %add3A_619 = arith.addf %select_n3A_593, %broadcast_in_dim3A_5 : vector<16xf32>
      %select_n3A_620 = arith.select %ge3A_598, %broadcast_in_dim3A_5, %add3A_619 : vector<16xi1>, vector<16xf32>
      %add3A_621 = arith.constant 1 : i32
      %add3A_622 = vector.broadcast %add3A_621 : i32 to vector<16xi32>
      %add3A_623 = arith.addi %add3A_596, %add3A_622 : vector<16xi32>
      scf.yield %add3A_623, %select_n3A_620, %select_n3A_611, %select_n3A_613, %select_n3A_615, %select_n3A_604, %select_n3A_605, %select_n3A_606, %add3A_617, %max3A_618 : vector<16xi32>, vector<16xf32>, vector<16xf32>, vector<16xf32>, vector<16xf32>, vector<16xf32>, vector<16xf32>, vector<16xf32>, vector<16xf32>, vector<16xf32>
    }
    %scan3A_369 = arith.constant 64 : i32
    %add3A_370 = arith.constant 144 : i32
    %add3A_371 = vector.broadcast %add3A_370 : i32 to vector<16xi32>
    %add3A_372 = arith.addi %iota3A, %add3A_371 : vector<16xi32>
    %lt3A_373 = arith.cmpf olt, %scan3A_368#2, %scan3A_368#5 : vector<16xf32>
    %select_n3A_374 = arith.select %lt3A_373, %scan3A_368#3, %scan3A_368#6 : vector<16xi1>, vector<16xf32>
    %select_n3A_375 = arith.select %lt3A_373, %scan3A_368#4, %scan3A_368#7 : vector<16xi1>, vector<16xf32>
    %gather3A_376 = tpu.vector_load_idx %arg8[%add3A_372] : memref<160xf32, #tpu.memory_space<vmem>>[vector<16xi32>], vector<16xf32>,
    %gt3A_377 = arith.cmpf ogt, %gather3A_376, %broadcast_in_dim3A_11 : vector<16xf32>
    %gt3A_378 = arith.cmpf ogt, %scan3A_368#8, %broadcast_in_dim3A_11 : vector<16xf32>
    %gt3A_379 = arith.cmpf ogt, %select_n3A_375, %broadcast_in_dim3A_3 : vector<16xf32>
    %max3A_380 = arith.maximumf %select_n3A_375, %broadcast_in_dim3A_5 : vector<16xf32>
    %div3A_381 = arith.divf %select_n3A_374, %max3A_380 : vector<16xf32>
    %select_n3A_382 = arith.select %gt3A_379, %div3A_381, %broadcast_in_dim3A_3 : vector<16xi1>, vector<16xf32>
    %not3A_383 = arith.constant dense<true> : vector<16xi1>
    %not3A_384 = arith.xori %gt3A_378, %not3A_383 : vector<16xi1>
    %and3A_385 = arith.andi %gt3A_377, %not3A_384 : vector<16xi1>
    %neg3A_386 = arith.constant 0.000000e+00 : f32
    %neg3A_387 = vector.broadcast %neg3A_386 : f32 to vector<16xf32>
    %neg3A_388 = arith.subf %neg3A_387, %scan3A_368#9 : vector<16xf32>
    %not3A_389 = arith.constant dense<true> : vector<16xi1>
    %not3A_390 = arith.xori %gt3A_377, %not3A_389 : vector<16xi1>
    %and3A_391 = arith.andi %not3A_390, %gt3A_378 : vector<16xi1>
    %select_n3A_392 = arith.select %and3A_391, %select_n3A_382, %broadcast_in_dim3A_3 : vector<16xi1>, vector<16xf32>
    %select_n3A_393 = arith.select %and3A_385, %neg3A_388, %select_n3A_392 : vector<16xi1>, vector<16xf32>
    tpu.vector_store_idx %arg9[%add3A_372], %scan3A_368#8 : memref<160xf32, #tpu.memory_space<vmem>>[vector<16xi32>], vector<16xf32>,
    %add3A_394 = arith.addf %add3A_361, %select_n3A_393 : vector<16xf32>
    %swap3A = arith.constant 0 : index
    %swap3A_395 = tpu.vector_load %arg10[%swap3A] {strides = array<i32>} : memref<16xf32, #tpu.memory_space<vmem>>, vector<16xf32>,
    tpu.vector_store %arg10[%swap3A], %add3A_394 {strides = array<i32>} : memref<16xf32, #tpu.memory_space<vmem>>, vector<16xf32>,
    "tpu.region"() ({
      %run_scoped3A = tpu.sem_alloc : memref<!tpu.dma_semaphore, #tpu.memory_space<semaphore_mem>>
      %dma_start3A_398 = tpu.memref_slice %arg4[%mul3A_2] : memref<5120xf32, #tpu.memory_space<hbm>> -> memref<160xf32, #tpu.memory_space<hbm>>
      %dma_start3A_399 = tpu.memref_slice %arg4[%mul3A_2] : memref<5120xf32, #tpu.memory_space<hbm>> -> memref<160xf32, #tpu.memory_space<hbm>>
      tpu.enqueue_dma source(%arg9 : memref<160xf32, #tpu.memory_space<vmem>>) target(%dma_start3A_399 : memref<160xf32, #tpu.memory_space<hbm>>) target_semaphore(%run_scoped3A : memref<!tpu.dma_semaphore, #tpu.memory_space<semaphore_mem>>)
      %dma_wait3A_400 = tpu.memref_slice %arg4[%mul3A_2] : memref<5120xf32, #tpu.memory_space<hbm>> -> memref<160xf32, #tpu.memory_space<hbm>>
      %dma_wait3A_401 = tpu.memref_slice %arg4[%mul3A_2] : memref<5120xf32, #tpu.memory_space<hbm>> -> memref<160xf32, #tpu.memory_space<hbm>>
      tpu.wait_dma2 semaphore(%run_scoped3A : memref<!tpu.dma_semaphore, #tpu.memory_space<semaphore_mem>>) src(%arg9 : memref<160xf32, #tpu.memory_space<vmem>>) dst(%dma_wait3A_401 : memref<160xf32, #tpu.memory_space<hbm>>)
      tpu.yield
    }) : () -> ()
    %mul3A_396 = arith.constant 16 : i32
    %mul3A_397 = arith.muli %add3A, %mul3A_396 : i32
    "tpu.region"() ({
      %run_scoped3A = tpu.sem_alloc : memref<!tpu.dma_semaphore, #tpu.memory_space<semaphore_mem>>
      %dma_start3A_398 = tpu.memref_slice %arg5[%mul3A_397] : memref<512xf32, #tpu.memory_space<hbm>> -> memref<16xf32, #tpu.memory_space<hbm>>
      %dma_start3A_399 = tpu.memref_slice %arg5[%mul3A_397] : memref<512xf32, #tpu.memory_space<hbm>> -> memref<16xf32, #tpu.memory_space<hbm>>
      tpu.enqueue_dma source(%arg10 : memref<16xf32, #tpu.memory_space<vmem>>) target(%dma_start3A_399 : memref<16xf32, #tpu.memory_space<hbm>>) target_semaphore(%run_scoped3A : memref<!tpu.dma_semaphore, #tpu.memory_space<semaphore_mem>>)
      %dma_wait3A_400 = tpu.memref_slice %arg5[%mul3A_397] : memref<512xf32, #tpu.memory_space<hbm>> -> memref<16xf32, #tpu.memory_space<hbm>>
      %dma_wait3A_401 = tpu.memref_slice %arg5[%mul3A_397] : memref<512xf32, #tpu.memory_space<hbm>> -> memref<16xf32, #tpu.memory_space<hbm>>
      tpu.wait_dma2 semaphore(%run_scoped3A : memref<!tpu.dma_semaphore, #tpu.memory_space<semaphore_mem>>) src(%arg10 : memref<16xf32, #tpu.memory_space<vmem>>) dst(%dma_wait3A_401 : memref<16xf32, #tpu.memory_space<hbm>>)
      tpu.yield
    }) : () -> ()
    return
  }
}

module attributes {stable_mosaic.version = 14 : i64} {
  func.func @_stca_tc_block(%arg0: i32, %arg1: memref<512x512xf32, #tpu.memory_space<vmem>>, %arg2: memref<1x1x512xi32, #tpu.memory_space<vmem>>, %arg3: memref<1x1x512xf32, #tpu.memory_space<vmem>>, %arg4: memref<1x1xf32, #tpu.memory_space<vmem>>, %arg5: memref<512x1536xbf16, #tpu.memory_space<vmem>>) attributes {dimension_semantics = [#tpu.dimension_semantics<arbitrary>], iteration_bounds = array<i64: 10>, scalar_prefetch = 0 : i64, scratch_operands = 1 : i64, tpu.core_type = #tpu.core_type<tc>, window_params = [{transform_indices = @transform_0, window_bounds = array<i64: 512, 512>}, {transform_indices = @transform_1, window_bounds = array<i64: 1, 1, 512>}, {transform_indices = @transform_2, window_bounds = array<i64: 1, 1, 512>}, {pipeline_mode = #tpu.pipeline_mode<synchronous>, transform_indices = @transform_3, window_bounds = array<i64: 1, 1>}]} {
    %eq3A = arith.constant 0 : i32
    %eq3A_0 = arith.cmpi eq, %arg0, %eq3A : i32
    %convert_element_type3A = arith.extui %eq3A_0 : i1 to i32
    %cond3A = arith.constant 0 : i32
    %cond3A_1 = arith.cmpi ne, %convert_element_type3A, %cond3A : i32
    scf.if %cond3A_1 {
      %iota3A_157 = tpu.iota {dimensions = array<i32: 0>} : vector<512x512xi32>
      %iota3A_158 = tpu.iota {dimensions = array<i32: 1>} : vector<512x512xi32>
      %le3A_159 = arith.cmpi sle, %iota3A_157, %iota3A_158 : vector<512x512xi32>
      %convert_element_type3A_160 = arith.extui %le3A_159 : vector<512x512xi1> to vector<512x512xi32>
      %convert_element_type3A_161 = arith.sitofp %convert_element_type3A_160 : vector<512x512xi32> to vector<512x512xf32>
      %convert_element_type3A_162 = arith.truncf %convert_element_type3A_161 : vector<512x512xf32> to vector<512x512xbf16>
      %swap3A_163 = arith.constant 0 : index
      %swap3A_164 = arith.constant 0 : index
      %swap3A_165 = vector.load %arg5[%swap3A_163, %swap3A_164] : memref<512x1536xbf16, #tpu.memory_space<vmem>>, vector<512x512xbf16>
      tpu.vector_store %arg5[%swap3A_163, %swap3A_164], %convert_element_type3A_162 {strides = array<i32>} : memref<512x1536xbf16, #tpu.memory_space<vmem>>, vector<512x512xbf16>,
      %sub3A_166 = arith.constant 5 : i32
      %sub3A_167 = vector.broadcast %sub3A_166 : i32 to vector<512x512xi32>
      %sub3A_168 = arith.subi %iota3A_158, %sub3A_167 : vector<512x512xi32>
      %ge3A_169 = arith.cmpi sge, %iota3A_157, %sub3A_168 : vector<512x512xi32>
      %sub3A_170 = arith.constant 1 : i32
      %sub3A_171 = vector.broadcast %sub3A_170 : i32 to vector<512x512xi32>
      %sub3A_172 = arith.subi %iota3A_158, %sub3A_171 : vector<512x512xi32>
      %le3A_173 = arith.cmpi sle, %iota3A_157, %sub3A_172 : vector<512x512xi32>
      %and3A_174 = arith.andi %ge3A_169, %le3A_173 : vector<512x512xi1>
      %convert_element_type3A_175 = arith.extui %and3A_174 : vector<512x512xi1> to vector<512x512xi32>
      %convert_element_type3A_176 = arith.sitofp %convert_element_type3A_175 : vector<512x512xi32> to vector<512x512xf32>
      %convert_element_type3A_177 = arith.truncf %convert_element_type3A_176 : vector<512x512xf32> to vector<512x512xbf16>
      %swap3A_178 = arith.constant 0 : index
      %swap3A_179 = arith.constant 512 : index
      %swap3A_180 = vector.load %arg5[%swap3A_178, %swap3A_179] : memref<512x1536xbf16, #tpu.memory_space<vmem>>, vector<512x512xbf16>
      tpu.vector_store %arg5[%swap3A_178, %swap3A_179], %convert_element_type3A_177 {strides = array<i32>} : memref<512x1536xbf16, #tpu.memory_space<vmem>>, vector<512x512xbf16>,
      %add3A_181 = arith.constant 1 : i32
      %add3A_182 = vector.broadcast %add3A_181 : i32 to vector<512x512xi32>
      %add3A_183 = arith.addi %iota3A_158, %add3A_182 : vector<512x512xi32>
      %ge3A_184 = arith.cmpi sge, %iota3A_157, %add3A_183 : vector<512x512xi32>
      %add3A_185 = arith.constant 5 : i32
      %add3A_186 = vector.broadcast %add3A_185 : i32 to vector<512x512xi32>
      %add3A_187 = arith.addi %iota3A_158, %add3A_186 : vector<512x512xi32>
      %le3A_188 = arith.cmpi sle, %iota3A_157, %add3A_187 : vector<512x512xi32>
      %and3A_189 = arith.andi %ge3A_184, %le3A_188 : vector<512x512xi1>
      %convert_element_type3A_190 = arith.extui %and3A_189 : vector<512x512xi1> to vector<512x512xi32>
      %convert_element_type3A_191 = arith.sitofp %convert_element_type3A_190 : vector<512x512xi32> to vector<512x512xf32>
      %convert_element_type3A_192 = arith.truncf %convert_element_type3A_191 : vector<512x512xf32> to vector<512x512xbf16>
      %swap3A_193 = arith.constant 0 : index
      %swap3A_194 = arith.constant 1024 : index
      %swap3A_195 = vector.load %arg5[%swap3A_193, %swap3A_194] : memref<512x1536xbf16, #tpu.memory_space<vmem>>, vector<512x512xbf16>
      tpu.vector_store %arg5[%swap3A_193, %swap3A_194], %convert_element_type3A_192 {strides = array<i32>} : memref<512x1536xbf16, #tpu.memory_space<vmem>>, vector<512x512xbf16>,
      %broadcast_in_dim3A_196 = arith.constant 0.000000e+00 : f32
      %broadcast_in_dim3A_197 = vector.broadcast %broadcast_in_dim3A_196 : f32 to vector<1x1xf32>
      %swap3A_198 = arith.constant 0 : index
      %swap3A_199 = arith.constant 0 : index
      %swap3A_200 = vector.load %arg4[%swap3A_198, %swap3A_199] : memref<1x1xf32, #tpu.memory_space<vmem>>, vector<1x1xf32>
      tpu.vector_store %arg4[%swap3A_198, %swap3A_199], %broadcast_in_dim3A_197 {strides = array<i32>} : memref<1x1xf32, #tpu.memory_space<vmem>>, vector<1x1xf32>,
    } else {
    }
    %get3A = arith.constant 0 : index
    %get3A_2 = arith.constant 0 : index
    %get3A_3 = vector.load %arg1[%get3A, %get3A_2] : memref<512x512xf32, #tpu.memory_space<vmem>>, vector<512x512xf32>
    %iota3A = tpu.iota {dimensions = array<i32: 1>} : vector<512x512xi32>
    %ge3A = arith.constant 0.000000e+00 : f32
    %ge3A_4 = vector.broadcast %ge3A : f32 to vector<512x512xf32>
    %ge3A_5 = arith.cmpf oge, %get3A_3, %ge3A_4 : vector<512x512xf32>
    %convert_element_type3A_6 = arith.extui %ge3A_5 : vector<512x512xi1> to vector<512x512xi32>
    %convert_element_type3A_7 = arith.sitofp %convert_element_type3A_6 : vector<512x512xi32> to vector<512x512xf32>
    %convert_element_type3A_8 = arith.truncf %convert_element_type3A_7 : vector<512x512xf32> to vector<512x512xbf16>
    %get3A_9 = arith.constant 0 : index
    %get3A_10 = arith.constant 0 : index
    %get3A_11 = vector.load %arg5[%get3A_9, %get3A_10] : memref<512x1536xbf16, #tpu.memory_space<vmem>>, vector<512x1536xbf16>
    %dot_general3A = arith.constant dense<0.000000e+00> : vector<512x1536xf32>
    %dot_general3A_12 = tpu.matmul %convert_element_type3A_8, %get3A_11, %dot_general3A {dimension_numbers = #tpu.dot_dimension_numbers<[1], [0], [0], [1], [0, 0, 1, 1], [], []>, transpose_lhs_hint = false} : vector<512x512xbf16>, vector<512x1536xbf16>, vector<512x1536xf32> -> vector<512x1536xf32>
    %slice3A = vector.extract_strided_slice %dot_general3A_12 {offsets = [0, 0], sizes = [512, 512], strides = [1, 1]} : vector<512x1536xf32> to vector<512x512xf32>
    %slice3A_13 = vector.extract_strided_slice %dot_general3A_12 {offsets = [0, 512], sizes = [512, 512], strides = [1, 1]} : vector<512x1536xf32> to vector<512x512xf32>
    %slice3A_14 = vector.extract_strided_slice %dot_general3A_12 {offsets = [0, 1024], sizes = [512, 512], strides = [1, 1]} : vector<512x1536xf32> to vector<512x512xf32>
    %eq3A_15 = arith.constant 0.000000e+00 : f32
    %eq3A_16 = vector.broadcast %eq3A_15 : f32 to vector<512x512xf32>
    %eq3A_17 = arith.cmpf oeq, %slice3A_13, %eq3A_16 : vector<512x512xf32>
    %and3A = arith.andi %ge3A_5, %eq3A_17 : vector<512x512xi1>
    %eq3A_18 = arith.constant 0.000000e+00 : f32
    %eq3A_19 = vector.broadcast %eq3A_18 : f32 to vector<512x512xf32>
    %eq3A_20 = arith.cmpf oeq, %slice3A_14, %eq3A_19 : vector<512x512xf32>
    %and3A_21 = arith.andi %ge3A_5, %eq3A_20 : vector<512x512xi1>
    %sub3A = arith.constant 1.000000e+00 : f32
    %sub3A_22 = vector.broadcast %sub3A : f32 to vector<512x512xf32>
    %sub3A_23 = arith.subf %slice3A, %sub3A_22 : vector<512x512xf32>
    %jit3A = arith.constant -1.000000e+00 : f32
    %broadcast_in_dim3A = vector.broadcast %jit3A : f32 to vector<512x512xf32>
    %select_n3A = arith.select %and3A, %sub3A_23, %broadcast_in_dim3A : vector<512x512xi1>, vector<512x512xf32>
    %broadcast_in_dim3A_24 = arith.constant -1.000000e+00 : f32
    %broadcast_in_dim3A_25 = vector.broadcast %broadcast_in_dim3A_24 : f32 to vector<512x1xf32>
    %slice3A_26 = vector.extract_strided_slice %select_n3A {offsets = [0, 0], sizes = [512, 511], strides = [1, 1]} : vector<512x512xf32> to vector<512x511xf32>
    %concatenate3A = tpu.concatenate %broadcast_in_dim3A_25, %slice3A_26 in 1 : vector<512x1xf32>, vector<512x511xf32> -> vector<512x512xf32>
    %max3A = arith.maximumf %select_n3A, %concatenate3A : vector<512x512xf32>
    %broadcast_in_dim3A_27 = arith.constant -1.000000e+00 : f32
    %broadcast_in_dim3A_28 = vector.broadcast %broadcast_in_dim3A_27 : f32 to vector<512x2xf32>
    %slice3A_29 = vector.extract_strided_slice %max3A {offsets = [0, 0], sizes = [512, 510], strides = [1, 1]} : vector<512x512xf32> to vector<512x510xf32>
    %concatenate3A_30 = tpu.concatenate %broadcast_in_dim3A_28, %slice3A_29 in 1 : vector<512x2xf32>, vector<512x510xf32> -> vector<512x512xf32>
    %max3A_31 = arith.maximumf %max3A, %concatenate3A_30 : vector<512x512xf32>
    %broadcast_in_dim3A_32 = arith.constant -1.000000e+00 : f32
    %broadcast_in_dim3A_33 = vector.broadcast %broadcast_in_dim3A_32 : f32 to vector<512x4xf32>
    %slice3A_34 = vector.extract_strided_slice %max3A_31 {offsets = [0, 0], sizes = [512, 508], strides = [1, 1]} : vector<512x512xf32> to vector<512x508xf32>
    %concatenate3A_35 = tpu.concatenate %broadcast_in_dim3A_33, %slice3A_34 in 1 : vector<512x4xf32>, vector<512x508xf32> -> vector<512x512xf32>
    %max3A_36 = arith.maximumf %max3A_31, %concatenate3A_35 : vector<512x512xf32>
    %broadcast_in_dim3A_37 = arith.constant -1.000000e+00 : f32
    %broadcast_in_dim3A_38 = vector.broadcast %broadcast_in_dim3A_37 : f32 to vector<512x8xf32>
    %slice3A_39 = vector.extract_strided_slice %max3A_36 {offsets = [0, 0], sizes = [512, 504], strides = [1, 1]} : vector<512x512xf32> to vector<512x504xf32>
    %concatenate3A_40 = tpu.concatenate %broadcast_in_dim3A_38, %slice3A_39 in 1 : vector<512x8xf32>, vector<512x504xf32> -> vector<512x512xf32>
    %max3A_41 = arith.maximumf %max3A_36, %concatenate3A_40 : vector<512x512xf32>
    %broadcast_in_dim3A_42 = arith.constant -1.000000e+00 : f32
    %broadcast_in_dim3A_43 = vector.broadcast %broadcast_in_dim3A_42 : f32 to vector<512x16xf32>
    %slice3A_44 = vector.extract_strided_slice %max3A_41 {offsets = [0, 0], sizes = [512, 496], strides = [1, 1]} : vector<512x512xf32> to vector<512x496xf32>
    %concatenate3A_45 = tpu.concatenate %broadcast_in_dim3A_43, %slice3A_44 in 1 : vector<512x16xf32>, vector<512x496xf32> -> vector<512x512xf32>
    %max3A_46 = arith.maximumf %max3A_41, %concatenate3A_45 : vector<512x512xf32>
    %broadcast_in_dim3A_47 = arith.constant -1.000000e+00 : f32
    %broadcast_in_dim3A_48 = vector.broadcast %broadcast_in_dim3A_47 : f32 to vector<512x32xf32>
    %slice3A_49 = vector.extract_strided_slice %max3A_46 {offsets = [0, 0], sizes = [512, 480], strides = [1, 1]} : vector<512x512xf32> to vector<512x480xf32>
    %concatenate3A_50 = tpu.concatenate %broadcast_in_dim3A_48, %slice3A_49 in 1 : vector<512x32xf32>, vector<512x480xf32> -> vector<512x512xf32>
    %max3A_51 = arith.maximumf %max3A_46, %concatenate3A_50 : vector<512x512xf32>
    %broadcast_in_dim3A_52 = arith.constant -1.000000e+00 : f32
    %broadcast_in_dim3A_53 = vector.broadcast %broadcast_in_dim3A_52 : f32 to vector<512x64xf32>
    %slice3A_54 = vector.extract_strided_slice %max3A_51 {offsets = [0, 0], sizes = [512, 448], strides = [1, 1]} : vector<512x512xf32> to vector<512x448xf32>
    %concatenate3A_55 = tpu.concatenate %broadcast_in_dim3A_53, %slice3A_54 in 1 : vector<512x64xf32>, vector<512x448xf32> -> vector<512x512xf32>
    %max3A_56 = arith.maximumf %max3A_51, %concatenate3A_55 : vector<512x512xf32>
    %broadcast_in_dim3A_57 = arith.constant -1.000000e+00 : f32
    %broadcast_in_dim3A_58 = vector.broadcast %broadcast_in_dim3A_57 : f32 to vector<512x128xf32>
    %slice3A_59 = vector.extract_strided_slice %max3A_56 {offsets = [0, 0], sizes = [512, 384], strides = [1, 1]} : vector<512x512xf32> to vector<512x384xf32>
    %concatenate3A_60 = tpu.concatenate %broadcast_in_dim3A_58, %slice3A_59 in 1 : vector<512x128xf32>, vector<512x384xf32> -> vector<512x512xf32>
    %max3A_61 = arith.maximumf %max3A_56, %concatenate3A_60 : vector<512x512xf32>
    %broadcast_in_dim3A_62 = arith.constant -1.000000e+00 : f32
    %broadcast_in_dim3A_63 = vector.broadcast %broadcast_in_dim3A_62 : f32 to vector<512x256xf32>
    %slice3A_64 = vector.extract_strided_slice %max3A_61 {offsets = [0, 0], sizes = [512, 256], strides = [1, 1]} : vector<512x512xf32> to vector<512x256xf32>
    %concatenate3A_65 = tpu.concatenate %broadcast_in_dim3A_63, %slice3A_64 in 1 : vector<512x256xf32>, vector<512x256xf32> -> vector<512x512xf32>
    %max3A_66 = arith.maximumf %max3A_61, %concatenate3A_65 : vector<512x512xf32>
    %sub3A_67 = arith.subf %slice3A, %max3A_66 : vector<512x512xf32>
    %convert_element_type3A_68 = arith.sitofp %iota3A : vector<512x512xi32> to vector<512x512xf32>
    %mul3A = arith.constant 5.120000e+02 : f32
    %mul3A_69 = vector.broadcast %mul3A : f32 to vector<512x512xf32>
    %mul3A_70 = arith.mulf %sub3A_67, %mul3A_69 : vector<512x512xf32>
    %add3A = arith.addf %mul3A_70, %convert_element_type3A_68 : vector<512x512xf32>
    %jit3A_71 = arith.constant 1.07374182E+9 : f32
    %broadcast_in_dim3A_72 = vector.broadcast %jit3A_71 : f32 to vector<512x512xf32>
    %select_n3A_73 = arith.select %and3A_21, %add3A, %broadcast_in_dim3A_72 : vector<512x512xi1>, vector<512x512xf32>
    %reduce_min3A = arith.constant dense<0x7F800000> : vector<512xf32>
    %reduce_min3A_74 = vector.multi_reduction <minimumf>, %select_n3A_73, %reduce_min3A [1] : vector<512x512xf32> to vector<512xf32>
    %convert_element_type3A_75 = arith.fptosi %reduce_min3A_74 : vector<512xf32> to vector<512xi32>
    %and3A_76 = arith.constant 511 : i32
    %and3A_77 = vector.broadcast %and3A_76 : i32 to vector<512xi32>
    %and3A_78 = arith.andi %convert_element_type3A_75, %and3A_77 : vector<512xi32>
    %broadcast_in_dim3A_79 = vector.shape_cast %and3A_78 : vector<512xi32> to vector<512x1xi32>
    %le3A = vector.broadcast %broadcast_in_dim3A_79 : vector<512x1xi32> to vector<512x512xi32>
    %le3A_80 = arith.cmpi sle, %iota3A, %le3A : vector<512x512xi32>
    %and3A_81 = arith.andi %and3A, %le3A_80 : vector<512x512xi1>
    %jit3A_82 = arith.constant -1 : i32
    %broadcast_in_dim3A_83 = vector.broadcast %jit3A_82 : i32 to vector<512x512xi32>
    %select_n3A_84 = arith.select %and3A_81, %iota3A, %broadcast_in_dim3A_83 : vector<512x512xi1>, vector<512x512xi32>
    %reduce_max3A = arith.constant dense<-2147483648> : vector<512xi32>
    %reduce_max3A_85 = vector.multi_reduction <maxsi>, %select_n3A_84, %reduce_max3A [1] : vector<512x512xi32> to vector<512xi32>
    %broadcast_in_dim3A_86 = vector.shape_cast %reduce_max3A_85 : vector<512xi32> to vector<512x1xi32>
    %ge3A_87 = vector.broadcast %broadcast_in_dim3A_86 : vector<512x1xi32> to vector<512x512xi32>
    %ge3A_88 = arith.cmpi sge, %iota3A, %ge3A_87 : vector<512x512xi32>
    %broadcast_in_dim3A_89 = vector.shape_cast %and3A_78 : vector<512xi32> to vector<512x1xi32>
    %le3A_90 = vector.broadcast %broadcast_in_dim3A_89 : vector<512x1xi32> to vector<512x512xi32>
    %le3A_91 = arith.cmpi sle, %iota3A, %le3A_90 : vector<512x512xi32>
    %and3A_92 = arith.andi %ge3A_88, %le3A_91 : vector<512x512xi1>
    %gt3A = arith.constant 0.000000e+00 : f32
    %gt3A_93 = vector.broadcast %gt3A : f32 to vector<512x512xf32>
    %gt3A_94 = arith.cmpf ogt, %get3A_3, %gt3A_93 : vector<512x512xf32>
    %and3A_95 = arith.andi %and3A_92, %gt3A_94 : vector<512x512xi1>
    %jit3A_96 = arith.constant 0.000000e+00 : f32
    %broadcast_in_dim3A_97 = vector.broadcast %jit3A_96 : f32 to vector<512x512xf32>
    %select_n3A_98 = arith.select %and3A_95, %get3A_3, %broadcast_in_dim3A_97 : vector<512x512xi1>, vector<512x512xf32>
    %reduce_sum3A = arith.constant dense<0.000000e+00> : vector<512xf32>
    %reduce_sum3A_99 = vector.multi_reduction <add>, %select_n3A_98, %reduce_sum3A [1] : vector<512x512xf32> to vector<512xf32>
    %convert_element_type3A_100 = arith.extui %and3A_95 : vector<512x512xi1> to vector<512x512xi32>
    %convert_element_type3A_101 = arith.sitofp %convert_element_type3A_100 : vector<512x512xi32> to vector<512x512xf32>
    %reduce_sum3A_102 = arith.constant dense<0.000000e+00> : vector<512xf32>
    %reduce_sum3A_103 = vector.multi_reduction <add>, %convert_element_type3A_101, %reduce_sum3A_102 [1] : vector<512x512xf32> to vector<512xf32>
    %gt3A_104 = arith.constant 0.000000e+00 : f32
    %gt3A_105 = vector.broadcast %gt3A_104 : f32 to vector<512xf32>
    %gt3A_106 = arith.cmpf ogt, %reduce_sum3A_103, %gt3A_105 : vector<512xf32>
    %max3A_107 = arith.constant 1.000000e+00 : f32
    %max3A_108 = vector.broadcast %max3A_107 : f32 to vector<512xf32>
    %max3A_109 = arith.maximumf %reduce_sum3A_103, %max3A_108 : vector<512xf32>
    %div3A = arith.divf %reduce_sum3A_99, %max3A_109 : vector<512xf32>
    %jit3A_110 = arith.constant 0.000000e+00 : f32
    %broadcast_in_dim3A_111 = vector.broadcast %jit3A_110 : f32 to vector<512xf32>
    %select_n3A_112 = arith.select %gt3A_106, %div3A, %broadcast_in_dim3A_111 : vector<512xi1>, vector<512xf32>
    %reduce_max3A_113 = arith.constant dense<0xFF800000> : vector<512xf32>
    %reduce_max3A_114 = vector.multi_reduction <maximumf>, %get3A_3, %reduce_max3A_113 [1] : vector<512x512xf32> to vector<512xf32>
    %convert_element_type3A_115 = arith.extui %and3A : vector<512x512xi1> to vector<512x512xi32>
    %convert_element_type3A_116 = arith.sitofp %convert_element_type3A_115 : vector<512x512xi32> to vector<512x512xf32>
    %reduce_sum3A_117 = arith.constant dense<0.000000e+00> : vector<512xf32>
    %reduce_sum3A_118 = vector.multi_reduction <add>, %convert_element_type3A_116, %reduce_sum3A_117 [1] : vector<512x512xf32> to vector<512xf32>
    %gt3A_119 = arith.constant 0.000000e+00 : f32
    %gt3A_120 = vector.broadcast %gt3A_119 : f32 to vector<512xf32>
    %gt3A_121 = arith.cmpf ogt, %reduce_sum3A_118, %gt3A_120 : vector<512xf32>
    %get3A_122 = arith.constant 0 : index
    %get3A_123 = arith.constant 0 : index
    %get3A_124 = arith.constant 0 : index
    %get3A_125 = vector.load %arg2[%get3A_122, %get3A_123, %get3A_124] : memref<1x1x512xi32, #tpu.memory_space<vmem>>, vector<1x1x512xi32>
    %get3A_126 = vector.shape_cast %get3A_125 : vector<1x1x512xi32> to vector<512xi32>
    %ne3A = arith.constant 0 : i32
    %ne3A_127 = vector.broadcast %ne3A : i32 to vector<512xi32>
    %ne3A_128 = arith.cmpi ne, %get3A_126, %ne3A_127 : vector<512xi32>
    %not3A = arith.constant dense<true> : vector<512xi1>
    %not3A_129 = arith.xori %gt3A_121, %not3A : vector<512xi1>
    %and3A_130 = arith.andi %ne3A_128, %not3A_129 : vector<512xi1>
    %neg3A = arith.constant 0.000000e+00 : f32
    %neg3A_131 = vector.broadcast %neg3A : f32 to vector<512xf32>
    %neg3A_132 = arith.subf %neg3A_131, %reduce_max3A_114 : vector<512xf32>
    %not3A_133 = arith.constant dense<true> : vector<512xi1>
    %not3A_134 = arith.xori %ne3A_128, %not3A_133 : vector<512xi1>
    %and3A_135 = arith.andi %not3A_134, %gt3A_121 : vector<512xi1>
    %jit3A_136 = arith.constant 0.000000e+00 : f32
    %broadcast_in_dim3A_137 = vector.broadcast %jit3A_136 : f32 to vector<512xf32>
    %select_n3A_138 = arith.select %and3A_135, %select_n3A_112, %broadcast_in_dim3A_137 : vector<512xi1>, vector<512xf32>
    %select_n3A_139 = arith.select %and3A_130, %neg3A_132, %select_n3A_138 : vector<512xi1>, vector<512xf32>
    %swap3A = arith.constant 0 : index
    %swap3A_140 = arith.constant 0 : index
    %swap3A_141 = arith.constant 0 : index
    %swap3A_142 = vector.load %arg3[%swap3A, %swap3A_140, %swap3A_141] : memref<1x1x512xf32, #tpu.memory_space<vmem>>, vector<1x1x512xf32>
    %swap3A_143 = vector.shape_cast %swap3A_142 : vector<1x1x512xf32> to vector<512xf32>
    %swap3A_144 = vector.shape_cast %reduce_sum3A_118 : vector<512xf32> to vector<1x1x512xf32>
    tpu.vector_store %arg3[%swap3A, %swap3A_140, %swap3A_141], %swap3A_144 {strides = array<i32>} : memref<1x1x512xf32, #tpu.memory_space<vmem>>, vector<1x1x512xf32>,
    %get3A_145 = arith.constant 0 : index
    %get3A_146 = arith.constant 0 : index
    %get3A_147 = vector.load %arg4[%get3A_145, %get3A_146] : memref<1x1xf32, #tpu.memory_space<vmem>>, vector<1x1xf32>
    %reduce_sum3A_148 = vector.shape_cast %select_n3A_139 : vector<512xf32> to vector<1x512xf32>
    %reduce_sum3A_149 = arith.constant dense<0.000000e+00> : vector<1xf32>
    %reduce_sum3A_150 = vector.multi_reduction <add>, %reduce_sum3A_148, %reduce_sum3A_149 [1] : vector<1x512xf32> to vector<1xf32>
    %reduce_sum3A_151 = vector.shape_cast %reduce_sum3A_150 : vector<1xf32> to vector<1x1xf32>
    %reduce_sum3A_152 = vector.extract %reduce_sum3A_151[0, 0] : f32 from vector<1x1xf32>
    %reshape3A = vector.broadcast %reduce_sum3A_152 : f32 to vector<1x1xf32>
    %add3A_153 = arith.addf %get3A_147, %reshape3A : vector<1x1xf32>
    %swap3A_154 = arith.constant 0 : index
    %swap3A_155 = arith.constant 0 : index
    %swap3A_156 = vector.load %arg4[%swap3A_154, %swap3A_155] : memref<1x1xf32, #tpu.memory_space<vmem>>, vector<1x1xf32>
    tpu.vector_store %arg4[%swap3A_154, %swap3A_155], %add3A_153 {strides = array<i32>} : memref<1x1xf32, #tpu.memory_space<vmem>>, vector<1x1xf32>,
    return
  }
  func.func @transform_0(%arg0: i32) -> (i32, i32) {
    %c0_i32 = arith.constant 0 : i32
    %c0_i32_0 = arith.constant 0 : i32
    return %arg0, %c0_i32 : i32, i32
  }
  func.func @transform_1(%arg0: i32) -> (i32, i32, i32) {
    %c0_i32 = arith.constant 0 : i32
    %c0_i32_0 = arith.constant 0 : i32
    %c0_i32_1 = arith.constant 0 : i32
    return %arg0, %c0_i32, %c0_i32_0 : i32, i32, i32
  }
  func.func @transform_2(%arg0: i32) -> (i32, i32, i32) {
    %c0_i32 = arith.constant 0 : i32
    %c0_i32_0 = arith.constant 0 : i32
    %c0_i32_1 = arith.constant 0 : i32
    return %arg0, %c0_i32, %c0_i32_0 : i32, i32, i32
  }
  func.func @transform_3(%arg0: i32) -> (i32, i32) {
    %c0_i32 = arith.constant 0 : i32
    %c0_i32_0 = arith.constant 0 : i32
    %c0_i32_1 = arith.constant 0 : i32
    return %c0_i32, %c0_i32_0 : i32, i32
  }
}

</mosaic_0001>

<sc_bundles>
// kernel: _run.4.cloned.1.call-start
scs
__scs_entry_jumppad:
0x0: {  	(pc) =	sbr.rel $0x88, $3  }
0x1: {  	(tag) =	ssettag $0x0;
	lr =	simm.s32 $0x1  }
0x2: {  	[smem:$0x3F9F] =	sst lr;
	_ =	strace $0xD0000000  }
0x3: {  	_ = 	snop  }
0x4: {  	_ = 	snop  }
0x5: {  	_ = 	snop  }
0x6: {  	_ = 	snop  }
0x7: {  	_ = 	snop  }
__scs_overlays_trampoline_lowered:
0x8: {  	[smem:$0x3FAE] =	sst s0  }
0x9: {  	[smem:$0x3FAF] =	sst s1  }
0xa: {  	[smem:$0x3FB0] =	sst s2  }
0xb: {  	[smem:$0x3FB1] =	sst s3  }
0xc: {  	[smem:$0x3FB2] =	sst s4  }
0xd: {  	[smem:$0x3FB3] =	sst s5  }
0xe: {  	[smem:$0x3FB4] =	sst s6  }
0xf: {  	[smem:$0x3FB5] =	sst s7  }
0x10: {  	[smem:$0x3FB6] =	sst s8  }
0x11: {  	[smem:$0x3FB7] =	sst s9;
	s0 =	simm.s32 @!p0 $0x0  }
0x12: {  	s1 =	sld [smem:$0x3F9D];
	s0 =	simm.s32 @p0 $0x1  }
0x13: {  	[smem:$0x3FB8] =	sst s0;
	s0 =	simm.s32 @!p1 $0x0  }
0x14: {  	s2 =	sld [smem:$0x3F9C];
	s0 =	simm.s32 @p1 $0x1  }
0x15: {  	[smem:$0x3FB9] =	sst s0;
	s0 =	simm.s32 @!p2 $0x0  }
0x16: {  	s3 =	sld [smem:$0x3FDB];
	s0 =	simm.s32 @p2 $0x1  }
0x17: {  	s4 =	simm.s32 $0x1BF5;
	[smem:$0x3FBB] =	sst s0  }
0x18: {  	s0 =	sld [smem:$0x3F9E];
	_ =	swait.ge [sflag:s4], $0x0  }
0x19: {  	s7 =	sld [smem:$0x3F9F]  }
0x1a: {  	s8 =	sadd.s32 $0xFFFFE003, lr  }
0x1b: {  	s9 =	sadd.s32 $0xFFFFFEF7, lr;
	s5 =	simm.s32 $0xFFFFFFFF;
	p2 =	slt.u32 s8, $0xFFFFF086  }
0x1c: {  	p1 =	slt.u32 s9, $0xF7A;
	s5 =	simm.s32 @!p2 $0x0  }
0x1d: {  	s5 =	simm.s32 @p1 $0x1;
	p0 =	seq.s32 s7, s2  }
0x1e: {  	s7 =	smul.u32 @!p0 $0xF7A, s2;
	p2 =	seq.s32 @!p0 s5, $0x0  }
0x1f: {  	s9 =	smul.u32 $0xF7A, s1;
	s8 =	simm.s32 @!p0 $0x1BF5;
	p2 =	por !p2, p0  }
0x20: {  	[sflag:s8] =	ssyncset.s32 @!p0 $0xFFFFF086;
	s6 =	sadd.s32 @!p0 s3, s7;
	s7 =	simm.s32 @!p0 $0x108  }
0x21: {  	s3 =	sadd.s32 s3, s9;
	s6 =	sadd.s32 @!p0 $0x88, s6;
	s7 =	simm.s32 @p2 $0x1082  }
0x22: {  	[simem:s7], [sflag:s8] =	dma.local @!p0 [hbm:s6], $0xF7A  }
0x23: {  	s9 =	sor.u32 $0xD0000000, s2;
	s6 =	simm.s32 $0x108;
	_ =	swait.ge @!p0 [sflag:s8], $0x0  }
0x24: {  	s3 =	sadd.s32 $0x88, s3;
	s6 =	simm.s32 @!p1 $0x1082;
	[sflag:s4] =	ssyncset.s32 $0xFFFFF086  }
0x25: {  	[simem:s6], [sflag:s4] =	dma.local [hbm:s3], $0xF7A  }
0x26: {  	[smem:$0x3F9F] =	sst s1;
	(tag) =	ssettag s2;
	_ =	strace s9  }
0x27: {  	s1 =	sld [smem:$0x3FAF]  }
0x28: {  	s2 =	sld [smem:$0x3FB0]  }
0x29: {  	s4 =	sld [smem:$0x3FB2]  }
0x2a: {  	p0 =	seq.s32 s5, $0x0;
	s5 =	sld [smem:$0x3FB3]  }
0x2b: {  	s6 =	sld [smem:$0x3FB4]  }
0x2c: {  	s7 =	sld [smem:$0x3FB5]  }
0x2d: {  	s3 =	simm.s32 $0x108;
	s8 =	sld [smem:$0x3FB6]  }
0x2e: {  	s3 =	simm.s32 @!p0 $0x1082;
	s9 =	sld [smem:$0x3FB7]  }
0x2f: {  	lr =	sadd.s32 s0, s3;
	s0 =	sld [smem:$0x3FAE]  }
0x30: {  	s3 =	sld [smem:$0x3FB1]  }
0x31: {  	[smem:$0x3FBA] =	sst s10  }
0x32: {  	s10 =	sld [smem:$0x3FB8];
	_ =	sdelay $0x3  }
0x33: {  	p0 =	seq.s32 s10, $0x1;
	s10 =	sld [smem:$0x3FBA];
	_ =	sdelay $0x3  }
0x34: {  	[smem:$0x3FBA] =	sst s10  }
0x35: {  	s10 =	sld [smem:$0x3FB9];
	_ =	sdelay $0x3  }
0x36: {  	p1 =	seq.s32 s10, $0x1;
	s10 =	sld [smem:$0x3FBA];
	_ =	sdelay $0x3  }
0x37: {  	[smem:$0x3FBA] =	sst s10  }
0x38: {  	s10 =	sld [smem:$0x3FBB]  }
0x39: {  	_ = 	snop;
	(pc) =	sbr.ind lr, $3  }
0x3a: {  	_ = 	snop  }
0x3b: {  	_ = 	snop  }
0x3c: {  	p2 =	seq.s32 s10, $0x1;
	s10 =	sld [smem:$0x3FBA]  }
0x3d: {  	_ =	shalt  }
0x3e: {  	_ =	shalt  }
0x3f: {  	_ =	shalt  }
0x40: {  	_ =	shalt  }
0x41: {  	_ =	shalt  }
0x42: {  	_ =	shalt  }
0x43: {  	_ =	shalt  }
0x44: {  	_ =	shalt  }
0x45: {  	_ =	shalt  }
0x46: {  	_ =	shalt  }
0x47: {  	_ =	shalt  }
0x48: {  	_ =	shalt  }
0x49: {  	_ =	shalt  }
0x4a: {  	_ =	shalt  }
0x4b: {  	_ =	shalt  }
0x4c: {  	_ =	shalt  }
0x4d: {  	_ =	shalt  }
0x4e: {  	_ =	shalt  }
0x4f: {  	_ =	shalt  }
0x50: {  	_ =	shalt  }
0x51: {  	_ =	shalt  }
0x52: {  	_ =	shalt  }
0x53: {  	_ =	shalt  }
0x54: {  	_ =	shalt  }
0x55: {  	_ =	shalt  }
0x56: {  	_ =	shalt  }
0x57: {  	_ =	shalt  }
0x58: {  	_ =	shalt  }
0x59: {  	_ =	shalt  }
0x5a: {  	_ =	shalt  }
0x5b: {  	_ =	shalt  }
0x5c: {  	_ =	shalt  }
0x5d: {  	_ =	shalt  }
0x5e: {  	_ =	shalt  }
0x5f: {  	_ =	shalt  }
0x60: {  	_ =	shalt  }
0x61: {  	_ =	shalt  }
0x62: {  	_ =	shalt  }
0x63: {  	_ =	shalt  }
0x64: {  	_ =	shalt  }
0x65: {  	_ =	shalt  }
0x66: {  	_ =	shalt  }
0x67: {  	_ =	shalt  }
0x68: {  	_ =	shalt  }
0x69: {  	_ =	shalt  }
0x6a: {  	_ =	shalt  }
0x6b: {  	_ =	shalt  }
0x6c: {  	_ =	shalt  }
0x6d: {  	_ =	shalt  }
0x6e: {  	_ =	shalt  }
0x6f: {  	_ =	shalt  }
0x70: {  	_ =	shalt  }
0x71: {  	_ =	shalt  }
0x72: {  	_ =	shalt  }
0x73: {  	_ =	shalt  }
0x74: {  	_ =	shalt  }
0x75: {  	_ =	shalt  }
0x76: {  	_ =	shalt  }
0x77: {  	_ =	shalt  }
0x78: {  	_ =	shalt  }
0x79: {  	_ =	shalt  }
0x7a: {  	_ =	shalt  }
0x7b: {  	_ =	shalt  }
0x7c: {  	_ =	shalt  }
0x7d: {  	_ =	shalt  }
0x7e: {  	_ =	shalt  }
0x7f: {  	_ =	shalt  }
0x80: {  	_ =	shalt  }
0x81: {  	_ =	shalt  }
0x82: {  	_ =	shalt  }
0x83: {  	_ =	shalt  }
0x84: {  	_ =	shalt  }
0x85: {  	_ =	shalt  }
0x86: {  	_ =	shalt  }
0x87: {  	_ =	shalt  }
.Lfunc_end0:
.L_simem_size_0:
called_computation_lowered:
.L_overlay_start_0:
0x88: {  	s2 =	sld [smem:$0x3FD9]  }
0x89: {  	s3 =	sld [smem:$0x3FFE];
	_ =	sdelay $0x1  }
0x8a: {  	s1 =	srdreg.scid  }
0x8b: {  	s0 =	sand.u32 $0x1, s1  }
0x8c: {  	s14 =	sshll.u32 s0, $0xA;
	s2 =	sadd.s32 s3, s2  }
0x8d: {  	s2 =	sadd.s32 s2, s14  }
0x8e: {  	[smem:$0x3FC6] =	sst s2  }
0x8f: {  	_ = 	snop  }
0x90: {  	s2 =	sld [smem:$0x3FD0];
	_ =	sdelay $0x2  }
0x91: {  	s15 =	simm.s32 $0xA;
	s4 =	simm.s32 $0x10  }
0x92: {  	[smem:s4], [sflag:s15] =	dma.local [hbm:s2], $0x1  }
0x93: {  	_ =	swait.eq [sflag:s15], $0x1  }
0x94: {  	[sflag:s15] =	ssyncset.done $0x0  }
0x95: {  	[sflag:s15] =	ssyncadd.s32 $0xFFFFFFFF  }
0x96: {  	s16 =	sld [smem:$0x11];
	(tm) =	ssettm $0x1  }
0x97: {  	s17 =	sld [smem:$0x3FFB];
	_ =	sdelay $0x3  }
0x98: {  	_ =	strace s17  }
0x99: {  	s3 =	sld [smem:$0x3FFC];
	_ =	sdelay $0x3  }
0x9a: {  	_ =	strace s3  }
0x9b: {  	s3 =	sld [smem:$0x3FFD];
	_ =	sdelay $0x3  }
0x9c: {  	_ =	strace s3  }
0x9d: {  	_ =	strace $0x8FFFFFFF  }
0x9e: {  	s18 =	sld [smem:$0x3FDB];
	_ =	sdelay $0x1  }
0x9f: {  	s19 =	simm.s32 $_scs_section_size  }
0xa0: {  	s5 =	simm.s32 $_size__tile_overlayer_lowered;
	s6 =	simm.s32 $_tile_overlayer_lowered  }
0xa1: {  	s22 =	simm.s32 $0x1BFF;
	s21 =	sshll.u32 s6, $0x1;
	s3 =	sadd.s32 s19, s18  }
0xa2: {  	s7 =	simm.s32 $0x0;
	s20 =	sshll.u32 s5, $0x1;
	s5 =	sadd.s32 s21, s3  }
0xa3: {  	[timem:s7], [sflag:s22] =	dma.local [hbm:s5], s20  }
0xa4: {  	_ =	swait.ge [sflag:s22], s20  }
0xa5: {  	s4 =	ssub.s32 $0x0, s20;
	[sflag:s22] =	ssyncset.done $0x0  }
0xa6: {  	[sflag:s22] =	ssyncadd.s32 s4;
	_ =	sdelay $0x1  }
0xa7: {  	s23 =	simm.s32 $0x1B8B  }
0xa8: {  	_ =	swait.ge [sflag:s23], $0x1  }
0xa9: {  	[sflag:s23] =	ssyncset.done $0x0  }
0xaa: {  	s25 =	simm.s32 $0x1B8E;
	s24 =	sld [smem:$0x3FFE];
	[sflag:s23] =	ssyncadd.s32 $0xFFFFFFFF  }
0xab: {  	s26 =	simm.s32 $execute0_lowered;
	[smem:$0x3FD2] =	sst s25  }
0xac: {  	s5 =	sshll.u32 s26, $0x1;
	_ =	strace $0x80000046;
	[dreg:$0x1] =	wrdreg $0xFFFFFFFF  }
0xad: {  	s28 =	simm.s32 $_size_execute0_lowered;
	s3 =	sadd.s32 s3, s5;
	[dreg:$0x0] =	wrdreg $0x0  }
0xae: {  	s5 =	sshll.u32 s28, $0x1;
	[dreg:$0x2] =	wrdreg s3  }
0xaf: {  	[dreg:$0x3] =	wrdreg s5  }
0xb0: {  	[dreg:$0x4] =	wrdreg $0xC0  }
0xb1: {  	_ =	task [dreg:s7], $0x5FFFF  }
0xb2: {  	[dreg:$0x1] =	wrdreg $0xFFFFFFFF  }
0xb3: {  	[dreg:$0x0] =	wrdreg $0x60  }
0xb4: {  	[dreg:$0x2] =	wrdreg s24  }
0xb5: {  	[dreg:$0x3] =	wrdreg s16  }
0xb6: {  	[dreg:$0x4] =	wrdreg $0x9  }
0xb7: {  	_ =	task.clear_ibuf [dreg:s7], $0x5FFFF;
	_ =	strace $0x90000046  }
0xb8: {  	s29 =	simm.s32 $0x9;
	_ =	strace $0x80000048  }
0xb9: {  	_ =	swait.ge [sflag:s29], $0x1  }
0xba: {  	[sflag:s29] =	ssyncadd.s32 $0xFFFFFFFF  }
0xbb: {  	_ =	strace $0x90000048  }
0xbc: {  	_ =	sfence  }
0xbd: {  	s30 =	sld [smem:$0x0];
	_ =	sdelay $0x2  }
0xbe: {  	s31 =	sshll.u32 s1, $0xD;
	s1 =	sshrl.u32 s1, $0x2  }
0xbf: {  	s3 =	sand.u32 $0x4000, s31;
	s1 =	sadd.s32 s1, s30  }
0xc0: {  	s0 =	sor.u32 s3, s0;
	s1 =	sshll.u32 s1, $0x11  }
0xc1: {  	s0 =	sor.u32 s1, s0  }
0xc2: {  	s0 =	sadd.s32 $0x8F2B, s0  }
0xc3: {  	[sflag:s0] =	ssyncadd.remote.s32 $0x1  }
0xc4: {  	_ =	sfence.sel $0xFFFF  }
0xc5: {  	[dreg:$0x0] =	wrdreg $0xFFFFFFFF;
	(pc) =	sbr.abs _section_cstart, $3  }
0xc6: {  	[dreg:$0x1] =	wrdreg $0xFFFFFFFF  }
0xc7: {  	_ =	task.clear_ibuf [dreg:s7], $0x2FFFF;
	_ =	strace $0x9FFFFFFF  }
0xc8: {  	(tm) =	ssettm $0x7FFFFFFF  }
0xc9: {  	_ =	shalt  }
tec
execute0_lowered:
.L_overlay_start_1:
0x0: {  	(tag) =	ssettag $0x1  }
0x1: {  	s3 =	rddreg [dreg:$0x0]  }
0x2: {  	s1 =	srdreg.scid;
	s0 =	stileid.u32  }
0x3: {  	s4 =	rddreg [dreg:$0x1];
	s2 =	simm.s32 $0x0;
	s17 =	simm.s32 $0x4000  }
0x4: {  	s18 =	simm.s32 $0x3;
	s19 =	simm.s32 $0x1;
	s20 =	simm.s32 $0x2000  }
0x5: {  	s21 =	simm.s32 $0x4100;
	s22 =	simm.s32 $0x2;
	s23 =	simm.s32 $0x4200  }
0x6: {  	s5 =	sand.u32 $0x1, s1;
	s6 =	sshll.u32 s0, $0x1;
	s1 =	rddreg [dreg:$0x2]  }
0x7: {  	s24 =	simm.s32 $0x0;
	[smem:$0x7FF] =	sst s2;
	s6 =	sor.u32 s5, s6  }
0x8: {  	s8 =	sadd.s32 $0x1800, s3;
	_ =	strace $0x80000047;
	s7 =	smul.u32 $0x14, s6  }
0x9: {  	s5 =	ssub.s32 $0x2, s5;
	s9 =	smul.u32 $0x14000, s6;
	s10 =	sshll.u32 s6, $0x1  }
0xa: {  	s6 =	smul.u32 $0x2800, s6;
	s31 =	sshrl.u32 s5, $0x1;
	s15 =	sadd.s32 s10, s3  }
0xb: {  	s16 =	ssub.s32 s5, s31;
	s14 =	sadd.s32 s7, s3;
	s9 =	sshrl.u32 s9, $0x3  }
0xc: {  	s3 =	sadd.s32 s8, s6;
	s4 =	sadd.s32 s4, s7;
	s15 =	sadd.s32 $0x51C00, s15  }
0xd: {  	s16 =	smax.u32 s16, $0x1;
	s13 =	sadd.s32 s8, s9;
	s5 =	sadd.s32 $0x400, s3  }
0xe: {  	s14 =	sadd.s32 $0x51800, s14;
	s6 =	sadd.s32 $0x800, s13;
	s7 =	sadd.s32 $0xC00, s13  }
0xf: {  	v63 =	vlaneseq.u32;
	s8 =	sadd.s32 $0x1000, s13;
	s9 =	sadd.s32 $0x1400, s13;
	s10 =	sadd.s32 $0x1800, s13  }
0x10: {  	v2 =	vimm.f32 $0.0e+00;
	v1 =	vmul.u32 $0x200, v63;
	s11 =	sadd.s32 $0x1C00, s13;
	s12 =	sadd.s32 $0x2000, s13;
	s13 =	sadd.s32 $0x2400, s13  }
.LBB2_1:
0x11: {  	[tilespmem:s17], [sflag:$0x3] =	stream.linear.gather [hbm4b:s4+s2], $0xA0, $0x38;
	[tilespmem:$0x4280] =	vst v63  }
0x12: {  	_ =	swait.ge [sflag:s18], $0xA0  }
0x13: {  	[sflag:s18] =	ssyncset.done $0x0  }
0x14: {  	[sflag:s18] =	ssyncadd.s32 $0xFFFFFF60  }
0x15: {  	[tilespmem:s2], [sflag:$0x1] =	stream.linear.gather [hbm4b:s3+s2], $0x2000, $0x38;
	[tilespmem:$0x4280] =	vst v63  }
0x16: {  	v10 =	vor.u32 $0x2, v1;
	_ =	swait.ge [sflag:s19], $0x2000  }
0x17: {  	[sflag:s19] =	ssyncset.done $0x0  }
0x18: {  	v11 =	vor.u32 $0x1, v1;
	[sflag:s19] =	ssyncadd.s32 $0xFFFFE000  }
0x19: {  	[tilespmem:s20], [sflag:$0x2] =	stream.linear.gather [hbm4b:s5+s2], $0x2000, $0x38;
	[tilespmem:$0x4280] =	vst v63  }
0x1a: {  	v9 =	vld.idx.msk [tilespmem:v1+s2+$0x0], $0xffff  }
0x1b: {  	v12 =	vimm.f32 $1.000000020e+30;
	v20 =	vld.idx.msk [tilespmem:v10+s2+$0x0], $0xffff  }
0x1c: {  	v13 =	vimm.f32 $-1.000000020e+30;
	v5 =	vadd.s32 $0x8, v1;
	v3 =	vor.u32 $0x7, v1  }
0x1d: {  	vm1 =	vgt.f32 v12, $5.000000000e+00;
	v4 =	vadd.f32 $1.000000000e+00, v12;
	v6 =	vor.u32 $0x5, v1;
	v19 =	vld.idx.msk [tilespmem:v11+s2+$0x0], $0xffff  }
0x1e: {  	v8 =	vor.u32 $0x3, v1;
	v7 =	vor.u32 $0x4, v1;
	vm3 =	vlt.f32 v12, v12  }
0x1f: {  	vm0 =	vgt.f32 v9, $0.0e+00;
	vm2 =	vge.f32 v9, $0.0e+00;
	v13 =	vmax.f32 v13, v9  }
0x20: {  	vm7 =	vge.f32 v20, $0.0e+00;
	v14 =	vnsel vm0, $0x0, v9;
	v15 =	vsel vm2, $0x3F800000, v2  }
0x21: {  	vm1 =	vmand vm1, vm2;
	v16 =	vsel vm2, $0x3F800000, v4;
	v4 =	vor.u32 $0x6, v1  }
0x22: {  	v26 =	vmax.f32 v13, v19;
	v17 =	vsel vm1, $0x3F800000, v2;
	v18 =	vadd.f32 v14, v2  }
0x23: {  	v9 =	vadd.f32 v15, v12;
	vm2 =	vgt.f32 v16, $5.000000000e+00;
	v16 =	vadd.f32 $1.000000000e+00, v16  }
0x24: {  	v21 =	vsel vm1, $0x80000000, v2;
	v15 =	vadd.f32 v17, v2;
	v17 =	vsel vm0, $0x3F800000, v2  }
0x25: {  	vm0 =	vmand vm3, vm1;
	vm3 =	vgt.f32 v19, $0.0e+00;
	v14 =	vsel vm1, v14, v18  }
0x26: {  	v18 =	vsel vm1, $0x3F800000, v9;
	vm1 =	vge.f32 v19, $0.0e+00;
	v22 =	vsel vm0, v2, v2  }
0x27: {  	v23 =	vnsel vm3, $0x0, v19;
	v12 =	vsel vm0, v12, v12;
	v27 =	vadd.f32 v21, v17  }
0x28: {  	v28 =	vsel vm3, $0x3F800000, v2;
	v9 =	vsel vm1, $0x3F800000, v2;
	v25 =	vadd.f32 v14, v23  }
0x29: {  	vm0 =	vmand vm1, vm2;
	vm2 =	vlt.f32 v18, v12;
	v16 =	vsel vm1, $0x3F800000, v16  }
0x2a: {  	v13 =	vld.idx.msk [tilespmem:v6+s2+$0x0], $0xffff;
	vm1 =	vgt.f32 v20, $0.0e+00;
	v24 =	vadd.f32 v18, v9;
	vm2 =	vmand vm0, vm2  }
0x2b: {  	v17 =	vld.idx.msk [tilespmem:v7+s2+$0x0], $0xffff;
	v21 =	vsel vm0, $0x3F800000, v2;
	vm3 =	vgt.f32 v16, $5.000000000e+00;
	v19 =	vsel vm0, v23, v25  }
0x2c: {  	v9 =	vld.idx.msk [tilespmem:v8+s2+$0x0], $0xffff;
	v23 =	vsel vm0, $0x80000000, v27;
	v25 =	vmax.f32 v26, v20;
	v12 =	vsel vm2, v18, v12  }
0x2d: {  	v26 =	vadd.f32 $1.000000000e+00, v16;
	v29 =	vadd.f32 v21, v15;
	v21 =	vsel vm2, v14, v22  }
0x2e: {  	v14 =	vsel vm7, $0x3F800000, v2;
	v22 =	vsel vm2, v27, v22;
	vm3 =	vmand vm7, vm3  }
0x2f: {  	v24 =	vsel vm0, $0x3F800000, v24;
	vm0 =	vge.f32 v13, $0.0e+00;
	v30 =	vsel vm3, $0x3F800000, v2  }
0x30: {  	vm6 =	vgt.f32 v17, $0.0e+00;
	vm4 =	vge.f32 v17, $0.0e+00;
	vm2 =	vlt.f32 v24, v12  }
0x31: {  	v27 =	vadd.f32 v24, v14;
	v14 =	vsel vm6, $0x3F800000, v2;
	v16 =	vmax.f32 v25, v9  }
0x32: {  	vm8 =	vmand vm3, vm2;
	v15 =	vmax.f32 v16, v17;
	v16 =	vsel vm7, $0x3F800000, v26  }
0x33: {  	v18 =	vmax.f32 v15, v13;
	v15 =	vnsel vm1, $0x0, v20;
	v26 =	vadd.f32 $1.000000000e+00, v16  }
0x34: {  	vm5 =	vge.f32 v9, $0.0e+00;
	vm9 =	vgt.f32 v16, $5.000000000e+00;
	v16 =	vadd.f32 v19, v15  }
0x35: {  	v24 =	vsel vm8, v24, v12;
	v20 =	vadd.f32 v23, v28;
	v26 =	vsel vm5, $0x3F800000, v26  }
0x36: {  	v12 =	vld.idx.msk [tilespmem:v3+s2+$0x0], $0xffff;
	v23 =	vsel vm4, $0x3F800000, v2;
	v16 =	vsel vm3, v15, v16;
	v15 =	vadd.f32 $1.000000000e+00, v26  }
0x37: {  	v28 =	vsel vm5, $0x3F800000, v2;
	v25 =	vsel vm3, $0x80000000, v20;
	v20 =	vsel vm8, v20, v22  }
0x38: {  	v22 =	vsel vm3, $0x3F800000, v27;
	vm7 =	vgt.f32 v26, $5.000000000e+00;
	v26 =	vsel vm4, $0x3F800000, v15;
	v15 =	vld.idx.msk [tilespmem:v4+s2+$0x0], $0xffff  }
0x39: {  	vm2 =	vmand vm5, vm9;
	vm5 =	vlt.f32 v22, v24;
	v27 =	vadd.f32 $1.000000000e+00, v26  }
0x3a: {  	s25 =	simm.s32 $0x3F;
	v28 =	vadd.f32 v22, v28;
	vm3 =	vgt.f32 v26, $5.000000000e+00;
	v26 =	vadd.f32 v30, v29  }
.LBB2_2:
0x3b: {  	p0 =	sne.s32 s25, $0x1;
	s25 =	sadd.s32 $0xFFFFFFFF, s25;
	v29 =	vsel vm8, v19, v21;
	v27 =	vsel vm0, $0x3F800000, v27;
	vm8 =	vgt.f32 v12, $0.0e+00;
	v21 =	vmovc v5  }
0x3c: {  	v30 =	vnsel vm6, $0x0, v17;
	v19 =	vld.idx.msk [tilespmem:v5+s2+$0x0], $0xffff;
	v28 =	vsel vm2, $0x3F800000, v28;
	v17 =	vadd.f32 $1.000000000e+00, v27  }
0x3d: {  	vm10 =	vge.f32 v15, $0.0e+00;
	vm11 =	vgt.f32 v27, $5.000000000e+00;
	v31 =	vadd.f32 v28, v23  }
0x3e: {  	v5 =	vadd.s32 $0x8, v5;
	v23 =	vsel vm8, $0x3F800000, v2;
	v27 =	vsel vm10, $0x3F800000, v17  }
0x3f: {  	v32 =	vnsel vm8, $0x0, v12;
	v17 =	vor.u32 $0x7, v21;
	v33 =	vadd.f32 $1.000000000e+00, v27  }
0x40: {  	vm6 =	vge.f32 v12, $0.0e+00;
	vm8 =	vmand vm4, vm7;
	vm4 =	vgt.f32 v27, $5.000000000e+00  }
0x41: {  	v27 =	vsel vm1, $0x3F800000, v2;
	vm4 =	vmand vm6, vm4;
	v33 =	vsel vm6, $0x3F800000, v33  }
0x42: {  	v34 =	vsel vm2, $0x3F800000, v2;
	vm1 =	vgt.f32 v19, $0.0e+00;
	vm9 =	vgt.f32 v33, $5.000000000e+00  }
0x43: {  	vm12 =	vgt.f32 v15, $0.0e+00;
	vm7 =	vgt.f32 v13, $0.0e+00;
	v35 =	vnsel vm1, $0x0, v19  }
0x44: {  	v26 =	vadd.f32 v34, v26;
	v25 =	vadd.f32 v25, v27;
	v27 =	vsel vm12, $0x3F800000, v2  }
0x45: {  	v18 =	vmax.f32 v18, v15;
	v34 =	vsel vm10, $0x3F800000, v2;
	v36 =	vsel vm4, $0x3F800000, v2  }
0x46: {  	v15 =	vnsel vm12, $0x0, v15;
	v37 =	vsel vm8, $0x3F800000, v2;
	v38 =	vsel vm7, $0x3F800000, v2  }
0x47: {  	v39 =	vsel vm0, $0x3F800000, v2;
	v13 =	vnsel vm7, $0x0, v13;
	vm12 =	vgt.f32 v9, $0.0e+00  }
0x48: {  	v9 =	vnsel vm12, $0x0, v9;
	v40 =	vsel vm12, $0x3F800000, v2;
	v41 =	vsel vm2, $0x80000000, v25  }
0x49: {  	vm7 =	vmand vm10, vm11;
	v42 =	vadd.f32 v16, v9;
	v40 =	vadd.f32 v41, v40  }
0x4a: {  	vm5 =	vmand vm2, vm5;
	vm3 =	vmand vm0, vm3;
	v26 =	vadd.f32 v37, v26  }
0x4b: {  	vm10 =	vge.f32 v19, $0.0e+00;
	v9 =	vsel vm2, v9, v42;
	v37 =	vsel vm8, $0x80000000, v40  }
0x4c: {  	v22 =	vsel vm5, v22, v24;
	v20 =	vsel vm5, v25, v20;
	v41 =	vsel vm10, $0x3F800000, v2  }
0x4d: {  	vm0 =	vlt.f32 v28, v22;
	v24 =	vsel vm8, $0x3F800000, v31;
	v25 =	vadd.f32 v9, v30  }
0x4e: {  	v12 =	vmax.f32 v18, v12;
	v16 =	vsel vm5, v16, v29;
	vm2 =	vmand vm8, vm0  }
0x4f: {  	v18 =	vsel vm2, v28, v22;
	v22 =	vadd.f32 v24, v39;
	v28 =	vsel vm3, $0x3F800000, v2  }
0x50: {  	v29 =	vadd.f32 $1.000000000e+00, v33;
	v20 =	vsel vm2, v40, v20;
	vm5 =	vlt.f32 v24, v18  }
0x51: {  	vm0 =	vmand vm9, vm10;
	v25 =	vsel vm8, v30, v25;
	vm5 =	vmand vm3, vm5  }
0x52: {  	v29 =	vsel vm10, $0x3F800000, v29;
	v14 =	vadd.f32 v37, v14;
	v22 =	vsel vm3, $0x3F800000, v22  }
0x53: {  	v30 =	vsel vm0, $0x3F800000, v2;
	v31 =	vadd.f32 v25, v13;
	v33 =	vadd.f32 v22, v34  }
0x54: {  	v9 =	vsel vm2, v9, v16;
	v16 =	vsel vm3, $0x80000000, v14;
	v34 =	vsel vm6, $0x3F800000, v2  }
0x55: {  	v18 =	vsel vm5, v24, v18;
	v13 =	vsel vm3, v13, v31;
	v24 =	vsel vm7, $0x3F800000, v33  }
0x56: {  	v26 =	vadd.f32 v28, v26;
	vm2 =	vlt.f32 v22, v18;
	v28 =	vadd.f32 v13, v15  }
0x57: {  	v9 =	vsel vm5, v25, v9;
	vm2 =	vmand vm7, vm2;
	v25 =	vadd.f32 v24, v34  }
0x58: {  	v14 =	vsel vm5, v14, v20;
	v18 =	vsel vm2, v22, v18;
	v15 =	vsel vm7, v15, v28  }
0x59: {  	v16 =	vadd.f32 v16, v38;
	vm3 =	vlt.f32 v24, v18;
	v20 =	vadd.f32 v15, v32  }
0x5a: {  	v22 =	vor.u32 $0x1, v21;
	v9 =	vsel vm2, v13, v9;
	v13 =	vsel vm4, $0x3F800000, v25  }
0x5b: {  	v25 =	vor.u32 $0x2, v21;
	v28 =	vsel vm7, $0x80000000, v16;
	v20 =	vsel vm4, v32, v20  }
0x5c: {  	v27 =	vadd.f32 v28, v27;
	v28 =	vsel vm7, $0x3F800000, v2;
	v31 =	vadd.f32 v35, v20  }
0x5d: {  	v14 =	vsel vm2, v16, v14;
	vm2 =	vmand vm4, vm3;
	v16 =	vadd.f32 v28, v26  }
0x5e: {  	v26 =	vor.u32 $0x5, v21;
	v28 =	vor.u32 $0x6, v21;
	v32 =	vsel vm4, $0x80000000, v27  }
0x5f: {  	v33 =	vor.u32 $0x3, v21;
	v21 =	vor.u32 $0x4, v21;
	v16 =	vadd.f32 v36, v16;
	v22 =	vld.idx.msk [tilespmem:v22+s2+$0x0], $0xffff  }
0x60: {  	v19 =	vmax.f32 v12, v19;
	v34 =	vsel vm2, v15, v9;
	v9 =	vadd.f32 v32, v23;
	v25 =	vld.idx.msk [tilespmem:v25+s2+$0x0], $0xffff  }
0x61: {  	v12 =	vadd.f32 v41, v13;
	v14 =	vsel vm2, v27, v14;
	v23 =	vsel vm0, v35, v31  }
0x62: {  	vm3 =	vgt.f32 v29, $5.000000000e+00;
	v18 =	vsel vm2, v24, v18;
	v16 =	vadd.f32 v30, v16  }
0x63: {  	v24 =	vsel vm1, $0x3F800000, v2;
	vm2 =	vlt.f32 v13, v18;
	v27 =	vadd.f32 $1.000000000e+00, v29;
	v15 =	vld.idx.msk [tilespmem:v28+s2+$0x0], $0xffff  }
0x64: {  	vm2 =	vmand vm2, vm0;
	v29 =	vsel vm0, $0x80000000, v9;
	v28 =	vsel vm0, $0x3F800000, v12;
	v12 =	vld.idx.msk [tilespmem:v17+s2+$0x0], $0xffff  }
0x65: {  	v14 =	vsel vm2, v9, v14;
	vm0 =	vge.f32 v22, $0.0e+00;
	vm1 =	vgt.f32 v22, $0.0e+00  }
0x66: {  	v18 =	vsel vm2, v13, v18;
	v13 =	vsel vm0, $0x3F800000, v2;
	v30 =	vnsel vm1, $0x0, v22;
	v9 =	vld.idx.msk [tilespmem:v33+s2+$0x0], $0xffff  }
0x67: {  	v22 =	vmax.f32 v19, v22;
	v31 =	vadd.f32 v28, v13;
	v32 =	vadd.f32 v23, v30  }
0x68: {  	v24 =	vadd.f32 v29, v24;
	vm3 =	vmand vm0, vm3;
	v29 =	vsel vm1, $0x3F800000, v2;
	v13 =	vld.idx.msk [tilespmem:v26+s2+$0x0], $0xffff  }
0x69: {  	vm4 =	vlt.f32 v28, v18;
	vm1 =	vgt.f32 v25, $0.0e+00;
	v26 =	vsel vm0, $0x3F800000, v27;
	v17 =	vld.idx.msk [tilespmem:v21+s2+$0x0], $0xffff  }
0x6a: {  	vm4 =	vmand vm3, vm4;
	v19 =	vsel vm3, v30, v32;
	v27 =	vsel vm3, $0x80000000, v24  }
0x6b: {  	v22 =	vmax.f32 v22, v25;
	v30 =	vsel vm3, $0x3F800000, v31;
	v21 =	vsel vm3, $0x3F800000, v2  }
0x6c: {  	v20 =	vsel vm2, v20, v34;
	v28 =	vsel vm4, v28, v18;
	v31 =	vadd.f32 $1.000000000e+00, v26  }
0x6d: {  	vm3 =	vgt.f32 v26, $5.000000000e+00;
	vm2 =	vge.f32 v9, $0.0e+00;
	v18 =	vmax.f32 v22, v9  }
0x6e: {  	vm5 =	vge.f32 v25, $0.0e+00;
	v26 =	vadd.f32 v21, v16;
	vm0 =	vge.f32 v13, $0.0e+00  }
0x6f: {  	v21 =	vsel vm4, v23, v20;
	v16 =	vsel vm5, $0x3F800000, v2;
	v18 =	vmax.f32 v18, v17  }
0x70: {  	v20 =	vsel vm4, v24, v14;
	vm6 =	vgt.f32 v17, $0.0e+00;
	v18 =	vmax.f32 v18, v13  }
0x71: {  	v22 =	vnsel vm1, $0x0, v25;
	v14 =	vsel vm5, $0x3F800000, v31;
	vm4 =	vge.f32 v17, $0.0e+00  }
0x72: {  	vm7 =	vlt.f32 v30, v28;
	v24 =	vadd.f32 v27, v29;
	v27 =	vadd.f32 $1.000000000e+00, v14  }
0x73: {  	v29 =	vadd.f32 v30, v16;
	vm9 =	vgt.f32 v14, $5.000000000e+00;
	v14 =	vsel vm6, $0x3F800000, v2  }
0x74: {  	vm3 =	vmand vm5, vm3;
	v16 =	vadd.f32 v19, v22;
	v23 =	vsel vm4, $0x3F800000, v2  }
0x75: {  	v25 =	vsel vm3, $0x80000000, v24;
	v31 =	vsel vm2, $0x3F800000, v2;
	v27 =	vsel vm2, $0x3F800000, v27  }
.Ltmp0:
0x76: {  	vm8 =	vmand vm3, vm7;
	v16 =	vsel vm3, v22, v16;
	v32 =	vadd.f32 $1.000000000e+00, v27;
	(pc) =	sbr.rel @p0 .LBB2_2-.Ltmp0, $4  }
0x77: {  	v33 =	vsel vm3, $0x3F800000, v2;
	vm2 =	vmand vm2, vm9;
	vm7 =	vgt.f32 v27, $5.000000000e+00  }
0x78: {  	v20 =	vsel vm8, v24, v20;
	v22 =	vsel vm3, $0x3F800000, v29;
	v27 =	vsel vm4, $0x3F800000, v32  }
0x79: {  	v24 =	vsel vm8, v30, v28;
	vm3 =	vgt.f32 v27, $5.000000000e+00;
	v27 =	vadd.f32 $1.000000000e+00, v27  }
0x7a: {  	v26 =	vadd.f32 v33, v26;
	vm5 =	vlt.f32 v22, v24;
	v28 =	vadd.f32 v22, v31  }
0x7b: {  	v5 =	vsel vm8, v19, v21  }
0x7c: {  	v19 =	vsel vm0, $0x3F800000, v27;
	vm8 =	vgt.f32 v12, $0.0e+00;
	v17 =	vnsel vm6, $0x0, v17  }
0x7d: {  	vm9 =	vge.f32 v15, $0.0e+00;
	vm6 =	vge.f32 v12, $0.0e+00;
	vm7 =	vmand vm4, vm7  }
0x7e: {  	v29 =	vsel vm2, $0x3F800000, v2;
	vm4 =	vgt.f32 v13, $0.0e+00;
	v18 =	vmax.f32 v18, v15  }
0x7f: {  	v33 =	vsel vm0, $0x3F800000, v2;
	vm5 =	vmand vm2, vm5;
	vm0 =	vmand vm0, vm3  }
0x80: {  	v21 =	vsel vm2, $0x3F800000, v28;
	v27 =	vadd.f32 $1.000000000e+00, v19;
	vm10 =	vgt.f32 v19, $5.000000000e+00  }
0x81: {  	v28 =	vnsel vm8, $0x0, v12;
	v31 =	vsel vm7, $0x3F800000, v2;
	v32 =	vsel vm4, $0x3F800000, v2  }
0x82: {  	v13 =	vnsel vm4, $0x0, v13;
	v22 =	vsel vm5, v22, v24;
	v5 =	vsel vm5, v16, v5  }
0x83: {  	v0 =	vmax.f32 v18, v12;
	v23 =	vadd.f32 v21, v23;
	v19 =	vsel vm9, $0x3F800000, v27  }
0x84: {  	vm4 =	vmand vm9, vm10;
	v27 =	vsel vm8, $0x3F800000, v2;
	vm8 =	vgt.f32 v19, $5.000000000e+00  }
0x85: {  	v19 =	vsel vm1, $0x3F800000, v2;
	vm1 =	vmand vm6, vm8;
	vm8 =	vgt.f32 v15, $0.0e+00  }
0x86: {  	v19 =	vadd.f32 v25, v19;
	v25 =	vadd.f32 v29, v26;
	v29 =	vsel vm9, $0x3F800000, v2  }
0x87: {  	v26 =	vsel vm8, $0x3F800000, v2;
	v15 =	vnsel vm8, $0x0, v15;
	vm8 =	vgt.f32 v9, $0.0e+00  }
0x88: {  	v9 =	vnsel vm8, $0x0, v9;
	v34 =	vsel vm8, $0x3F800000, v2;
	v35 =	vsel vm2, $0x80000000, v19  }
0x89: {  	v25 =	vadd.f32 v31, v25;
	v19 =	vsel vm5, v19, v20;
	v36 =	vadd.f32 v16, v9  }
0x8a: {  	v20 =	vsel vm7, $0x3F800000, v23;
	v34 =	vadd.f32 v35, v34;
	v16 =	vsel vm0, $0x3F800000, v2  }
0x8b: {  	v18 =	vadd.f32 v20, v33;
	v9 =	vsel vm2, v9, v36;
	vm2 =	vlt.f32 v21, v22  }
0x8c: {  	v30 =	vsel vm1, $0x3F800000, v2;
	v12 =	vadd.f32 v16, v25;
	vm2 =	vmand vm7, vm2  }
0x8d: {  	v31 =	vsel vm7, $0x80000000, v34;
	v18 =	vsel vm0, $0x3F800000, v18;
	v16 =	vsel vm2, v21, v22;
	v22 =	vld.idx.msk [tilespmem:v63+s17+$0x0], $0xffff  }
0x8e: {  	v23 =	vadd.f32 v9, v17;
	v14 =	vadd.f32 v31, v14;
	v21 =	vsel vm4, $0x3F800000, v2  }
0x8f: {  	v19 =	vsel vm2, v34, v19;
	v5 =	vsel vm2, v9, v5;
	v12 =	vadd.f32 v21, v12  }
0x90: {  	vm3 =	vlt.f32 v20, v16;
	v17 =	vsel vm7, v17, v23;
	v9 =	vsel vm0, $0x80000000, v14  }
0x91: {  	[tilespmem:$0x1FF70] =	vst v0;
	vm3 =	vmand vm0, vm3;
	v21 =	vadd.f32 v17, v13;
	v0 =	vadd.f32 v30, v12  }
0x92: {  	v9 =	vadd.f32 v9, v32;
	v12 =	vadd.f32 v18, v29;
	v16 =	vsel vm3, v20, v16;
	[tilespmem:$0x1FF80] =	vst v22  }
0x93: {  	v5 =	vsel vm3, v17, v5;
	v14 =	vsel vm3, v14, v19;
	v13 =	vsel vm0, v13, v21;
	[tilespmem:$0x1FF90] =	vst v0  }
0x94: {  	vm0 =	vlt.f32 v18, v16;
	[tilespmem:v63+s21+$0x0] =	vst.idx.msk $0xffff, v0;
	v20 =	vadd.f32 v13, v15  }
0x95: {  	v19 =	vsel vm4, $0x80000000, v9;
	v22 =	vsel vm6, $0x3F800000, v2;
	v12 =	vsel vm4, $0x3F800000, v12;
	_ =	swait.ge [sflag:s22], $0x2000  }
0x96: {  	vm0 =	vmand vm4, vm0;
	v17 =	vadd.f32 v12, v22;
	[sflag:s22] =	ssyncset.done $0x0;
	v15 =	vsel vm4, v15, v20  }
0x97: {  	v16 =	vsel vm0, v18, v16;
	v5 =	vsel vm0, v13, v5;
	[sflag:s22] =	ssyncadd.s32 $0xFFFFE000;
	v18 =	vadd.f32 v15, v28  }
0x98: {  	v13 =	vadd.f32 v19, v26;
	vm2 =	vlt.f32 v12, v16;
	v0 =	vsel vm1, $0x3F800000, v17;
	[tilespmem:s2], [sflag:$0x1] =	stream.linear.gather [hbm4b:s6+s2], $0x2000, $0x38;
	[tilespmem:$0x4280] =	vst v63  }
0x99: {  	vm2 =	vmand vm1, vm2;
	[tilespmem:$0x1FFA0] =	vst v0;
	v19 =	vld.idx.msk [tilespmem:v1+s20+$0x0], $0xffff;
	v0 =	vsel vm1, v28, v18  }
0x9a: {  	v9 =	vsel vm0, v9, v14;
	v14 =	vsel vm1, $0x80000000, v13;
	[tilespmem:$0x1FFB0] =	vst v0;
	v0 =	vsel vm2, v15, v5  }
0x9b: {  	v22 =	vld.idx.msk [tilespmem:v10+s20+$0x0], $0xffff;
	[tilespmem:$0x1FFC0] =	vst v0;
	v0 =	vadd.f32 v14, v27;
	_ =	sdelay $0x1  }
0x9c: {  	v18 =	vld.idx.msk [tilespmem:v11+s20+$0x0], $0xffff;
	[tilespmem:$0x1FFD0] =	vst v0;
	v0 =	vsel vm2, v13, v9;
	v9 =	vimm.f32 $1.000000020e+30;
	v13 =	vimm.f32 $-1.000000020e+30  }
0x9d: {  	[tilespmem:$0x1FFE0] =	vst v0;
	v0 =	vsel vm2, v12, v16;
	v12 =	vimm.f32 $0.0e+00;
	vm0 =	vgt.f32 v19, $0.0e+00  }
0x9e: {  	vm1 =	vgt.f32 v9, $5.000000000e+00;
	vm2 =	vge.f32 v19, $0.0e+00;
	v15 =	vadd.f32 $1.000000000e+00, v9  }
0x9f: {  	v13 =	vmax.f32 v13, v19;
	vm3 =	vlt.f32 v9, v9;
	vm7 =	vge.f32 v22, $0.0e+00  }
0xa0: {  	v14 =	vnsel vm0, $0x0, v19;
	v16 =	vsel vm2, $0x3F800000, v2;
	vm1 =	vmand vm1, vm2  }
0xa1: {  	v13 =	vmax.f32 v13, v18;
	v17 =	vadd.f32 v14, v12;
	v15 =	vsel vm2, $0x3F800000, v15  }
0xa2: {  	v20 =	vsel vm1, $0x3F800000, v2;
	v16 =	vadd.f32 v16, v9;
	v13 =	vmax.f32 v13, v22  }
0xa3: {  	v19 =	vadd.f32 v20, v12;
	vm2 =	vgt.f32 v15, $5.000000000e+00;
	v15 =	vadd.f32 $1.000000000e+00, v15  }
0xa4: {  	v20 =	vsel vm1, $0x80000000, v12;
	v17 =	vsel vm1, v14, v17;
	v14 =	vsel vm0, $0x3F800000, v2  }
0xa5: {  	vm0 =	vmand vm3, vm1;
	v16 =	vsel vm1, $0x3F800000, v16;
	vm1 =	vge.f32 v18, $0.0e+00  }
0xa6: {  	vm3 =	vgt.f32 v18, $0.0e+00;
	v23 =	vsel vm0, v12, v12;
	v12 =	vsel vm1, $0x3F800000, v2  }
0xa7: {  	v21 =	vnsel vm3, $0x0, v18;
	v9 =	vsel vm0, v9, v9;
	v26 =	vadd.f32 v20, v14  }
0xa8: {  	vm0 =	vmand vm1, vm2;
	v27 =	vsel vm3, $0x3F800000, v2;
	v15 =	vsel vm1, $0x3F800000, v15  }
0xa9: {  	v24 =	vadd.f32 v16, v12;
	v25 =	vadd.f32 v17, v21;
	v12 =	vld.idx.msk [tilespmem:v8+s20+$0x0], $0xffff;
	vm2 =	vlt.f32 v16, v9  }
0xaa: {  	vm1 =	vgt.f32 v22, $0.0e+00;
	v18 =	vld.idx.msk [tilespmem:v7+s20+$0x0], $0xffff;
	vm3 =	vgt.f32 v15, $5.000000000e+00;
	vm2 =	vmand vm0, vm2  }
0xab: {  	v14 =	vld.idx.msk [tilespmem:v6+s20+$0x0], $0xffff;
	vm3 =	vmand vm7, vm3;
	v20 =	vsel vm0, v21, v25;
	v25 =	vsel vm0, $0x80000000, v26  }
0xac: {  	v24 =	vsel vm0, $0x3F800000, v24;
	v21 =	vsel vm0, $0x3F800000, v2;
	v28 =	vsel vm2, v16, v9  }
0xad: {  	v9 =	vadd.f32 $1.000000000e+00, v15;
	v15 =	vsel vm7, $0x3F800000, v2;
	v16 =	vsel vm2, v26, v23  }
0xae: {  	v31 =	vsel vm3, $0x3F800000, v2;
	v29 =	vadd.f32 v21, v19;
	v13 =	vmax.f32 v13, v12  }
0xaf: {  	v21 =	vsel vm2, v17, v23;
	v9 =	vsel vm7, $0x3F800000, v9;
	v13 =	vmax.f32 v13, v18  }
0xb0: {  	v17 =	vadd.f32 $1.000000000e+00, v9;
	v19 =	vmax.f32 v13, v14;
	v13 =	vnsel vm1, $0x0, v22  }
0xb1: {  	vm5 =	vge.f32 v12, $0.0e+00;
	vm9 =	vgt.f32 v9, $5.000000000e+00;
	v9 =	vadd.f32 v20, v13  }
0xb2: {  	vm2 =	vlt.f32 v24, v28;
	v22 =	vadd.f32 v25, v27;
	v27 =	vsel vm5, $0x3F800000, v17  }
0xb3: {  	v26 =	vadd.f32 v24, v15;
	v17 =	vsel vm3, v13, v9;
	v13 =	vadd.f32 $1.000000000e+00, v27  }
0xb4: {  	vm4 =	vge.f32 v18, $0.0e+00;
	vm8 =	vmand vm3, vm2;
	vm7 =	vgt.f32 v27, $5.000000000e+00  }
0xb5: {  	v25 =	vsel vm3, $0x80000000, v22;
	v9 =	vsel vm8, v22, v16;
	v13 =	vsel vm4, $0x3F800000, v13  }
0xb6: {  	v22 =	vsel vm3, $0x3F800000, v26;
	vm3 =	vgt.f32 v13, $5.000000000e+00;
	v27 =	vadd.f32 $1.000000000e+00, v13;
	v13 =	vld.idx.msk [tilespmem:v3+s20+$0x0], $0xffff  }
0xb7: {  	v5 =	vadd.s32 $0x8, v1;
	vm6 =	vgt.f32 v18, $0.0e+00  }
0xb8: {  	vm0 =	vge.f32 v14, $0.0e+00;
	v15 =	vsel vm6, $0x3F800000, v2;
	v23 =	vsel vm4, $0x3F800000, v2;
	v16 =	vld.idx.msk [tilespmem:v4+s20+$0x0], $0xffff  }
0xb9: {  	v24 =	vsel vm8, v24, v28;
	v30 =	vsel vm5, $0x3F800000, v2;
	vm2 =	vmand vm5, vm9  }
0xba: {  	s25 =	simm.s32 $0x3F;
	[tilespmem:$0x1FFF0] =	vst v0;
	v26 =	vadd.f32 v31, v29;
	vm5 =	vlt.f32 v22, v24;
	v28 =	vadd.f32 v22, v30  }
.LBB2_4:
0xbb: {  	p0 =	sne.s32 s25, $0x1;
	s25 =	sadd.s32 $0xFFFFFFFF, s25;
	v29 =	vsel vm8, v20, v21;
	v27 =	vsel vm0, $0x3F800000, v27;
	vm8 =	vgt.f32 v13, $0.0e+00;
	v21 =	vmovc v5  }
0xbc: {  	v30 =	vnsel vm6, $0x0, v18;
	v20 =	vld.idx.msk [tilespmem:v5+s20+$0x0], $0xffff;
	v28 =	vsel vm2, $0x3F800000, v28;
	v18 =	vadd.f32 $1.000000000e+00, v27  }
0xbd: {  	vm10 =	vge.f32 v16, $0.0e+00;
	vm11 =	vgt.f32 v27, $5.000000000e+00;
	v31 =	vadd.f32 v28, v23  }
0xbe: {  	v5 =	vadd.s32 $0x8, v5;
	v23 =	vsel vm8, $0x3F800000, v2;
	v27 =	vsel vm10, $0x3F800000, v18  }
0xbf: {  	v32 =	vnsel vm8, $0x0, v13;
	v18 =	vor.u32 $0x7, v21;
	v33 =	vadd.f32 $1.000000000e+00, v27  }
0xc0: {  	vm6 =	vge.f32 v13, $0.0e+00;
	vm8 =	vmand vm4, vm7;
	vm4 =	vgt.f32 v27, $5.000000000e+00  }
0xc1: {  	v27 =	vsel vm1, $0x3F800000, v2;
	vm4 =	vmand vm6, vm4;
	v33 =	vsel vm6, $0x3F800000, v33  }
0xc2: {  	v34 =	vsel vm2, $0x3F800000, v2;
	vm1 =	vgt.f32 v20, $0.0e+00;
	vm9 =	vgt.f32 v33, $5.000000000e+00  }
0xc3: {  	vm12 =	vgt.f32 v16, $0.0e+00;
	vm7 =	vgt.f32 v14, $0.0e+00;
	v35 =	vnsel vm1, $0x0, v20  }
0xc4: {  	v26 =	vadd.f32 v34, v26;
	v25 =	vadd.f32 v25, v27;
	v27 =	vsel vm12, $0x3F800000, v2  }
0xc5: {  	v19 =	vmax.f32 v19, v16;
	v34 =	vsel vm10, $0x3F800000, v2;
	v36 =	vsel vm4, $0x3F800000, v2  }
0xc6: {  	v16 =	vnsel vm12, $0x0, v16;
	v37 =	vsel vm8, $0x3F800000, v2;
	v38 =	vsel vm7, $0x3F800000, v2  }
0xc7: {  	v39 =	vsel vm0, $0x3F800000, v2;
	v14 =	vnsel vm7, $0x0, v14;
	vm12 =	vgt.f32 v12, $0.0e+00  }
0xc8: {  	v12 =	vnsel vm12, $0x0, v12;
	v40 =	vsel vm12, $0x3F800000, v2;
	v41 =	vsel vm2, $0x80000000, v25  }
0xc9: {  	vm7 =	vmand vm10, vm11;
	v42 =	vadd.f32 v17, v12;
	v40 =	vadd.f32 v41, v40  }
0xca: {  	vm5 =	vmand vm2, vm5;
	vm3 =	vmand vm0, vm3;
	v26 =	vadd.f32 v37, v26  }
0xcb: {  	vm10 =	vge.f32 v20, $0.0e+00;
	v12 =	vsel vm2, v12, v42;
	v37 =	vsel vm8, $0x80000000, v40  }
0xcc: {  	v22 =	vsel vm5, v22, v24;
	v9 =	vsel vm5, v25, v9;
	v41 =	vsel vm10, $0x3F800000, v2  }
0xcd: {  	vm0 =	vlt.f32 v28, v22;
	v24 =	vsel vm8, $0x3F800000, v31;
	v25 =	vadd.f32 v12, v30  }
0xce: {  	v13 =	vmax.f32 v19, v13;
	v17 =	vsel vm5, v17, v29;
	vm2 =	vmand vm8, vm0  }
0xcf: {  	v19 =	vsel vm2, v28, v22;
	v22 =	vadd.f32 v24, v39;
	v28 =	vsel vm3, $0x3F800000, v2  }
0xd0: {  	v29 =	vadd.f32 $1.000000000e+00, v33;
	v9 =	vsel vm2, v40, v9;
	vm5 =	vlt.f32 v24, v19  }
0xd1: {  	vm0 =	vmand vm9, vm10;
	v25 =	vsel vm8, v30, v25;
	vm5 =	vmand vm3, vm5  }
0xd2: {  	v29 =	vsel vm10, $0x3F800000, v29;
	v15 =	vadd.f32 v37, v15;
	v22 =	vsel vm3, $0x3F800000, v22  }
0xd3: {  	v30 =	vsel vm0, $0x3F800000, v2;
	v31 =	vadd.f32 v25, v14;
	v33 =	vadd.f32 v22, v34  }
0xd4: {  	v12 =	vsel vm2, v12, v17;
	v17 =	vsel vm3, $0x80000000, v15;
	v34 =	vsel vm6, $0x3F800000, v2  }
0xd5: {  	v19 =	vsel vm5, v24, v19;
	v14 =	vsel vm3, v14, v31;
	v24 =	vsel vm7, $0x3F800000, v33  }
0xd6: {  	v26 =	vadd.f32 v28, v26;
	vm2 =	vlt.f32 v22, v19;
	v28 =	vadd.f32 v14, v16  }
0xd7: {  	v12 =	vsel vm5, v25, v12;
	vm2 =	vmand vm7, vm2;
	v25 =	vadd.f32 v24, v34  }
0xd8: {  	v9 =	vsel vm5, v15, v9;
	v15 =	vsel vm2, v22, v19;
	v16 =	vsel vm7, v16, v28  }
0xd9: {  	v17 =	vadd.f32 v17, v38;
	vm3 =	vlt.f32 v24, v15;
	v19 =	vadd.f32 v16, v32  }
0xda: {  	v22 =	vor.u32 $0x1, v21;
	v12 =	vsel vm2, v14, v12;
	v14 =	vsel vm4, $0x3F800000, v25  }
0xdb: {  	v25 =	vor.u32 $0x2, v21;
	v28 =	vsel vm7, $0x80000000, v17;
	v19 =	vsel vm4, v32, v19  }
0xdc: {  	v27 =	vadd.f32 v28, v27;
	v28 =	vsel vm7, $0x3F800000, v2;
	v31 =	vadd.f32 v35, v19  }
0xdd: {  	v9 =	vsel vm2, v17, v9;
	vm2 =	vmand vm4, vm3;
	v17 =	vadd.f32 v28, v26  }
0xde: {  	v26 =	vor.u32 $0x5, v21;
	v28 =	vor.u32 $0x6, v21;
	v32 =	vsel vm4, $0x80000000, v27  }
0xdf: {  	v33 =	vor.u32 $0x3, v21;
	v21 =	vor.u32 $0x4, v21;
	v17 =	vadd.f32 v36, v17;
	v22 =	vld.idx.msk [tilespmem:v22+s20+$0x0], $0xffff  }
0xe0: {  	v20 =	vmax.f32 v13, v20;
	v34 =	vsel vm2, v16, v12;
	v12 =	vadd.f32 v32, v23;
	v25 =	vld.idx.msk [tilespmem:v25+s20+$0x0], $0xffff  }
0xe1: {  	v13 =	vadd.f32 v41, v14;
	v9 =	vsel vm2, v27, v9;
	v23 =	vsel vm0, v35, v31  }
0xe2: {  	vm3 =	vgt.f32 v29, $5.000000000e+00;
	v15 =	vsel vm2, v24, v15;
	v17 =	vadd.f32 v30, v17  }
0xe3: {  	v24 =	vsel vm1, $0x3F800000, v2;
	vm2 =	vlt.f32 v14, v15;
	v27 =	vadd.f32 $1.000000000e+00, v29;
	v16 =	vld.idx.msk [tilespmem:v28+s20+$0x0], $0xffff  }
0xe4: {  	vm2 =	vmand vm2, vm0;
	v29 =	vsel vm0, $0x80000000, v12;
	v28 =	vsel vm0, $0x3F800000, v13;
	v13 =	vld.idx.msk [tilespmem:v18+s20+$0x0], $0xffff  }
0xe5: {  	v9 =	vsel vm2, v12, v9;
	vm0 =	vge.f32 v22, $0.0e+00;
	vm1 =	vgt.f32 v22, $0.0e+00  }
0xe6: {  	v15 =	vsel vm2, v14, v15;
	v14 =	vsel vm0, $0x3F800000, v2;
	v30 =	vnsel vm1, $0x0, v22;
	v12 =	vld.idx.msk [tilespmem:v33+s20+$0x0], $0xffff  }
0xe7: {  	v22 =	vmax.f32 v20, v22;
	v31 =	vadd.f32 v28, v14;
	v32 =	vadd.f32 v23, v30  }
0xe8: {  	v24 =	vadd.f32 v29, v24;
	vm3 =	vmand vm0, vm3;
	v29 =	vsel vm1, $0x3F800000, v2;
	v14 =	vld.idx.msk [tilespmem:v26+s20+$0x0], $0xffff  }
0xe9: {  	vm4 =	vlt.f32 v28, v15;
	vm1 =	vgt.f32 v25, $0.0e+00;
	v26 =	vsel vm0, $0x3F800000, v27;
	v18 =	vld.idx.msk [tilespmem:v21+s20+$0x0], $0xffff  }
0xea: {  	vm4 =	vmand vm3, vm4;
	v20 =	vsel vm3, v30, v32;
	v27 =	vsel vm3, $0x80000000, v24  }
0xeb: {  	v22 =	vmax.f32 v22, v25;
	v30 =	vsel vm3, $0x3F800000, v31;
	v21 =	vsel vm3, $0x3F800000, v2  }
0xec: {  	v19 =	vsel vm2, v19, v34;
	v28 =	vsel vm4, v28, v15;
	v15 =	vadd.f32 $1.000000000e+00, v26  }
0xed: {  	vm3 =	vgt.f32 v26, $5.000000000e+00;
	vm2 =	vge.f32 v12, $0.0e+00;
	v22 =	vmax.f32 v22, v12  }
0xee: {  	vm5 =	vge.f32 v25, $0.0e+00;
	v26 =	vadd.f32 v21, v17;
	vm0 =	vge.f32 v14, $0.0e+00  }
0xef: {  	v21 =	vsel vm4, v23, v19;
	v17 =	vsel vm5, $0x3F800000, v2;
	v19 =	vmax.f32 v22, v18  }
0xf0: {  	v9 =	vsel vm4, v24, v9;
	vm6 =	vgt.f32 v18, $0.0e+00;
	v19 =	vmax.f32 v19, v14  }
0xf1: {  	v15 =	vsel vm5, $0x3F800000, v15;
	v22 =	vnsel vm1, $0x0, v25;
	vm4 =	vge.f32 v18, $0.0e+00  }
0xf2: {  	v24 =	vadd.f32 v27, v29;
	vm7 =	vlt.f32 v30, v28;
	v27 =	vadd.f32 $1.000000000e+00, v15  }
0xf3: {  	v29 =	vadd.f32 v30, v17;
	vm9 =	vgt.f32 v15, $5.000000000e+00;
	v15 =	vsel vm6, $0x3F800000, v2  }
0xf4: {  	vm3 =	vmand vm5, vm3;
	v17 =	vadd.f32 v20, v22;
	v23 =	vsel vm4, $0x3F800000, v2  }
0xf5: {  	v31 =	vsel vm2, $0x3F800000, v2;
	v25 =	vsel vm3, $0x80000000, v24;
	v27 =	vsel vm2, $0x3F800000, v27  }
.Ltmp1:
0xf6: {  	vm8 =	vmand vm3, vm7;
	v32 =	vadd.f32 $1.000000000e+00, v27;
	v17 =	vsel vm3, v22, v17;
	(pc) =	sbr.rel @p0 .LBB2_4-.Ltmp1, $4  }
0xf7: {  	v33 =	vsel vm3, $0x3F800000, v2;
	vm2 =	vmand vm2, vm9;
	vm7 =	vgt.f32 v27, $5.000000000e+00  }
0xf8: {  	v9 =	vsel vm8, v24, v9;
	v22 =	vsel vm3, $0x3F800000, v29;
	v27 =	vsel vm4, $0x3F800000, v32  }
0xf9: {  	v24 =	vsel vm8, v30, v28;
	vm3 =	vgt.f32 v27, $5.000000000e+00;
	v27 =	vadd.f32 $1.000000000e+00, v27  }
0xfa: {  	v26 =	vadd.f32 v33, v26;
	vm5 =	vlt.f32 v22, v24;
	v28 =	vadd.f32 v22, v31  }
0xfb: {  	v5 =	vsel vm8, v20, v21;
	v20 =	vsel vm0, $0x3F800000, v27  }
0xfc: {  	vm8 =	vgt.f32 v13, $0.0e+00;
	v18 =	vnsel vm6, $0x0, v18;
	vm6 =	vge.f32 v16, $0.0e+00  }
0xfd: {  	vm7 =	vmand vm4, vm7;
	vm4 =	vge.f32 v13, $0.0e+00;
	v29 =	vsel vm2, $0x3F800000, v2  }
0xfe: {  	vm10 =	vgt.f32 v16, $0.0e+00;
	v19 =	vmax.f32 v19, v16;
	v33 =	vsel vm0, $0x3F800000, v2  }
0xff: {  	vm5 =	vmand vm2, vm5;
	vm0 =	vmand vm0, vm3;
	v21 =	vsel vm2, $0x3F800000, v28  }
0x100: {  	v27 =	vadd.f32 $1.000000000e+00, v20;
	vm9 =	vgt.f32 v20, $5.000000000e+00;
	v28 =	vnsel vm8, $0x0, v13  }
0x101: {  	v31 =	vsel vm7, $0x3F800000, v2;
	v16 =	vnsel vm10, $0x0, v16;
	v22 =	vsel vm5, v22, v24  }
0x102: {  	v5 =	vsel vm5, v17, v5;
	v0 =	vmax.f32 v19, v13;
	v20 =	vsel vm6, $0x3F800000, v27  }
0x103: {  	v23 =	vadd.f32 v21, v23;
	v27 =	vsel vm8, $0x3F800000, v2;
	vm8 =	vgt.f32 v20, $5.000000000e+00  }
0x104: {  	v20 =	vsel vm1, $0x3F800000, v2;
	vm1 =	vmand vm4, vm8;
	vm8 =	vgt.f32 v14, $0.0e+00  }
0x105: {  	v20 =	vadd.f32 v25, v20;
	v25 =	vadd.f32 v29, v26;
	v26 =	vsel vm10, $0x3F800000, v2  }
0x106: {  	v29 =	vsel vm6, $0x3F800000, v2;
	vm10 =	vgt.f32 v12, $0.0e+00;
	vm6 =	vmand vm6, vm9  }
0x107: {  	v30 =	vsel vm1, $0x3F800000, v2;
	v32 =	vsel vm8, $0x3F800000, v2;
	v14 =	vnsel vm8, $0x0, v14  }
0x108: {  	v12 =	vnsel vm10, $0x0, v12;
	v34 =	vsel vm10, $0x3F800000, v2;
	v25 =	vadd.f32 v31, v25  }
0x109: {  	v35 =	vsel vm2, $0x80000000, v20;
	v36 =	vadd.f32 v17, v12;
	v17 =	vsel vm0, $0x3F800000, v2  }
0x10a: {  	v34 =	vadd.f32 v35, v34;
	v13 =	vadd.f32 v17, v25;
	v17 =	vor.u32 $0x10, v63  }
0x10b: {  	v9 =	vsel vm5, v20, v9;
	v12 =	vsel vm2, v12, v36;
	vm2 =	vlt.f32 v21, v22  }
0x10c: {  	v20 =	vsel vm7, $0x3F800000, v23;
	v31 =	vsel vm7, $0x80000000, v34;
	vm2 =	vmand vm7, vm2  }
0x10d: {  	v23 =	vadd.f32 v12, v18;
	v19 =	vsel vm2, v21, v22;
	v22 =	vsel vm6, $0x3F800000, v2  }
0x10e: {  	v21 =	vadd.f32 v20, v33;
	v9 =	vsel vm2, v34, v9;
	v13 =	vadd.f32 v22, v13  }
0x10f: {  	v15 =	vadd.f32 v31, v15;
	vm3 =	vlt.f32 v20, v19;
	v18 =	vsel vm7, v18, v23;
	v23 =	vld.idx.msk [tilespmem:v17+s17+$0x0], $0xffff  }
0x110: {  	[tilespmem:$0x1FEE0] =	vst v0;
	v5 =	vsel vm2, v12, v5;
	vm3 =	vmand vm0, vm3;
	v0 =	vadd.f32 v30, v13  }
0x111: {  	v21 =	vsel vm0, $0x3F800000, v21;
	v22 =	vadd.f32 v18, v14;
	v12 =	vsel vm0, $0x80000000, v15  }
0x112: {  	v13 =	vadd.f32 v21, v29;
	v19 =	vsel vm3, v20, v19;
	v5 =	vsel vm3, v18, v5;
	[tilespmem:$0x1FF00] =	vst v0  }
0x113: {  	v12 =	vadd.f32 v12, v32;
	v14 =	vsel vm0, v14, v22;
	[tilespmem:v17+s21+$0x0] =	vst.idx.msk $0xffff, v0  }
0x114: {  	v9 =	vsel vm3, v15, v9;
	vm0 =	vlt.f32 v21, v19;
	v17 =	vadd.f32 v14, v16;
	[tilespmem:$0x1FEF0] =	vst v23  }
0x115: {  	v13 =	vsel vm6, $0x3F800000, v13;
	vm0 =	vmand vm6, vm0;
	v23 =	vsel vm4, $0x3F800000, v2;
	_ =	swait.ge [sflag:s19], $0x2000  }
0x116: {  	v5 =	vsel vm0, v14, v5;
	v15 =	vsel vm6, v16, v17;
	v18 =	vadd.f32 v13, v23;
	[sflag:s19] =	ssyncset.done $0x0  }
0x117: {  	v16 =	vsel vm0, v21, v19;
	v19 =	vsel vm6, $0x80000000, v12;
	v17 =	vadd.f32 v15, v28;
	[sflag:s19] =	ssyncadd.s32 $0xFFFFE000  }
0x118: {  	vm2 =	vlt.f32 v13, v16;
	v14 =	vadd.f32 v19, v26;
	v0 =	vsel vm1, $0x3F800000, v18;
	[tilespmem:s20], [sflag:$0x2] =	stream.linear.gather [hbm4b:s7+s2], $0x2000, $0x38;
	[tilespmem:$0x4280] =	vst v63  }
0x119: {  	vm2 =	vmand vm1, vm2;
	[tilespmem:$0x1FF10] =	vst v0;
	v0 =	vsel vm1, v28, v17  }
0x11a: {  	v9 =	vsel vm0, v12, v9;
	v12 =	vsel vm1, $0x80000000, v14;
	[tilespmem:$0x1FF20] =	vst v0;
	v0 =	vsel vm2, v15, v5  }
0x11b: {  	v19 =	vld.idx.msk [tilespmem:v1+s2+$0x0], $0xffff;
	[tilespmem:$0x1FF30] =	vst v0;
	v0 =	vadd.f32 v12, v27;
	_ =	sdelay $0x1  }
0x11c: {  	v18 =	vld.idx.msk [tilespmem:v11+s2+$0x0], $0xffff;
	v12 =	vimm.f32 $0.0e+00;
	[tilespmem:$0x1FF40] =	vst v0;
	v0 =	vsel vm2, v14, v9  }
0x11d: {  	v9 =	vimm.f32 $1.000000020e+30;
	[tilespmem:$0x1FF50] =	vst v0;
	v0 =	vsel vm2, v13, v16;
	v13 =	vimm.f32 $-1.000000020e+30  }
0x11e: {  	vm1 =	vgt.f32 v9, $5.000000000e+00;
	v15 =	vadd.f32 $1.000000000e+00, v9;
	vm3 =	vlt.f32 v9, v9  }
0x11f: {  	vm0 =	vgt.f32 v19, $0.0e+00;
	vm2 =	vge.f32 v19, $0.0e+00;
	v13 =	vmax.f32 v13, v19  }
0x120: {  	v14 =	vnsel vm0, $0x0, v19;
	v16 =	vsel vm2, $0x3F800000, v2;
	vm1 =	vmand vm1, vm2  }
0x121: {  	v15 =	vsel vm2, $0x3F800000, v15;
	v13 =	vmax.f32 v13, v18;
	v17 =	vadd.f32 v14, v12  }
0x122: {  	v20 =	vsel vm1, $0x3F800000, v2;
	v16 =	vadd.f32 v16, v9;
	vm2 =	vgt.f32 v15, $5.000000000e+00  }
0x123: {  	v15 =	vadd.f32 $1.000000000e+00, v15;
	v21 =	vsel vm1, $0x80000000, v12;
	v19 =	vadd.f32 v20, v12  }
0x124: {  	v17 =	vsel vm1, v14, v17;
	v14 =	vsel vm0, $0x3F800000, v2;
	vm0 =	vmand vm3, vm1  }
0x125: {  	v20 =	vld.idx.msk [tilespmem:v10+s2+$0x0], $0xffff;
	v16 =	vsel vm1, $0x3F800000, v16;
	vm1 =	vge.f32 v18, $0.0e+00;
	vm3 =	vgt.f32 v18, $0.0e+00  }
0x126: {  	v23 =	vsel vm0, v12, v12;
	v12 =	vsel vm1, $0x3F800000, v2;
	v22 =	vnsel vm3, $0x0, v18  }
0x127: {  	v9 =	vsel vm0, v9, v9;
	v26 =	vadd.f32 v21, v14;
	vm0 =	vmand vm1, vm2  }
0x128: {  	v27 =	vsel vm3, $0x3F800000, v2;
	v15 =	vsel vm1, $0x3F800000, v15;
	v25 =	vadd.f32 v17, v22  }
0x129: {  	v24 =	vadd.f32 v16, v12;
	v12 =	vld.idx.msk [tilespmem:v8+s2+$0x0], $0xffff;
	vm2 =	vlt.f32 v16, v9;
	vm3 =	vgt.f32 v15, $5.000000000e+00  }
0x12a: {  	v18 =	vld.idx.msk [tilespmem:v7+s2+$0x0], $0xffff;
	vm2 =	vmand vm0, vm2;
	vm1 =	vgt.f32 v20, $0.0e+00;
	v21 =	vsel vm0, v22, v25  }
0x12b: {  	v14 =	vld.idx.msk [tilespmem:v6+s2+$0x0], $0xffff;
	v25 =	vsel vm0, $0x80000000, v26;
	v28 =	vsel vm0, $0x3F800000, v24;
	v22 =	vsel vm0, $0x3F800000, v2  }
0x12c: {  	v13 =	vmax.f32 v13, v20;
	v29 =	vsel vm2, v16, v9;
	v9 =	vadd.f32 $1.000000000e+00, v15  }
0x12d: {  	vm7 =	vge.f32 v20, $0.0e+00;
	v16 =	vsel vm2, v26, v23;
	v30 =	vadd.f32 v22, v19  }
0x12e: {  	v22 =	vsel vm2, v17, v23;
	v15 =	vsel vm7, $0x3F800000, v2;
	v13 =	vmax.f32 v13, v12  }
0x12f: {  	v23 =	vadd.f32 v25, v27;
	v9 =	vsel vm7, $0x3F800000, v9;
	v13 =	vmax.f32 v13, v18  }
0x130: {  	v17 =	vadd.f32 $1.000000000e+00, v9;
	v19 =	vmax.f32 v13, v14;
	v13 =	vnsel vm1, $0x0, v20  }
0x131: {  	vm5 =	vge.f32 v12, $0.0e+00;
	vm9 =	vgt.f32 v9, $5.000000000e+00;
	v9 =	vadd.f32 v21, v13  }
0x132: {  	vm2 =	vlt.f32 v28, v29;
	vm3 =	vmand vm7, vm3;
	v26 =	vsel vm5, $0x3F800000, v17  }
0x133: {  	vm4 =	vge.f32 v18, $0.0e+00;
	v17 =	vsel vm3, v13, v9;
	v13 =	vadd.f32 $1.000000000e+00, v26  }
0x134: {  	v25 =	vadd.f32 v28, v15;
	vm8 =	vmand vm3, vm2;
	v62 =	vsel vm3, $0x3F800000, v2  }
0x135: {  	v20 =	vsel vm3, $0x80000000, v23;
	v9 =	vsel vm8, v23, v16;
	v13 =	vsel vm4, $0x3F800000, v13  }
0x136: {  	v23 =	vsel vm3, $0x3F800000, v25;
	vm3 =	vgt.f32 v13, $5.000000000e+00;
	v27 =	vadd.f32 $1.000000000e+00, v13;
	v13 =	vld.idx.msk [tilespmem:v3+s2+$0x0], $0xffff  }
0x137: {  	v5 =	vadd.s32 $0x8, v1;
	vm0 =	vge.f32 v14, $0.0e+00;
	vm6 =	vgt.f32 v18, $0.0e+00  }
0x138: {  	v15 =	vsel vm6, $0x3F800000, v2;
	v24 =	vsel vm4, $0x3F800000, v2;
	v31 =	vsel vm5, $0x3F800000, v2;
	v16 =	vld.idx.msk [tilespmem:v4+s2+$0x0], $0xffff  }
0x139: {  	vm2 =	vmand vm5, vm9;
	vm7 =	vgt.f32 v26, $5.000000000e+00;
	v25 =	vsel vm8, v28, v29  }
0x13a: {  	s25 =	simm.s32 $0x3F;
	[tilespmem:$0x1FF60] =	vst v0;
	v26 =	vadd.f32 v62, v30;
	vm5 =	vlt.f32 v23, v25;
	v28 =	vadd.f32 v23, v31  }
.LBB2_6:
0x13b: {  	p0 =	sne.s32 s25, $0x1;
	s25 =	sadd.s32 $0xFFFFFFFF, s25;
	v29 =	vsel vm8, v21, v22;
	v27 =	vsel vm0, $0x3F800000, v27;
	vm8 =	vgt.f32 v13, $0.0e+00;
	v22 =	vmovc v5  }
0x13c: {  	v30 =	vnsel vm6, $0x0, v18;
	v21 =	vld.idx.msk [tilespmem:v5+s2+$0x0], $0xffff;
	v28 =	vsel vm2, $0x3F800000, v28;
	v18 =	vadd.f32 $1.000000000e+00, v27  }
0x13d: {  	vm10 =	vge.f32 v16, $0.0e+00;
	vm11 =	vgt.f32 v27, $5.000000000e+00;
	v31 =	vadd.f32 v28, v24  }
0x13e: {  	v5 =	vadd.s32 $0x8, v5;
	v24 =	vsel vm8, $0x3F800000, v2;
	v27 =	vsel vm10, $0x3F800000, v18  }
0x13f: {  	v32 =	vnsel vm8, $0x0, v13;
	v18 =	vor.u32 $0x7, v22;
	v33 =	vadd.f32 $1.000000000e+00, v27  }
0x140: {  	vm6 =	vge.f32 v13, $0.0e+00;
	vm8 =	vmand vm4, vm7;
	vm4 =	vgt.f32 v27, $5.000000000e+00  }
0x141: {  	v27 =	vsel vm1, $0x3F800000, v2;
	vm4 =	vmand vm6, vm4;
	v33 =	vsel vm6, $0x3F800000, v33  }
0x142: {  	v34 =	vsel vm2, $0x3F800000, v2;
	vm1 =	vgt.f32 v21, $0.0e+00;
	vm9 =	vgt.f32 v33, $5.000000000e+00  }
0x143: {  	vm12 =	vgt.f32 v16, $0.0e+00;
	vm7 =	vgt.f32 v14, $0.0e+00;
	v35 =	vnsel vm1, $0x0, v21  }
0x144: {  	v26 =	vadd.f32 v34, v26;
	v20 =	vadd.f32 v20, v27;
	v27 =	vsel vm12, $0x3F800000, v2  }
0x145: {  	v19 =	vmax.f32 v19, v16;
	v34 =	vsel vm10, $0x3F800000, v2;
	v36 =	vsel vm4, $0x3F800000, v2  }
0x146: {  	v16 =	vnsel vm12, $0x0, v16;
	v37 =	vsel vm8, $0x3F800000, v2;
	v38 =	vsel vm7, $0x3F800000, v2  }
0x147: {  	v39 =	vsel vm0, $0x3F800000, v2;
	v14 =	vnsel vm7, $0x0, v14;
	vm12 =	vgt.f32 v12, $0.0e+00  }
0x148: {  	v12 =	vnsel vm12, $0x0, v12;
	v40 =	vsel vm12, $0x3F800000, v2;
	v41 =	vsel vm2, $0x80000000, v20  }
0x149: {  	vm7 =	vmand vm10, vm11;
	v42 =	vadd.f32 v17, v12;
	v40 =	vadd.f32 v41, v40  }
0x14a: {  	vm5 =	vmand vm2, vm5;
	vm3 =	vmand vm0, vm3;
	v26 =	vadd.f32 v37, v26  }
0x14b: {  	vm10 =	vge.f32 v21, $0.0e+00;
	v12 =	vsel vm2, v12, v42;
	v37 =	vsel vm8, $0x80000000, v40  }
0x14c: {  	v23 =	vsel vm5, v23, v25;
	v9 =	vsel vm5, v20, v9;
	v41 =	vsel vm10, $0x3F800000, v2  }
0x14d: {  	vm0 =	vlt.f32 v28, v23;
	v20 =	vsel vm8, $0x3F800000, v31;
	v25 =	vadd.f32 v12, v30  }
0x14e: {  	v13 =	vmax.f32 v19, v13;
	v17 =	vsel vm5, v17, v29;
	vm2 =	vmand vm8, vm0  }
0x14f: {  	v19 =	vsel vm2, v28, v23;
	v23 =	vadd.f32 v20, v39;
	v28 =	vsel vm3, $0x3F800000, v2  }
0x150: {  	v29 =	vadd.f32 $1.000000000e+00, v33;
	v9 =	vsel vm2, v40, v9;
	vm5 =	vlt.f32 v20, v19  }
0x151: {  	vm0 =	vmand vm9, vm10;
	v25 =	vsel vm8, v30, v25;
	vm5 =	vmand vm3, vm5  }
0x152: {  	v29 =	vsel vm10, $0x3F800000, v29;
	v15 =	vadd.f32 v37, v15;
	v23 =	vsel vm3, $0x3F800000, v23  }
0x153: {  	v30 =	vsel vm0, $0x3F800000, v2;
	v31 =	vadd.f32 v25, v14;
	v33 =	vadd.f32 v23, v34  }
0x154: {  	v12 =	vsel vm2, v12, v17;
	v17 =	vsel vm3, $0x80000000, v15;
	v34 =	vsel vm6, $0x3F800000, v2  }
0x155: {  	v19 =	vsel vm5, v20, v19;
	v14 =	vsel vm3, v14, v31;
	v20 =	vsel vm7, $0x3F800000, v33  }
0x156: {  	v26 =	vadd.f32 v28, v26;
	vm2 =	vlt.f32 v23, v19;
	v28 =	vadd.f32 v14, v16  }
0x157: {  	v12 =	vsel vm5, v25, v12;
	vm2 =	vmand vm7, vm2;
	v25 =	vadd.f32 v20, v34  }
0x158: {  	v9 =	vsel vm5, v15, v9;
	v15 =	vsel vm2, v23, v19;
	v16 =	vsel vm7, v16, v28  }
0x159: {  	v17 =	vadd.f32 v17, v38;
	vm3 =	vlt.f32 v20, v15;
	v19 =	vadd.f32 v16, v32  }
0x15a: {  	v23 =	vor.u32 $0x1, v22;
	v12 =	vsel vm2, v14, v12;
	v14 =	vsel vm4, $0x3F800000, v25  }
0x15b: {  	v25 =	vor.u32 $0x2, v22;
	v28 =	vsel vm7, $0x80000000, v17;
	v19 =	vsel vm4, v32, v19  }
0x15c: {  	v27 =	vadd.f32 v28, v27;
	v28 =	vsel vm7, $0x3F800000, v2;
	v31 =	vadd.f32 v35, v19  }
0x15d: {  	v9 =	vsel vm2, v17, v9;
	vm2 =	vmand vm4, vm3;
	v17 =	vadd.f32 v28, v26  }
0x15e: {  	v26 =	vor.u32 $0x5, v22;
	v28 =	vor.u32 $0x6, v22;
	v32 =	vsel vm4, $0x80000000, v27  }
0x15f: {  	v33 =	vor.u32 $0x3, v22;
	v22 =	vor.u32 $0x4, v22;
	v17 =	vadd.f32 v36, v17;
	v23 =	vld.idx.msk [tilespmem:v23+s2+$0x0], $0xffff  }
0x160: {  	v21 =	vmax.f32 v13, v21;
	v34 =	vsel vm2, v16, v12;
	v12 =	vadd.f32 v32, v24;
	v25 =	vld.idx.msk [tilespmem:v25+s2+$0x0], $0xffff  }
0x161: {  	v13 =	vadd.f32 v41, v14;
	v9 =	vsel vm2, v27, v9;
	v24 =	vsel vm0, v35, v31  }
0x162: {  	vm3 =	vgt.f32 v29, $5.000000000e+00;
	v15 =	vsel vm2, v20, v15;
	v17 =	vadd.f32 v30, v17  }
0x163: {  	v20 =	vsel vm1, $0x3F800000, v2;
	vm2 =	vlt.f32 v14, v15;
	v27 =	vadd.f32 $1.000000000e+00, v29;
	v16 =	vld.idx.msk [tilespmem:v28+s2+$0x0], $0xffff  }
0x164: {  	vm2 =	vmand vm2, vm0;
	v29 =	vsel vm0, $0x80000000, v12;
	v28 =	vsel vm0, $0x3F800000, v13;
	v13 =	vld.idx.msk [tilespmem:v18+s2+$0x0], $0xffff  }
0x165: {  	v9 =	vsel vm2, v12, v9;
	vm0 =	vge.f32 v23, $0.0e+00;
	vm1 =	vgt.f32 v23, $0.0e+00  }
0x166: {  	v15 =	vsel vm2, v14, v15;
	v14 =	vsel vm0, $0x3F800000, v2;
	v30 =	vnsel vm1, $0x0, v23;
	v12 =	vld.idx.msk [tilespmem:v33+s2+$0x0], $0xffff  }
0x167: {  	v23 =	vmax.f32 v21, v23;
	v31 =	vadd.f32 v28, v14;
	v32 =	vadd.f32 v24, v30  }
0x168: {  	v20 =	vadd.f32 v29, v20;
	vm3 =	vmand vm0, vm3;
	v29 =	vsel vm1, $0x3F800000, v2;
	v14 =	vld.idx.msk [tilespmem:v26+s2+$0x0], $0xffff  }
0x169: {  	vm4 =	vlt.f32 v28, v15;
	vm1 =	vgt.f32 v25, $0.0e+00;
	v26 =	vsel vm0, $0x3F800000, v27;
	v18 =	vld.idx.msk [tilespmem:v22+s2+$0x0], $0xffff  }
0x16a: {  	vm4 =	vmand vm3, vm4;
	v21 =	vsel vm3, v30, v32;
	v27 =	vsel vm3, $0x80000000, v20  }
0x16b: {  	v23 =	vmax.f32 v23, v25;
	v30 =	vsel vm3, $0x3F800000, v31;
	v22 =	vsel vm3, $0x3F800000, v2  }
0x16c: {  	v19 =	vsel vm2, v19, v34;
	v28 =	vsel vm4, v28, v15;
	v15 =	vadd.f32 $1.000000000e+00, v26  }
0x16d: {  	vm3 =	vgt.f32 v26, $5.000000000e+00;
	vm2 =	vge.f32 v12, $0.0e+00;
	v23 =	vmax.f32 v23, v12  }
0x16e: {  	vm5 =	vge.f32 v25, $0.0e+00;
	v26 =	vadd.f32 v22, v17;
	vm0 =	vge.f32 v14, $0.0e+00  }
0x16f: {  	v22 =	vsel vm4, v24, v19;
	v17 =	vsel vm5, $0x3F800000, v2;
	v19 =	vmax.f32 v23, v18  }
0x170: {  	v9 =	vsel vm4, v20, v9;
	vm6 =	vgt.f32 v18, $0.0e+00;
	v19 =	vmax.f32 v19, v14  }
0x171: {  	v15 =	vsel vm5, $0x3F800000, v15;
	v23 =	vnsel vm1, $0x0, v25;
	vm4 =	vge.f32 v18, $0.0e+00  }
0x172: {  	vm7 =	vlt.f32 v30, v28;
	v25 =	vadd.f32 v27, v29;
	v27 =	vadd.f32 $1.000000000e+00, v15  }
0x173: {  	vm9 =	vgt.f32 v15, $5.000000000e+00;
	v29 =	vadd.f32 v30, v17;
	v15 =	vsel vm6, $0x3F800000, v2  }
0x174: {  	vm3 =	vmand vm5, vm3;
	v17 =	vadd.f32 v21, v23;
	v24 =	vsel vm4, $0x3F800000, v2  }
0x175: {  	v31 =	vsel vm2, $0x3F800000, v2;
	v20 =	vsel vm3, $0x80000000, v25;
	v27 =	vsel vm2, $0x3F800000, v27  }
.Ltmp2:
0x176: {  	vm8 =	vmand vm3, vm7;
	v17 =	vsel vm3, v23, v17;
	v32 =	vadd.f32 $1.000000000e+00, v27;
	(pc) =	sbr.rel @p0 .LBB2_6-.Ltmp2, $4  }
0x177: {  	v33 =	vsel vm3, $0x3F800000, v2;
	vm2 =	vmand vm2, vm9;
	vm7 =	vgt.f32 v27, $5.000000000e+00  }
0x178: {  	v9 =	vsel vm8, v25, v9;
	v23 =	vsel vm3, $0x3F800000, v29;
	v27 =	vsel vm4, $0x3F800000, v32  }
0x179: {  	v25 =	vsel vm8, v30, v28;
	vm3 =	vgt.f32 v27, $5.000000000e+00;
	v27 =	vadd.f32 $1.000000000e+00, v27  }
0x17a: {  	v26 =	vadd.f32 v33, v26;
	vm5 =	vlt.f32 v23, v25;
	v28 =	vadd.f32 v23, v31  }
0x17b: {  	v5 =	vsel vm8, v21, v22;
	v21 =	vsel vm0, $0x3F800000, v27  }
0x17c: {  	vm8 =	vgt.f32 v13, $0.0e+00;
	v18 =	vnsel vm6, $0x0, v18;
	vm6 =	vge.f32 v16, $0.0e+00  }
0x17d: {  	vm7 =	vmand vm4, vm7;
	vm4 =	vge.f32 v13, $0.0e+00;
	v29 =	vsel vm2, $0x3F800000, v2  }
0x17e: {  	vm10 =	vgt.f32 v16, $0.0e+00;
	v19 =	vmax.f32 v19, v16;
	v33 =	vsel vm0, $0x3F800000, v2  }
0x17f: {  	vm5 =	vmand vm2, vm5;
	vm0 =	vmand vm0, vm3;
	v22 =	vsel vm2, $0x3F800000, v28  }
0x180: {  	v27 =	vadd.f32 $1.000000000e+00, v21;
	vm9 =	vgt.f32 v21, $5.000000000e+00;
	v28 =	vnsel vm8, $0x0, v13  }
0x181: {  	v30 =	vsel vm6, $0x3F800000, v2;
	v31 =	vsel vm7, $0x3F800000, v2;
	v16 =	vnsel vm10, $0x0, v16  }
0x182: {  	v23 =	vsel vm5, v23, v25;
	v5 =	vsel vm5, v17, v5;
	v0 =	vmax.f32 v19, v13  }
0x183: {  	v24 =	vadd.f32 v22, v24;
	v21 =	vsel vm6, $0x3F800000, v27;
	v27 =	vsel vm8, $0x3F800000, v2  }
0x184: {  	vm6 =	vmand vm6, vm9;
	vm8 =	vgt.f32 v21, $5.000000000e+00;
	v21 =	vsel vm1, $0x3F800000, v2  }
0x185: {  	vm1 =	vmand vm4, vm8;
	vm8 =	vgt.f32 v14, $0.0e+00;
	v20 =	vadd.f32 v20, v21  }
0x186: {  	v21 =	vadd.f32 v29, v26;
	v26 =	vsel vm10, $0x3F800000, v2;
	vm10 =	vgt.f32 v12, $0.0e+00  }
0x187: {  	v29 =	vsel vm1, $0x3F800000, v2;
	v32 =	vsel vm8, $0x3F800000, v2;
	v12 =	vnsel vm10, $0x0, v12  }
0x188: {  	v34 =	vsel vm10, $0x3F800000, v2;
	v35 =	vsel vm2, $0x80000000, v20;
	v21 =	vadd.f32 v31, v21  }
0x189: {  	v36 =	vadd.f32 v17, v12;
	v9 =	vsel vm5, v20, v9;
	v17 =	vsel vm0, $0x3F800000, v2  }
0x18a: {  	v20 =	vsel vm7, $0x3F800000, v24;
	v13 =	vadd.f32 v17, v21;
	v17 =	vor.u32 $0x20, v63  }
0x18b: {  	v34 =	vadd.f32 v35, v34;
	v12 =	vsel vm2, v12, v36;
	vm2 =	vlt.f32 v22, v23  }
0x18c: {  	v14 =	vnsel vm8, $0x0, v14;
	v21 =	vadd.f32 v20, v33;
	vm2 =	vmand vm7, vm2  }
0x18d: {  	v31 =	vsel vm7, $0x80000000, v34;
	v19 =	vsel vm2, v22, v23;
	v22 =	vsel vm6, $0x3F800000, v2  }
0x18e: {  	v24 =	vadd.f32 v12, v18;
	v9 =	vsel vm2, v34, v9;
	v13 =	vadd.f32 v22, v13  }
0x18f: {  	v15 =	vadd.f32 v31, v15;
	v21 =	vsel vm0, $0x3F800000, v21;
	v5 =	vsel vm2, v12, v5;
	v23 =	vld.idx.msk [tilespmem:v17+s17+$0x0], $0xffff  }
0x190: {  	[tilespmem:$0x1FE50] =	vst v0;
	vm3 =	vlt.f32 v20, v19;
	v18 =	vsel vm7, v18, v24;
	v0 =	vadd.f32 v29, v13  }
0x191: {  	vm3 =	vmand vm0, vm3;
	v22 =	vadd.f32 v18, v14;
	v12 =	vsel vm0, $0x80000000, v15  }
0x192: {  	v13 =	vadd.f32 v21, v30;
	v19 =	vsel vm3, v20, v19;
	v5 =	vsel vm3, v18, v5;
	[tilespmem:$0x1FE70] =	vst v0  }
0x193: {  	v12 =	vadd.f32 v12, v32;
	v14 =	vsel vm0, v14, v22;
	[tilespmem:v17+s21+$0x0] =	vst.idx.msk $0xffff, v0  }
0x194: {  	v9 =	vsel vm3, v15, v9;
	vm0 =	vlt.f32 v21, v19;
	v17 =	vadd.f32 v14, v16;
	[tilespmem:$0x1FE60] =	vst v23  }
0x195: {  	v13 =	vsel vm6, $0x3F800000, v13;
	vm0 =	vmand vm6, vm0;
	v23 =	vsel vm4, $0x3F800000, v2;
	_ =	swait.ge [sflag:s22], $0x2000  }
0x196: {  	v5 =	vsel vm0, v14, v5;
	v15 =	vsel vm6, v16, v17;
	v18 =	vadd.f32 v13, v23;
	[sflag:s22] =	ssyncset.done $0x0  }
0x197: {  	v16 =	vsel vm0, v21, v19;
	v19 =	vsel vm6, $0x80000000, v12;
	v17 =	vadd.f32 v15, v28;
	[sflag:s22] =	ssyncadd.s32 $0xFFFFE000  }
0x198: {  	vm2 =	vlt.f32 v13, v16;
	v14 =	vadd.f32 v19, v26;
	v0 =	vsel vm1, $0x3F800000, v18;
	[tilespmem:s2], [sflag:$0x1] =	stream.linear.gather [hbm4b:s8+s2], $0x2000, $0x38;
	[tilespmem:$0x4280] =	vst v63  }
0x199: {  	vm2 =	vmand vm1, vm2;
	[tilespmem:$0x1FE80] =	vst v0;
	v0 =	vsel vm1, v28, v17  }
0x19a: {  	v9 =	vsel vm0, v12, v9;
	v12 =	vsel vm1, $0x80000000, v14;
	[tilespmem:$0x1FE90] =	vst v0;
	v0 =	vsel vm2, v15, v5  }
0x19b: {  	v19 =	vld.idx.msk [tilespmem:v1+s20+$0x0], $0xffff;
	[tilespmem:$0x1FEA0] =	vst v0;
	v0 =	vadd.f32 v12, v27;
	_ =	sdelay $0x1  }
0x19c: {  	v18 =	vld.idx.msk [tilespmem:v11+s20+$0x0], $0xffff;
	v12 =	vimm.f32 $0.0e+00;
	[tilespmem:$0x1FEB0] =	vst v0;
	v0 =	vsel vm2, v14, v9  }
0x19d: {  	v9 =	vimm.f32 $1.000000020e+30;
	[tilespmem:$0x1FEC0] =	vst v0;
	v0 =	vsel vm2, v13, v16;
	v13 =	vimm.f32 $-1.000000020e+30  }
0x19e: {  	vm1 =	vgt.f32 v9, $5.000000000e+00;
	v15 =	vadd.f32 $1.000000000e+00, v9;
	vm3 =	vlt.f32 v9, v9  }
0x19f: {  	vm0 =	vgt.f32 v19, $0.0e+00;
	vm2 =	vge.f32 v19, $0.0e+00;
	v13 =	vmax.f32 v13, v19  }
0x1a0: {  	v14 =	vnsel vm0, $0x0, v19;
	v16 =	vsel vm2, $0x3F800000, v2;
	vm1 =	vmand vm1, vm2  }
0x1a1: {  	v15 =	vsel vm2, $0x3F800000, v15;
	v13 =	vmax.f32 v13, v18;
	v17 =	vadd.f32 v14, v12  }
0x1a2: {  	v20 =	vsel vm1, $0x3F800000, v2;
	v16 =	vadd.f32 v16, v9;
	vm2 =	vgt.f32 v15, $5.000000000e+00  }
0x1a3: {  	v15 =	vadd.f32 $1.000000000e+00, v15;
	v21 =	vsel vm1, $0x80000000, v12;
	v19 =	vadd.f32 v20, v12  }
0x1a4: {  	v17 =	vsel vm1, v14, v17;
	v14 =	vsel vm0, $0x3F800000, v2;
	vm0 =	vmand vm3, vm1  }
0x1a5: {  	v20 =	vld.idx.msk [tilespmem:v10+s20+$0x0], $0xffff;
	v16 =	vsel vm1, $0x3F800000, v16;
	vm1 =	vge.f32 v18, $0.0e+00;
	vm3 =	vgt.f32 v18, $0.0e+00  }
0x1a6: {  	v23 =	vsel vm0, v12, v12;
	v12 =	vsel vm1, $0x3F800000, v2;
	v22 =	vnsel vm3, $0x0, v18  }
0x1a7: {  	v9 =	vsel vm0, v9, v9;
	v26 =	vadd.f32 v21, v14;
	vm0 =	vmand vm1, vm2  }
0x1a8: {  	v27 =	vsel vm3, $0x3F800000, v2;
	v15 =	vsel vm1, $0x3F800000, v15;
	v25 =	vadd.f32 v17, v22  }
0x1a9: {  	v24 =	vadd.f32 v16, v12;
	v12 =	vld.idx.msk [tilespmem:v8+s20+$0x0], $0xffff;
	vm2 =	vlt.f32 v16, v9;
	vm3 =	vgt.f32 v15, $5.000000000e+00  }
0x1aa: {  	v18 =	vld.idx.msk [tilespmem:v7+s20+$0x0], $0xffff;
	vm2 =	vmand vm0, vm2;
	vm1 =	vgt.f32 v20, $0.0e+00;
	v21 =	vsel vm0, v22, v25  }
0x1ab: {  	v14 =	vld.idx.msk [tilespmem:v6+s20+$0x0], $0xffff;
	v25 =	vsel vm0, $0x80000000, v26;
	v28 =	vsel vm0, $0x3F800000, v24;
	v22 =	vsel vm0, $0x3F800000, v2  }
0x1ac: {  	v13 =	vmax.f32 v13, v20;
	v30 =	vsel vm2, v16, v9;
	v9 =	vadd.f32 $1.000000000e+00, v15  }
0x1ad: {  	vm7 =	vge.f32 v20, $0.0e+00;
	v16 =	vsel vm2, v26, v23;
	v31 =	vadd.f32 v22, v19  }
0x1ae: {  	v22 =	vsel vm2, v17, v23;
	v15 =	vsel vm7, $0x3F800000, v2;
	v13 =	vmax.f32 v13, v12  }
0x1af: {  	v23 =	vadd.f32 v25, v27;
	v9 =	vsel vm7, $0x3F800000, v9;
	v13 =	vmax.f32 v13, v18  }
0x1b0: {  	v17 =	vadd.f32 $1.000000000e+00, v9;
	v19 =	vmax.f32 v13, v14;
	v13 =	vnsel vm1, $0x0, v20  }
0x1b1: {  	vm5 =	vge.f32 v12, $0.0e+00;
	vm9 =	vgt.f32 v9, $5.000000000e+00;
	v9 =	vadd.f32 v21, v13  }
0x1b2: {  	vm2 =	vlt.f32 v28, v30;
	vm3 =	vmand vm7, vm3;
	v26 =	vsel vm5, $0x3F800000, v17  }
0x1b3: {  	vm4 =	vge.f32 v18, $0.0e+00;
	v17 =	vsel vm3, v13, v9;
	v13 =	vadd.f32 $1.000000000e+00, v26  }
0x1b4: {  	v25 =	vadd.f32 v28, v15;
	vm8 =	vmand vm3, vm2;
	v62 =	vsel vm3, $0x3F800000, v2  }
0x1b5: {  	v20 =	vsel vm3, $0x80000000, v23;
	v9 =	vsel vm8, v23, v16;
	v13 =	vsel vm4, $0x3F800000, v13  }
0x1b6: {  	v23 =	vsel vm3, $0x3F800000, v25;
	vm3 =	vgt.f32 v13, $5.000000000e+00;
	v27 =	vadd.f32 $1.000000000e+00, v13;
	v13 =	vld.idx.msk [tilespmem:v3+s20+$0x0], $0xffff  }
0x1b7: {  	v5 =	vadd.s32 $0x8, v1;
	vm0 =	vge.f32 v14, $0.0e+00;
	vm6 =	vgt.f32 v18, $0.0e+00  }
0x1b8: {  	v15 =	vsel vm6, $0x3F800000, v2;
	v24 =	vsel vm4, $0x3F800000, v2;
	v61 =	vsel vm5, $0x3F800000, v2;
	v16 =	vld.idx.msk [tilespmem:v4+s20+$0x0], $0xffff  }
0x1b9: {  	vm2 =	vmand vm5, vm9;
	vm7 =	vgt.f32 v26, $5.000000000e+00;
	v25 =	vsel vm8, v28, v30  }
0x1ba: {  	s25 =	simm.s32 $0x3F;
	[tilespmem:$0x1FED0] =	vst v0;
	v26 =	vadd.f32 v62, v31;
	vm5 =	vlt.f32 v23, v25;
	v28 =	vadd.f32 v23, v61  }
.LBB2_8:
0x1bb: {  	p0 =	sne.s32 s25, $0x1;
	s25 =	sadd.s32 $0xFFFFFFFF, s25;
	v30 =	vsel vm8, v21, v22;
	v27 =	vsel vm0, $0x3F800000, v27;
	vm8 =	vgt.f32 v13, $0.0e+00;
	v22 =	vmovc v5  }
0x1bc: {  	v31 =	vnsel vm6, $0x0, v18;
	v21 =	vld.idx.msk [tilespmem:v5+s20+$0x0], $0xffff;
	v28 =	vsel vm2, $0x3F800000, v28;
	v18 =	vadd.f32 $1.000000000e+00, v27  }
0x1bd: {  	vm10 =	vge.f32 v16, $0.0e+00;
	vm11 =	vgt.f32 v27, $5.000000000e+00;
	v32 =	vadd.f32 v28, v24  }
0x1be: {  	v5 =	vadd.s32 $0x8, v5;
	v24 =	vsel vm8, $0x3F800000, v2;
	v27 =	vsel vm10, $0x3F800000, v18  }
0x1bf: {  	v33 =	vnsel vm8, $0x0, v13;
	v18 =	vor.u32 $0x7, v22;
	v34 =	vadd.f32 $1.000000000e+00, v27  }
0x1c0: {  	vm6 =	vge.f32 v13, $0.0e+00;
	vm8 =	vmand vm4, vm7;
	vm4 =	vgt.f32 v27, $5.000000000e+00  }
0x1c1: {  	v27 =	vsel vm1, $0x3F800000, v2;
	vm4 =	vmand vm6, vm4;
	v34 =	vsel vm6, $0x3F800000, v34  }
0x1c2: {  	v35 =	vsel vm2, $0x3F800000, v2;
	vm1 =	vgt.f32 v21, $0.0e+00;
	vm9 =	vgt.f32 v34, $5.000000000e+00  }
0x1c3: {  	vm12 =	vgt.f32 v16, $0.0e+00;
	vm7 =	vgt.f32 v14, $0.0e+00;
	v36 =	vnsel vm1, $0x0, v21  }
0x1c4: {  	v26 =	vadd.f32 v35, v26;
	v20 =	vadd.f32 v20, v27;
	v27 =	vsel vm12, $0x3F800000, v2  }
0x1c5: {  	v19 =	vmax.f32 v19, v16;
	v35 =	vsel vm10, $0x3F800000, v2;
	v37 =	vsel vm4, $0x3F800000, v2  }
0x1c6: {  	v16 =	vnsel vm12, $0x0, v16;
	v38 =	vsel vm8, $0x3F800000, v2;
	v39 =	vsel vm7, $0x3F800000, v2  }
0x1c7: {  	v40 =	vsel vm0, $0x3F800000, v2;
	v14 =	vnsel vm7, $0x0, v14;
	vm12 =	vgt.f32 v12, $0.0e+00  }
0x1c8: {  	v12 =	vnsel vm12, $0x0, v12;
	v41 =	vsel vm12, $0x3F800000, v2;
	v42 =	vsel vm2, $0x80000000, v20  }
0x1c9: {  	vm7 =	vmand vm10, vm11;
	v43 =	vadd.f32 v17, v12;
	v41 =	vadd.f32 v42, v41  }
0x1ca: {  	vm5 =	vmand vm2, vm5;
	vm3 =	vmand vm0, vm3;
	v26 =	vadd.f32 v38, v26  }
0x1cb: {  	vm10 =	vge.f32 v21, $0.0e+00;
	v12 =	vsel vm2, v12, v43;
	v38 =	vsel vm8, $0x80000000, v41  }
0x1cc: {  	v23 =	vsel vm5, v23, v25;
	v9 =	vsel vm5, v20, v9;
	v42 =	vsel vm10, $0x3F800000, v2  }
0x1cd: {  	vm0 =	vlt.f32 v28, v23;
	v20 =	vsel vm8, $0x3F800000, v32;
	v25 =	vadd.f32 v12, v31  }
0x1ce: {  	v13 =	vmax.f32 v19, v13;
	v17 =	vsel vm5, v17, v30;
	vm2 =	vmand vm8, vm0  }
0x1cf: {  	v19 =	vsel vm2, v28, v23;
	v23 =	vadd.f32 v20, v40;
	v28 =	vsel vm3, $0x3F800000, v2  }
0x1d0: {  	v30 =	vadd.f32 $1.000000000e+00, v34;
	v9 =	vsel vm2, v41, v9;
	vm5 =	vlt.f32 v20, v19  }
0x1d1: {  	vm0 =	vmand vm9, vm10;
	v25 =	vsel vm8, v31, v25;
	vm5 =	vmand vm3, vm5  }
0x1d2: {  	v30 =	vsel vm10, $0x3F800000, v30;
	v15 =	vadd.f32 v38, v15;
	v23 =	vsel vm3, $0x3F800000, v23  }
0x1d3: {  	v31 =	vsel vm0, $0x3F800000, v2;
	v32 =	vadd.f32 v25, v14;
	v34 =	vadd.f32 v23, v35  }
0x1d4: {  	v12 =	vsel vm2, v12, v17;
	v17 =	vsel vm3, $0x80000000, v15;
	v35 =	vsel vm6, $0x3F800000, v2  }
0x1d5: {  	v19 =	vsel vm5, v20, v19;
	v14 =	vsel vm3, v14, v32;
	v20 =	vsel vm7, $0x3F800000, v34  }
0x1d6: {  	v26 =	vadd.f32 v28, v26;
	vm2 =	vlt.f32 v23, v19;
	v28 =	vadd.f32 v14, v16  }
0x1d7: {  	v12 =	vsel vm5, v25, v12;
	vm2 =	vmand vm7, vm2;
	v25 =	vadd.f32 v20, v35  }
0x1d8: {  	v9 =	vsel vm5, v15, v9;
	v15 =	vsel vm2, v23, v19;
	v16 =	vsel vm7, v16, v28  }
0x1d9: {  	v17 =	vadd.f32 v17, v39;
	vm3 =	vlt.f32 v20, v15;
	v19 =	vadd.f32 v16, v33  }
0x1da: {  	v23 =	vor.u32 $0x1, v22;
	v12 =	vsel vm2, v14, v12;
	v14 =	vsel vm4, $0x3F800000, v25  }
0x1db: {  	v25 =	vor.u32 $0x2, v22;
	v28 =	vsel vm7, $0x80000000, v17;
	v19 =	vsel vm4, v33, v19  }
0x1dc: {  	v27 =	vadd.f32 v28, v27;
	v28 =	vsel vm7, $0x3F800000, v2;
	v32 =	vadd.f32 v36, v19  }
0x1dd: {  	v9 =	vsel vm2, v17, v9;
	vm2 =	vmand vm4, vm3;
	v17 =	vadd.f32 v28, v26  }
0x1de: {  	v26 =	vor.u32 $0x5, v22;
	v28 =	vor.u32 $0x6, v22;
	v33 =	vsel vm4, $0x80000000, v27  }
0x1df: {  	v34 =	vor.u32 $0x3, v22;
	v22 =	vor.u32 $0x4, v22;
	v17 =	vadd.f32 v37, v17;
	v23 =	vld.idx.msk [tilespmem:v23+s20+$0x0], $0xffff  }
0x1e0: {  	v21 =	vmax.f32 v13, v21;
	v35 =	vsel vm2, v16, v12;
	v12 =	vadd.f32 v33, v24;
	v25 =	vld.idx.msk [tilespmem:v25+s20+$0x0], $0xffff  }
0x1e1: {  	v13 =	vadd.f32 v42, v14;
	v9 =	vsel vm2, v27, v9;
	v24 =	vsel vm0, v36, v32  }
0x1e2: {  	vm3 =	vgt.f32 v30, $5.000000000e+00;
	v15 =	vsel vm2, v20, v15;
	v17 =	vadd.f32 v31, v17  }
0x1e3: {  	v20 =	vsel vm1, $0x3F800000, v2;
	vm2 =	vlt.f32 v14, v15;
	v27 =	vadd.f32 $1.000000000e+00, v30;
	v16 =	vld.idx.msk [tilespmem:v28+s20+$0x0], $0xffff  }
0x1e4: {  	vm2 =	vmand vm2, vm0;
	v30 =	vsel vm0, $0x80000000, v12;
	v28 =	vsel vm0, $0x3F800000, v13;
	v13 =	vld.idx.msk [tilespmem:v18+s20+$0x0], $0xffff  }
0x1e5: {  	v9 =	vsel vm2, v12, v9;
	vm0 =	vge.f32 v23, $0.0e+00;
	vm1 =	vgt.f32 v23, $0.0e+00  }
0x1e6: {  	v15 =	vsel vm2, v14, v15;
	v14 =	vsel vm0, $0x3F800000, v2;
	v31 =	vnsel vm1, $0x0, v23;
	v12 =	vld.idx.msk [tilespmem:v34+s20+$0x0], $0xffff  }
0x1e7: {  	v23 =	vmax.f32 v21, v23;
	v32 =	vadd.f32 v28, v14;
	v33 =	vadd.f32 v24, v31  }
0x1e8: {  	v20 =	vadd.f32 v30, v20;
	vm3 =	vmand vm0, vm3;
	v30 =	vsel vm1, $0x3F800000, v2;
	v14 =	vld.idx.msk [tilespmem:v26+s20+$0x0], $0xffff  }
0x1e9: {  	vm4 =	vlt.f32 v28, v15;
	vm1 =	vgt.f32 v25, $0.0e+00;
	v26 =	vsel vm0, $0x3F800000, v27;
	v18 =	vld.idx.msk [tilespmem:v22+s20+$0x0], $0xffff  }
0x1ea: {  	vm4 =	vmand vm3, vm4;
	v21 =	vsel vm3, v31, v33;
	v27 =	vsel vm3, $0x80000000, v20  }
0x1eb: {  	v23 =	vmax.f32 v23, v25;
	v31 =	vsel vm3, $0x3F800000, v32;
	v22 =	vsel vm3, $0x3F800000, v2  }
0x1ec: {  	v19 =	vsel vm2, v19, v35;
	v28 =	vsel vm4, v28, v15;
	v15 =	vadd.f32 $1.000000000e+00, v26  }
0x1ed: {  	vm3 =	vgt.f32 v26, $5.000000000e+00;
	vm2 =	vge.f32 v12, $0.0e+00;
	v23 =	vmax.f32 v23, v12  }
0x1ee: {  	vm5 =	vge.f32 v25, $0.0e+00;
	v26 =	vadd.f32 v22, v17;
	vm0 =	vge.f32 v14, $0.0e+00  }
0x1ef: {  	v22 =	vsel vm4, v24, v19;
	v17 =	vsel vm5, $0x3F800000, v2;
	v19 =	vmax.f32 v23, v18  }
0x1f0: {  	v9 =	vsel vm4, v20, v9;
	vm6 =	vgt.f32 v18, $0.0e+00;
	v19 =	vmax.f32 v19, v14  }
0x1f1: {  	v15 =	vsel vm5, $0x3F800000, v15;
	v23 =	vnsel vm1, $0x0, v25;
	vm4 =	vge.f32 v18, $0.0e+00  }
0x1f2: {  	vm7 =	vlt.f32 v31, v28;
	v25 =	vadd.f32 v27, v30;
	v27 =	vadd.f32 $1.000000000e+00, v15  }
0x1f3: {  	vm9 =	vgt.f32 v15, $5.000000000e+00;
	v30 =	vadd.f32 v31, v17;
	v15 =	vsel vm6, $0x3F800000, v2  }
0x1f4: {  	vm3 =	vmand vm5, vm3;
	v17 =	vadd.f32 v21, v23;
	v24 =	vsel vm4, $0x3F800000, v2  }
0x1f5: {  	v32 =	vsel vm2, $0x3F800000, v2;
	v20 =	vsel vm3, $0x80000000, v25;
	v27 =	vsel vm2, $0x3F800000, v27  }
.Ltmp3:
0x1f6: {  	vm8 =	vmand vm3, vm7;
	v17 =	vsel vm3, v23, v17;
	v33 =	vadd.f32 $1.000000000e+00, v27;
	(pc) =	sbr.rel @p0 .LBB2_8-.Ltmp3, $4  }
0x1f7: {  	v34 =	vsel vm3, $0x3F800000, v2;
	vm2 =	vmand vm2, vm9;
	vm7 =	vgt.f32 v27, $5.000000000e+00  }
0x1f8: {  	v9 =	vsel vm8, v25, v9;
	v23 =	vsel vm3, $0x3F800000, v30;
	v27 =	vsel vm4, $0x3F800000, v33  }
0x1f9: {  	v25 =	vsel vm8, v31, v28;
	vm3 =	vgt.f32 v27, $5.000000000e+00;
	v27 =	vadd.f32 $1.000000000e+00, v27  }
0x1fa: {  	v26 =	vadd.f32 v34, v26;
	vm5 =	vlt.f32 v23, v25;
	v28 =	vadd.f32 v23, v32  }
0x1fb: {  	v5 =	vsel vm8, v21, v22;
	v21 =	vsel vm0, $0x3F800000, v27  }
0x1fc: {  	vm8 =	vgt.f32 v13, $0.0e+00;
	v18 =	vnsel vm6, $0x0, v18;
	vm6 =	vge.f32 v16, $0.0e+00  }
0x1fd: {  	vm7 =	vmand vm4, vm7;
	vm4 =	vge.f32 v13, $0.0e+00;
	v30 =	vsel vm2, $0x3F800000, v2  }
0x1fe: {  	vm10 =	vgt.f32 v16, $0.0e+00;
	v19 =	vmax.f32 v19, v16;
	v34 =	vsel vm0, $0x3F800000, v2  }
0x1ff: {  	vm5 =	vmand vm2, vm5;
	vm0 =	vmand vm0, vm3;
	v22 =	vsel vm2, $0x3F800000, v28  }
0x200: {  	v27 =	vadd.f32 $1.000000000e+00, v21;
	vm9 =	vgt.f32 v21, $5.000000000e+00;
	v28 =	vnsel vm8, $0x0, v13  }
0x201: {  	v32 =	vsel vm7, $0x3F800000, v2;
	v16 =	vnsel vm10, $0x0, v16;
	v23 =	vsel vm5, v23, v25  }
0x202: {  	v5 =	vsel vm5, v17, v5;
	v0 =	vmax.f32 v19, v13;
	v21 =	vsel vm6, $0x3F800000, v27  }
0x203: {  	v24 =	vadd.f32 v22, v24;
	v27 =	vsel vm8, $0x3F800000, v2;
	vm8 =	vgt.f32 v21, $5.000000000e+00  }
0x204: {  	v21 =	vsel vm1, $0x3F800000, v2;
	vm1 =	vmand vm4, vm8;
	vm8 =	vgt.f32 v14, $0.0e+00  }
0x205: {  	v20 =	vadd.f32 v20, v21;
	v21 =	vadd.f32 v30, v26;
	v26 =	vsel vm10, $0x3F800000, v2  }
0x206: {  	v30 =	vsel vm6, $0x3F800000, v2;
	vm10 =	vgt.f32 v12, $0.0e+00;
	vm6 =	vmand vm6, vm9  }
0x207: {  	v31 =	vsel vm1, $0x3F800000, v2;
	v33 =	vsel vm8, $0x3F800000, v2;
	v12 =	vnsel vm10, $0x0, v12  }
0x208: {  	v35 =	vsel vm10, $0x3F800000, v2;
	v36 =	vsel vm2, $0x80000000, v20;
	v21 =	vadd.f32 v32, v21  }
0x209: {  	v37 =	vadd.f32 v17, v12;
	v9 =	vsel vm5, v20, v9;
	v17 =	vsel vm0, $0x3F800000, v2  }
0x20a: {  	v20 =	vsel vm7, $0x3F800000, v24;
	v13 =	vadd.f32 v17, v21;
	v17 =	vor.u32 $0x30, v63  }
0x20b: {  	v35 =	vadd.f32 v36, v35;
	v12 =	vsel vm2, v12, v37;
	vm2 =	vlt.f32 v22, v23  }
0x20c: {  	v14 =	vnsel vm8, $0x0, v14;
	v21 =	vadd.f32 v20, v34;
	vm2 =	vmand vm7, vm2  }
0x20d: {  	v60 =	vsel vm7, $0x80000000, v35;
	v19 =	vsel vm2, v22, v23;
	v22 =	vsel vm6, $0x3F800000, v2  }
0x20e: {  	v24 =	vadd.f32 v12, v18;
	v9 =	vsel vm2, v35, v9;
	v13 =	vadd.f32 v22, v13  }
0x20f: {  	v15 =	vadd.f32 v60, v15;
	v21 =	vsel vm0, $0x3F800000, v21;
	v5 =	vsel vm2, v12, v5;
	v23 =	vld.idx.msk [tilespmem:v17+s17+$0x0], $0xffff  }
0x210: {  	[tilespmem:$0x1FDC0] =	vst v0;
	vm3 =	vlt.f32 v20, v19;
	v18 =	vsel vm7, v18, v24;
	v0 =	vadd.f32 v31, v13  }
0x211: {  	vm3 =	vmand vm0, vm3;
	v22 =	vadd.f32 v18, v14;
	v12 =	vsel vm0, $0x80000000, v15  }
0x212: {  	v13 =	vadd.f32 v21, v30;
	v19 =	vsel vm3, v20, v19;
	v5 =	vsel vm3, v18, v5;
	[tilespmem:$0x1FDE0] =	vst v0  }
0x213: {  	v12 =	vadd.f32 v12, v33;
	v14 =	vsel vm0, v14, v22;
	[tilespmem:v17+s21+$0x0] =	vst.idx.msk $0xffff, v0  }
0x214: {  	v9 =	vsel vm3, v15, v9;
	vm0 =	vlt.f32 v21, v19;
	v17 =	vadd.f32 v14, v16;
	[tilespmem:$0x1FDD0] =	vst v23  }
0x215: {  	v13 =	vsel vm6, $0x3F800000, v13;
	vm0 =	vmand vm6, vm0;
	v23 =	vsel vm4, $0x3F800000, v2;
	_ =	swait.ge [sflag:s19], $0x2000  }
0x216: {  	v5 =	vsel vm0, v14, v5;
	v15 =	vsel vm6, v16, v17;
	v18 =	vadd.f32 v13, v23;
	[sflag:s19] =	ssyncset.done $0x0  }
0x217: {  	v16 =	vsel vm0, v21, v19;
	v19 =	vsel vm6, $0x80000000, v12;
	v17 =	vadd.f32 v15, v28;
	[sflag:s19] =	ssyncadd.s32 $0xFFFFE000  }
0x218: {  	vm2 =	vlt.f32 v13, v16;
	v14 =	vadd.f32 v19, v26;
	v0 =	vsel vm1, $0x3F800000, v18;
	[tilespmem:s20], [sflag:$0x2] =	stream.linear.gather [hbm4b:s9+s2], $0x2000, $0x38;
	[tilespmem:$0x4280] =	vst v63  }
0x219: {  	vm2 =	vmand vm1, vm2;
	[tilespmem:$0x1FDF0] =	vst v0;
	v0 =	vsel vm1, v28, v17  }
0x21a: {  	v9 =	vsel vm0, v12, v9;
	v12 =	vsel vm1, $0x80000000, v14;
	[tilespmem:$0x1FE00] =	vst v0;
	v0 =	vsel vm2, v15, v5  }
0x21b: {  	v19 =	vld.idx.msk [tilespmem:v1+s2+$0x0], $0xffff;
	[tilespmem:$0x1FE10] =	vst v0;
	v0 =	vadd.f32 v12, v27;
	_ =	sdelay $0x1  }
0x21c: {  	v18 =	vld.idx.msk [tilespmem:v11+s2+$0x0], $0xffff;
	v12 =	vimm.f32 $0.0e+00;
	[tilespmem:$0x1FE20] =	vst v0;
	v0 =	vsel vm2, v14, v9  }
0x21d: {  	v9 =	vimm.f32 $1.000000020e+30;
	[tilespmem:$0x1FE30] =	vst v0;
	v0 =	vsel vm2, v13, v16;
	v13 =	vimm.f32 $-1.000000020e+30  }
0x21e: {  	vm1 =	vgt.f32 v9, $5.000000000e+00;
	v15 =	vadd.f32 $1.000000000e+00, v9;
	vm3 =	vlt.f32 v9, v9  }
0x21f: {  	vm0 =	vgt.f32 v19, $0.0e+00;
	vm2 =	vge.f32 v19, $0.0e+00;
	v13 =	vmax.f32 v13, v19  }
0x220: {  	v14 =	vnsel vm0, $0x0, v19;
	v16 =	vsel vm2, $0x3F800000, v2;
	vm1 =	vmand vm1, vm2  }
0x221: {  	v15 =	vsel vm2, $0x3F800000, v15;
	v13 =	vmax.f32 v13, v18;
	v17 =	vadd.f32 v14, v12  }
0x222: {  	v20 =	vsel vm1, $0x3F800000, v2;
	v16 =	vadd.f32 v16, v9;
	vm2 =	vgt.f32 v15, $5.000000000e+00  }
0x223: {  	v15 =	vadd.f32 $1.000000000e+00, v15;
	v21 =	vsel vm1, $0x80000000, v12;
	v19 =	vadd.f32 v20, v12  }
0x224: {  	v17 =	vsel vm1, v14, v17;
	v14 =	vsel vm0, $0x3F800000, v2;
	vm0 =	vmand vm3, vm1  }
0x225: {  	v20 =	vld.idx.msk [tilespmem:v10+s2+$0x0], $0xffff;
	v16 =	vsel vm1, $0x3F800000, v16;
	vm1 =	vge.f32 v18, $0.0e+00;
	vm3 =	vgt.f32 v18, $0.0e+00  }
0x226: {  	v23 =	vsel vm0, v12, v12;
	v12 =	vsel vm1, $0x3F800000, v2;
	v22 =	vnsel vm3, $0x0, v18  }
0x227: {  	v9 =	vsel vm0, v9, v9;
	v26 =	vadd.f32 v21, v14;
	vm0 =	vmand vm1, vm2  }
0x228: {  	v27 =	vsel vm3, $0x3F800000, v2;
	v15 =	vsel vm1, $0x3F800000, v15;
	v25 =	vadd.f32 v17, v22  }
0x229: {  	v24 =	vadd.f32 v16, v12;
	v12 =	vld.idx.msk [tilespmem:v8+s2+$0x0], $0xffff;
	vm2 =	vlt.f32 v16, v9;
	vm3 =	vgt.f32 v15, $5.000000000e+00  }
0x22a: {  	v18 =	vld.idx.msk [tilespmem:v7+s2+$0x0], $0xffff;
	vm2 =	vmand vm0, vm2;
	vm1 =	vgt.f32 v20, $0.0e+00;
	v21 =	vsel vm0, v22, v25  }
0x22b: {  	v14 =	vld.idx.msk [tilespmem:v6+s2+$0x0], $0xffff;
	v25 =	vsel vm0, $0x80000000, v26;
	v28 =	vsel vm0, $0x3F800000, v24;
	v22 =	vsel vm0, $0x3F800000, v2  }
0x22c: {  	v13 =	vmax.f32 v13, v20;
	v30 =	vsel vm2, v16, v9;
	v9 =	vadd.f32 $1.000000000e+00, v15  }
0x22d: {  	vm7 =	vge.f32 v20, $0.0e+00;
	v16 =	vsel vm2, v26, v23;
	v31 =	vadd.f32 v22, v19  }
0x22e: {  	v22 =	vsel vm2, v17, v23;
	v15 =	vsel vm7, $0x3F800000, v2;
	v13 =	vmax.f32 v13, v12  }
0x22f: {  	v23 =	vadd.f32 v25, v27;
	v9 =	vsel vm7, $0x3F800000, v9;
	v13 =	vmax.f32 v13, v18  }
0x230: {  	v17 =	vadd.f32 $1.000000000e+00, v9;
	v19 =	vmax.f32 v13, v14;
	v13 =	vnsel vm1, $0x0, v20  }
0x231: {  	vm5 =	vge.f32 v12, $0.0e+00;
	vm9 =	vgt.f32 v9, $5.000000000e+00;
	v9 =	vadd.f32 v21, v13  }
0x232: {  	vm2 =	vlt.f32 v28, v30;
	vm3 =	vmand vm7, vm3;
	v26 =	vsel vm5, $0x3F800000, v17  }
0x233: {  	vm4 =	vge.f32 v18, $0.0e+00;
	v17 =	vsel vm3, v13, v9;
	v13 =	vadd.f32 $1.000000000e+00, v26  }
0x234: {  	v25 =	vadd.f32 v28, v15;
	vm8 =	vmand vm3, vm2;
	v62 =	vsel vm3, $0x3F800000, v2  }
0x235: {  	v20 =	vsel vm3, $0x80000000, v23;
	v9 =	vsel vm8, v23, v16;
	v13 =	vsel vm4, $0x3F800000, v13  }
0x236: {  	v23 =	vsel vm3, $0x3F800000, v25;
	vm3 =	vgt.f32 v13, $5.000000000e+00;
	v27 =	vadd.f32 $1.000000000e+00, v13;
	v13 =	vld.idx.msk [tilespmem:v3+s2+$0x0], $0xffff  }
0x237: {  	v5 =	vadd.s32 $0x8, v1;
	vm0 =	vge.f32 v14, $0.0e+00;
	vm6 =	vgt.f32 v18, $0.0e+00  }
0x238: {  	v15 =	vsel vm6, $0x3F800000, v2;
	v24 =	vsel vm4, $0x3F800000, v2;
	v61 =	vsel vm5, $0x3F800000, v2;
	v16 =	vld.idx.msk [tilespmem:v4+s2+$0x0], $0xffff  }
0x239: {  	vm2 =	vmand vm5, vm9;
	vm7 =	vgt.f32 v26, $5.000000000e+00;
	v25 =	vsel vm8, v28, v30  }
0x23a: {  	s25 =	simm.s32 $0x3F;
	[tilespmem:$0x1FE40] =	vst v0;
	v26 =	vadd.f32 v62, v31;
	vm5 =	vlt.f32 v23, v25;
	v28 =	vadd.f32 v23, v61  }
.LBB2_10:
0x23b: {  	p0 =	sne.s32 s25, $0x1;
	s25 =	sadd.s32 $0xFFFFFFFF, s25;
	v30 =	vsel vm8, v21, v22;
	v27 =	vsel vm0, $0x3F800000, v27;
	vm8 =	vgt.f32 v13, $0.0e+00;
	v22 =	vmovc v5  }
0x23c: {  	v31 =	vnsel vm6, $0x0, v18;
	v21 =	vld.idx.msk [tilespmem:v5+s2+$0x0], $0xffff;
	v28 =	vsel vm2, $0x3F800000, v28;
	v18 =	vadd.f32 $1.000000000e+00, v27  }
0x23d: {  	vm10 =	vge.f32 v16, $0.0e+00;
	vm11 =	vgt.f32 v27, $5.000000000e+00;
	v32 =	vadd.f32 v28, v24  }
0x23e: {  	v5 =	vadd.s32 $0x8, v5;
	v24 =	vsel vm8, $0x3F800000, v2;
	v27 =	vsel vm10, $0x3F800000, v18  }
0x23f: {  	v33 =	vnsel vm8, $0x0, v13;
	v18 =	vor.u32 $0x7, v22;
	v34 =	vadd.f32 $1.000000000e+00, v27  }
0x240: {  	vm6 =	vge.f32 v13, $0.0e+00;
	vm8 =	vmand vm4, vm7;
	vm4 =	vgt.f32 v27, $5.000000000e+00  }
0x241: {  	v27 =	vsel vm1, $0x3F800000, v2;
	vm4 =	vmand vm6, vm4;
	v34 =	vsel vm6, $0x3F800000, v34  }
0x242: {  	v35 =	vsel vm2, $0x3F800000, v2;
	vm1 =	vgt.f32 v21, $0.0e+00;
	vm9 =	vgt.f32 v34, $5.000000000e+00  }
0x243: {  	vm12 =	vgt.f32 v16, $0.0e+00;
	vm7 =	vgt.f32 v14, $0.0e+00;
	v36 =	vnsel vm1, $0x0, v21  }
0x244: {  	v26 =	vadd.f32 v35, v26;
	v20 =	vadd.f32 v20, v27;
	v27 =	vsel vm12, $0x3F800000, v2  }
0x245: {  	v19 =	vmax.f32 v19, v16;
	v35 =	vsel vm10, $0x3F800000, v2;
	v37 =	vsel vm4, $0x3F800000, v2  }
0x246: {  	v16 =	vnsel vm12, $0x0, v16;
	v39 =	vsel vm8, $0x3F800000, v2;
	v40 =	vsel vm7, $0x3F800000, v2  }
0x247: {  	v41 =	vsel vm0, $0x3F800000, v2;
	v14 =	vnsel vm7, $0x0, v14;
	vm12 =	vgt.f32 v12, $0.0e+00  }
0x248: {  	v12 =	vnsel vm12, $0x0, v12;
	v42 =	vsel vm12, $0x3F800000, v2;
	v43 =	vsel vm2, $0x80000000, v20  }
0x249: {  	vm7 =	vmand vm10, vm11;
	v44 =	vadd.f32 v17, v12;
	v42 =	vadd.f32 v43, v42  }
0x24a: {  	vm5 =	vmand vm2, vm5;
	vm3 =	vmand vm0, vm3;
	v26 =	vadd.f32 v39, v26  }
0x24b: {  	vm10 =	vge.f32 v21, $0.0e+00;
	v12 =	vsel vm2, v12, v44;
	v39 =	vsel vm8, $0x80000000, v42  }
0x24c: {  	v23 =	vsel vm5, v23, v25;
	v9 =	vsel vm5, v20, v9;
	v43 =	vsel vm10, $0x3F800000, v2  }
0x24d: {  	vm0 =	vlt.f32 v28, v23;
	v20 =	vsel vm8, $0x3F800000, v32;
	v25 =	vadd.f32 v12, v31  }
0x24e: {  	v13 =	vmax.f32 v19, v13;
	v17 =	vsel vm5, v17, v30;
	vm2 =	vmand vm8, vm0  }
0x24f: {  	v19 =	vsel vm2, v28, v23;
	v23 =	vadd.f32 v20, v41;
	v28 =	vsel vm3, $0x3F800000, v2  }
0x250: {  	v30 =	vadd.f32 $1.000000000e+00, v34;
	v9 =	vsel vm2, v42, v9;
	vm5 =	vlt.f32 v20, v19  }
0x251: {  	vm0 =	vmand vm9, vm10;
	v25 =	vsel vm8, v31, v25;
	vm5 =	vmand vm3, vm5  }
0x252: {  	v30 =	vsel vm10, $0x3F800000, v30;
	v15 =	vadd.f32 v39, v15;
	v23 =	vsel vm3, $0x3F800000, v23  }
0x253: {  	v31 =	vsel vm0, $0x3F800000, v2;
	v32 =	vadd.f32 v25, v14;
	v34 =	vadd.f32 v23, v35  }
0x254: {  	v12 =	vsel vm2, v12, v17;
	v17 =	vsel vm3, $0x80000000, v15;
	v35 =	vsel vm6, $0x3F800000, v2  }
0x255: {  	v19 =	vsel vm5, v20, v19;
	v14 =	vsel vm3, v14, v32;
	v20 =	vsel vm7, $0x3F800000, v34  }
0x256: {  	v26 =	vadd.f32 v28, v26;
	vm2 =	vlt.f32 v23, v19;
	v28 =	vadd.f32 v14, v16  }
0x257: {  	v12 =	vsel vm5, v25, v12;
	vm2 =	vmand vm7, vm2;
	v25 =	vadd.f32 v20, v35  }
0x258: {  	v9 =	vsel vm5, v15, v9;
	v15 =	vsel vm2, v23, v19;
	v16 =	vsel vm7, v16, v28  }
0x259: {  	v17 =	vadd.f32 v17, v40;
	vm3 =	vlt.f32 v20, v15;
	v19 =	vadd.f32 v16, v33  }
0x25a: {  	v23 =	vor.u32 $0x1, v22;
	v12 =	vsel vm2, v14, v12;
	v14 =	vsel vm4, $0x3F800000, v25  }
0x25b: {  	v25 =	vor.u32 $0x2, v22;
	v28 =	vsel vm7, $0x80000000, v17;
	v19 =	vsel vm4, v33, v19  }
0x25c: {  	v27 =	vadd.f32 v28, v27;
	v28 =	vsel vm7, $0x3F800000, v2;
	v32 =	vadd.f32 v36, v19  }
0x25d: {  	v9 =	vsel vm2, v17, v9;
	vm2 =	vmand vm4, vm3;
	v17 =	vadd.f32 v28, v26  }
0x25e: {  	v26 =	vor.u32 $0x5, v22;
	v28 =	vor.u32 $0x6, v22;
	v33 =	vsel vm4, $0x80000000, v27  }
0x25f: {  	v34 =	vor.u32 $0x3, v22;
	v22 =	vor.u32 $0x4, v22;
	v17 =	vadd.f32 v37, v17;
	v23 =	vld.idx.msk [tilespmem:v23+s2+$0x0], $0xffff  }
0x260: {  	v21 =	vmax.f32 v13, v21;
	v35 =	vsel vm2, v16, v12;
	v12 =	vadd.f32 v33, v24;
	v25 =	vld.idx.msk [tilespmem:v25+s2+$0x0], $0xffff  }
0x261: {  	v13 =	vadd.f32 v43, v14;
	v9 =	vsel vm2, v27, v9;
	v24 =	vsel vm0, v36, v32  }
0x262: {  	vm3 =	vgt.f32 v30, $5.000000000e+00;
	v15 =	vsel vm2, v20, v15;
	v17 =	vadd.f32 v31, v17  }
0x263: {  	v20 =	vsel vm1, $0x3F800000, v2;
	vm2 =	vlt.f32 v14, v15;
	v27 =	vadd.f32 $1.000000000e+00, v30;
	v16 =	vld.idx.msk [tilespmem:v28+s2+$0x0], $0xffff  }
0x264: {  	vm2 =	vmand vm2, vm0;
	v30 =	vsel vm0, $0x80000000, v12;
	v28 =	vsel vm0, $0x3F800000, v13;
	v13 =	vld.idx.msk [tilespmem:v18+s2+$0x0], $0xffff  }
0x265: {  	v9 =	vsel vm2, v12, v9;
	vm0 =	vge.f32 v23, $0.0e+00;
	vm1 =	vgt.f32 v23, $0.0e+00  }
0x266: {  	v15 =	vsel vm2, v14, v15;
	v14 =	vsel vm0, $0x3F800000, v2;
	v31 =	vnsel vm1, $0x0, v23;
	v12 =	vld.idx.msk [tilespmem:v34+s2+$0x0], $0xffff  }
0x267: {  	v23 =	vmax.f32 v21, v23;
	v32 =	vadd.f32 v28, v14;
	v33 =	vadd.f32 v24, v31  }
0x268: {  	v20 =	vadd.f32 v30, v20;
	vm3 =	vmand vm0, vm3;
	v30 =	vsel vm1, $0x3F800000, v2;
	v14 =	vld.idx.msk [tilespmem:v26+s2+$0x0], $0xffff  }
0x269: {  	vm4 =	vlt.f32 v28, v15;
	vm1 =	vgt.f32 v25, $0.0e+00;
	v26 =	vsel vm0, $0x3F800000, v27;
	v18 =	vld.idx.msk [tilespmem:v22+s2+$0x0], $0xffff  }
0x26a: {  	vm4 =	vmand vm3, vm4;
	v21 =	vsel vm3, v31, v33;
	v27 =	vsel vm3, $0x80000000, v20  }
0x26b: {  	v23 =	vmax.f32 v23, v25;
	v31 =	vsel vm3, $0x3F800000, v32;
	v22 =	vsel vm3, $0x3F800000, v2  }
0x26c: {  	v19 =	vsel vm2, v19, v35;
	v28 =	vsel vm4, v28, v15;
	v15 =	vadd.f32 $1.000000000e+00, v26  }
0x26d: {  	vm3 =	vgt.f32 v26, $5.000000000e+00;
	vm2 =	vge.f32 v12, $0.0e+00;
	v23 =	vmax.f32 v23, v12  }
0x26e: {  	vm5 =	vge.f32 v25, $0.0e+00;
	v26 =	vadd.f32 v22, v17;
	vm0 =	vge.f32 v14, $0.0e+00  }
0x26f: {  	v22 =	vsel vm4, v24, v19;
	v17 =	vsel vm5, $0x3F800000, v2;
	v19 =	vmax.f32 v23, v18  }
0x270: {  	v9 =	vsel vm4, v20, v9;
	vm6 =	vgt.f32 v18, $0.0e+00;
	v19 =	vmax.f32 v19, v14  }
0x271: {  	v15 =	vsel vm5, $0x3F800000, v15;
	v23 =	vnsel vm1, $0x0, v25;
	vm4 =	vge.f32 v18, $0.0e+00  }
0x272: {  	vm7 =	vlt.f32 v31, v28;
	v25 =	vadd.f32 v27, v30;
	v27 =	vadd.f32 $1.000000000e+00, v15  }
0x273: {  	vm9 =	vgt.f32 v15, $5.000000000e+00;
	v30 =	vadd.f32 v31, v17;
	v15 =	vsel vm6, $0x3F800000, v2  }
0x274: {  	vm3 =	vmand vm5, vm3;
	v17 =	vadd.f32 v21, v23;
	v24 =	vsel vm4, $0x3F800000, v2  }
0x275: {  	v32 =	vsel vm2, $0x3F800000, v2;
	v20 =	vsel vm3, $0x80000000, v25;
	v27 =	vsel vm2, $0x3F800000, v27  }
.Ltmp4:
0x276: {  	vm8 =	vmand vm3, vm7;
	v17 =	vsel vm3, v23, v17;
	v33 =	vadd.f32 $1.000000000e+00, v27;
	(pc) =	sbr.rel @p0 .LBB2_10-.Ltmp4, $4  }
0x277: {  	v34 =	vsel vm3, $0x3F800000, v2;
	vm2 =	vmand vm2, vm9;
	vm7 =	vgt.f32 v27, $5.000000000e+00  }
0x278: {  	v9 =	vsel vm8, v25, v9;
	v23 =	vsel vm3, $0x3F800000, v30;
	v27 =	vsel vm4, $0x3F800000, v33  }
0x279: {  	v25 =	vsel vm8, v31, v28;
	vm3 =	vgt.f32 v27, $5.000000000e+00;
	v27 =	vadd.f32 $1.000000000e+00, v27  }
0x27a: {  	v26 =	vadd.f32 v34, v26;
	vm5 =	vlt.f32 v23, v25;
	v28 =	vadd.f32 v23, v32  }
0x27b: {  	v5 =	vsel vm8, v21, v22;
	v21 =	vsel vm0, $0x3F800000, v27;
	vm8 =	vgt.f32 v13, $0.0e+00  }
0x27c: {  	v18 =	vnsel vm6, $0x0, v18;
	vm6 =	vge.f32 v16, $0.0e+00;
	vm7 =	vmand vm4, vm7  }
0x27d: {  	vm4 =	vge.f32 v13, $0.0e+00;
	v30 =	vsel vm2, $0x3F800000, v2;
	vm10 =	vgt.f32 v16, $0.0e+00  }
0x27e: {  	v19 =	vmax.f32 v19, v16;
	v34 =	vsel vm0, $0x3F800000, v2;
	vm5 =	vmand vm2, vm5  }
0x27f: {  	vm0 =	vmand vm0, vm3;
	v22 =	vsel vm2, $0x3F800000, v28;
	v27 =	vadd.f32 $1.000000000e+00, v21  }
0x280: {  	vm9 =	vgt.f32 v21, $5.000000000e+00;
	v28 =	vnsel vm8, $0x0, v13;
	v32 =	vsel vm7, $0x3F800000, v2  }
0x281: {  	v16 =	vnsel vm10, $0x0, v16;
	v23 =	vsel vm5, v23, v25;
	v5 =	vsel vm5, v17, v5  }
0x282: {  	v0 =	vmax.f32 v19, v13;
	v24 =	vadd.f32 v22, v24;
	v21 =	vsel vm6, $0x3F800000, v27  }
0x283: {  	v27 =	vsel vm8, $0x3F800000, v2;
	vm8 =	vgt.f32 v21, $5.000000000e+00;
	v21 =	vsel vm1, $0x3F800000, v2  }
0x284: {  	vm1 =	vmand vm4, vm8;
	vm8 =	vgt.f32 v14, $0.0e+00;
	v20 =	vadd.f32 v20, v21  }
0x285: {  	v21 =	vadd.f32 v30, v26;
	v26 =	vsel vm10, $0x3F800000, v2;
	v30 =	vsel vm6, $0x3F800000, v2  }
0x286: {  	vm10 =	vgt.f32 v12, $0.0e+00;
	vm6 =	vmand vm6, vm9;
	v31 =	vsel vm1, $0x3F800000, v2  }
0x287: {  	v33 =	vsel vm8, $0x3F800000, v2;
	v14 =	vnsel vm8, $0x0, v14;
	v12 =	vnsel vm10, $0x0, v12  }
0x288: {  	v35 =	vsel vm10, $0x3F800000, v2;
	v36 =	vsel vm2, $0x80000000, v20;
	v37 =	vadd.f32 v17, v12  }
0x289: {  	v21 =	vadd.f32 v32, v21;
	v9 =	vsel vm5, v20, v9;
	v20 =	vsel vm7, $0x3F800000, v24  }
0x28a: {  	v17 =	vsel vm0, $0x3F800000, v2;
	v35 =	vadd.f32 v36, v35;
	v12 =	vsel vm2, v12, v37  }
0x28b: {  	vm2 =	vlt.f32 v22, v23;
	v13 =	vadd.f32 v17, v21;
	v17 =	vor.u32 $0x40, v63  }
0x28c: {  	v21 =	vadd.f32 v20, v34;
	v60 =	vsel vm7, $0x80000000, v35;
	vm2 =	vmand vm7, vm2  }
0x28d: {  	v24 =	vadd.f32 v12, v18;
	v19 =	vsel vm2, v22, v23;
	v22 =	vsel vm6, $0x3F800000, v2  }
0x28e: {  	v9 =	vsel vm2, v35, v9;
	v15 =	vadd.f32 v60, v15;
	v21 =	vsel vm0, $0x3F800000, v21  }
0x28f: {  	vm3 =	vlt.f32 v20, v19;
	v13 =	vadd.f32 v22, v13;
	v18 =	vsel vm7, v18, v24  }
0x290: {  	v5 =	vsel vm2, v12, v5;
	vm3 =	vmand vm0, vm3;
	v22 =	vadd.f32 v18, v14  }
0x291: {  	[tilespmem:$0x1FD40] =	vst v0;
	v12 =	vsel vm0, $0x80000000, v15;
	v47 =	vadd.f32 v31, v13;
	v13 =	vadd.f32 v21, v30;
	v0 =	vld.idx.msk [tilespmem:v17+s17+$0x0], $0xffff  }
0x292: {  	v19 =	vsel vm3, v20, v19;
	v5 =	vsel vm3, v18, v5;
	v14 =	vsel vm0, v14, v22  }
0x293: {  	v23 =	vsel vm4, $0x3F800000, v2;
	v12 =	vadd.f32 v12, v33;
	[tilespmem:v17+s21+$0x0] =	vst.idx.msk $0xffff, v47;
	v17 =	vadd.f32 v14, v16  }
0x294: {  	v9 =	vsel vm3, v15, v9;
	vm0 =	vlt.f32 v21, v19;
	v13 =	vsel vm6, $0x3F800000, v13  }
0x295: {  	vm0 =	vmand vm6, vm0;
	v18 =	vadd.f32 v13, v23;
	v15 =	vsel vm6, v16, v17  }
0x296: {  	v5 =	vsel vm0, v14, v5;
	[tilespmem:$0x1FD50] =	vst v0;
	v17 =	vadd.f32 v15, v28  }
0x297: {  	v16 =	vsel vm0, v21, v19;
	v19 =	vsel vm6, $0x80000000, v12;
	v0 =	vsel vm1, $0x3F800000, v18;
	_ =	swait.ge [sflag:s22], $0x2000  }
0x298: {  	vm2 =	vlt.f32 v13, v16;
	v14 =	vadd.f32 v19, v26;
	[sflag:s22] =	ssyncset.done $0x0;
	[tilespmem:$0x1FD60] =	vst v0;
	v0 =	vsel vm1, v28, v17  }
0x299: {  	vm2 =	vmand vm1, vm2;
	[sflag:s22] =	ssyncadd.s32 $0xFFFFE000;
	[tilespmem:$0x1FD70] =	vst v0  }
0x29a: {  	v9 =	vsel vm0, v12, v9;
	v12 =	vsel vm1, $0x80000000, v14;
	v0 =	vsel vm2, v15, v5;
	[tilespmem:s2], [sflag:$0x1] =	stream.linear.gather [hbm4b:s10+s2], $0x2000, $0x38;
	[tilespmem:$0x4280] =	vst v63  }
0x29b: {  	[tilespmem:$0x1FD80] =	vst v0;
	v0 =	vadd.f32 v12, v27;
	v19 =	vld.idx.msk [tilespmem:v1+s20+$0x0], $0xffff;
	_ =	sdelay $0x1  }
0x29c: {  	v12 =	vimm.f32 $0.0e+00;
	v18 =	vld.idx.msk [tilespmem:v11+s20+$0x0], $0xffff;
	[tilespmem:$0x1FD90] =	vst v0;
	v0 =	vsel vm2, v14, v9  }
0x29d: {  	v9 =	vimm.f32 $1.000000020e+30;
	[tilespmem:$0x1FDA0] =	vst v0;
	v0 =	vsel vm2, v13, v16;
	v13 =	vimm.f32 $-1.000000020e+30  }
0x29e: {  	vm1 =	vgt.f32 v9, $5.000000000e+00;
	v15 =	vadd.f32 $1.000000000e+00, v9;
	vm3 =	vlt.f32 v9, v9  }
0x29f: {  	vm0 =	vgt.f32 v19, $0.0e+00;
	vm2 =	vge.f32 v19, $0.0e+00;
	v13 =	vmax.f32 v13, v19  }
0x2a0: {  	v14 =	vnsel vm0, $0x0, v19;
	v16 =	vsel vm2, $0x3F800000, v2;
	vm1 =	vmand vm1, vm2  }
0x2a1: {  	v15 =	vsel vm2, $0x3F800000, v15;
	v13 =	vmax.f32 v13, v18;
	v17 =	vadd.f32 v14, v12  }
0x2a2: {  	v20 =	vsel vm1, $0x3F800000, v2;
	v16 =	vadd.f32 v16, v9;
	vm2 =	vgt.f32 v15, $5.000000000e+00  }
0x2a3: {  	v15 =	vadd.f32 $1.000000000e+00, v15;
	v21 =	vsel vm1, $0x80000000, v12;
	v19 =	vadd.f32 v20, v12  }
0x2a4: {  	v17 =	vsel vm1, v14, v17;
	v14 =	vsel vm0, $0x3F800000, v2;
	vm0 =	vmand vm3, vm1  }
0x2a5: {  	v20 =	vld.idx.msk [tilespmem:v10+s20+$0x0], $0xffff;
	v16 =	vsel vm1, $0x3F800000, v16;
	vm1 =	vge.f32 v18, $0.0e+00;
	vm3 =	vgt.f32 v18, $0.0e+00  }
0x2a6: {  	v23 =	vsel vm0, v12, v12;
	v12 =	vsel vm1, $0x3F800000, v2;
	v22 =	vnsel vm3, $0x0, v18  }
0x2a7: {  	v9 =	vsel vm0, v9, v9;
	v26 =	vadd.f32 v21, v14;
	vm0 =	vmand vm1, vm2  }
0x2a8: {  	v27 =	vsel vm3, $0x3F800000, v2;
	v15 =	vsel vm1, $0x3F800000, v15;
	v25 =	vadd.f32 v17, v22  }
0x2a9: {  	v24 =	vadd.f32 v16, v12;
	v12 =	vld.idx.msk [tilespmem:v8+s20+$0x0], $0xffff;
	vm2 =	vlt.f32 v16, v9;
	vm3 =	vgt.f32 v15, $5.000000000e+00  }
0x2aa: {  	v18 =	vld.idx.msk [tilespmem:v7+s20+$0x0], $0xffff;
	vm2 =	vmand vm0, vm2;
	vm1 =	vgt.f32 v20, $0.0e+00;
	v21 =	vsel vm0, v22, v25  }
0x2ab: {  	v14 =	vld.idx.msk [tilespmem:v6+s20+$0x0], $0xffff;
	v25 =	vsel vm0, $0x80000000, v26;
	v28 =	vsel vm0, $0x3F800000, v24;
	v22 =	vsel vm0, $0x3F800000, v2  }
0x2ac: {  	v13 =	vmax.f32 v13, v20;
	v30 =	vsel vm2, v16, v9;
	v9 =	vadd.f32 $1.000000000e+00, v15  }
0x2ad: {  	vm7 =	vge.f32 v20, $0.0e+00;
	v16 =	vsel vm2, v26, v23;
	v31 =	vadd.f32 v22, v19  }
0x2ae: {  	v22 =	vsel vm2, v17, v23;
	v15 =	vsel vm7, $0x3F800000, v2;
	v13 =	vmax.f32 v13, v12  }
0x2af: {  	v23 =	vadd.f32 v25, v27;
	v9 =	vsel vm7, $0x3F800000, v9;
	v13 =	vmax.f32 v13, v18  }
0x2b0: {  	v17 =	vadd.f32 $1.000000000e+00, v9;
	v19 =	vmax.f32 v13, v14;
	v13 =	vnsel vm1, $0x0, v20  }
0x2b1: {  	vm5 =	vge.f32 v12, $0.0e+00;
	vm9 =	vgt.f32 v9, $5.000000000e+00;
	v9 =	vadd.f32 v21, v13  }
0x2b2: {  	vm2 =	vlt.f32 v28, v30;
	vm3 =	vmand vm7, vm3;
	v26 =	vsel vm5, $0x3F800000, v17  }
0x2b3: {  	vm4 =	vge.f32 v18, $0.0e+00;
	v17 =	vsel vm3, v13, v9;
	v13 =	vadd.f32 $1.000000000e+00, v26  }
0x2b4: {  	v25 =	vadd.f32 v28, v15;
	vm8 =	vmand vm3, vm2;
	v62 =	vsel vm3, $0x3F800000, v2  }
0x2b5: {  	v20 =	vsel vm3, $0x80000000, v23;
	v9 =	vsel vm8, v23, v16;
	v13 =	vsel vm4, $0x3F800000, v13  }
0x2b6: {  	v23 =	vsel vm3, $0x3F800000, v25;
	vm3 =	vgt.f32 v13, $5.000000000e+00;
	v27 =	vadd.f32 $1.000000000e+00, v13;
	v13 =	vld.idx.msk [tilespmem:v3+s20+$0x0], $0xffff  }
0x2b7: {  	v5 =	vadd.s32 $0x8, v1;
	vm0 =	vge.f32 v14, $0.0e+00;
	vm6 =	vgt.f32 v18, $0.0e+00  }
0x2b8: {  	v15 =	vsel vm6, $0x3F800000, v2;
	v24 =	vsel vm4, $0x3F800000, v2;
	v61 =	vsel vm5, $0x3F800000, v2;
	v16 =	vld.idx.msk [tilespmem:v4+s20+$0x0], $0xffff  }
0x2b9: {  	vm2 =	vmand vm5, vm9;
	vm7 =	vgt.f32 v26, $5.000000000e+00;
	v25 =	vsel vm8, v28, v30  }
0x2ba: {  	s25 =	simm.s32 $0x3F;
	[tilespmem:$0x1FDB0] =	vst v0;
	v26 =	vadd.f32 v62, v31;
	vm5 =	vlt.f32 v23, v25;
	v28 =	vadd.f32 v23, v61  }
.LBB2_12:
0x2bb: {  	p0 =	sne.s32 s25, $0x1;
	s25 =	sadd.s32 $0xFFFFFFFF, s25;
	v30 =	vsel vm8, v21, v22;
	v27 =	vsel vm0, $0x3F800000, v27;
	vm8 =	vgt.f32 v13, $0.0e+00;
	v22 =	vmovc v5  }
0x2bc: {  	v31 =	vnsel vm6, $0x0, v18;
	v21 =	vld.idx.msk [tilespmem:v5+s20+$0x0], $0xffff;
	v28 =	vsel vm2, $0x3F800000, v28;
	v18 =	vadd.f32 $1.000000000e+00, v27  }
0x2bd: {  	vm10 =	vge.f32 v16, $0.0e+00;
	vm11 =	vgt.f32 v27, $5.000000000e+00;
	v32 =	vadd.f32 v28, v24  }
0x2be: {  	v5 =	vadd.s32 $0x8, v5;
	v24 =	vsel vm8, $0x3F800000, v2;
	v27 =	vsel vm10, $0x3F800000, v18  }
0x2bf: {  	v33 =	vnsel vm8, $0x0, v13;
	v18 =	vor.u32 $0x7, v22;
	v34 =	vadd.f32 $1.000000000e+00, v27  }
0x2c0: {  	vm6 =	vge.f32 v13, $0.0e+00;
	vm8 =	vmand vm4, vm7;
	vm4 =	vgt.f32 v27, $5.000000000e+00  }
0x2c1: {  	v27 =	vsel vm1, $0x3F800000, v2;
	vm4 =	vmand vm6, vm4;
	v34 =	vsel vm6, $0x3F800000, v34  }
0x2c2: {  	v35 =	vsel vm2, $0x3F800000, v2;
	vm1 =	vgt.f32 v21, $0.0e+00;
	vm9 =	vgt.f32 v34, $5.000000000e+00  }
0x2c3: {  	vm12 =	vgt.f32 v16, $0.0e+00;
	vm7 =	vgt.f32 v14, $0.0e+00;
	v36 =	vnsel vm1, $0x0, v21  }
0x2c4: {  	v26 =	vadd.f32 v35, v26;
	v20 =	vadd.f32 v20, v27;
	v27 =	vsel vm12, $0x3F800000, v2  }
0x2c5: {  	v19 =	vmax.f32 v19, v16;
	v35 =	vsel vm10, $0x3F800000, v2;
	v37 =	vsel vm4, $0x3F800000, v2  }
0x2c6: {  	v16 =	vnsel vm12, $0x0, v16;
	v39 =	vsel vm8, $0x3F800000, v2;
	v40 =	vsel vm7, $0x3F800000, v2  }
0x2c7: {  	v41 =	vsel vm0, $0x3F800000, v2;
	v14 =	vnsel vm7, $0x0, v14;
	vm12 =	vgt.f32 v12, $0.0e+00  }
0x2c8: {  	v12 =	vnsel vm12, $0x0, v12;
	v42 =	vsel vm12, $0x3F800000, v2;
	v43 =	vsel vm2, $0x80000000, v20  }
0x2c9: {  	vm7 =	vmand vm10, vm11;
	v44 =	vadd.f32 v17, v12;
	v42 =	vadd.f32 v43, v42  }
0x2ca: {  	vm5 =	vmand vm2, vm5;
	vm3 =	vmand vm0, vm3;
	v26 =	vadd.f32 v39, v26  }
0x2cb: {  	vm10 =	vge.f32 v21, $0.0e+00;
	v12 =	vsel vm2, v12, v44;
	v39 =	vsel vm8, $0x80000000, v42  }
0x2cc: {  	v23 =	vsel vm5, v23, v25;
	v9 =	vsel vm5, v20, v9;
	v43 =	vsel vm10, $0x3F800000, v2  }
0x2cd: {  	vm0 =	vlt.f32 v28, v23;
	v20 =	vsel vm8, $0x3F800000, v32;
	v25 =	vadd.f32 v12, v31  }
0x2ce: {  	v13 =	vmax.f32 v19, v13;
	v17 =	vsel vm5, v17, v30;
	vm2 =	vmand vm8, vm0  }
0x2cf: {  	v19 =	vsel vm2, v28, v23;
	v23 =	vadd.f32 v20, v41;
	v28 =	vsel vm3, $0x3F800000, v2  }
0x2d0: {  	v30 =	vadd.f32 $1.000000000e+00, v34;
	v9 =	vsel vm2, v42, v9;
	vm5 =	vlt.f32 v20, v19  }
0x2d1: {  	vm0 =	vmand vm9, vm10;
	v25 =	vsel vm8, v31, v25;
	vm5 =	vmand vm3, vm5  }
0x2d2: {  	v30 =	vsel vm10, $0x3F800000, v30;
	v15 =	vadd.f32 v39, v15;
	v23 =	vsel vm3, $0x3F800000, v23  }
0x2d3: {  	v31 =	vsel vm0, $0x3F800000, v2;
	v32 =	vadd.f32 v25, v14;
	v34 =	vadd.f32 v23, v35  }
0x2d4: {  	v12 =	vsel vm2, v12, v17;
	v17 =	vsel vm3, $0x80000000, v15;
	v35 =	vsel vm6, $0x3F800000, v2  }
0x2d5: {  	v19 =	vsel vm5, v20, v19;
	v14 =	vsel vm3, v14, v32;
	v20 =	vsel vm7, $0x3F800000, v34  }
0x2d6: {  	v26 =	vadd.f32 v28, v26;
	vm2 =	vlt.f32 v23, v19;
	v28 =	vadd.f32 v14, v16  }
0x2d7: {  	v12 =	vsel vm5, v25, v12;
	vm2 =	vmand vm7, vm2;
	v25 =	vadd.f32 v20, v35  }
0x2d8: {  	v9 =	vsel vm5, v15, v9;
	v15 =	vsel vm2, v23, v19;
	v16 =	vsel vm7, v16, v28  }
0x2d9: {  	v17 =	vadd.f32 v17, v40;
	vm3 =	vlt.f32 v20, v15;
	v19 =	vadd.f32 v16, v33  }
0x2da: {  	v23 =	vor.u32 $0x1, v22;
	v12 =	vsel vm2, v14, v12;
	v14 =	vsel vm4, $0x3F800000, v25  }
0x2db: {  	v25 =	vor.u32 $0x2, v22;
	v28 =	vsel vm7, $0x80000000, v17;
	v19 =	vsel vm4, v33, v19  }
0x2dc: {  	v27 =	vadd.f32 v28, v27;
	v28 =	vsel vm7, $0x3F800000, v2;
	v32 =	vadd.f32 v36, v19  }
0x2dd: {  	v9 =	vsel vm2, v17, v9;
	vm2 =	vmand vm4, vm3;
	v17 =	vadd.f32 v28, v26  }
0x2de: {  	v26 =	vor.u32 $0x5, v22;
	v28 =	vor.u32 $0x6, v22;
	v33 =	vsel vm4, $0x80000000, v27  }
0x2df: {  	v34 =	vor.u32 $0x3, v22;
	v22 =	vor.u32 $0x4, v22;
	v17 =	vadd.f32 v37, v17;
	v23 =	vld.idx.msk [tilespmem:v23+s20+$0x0], $0xffff  }
0x2e0: {  	v21 =	vmax.f32 v13, v21;
	v35 =	vsel vm2, v16, v12;
	v12 =	vadd.f32 v33, v24;
	v25 =	vld.idx.msk [tilespmem:v25+s20+$0x0], $0xffff  }
0x2e1: {  	v13 =	vadd.f32 v43, v14;
	v9 =	vsel vm2, v27, v9;
	v24 =	vsel vm0, v36, v32  }
0x2e2: {  	vm3 =	vgt.f32 v30, $5.000000000e+00;
	v15 =	vsel vm2, v20, v15;
	v17 =	vadd.f32 v31, v17  }
0x2e3: {  	v20 =	vsel vm1, $0x3F800000, v2;
	vm2 =	vlt.f32 v14, v15;
	v27 =	vadd.f32 $1.000000000e+00, v30;
	v16 =	vld.idx.msk [tilespmem:v28+s20+$0x0], $0xffff  }
0x2e4: {  	vm2 =	vmand vm2, vm0;
	v30 =	vsel vm0, $0x80000000, v12;
	v28 =	vsel vm0, $0x3F800000, v13;
	v13 =	vld.idx.msk [tilespmem:v18+s20+$0x0], $0xffff  }
0x2e5: {  	v9 =	vsel vm2, v12, v9;
	vm0 =	vge.f32 v23, $0.0e+00;
	vm1 =	vgt.f32 v23, $0.0e+00  }
0x2e6: {  	v15 =	vsel vm2, v14, v15;
	v14 =	vsel vm0, $0x3F800000, v2;
	v31 =	vnsel vm1, $0x0, v23;
	v12 =	vld.idx.msk [tilespmem:v34+s20+$0x0], $0xffff  }
0x2e7: {  	v23 =	vmax.f32 v21, v23;
	v32 =	vadd.f32 v28, v14;
	v33 =	vadd.f32 v24, v31  }
0x2e8: {  	v20 =	vadd.f32 v30, v20;
	vm3 =	vmand vm0, vm3;
	v30 =	vsel vm1, $0x3F800000, v2;
	v14 =	vld.idx.msk [tilespmem:v26+s20+$0x0], $0xffff  }
0x2e9: {  	vm4 =	vlt.f32 v28, v15;
	vm1 =	vgt.f32 v25, $0.0e+00;
	v26 =	vsel vm0, $0x3F800000, v27;
	v18 =	vld.idx.msk [tilespmem:v22+s20+$0x0], $0xffff  }
0x2ea: {  	vm4 =	vmand vm3, vm4;
	v21 =	vsel vm3, v31, v33;
	v27 =	vsel vm3, $0x80000000, v20  }
0x2eb: {  	v23 =	vmax.f32 v23, v25;
	v31 =	vsel vm3, $0x3F800000, v32;
	v22 =	vsel vm3, $0x3F800000, v2  }
0x2ec: {  	v19 =	vsel vm2, v19, v35;
	v28 =	vsel vm4, v28, v15;
	v15 =	vadd.f32 $1.000000000e+00, v26  }
0x2ed: {  	vm3 =	vgt.f32 v26, $5.000000000e+00;
	vm2 =	vge.f32 v12, $0.0e+00;
	v23 =	vmax.f32 v23, v12  }
0x2ee: {  	vm5 =	vge.f32 v25, $0.0e+00;
	v26 =	vadd.f32 v22, v17;
	vm0 =	vge.f32 v14, $0.0e+00  }
0x2ef: {  	v22 =	vsel vm4, v24, v19;
	v17 =	vsel vm5, $0x3F800000, v2;
	v19 =	vmax.f32 v23, v18  }
0x2f0: {  	v9 =	vsel vm4, v20, v9;
	vm6 =	vgt.f32 v18, $0.0e+00;
	v19 =	vmax.f32 v19, v14  }
0x2f1: {  	v15 =	vsel vm5, $0x3F800000, v15;
	v23 =	vnsel vm1, $0x0, v25;
	vm4 =	vge.f32 v18, $0.0e+00  }
0x2f2: {  	vm7 =	vlt.f32 v31, v28;
	v25 =	vadd.f32 v27, v30;
	v27 =	vadd.f32 $1.000000000e+00, v15  }
0x2f3: {  	vm9 =	vgt.f32 v15, $5.000000000e+00;
	v30 =	vadd.f32 v31, v17;
	v15 =	vsel vm6, $0x3F800000, v2  }
0x2f4: {  	vm3 =	vmand vm5, vm3;
	v17 =	vadd.f32 v21, v23;
	v24 =	vsel vm4, $0x3F800000, v2  }
0x2f5: {  	v32 =	vsel vm2, $0x3F800000, v2;
	v20 =	vsel vm3, $0x80000000, v25;
	v27 =	vsel vm2, $0x3F800000, v27  }
.Ltmp5:
0x2f6: {  	vm8 =	vmand vm3, vm7;
	v17 =	vsel vm3, v23, v17;
	v33 =	vadd.f32 $1.000000000e+00, v27;
	(pc) =	sbr.rel @p0 .LBB2_12-.Ltmp5, $4  }
0x2f7: {  	v34 =	vsel vm3, $0x3F800000, v2;
	vm2 =	vmand vm2, vm9;
	vm7 =	vgt.f32 v27, $5.000000000e+00  }
0x2f8: {  	v9 =	vsel vm8, v25, v9;
	v23 =	vsel vm3, $0x3F800000, v30;
	v27 =	vsel vm4, $0x3F800000, v33  }
0x2f9: {  	v25 =	vsel vm8, v31, v28;
	vm3 =	vgt.f32 v27, $5.000000000e+00;
	v27 =	vadd.f32 $1.000000000e+00, v27  }
0x2fa: {  	v26 =	vadd.f32 v34, v26;
	vm5 =	vlt.f32 v23, v25;
	v28 =	vadd.f32 v23, v32  }
0x2fb: {  	v5 =	vsel vm8, v21, v22;
	v21 =	vsel vm0, $0x3F800000, v27;
	vm8 =	vgt.f32 v13, $0.0e+00  }
0x2fc: {  	v18 =	vnsel vm6, $0x0, v18;
	vm6 =	vge.f32 v16, $0.0e+00;
	vm7 =	vmand vm4, vm7  }
0x2fd: {  	vm4 =	vge.f32 v13, $0.0e+00;
	v30 =	vsel vm2, $0x3F800000, v2;
	vm10 =	vgt.f32 v16, $0.0e+00  }
0x2fe: {  	v19 =	vmax.f32 v19, v16;
	v34 =	vsel vm0, $0x3F800000, v2;
	vm5 =	vmand vm2, vm5  }
0x2ff: {  	vm0 =	vmand vm0, vm3;
	v22 =	vsel vm2, $0x3F800000, v28;
	v27 =	vadd.f32 $1.000000000e+00, v21  }
0x300: {  	vm9 =	vgt.f32 v21, $5.000000000e+00;
	v28 =	vnsel vm8, $0x0, v13;
	v32 =	vsel vm7, $0x3F800000, v2  }
0x301: {  	v16 =	vnsel vm10, $0x0, v16;
	v23 =	vsel vm5, v23, v25;
	v5 =	vsel vm5, v17, v5  }
0x302: {  	v0 =	vmax.f32 v19, v13;
	v24 =	vadd.f32 v22, v24;
	v21 =	vsel vm6, $0x3F800000, v27  }
0x303: {  	v27 =	vsel vm8, $0x3F800000, v2;
	vm8 =	vgt.f32 v21, $5.000000000e+00;
	v21 =	vsel vm1, $0x3F800000, v2  }
0x304: {  	vm1 =	vmand vm4, vm8;
	vm8 =	vgt.f32 v14, $0.0e+00;
	v20 =	vadd.f32 v20, v21  }
0x305: {  	v21 =	vadd.f32 v30, v26;
	v26 =	vsel vm10, $0x3F800000, v2;
	v30 =	vsel vm6, $0x3F800000, v2  }
0x306: {  	vm10 =	vgt.f32 v12, $0.0e+00;
	vm6 =	vmand vm6, vm9;
	v31 =	vsel vm1, $0x3F800000, v2  }
0x307: {  	v33 =	vsel vm8, $0x3F800000, v2;
	v14 =	vnsel vm8, $0x0, v14;
	v12 =	vnsel vm10, $0x0, v12  }
0x308: {  	v35 =	vsel vm10, $0x3F800000, v2;
	v36 =	vsel vm2, $0x80000000, v20;
	v37 =	vadd.f32 v17, v12  }
0x309: {  	v21 =	vadd.f32 v32, v21;
	v9 =	vsel vm5, v20, v9;
	v20 =	vsel vm7, $0x3F800000, v24  }
0x30a: {  	v17 =	vsel vm0, $0x3F800000, v2;
	v35 =	vadd.f32 v36, v35;
	v12 =	vsel vm2, v12, v37  }
0x30b: {  	vm2 =	vlt.f32 v22, v23;
	v13 =	vadd.f32 v17, v21;
	v17 =	vor.u32 $0x50, v63  }
0x30c: {  	v21 =	vadd.f32 v20, v34;
	v60 =	vsel vm7, $0x80000000, v35;
	vm2 =	vmand vm7, vm2  }
0x30d: {  	v24 =	vadd.f32 v12, v18;
	v19 =	vsel vm2, v22, v23;
	v22 =	vsel vm6, $0x3F800000, v2  }
0x30e: {  	v9 =	vsel vm2, v35, v9;
	v15 =	vadd.f32 v60, v15;
	v21 =	vsel vm0, $0x3F800000, v21  }
0x30f: {  	vm3 =	vlt.f32 v20, v19;
	v13 =	vadd.f32 v22, v13;
	v18 =	vsel vm7, v18, v24  }
0x310: {  	v5 =	vsel vm2, v12, v5;
	vm3 =	vmand vm0, vm3;
	v22 =	vadd.f32 v18, v14  }
0x311: {  	[tilespmem:$0x1FCC0] =	vst v0;
	v12 =	vsel vm0, $0x80000000, v15;
	v56 =	vadd.f32 v31, v13;
	v13 =	vadd.f32 v21, v30;
	v0 =	vld.idx.msk [tilespmem:v17+s17+$0x0], $0xffff  }
0x312: {  	v19 =	vsel vm3, v20, v19;
	v5 =	vsel vm3, v18, v5;
	v14 =	vsel vm0, v14, v22  }
0x313: {  	v23 =	vsel vm4, $0x3F800000, v2;
	v12 =	vadd.f32 v12, v33;
	[tilespmem:v17+s21+$0x0] =	vst.idx.msk $0xffff, v56;
	v17 =	vadd.f32 v14, v16  }
0x314: {  	v9 =	vsel vm3, v15, v9;
	vm0 =	vlt.f32 v21, v19;
	v13 =	vsel vm6, $0x3F800000, v13  }
0x315: {  	vm0 =	vmand vm6, vm0;
	v18 =	vadd.f32 v13, v23;
	v15 =	vsel vm6, v16, v17  }
0x316: {  	v5 =	vsel vm0, v14, v5;
	[tilespmem:$0x1FCD0] =	vst v0;
	v17 =	vadd.f32 v15, v28  }
0x317: {  	v16 =	vsel vm0, v21, v19;
	v19 =	vsel vm6, $0x80000000, v12;
	v0 =	vsel vm1, $0x3F800000, v18;
	_ =	swait.ge [sflag:s19], $0x2000  }
0x318: {  	vm2 =	vlt.f32 v13, v16;
	v14 =	vadd.f32 v19, v26;
	[sflag:s19] =	ssyncset.done $0x0;
	[tilespmem:$0x1FCE0] =	vst v0;
	v0 =	vsel vm1, v28, v17  }
0x319: {  	vm2 =	vmand vm1, vm2;
	[sflag:s19] =	ssyncadd.s32 $0xFFFFE000;
	[tilespmem:$0x1FCF0] =	vst v0  }
0x31a: {  	v9 =	vsel vm0, v12, v9;
	v12 =	vsel vm1, $0x80000000, v14;
	v0 =	vsel vm2, v15, v5;
	[tilespmem:s20], [sflag:$0x2] =	stream.linear.gather [hbm4b:s11+s2], $0x2000, $0x38;
	[tilespmem:$0x4280] =	vst v63  }
0x31b: {  	[tilespmem:$0x1FD00] =	vst v0;
	v0 =	vadd.f32 v12, v27;
	v19 =	vld.idx.msk [tilespmem:v1+s2+$0x0], $0xffff;
	_ =	sdelay $0x1  }
0x31c: {  	v12 =	vimm.f32 $0.0e+00;
	v18 =	vld.idx.msk [tilespmem:v11+s2+$0x0], $0xffff;
	[tilespmem:$0x1FD10] =	vst v0;
	v0 =	vsel vm2, v14, v9  }
0x31d: {  	v9 =	vimm.f32 $1.000000020e+30;
	[tilespmem:$0x1FD20] =	vst v0;
	v0 =	vsel vm2, v13, v16;
	v13 =	vimm.f32 $-1.000000020e+30  }
0x31e: {  	vm1 =	vgt.f32 v9, $5.000000000e+00;
	v15 =	vadd.f32 $1.000000000e+00, v9;
	vm3 =	vlt.f32 v9, v9  }
0x31f: {  	vm0 =	vgt.f32 v19, $0.0e+00;
	vm2 =	vge.f32 v19, $0.0e+00;
	v13 =	vmax.f32 v13, v19  }
0x320: {  	v14 =	vnsel vm0, $0x0, v19;
	v16 =	vsel vm2, $0x3F800000, v2;
	vm1 =	vmand vm1, vm2  }
0x321: {  	v15 =	vsel vm2, $0x3F800000, v15;
	v13 =	vmax.f32 v13, v18;
	v17 =	vadd.f32 v14, v12  }
0x322: {  	v20 =	vsel vm1, $0x3F800000, v2;
	v16 =	vadd.f32 v16, v9;
	vm2 =	vgt.f32 v15, $5.000000000e+00  }
0x323: {  	v15 =	vadd.f32 $1.000000000e+00, v15;
	v21 =	vsel vm1, $0x80000000, v12;
	v19 =	vadd.f32 v20, v12  }
0x324: {  	v17 =	vsel vm1, v14, v17;
	v14 =	vsel vm0, $0x3F800000, v2;
	vm0 =	vmand vm3, vm1  }
0x325: {  	v20 =	vld.idx.msk [tilespmem:v10+s2+$0x0], $0xffff;
	v16 =	vsel vm1, $0x3F800000, v16;
	vm1 =	vge.f32 v18, $0.0e+00;
	vm3 =	vgt.f32 v18, $0.0e+00  }
0x326: {  	v23 =	vsel vm0, v12, v12;
	v12 =	vsel vm1, $0x3F800000, v2;
	v22 =	vnsel vm3, $0x0, v18  }
0x327: {  	v9 =	vsel vm0, v9, v9;
	v26 =	vadd.f32 v21, v14;
	vm0 =	vmand vm1, vm2  }
0x328: {  	v27 =	vsel vm3, $0x3F800000, v2;
	v15 =	vsel vm1, $0x3F800000, v15;
	v25 =	vadd.f32 v17, v22  }
0x329: {  	v24 =	vadd.f32 v16, v12;
	v12 =	vld.idx.msk [tilespmem:v8+s2+$0x0], $0xffff;
	vm2 =	vlt.f32 v16, v9;
	vm3 =	vgt.f32 v15, $5.000000000e+00  }
0x32a: {  	v18 =	vld.idx.msk [tilespmem:v7+s2+$0x0], $0xffff;
	vm2 =	vmand vm0, vm2;
	vm1 =	vgt.f32 v20, $0.0e+00;
	v21 =	vsel vm0, v22, v25  }
0x32b: {  	v14 =	vld.idx.msk [tilespmem:v6+s2+$0x0], $0xffff;
	v25 =	vsel vm0, $0x80000000, v26;
	v28 =	vsel vm0, $0x3F800000, v24;
	v22 =	vsel vm0, $0x3F800000, v2  }
0x32c: {  	v13 =	vmax.f32 v13, v20;
	v30 =	vsel vm2, v16, v9;
	v9 =	vadd.f32 $1.000000000e+00, v15  }
0x32d: {  	vm7 =	vge.f32 v20, $0.0e+00;
	v16 =	vsel vm2, v26, v23;
	v31 =	vadd.f32 v22, v19  }
0x32e: {  	v22 =	vsel vm2, v17, v23;
	v15 =	vsel vm7, $0x3F800000, v2;
	v13 =	vmax.f32 v13, v12  }
0x32f: {  	v23 =	vadd.f32 v25, v27;
	v9 =	vsel vm7, $0x3F800000, v9;
	v13 =	vmax.f32 v13, v18  }
0x330: {  	v17 =	vadd.f32 $1.000000000e+00, v9;
	v19 =	vmax.f32 v13, v14;
	v13 =	vnsel vm1, $0x0, v20  }
0x331: {  	vm5 =	vge.f32 v12, $0.0e+00;
	vm9 =	vgt.f32 v9, $5.000000000e+00;
	v9 =	vadd.f32 v21, v13  }
0x332: {  	vm2 =	vlt.f32 v28, v30;
	vm3 =	vmand vm7, vm3;
	v26 =	vsel vm5, $0x3F800000, v17  }
0x333: {  	vm4 =	vge.f32 v18, $0.0e+00;
	v17 =	vsel vm3, v13, v9;
	v13 =	vadd.f32 $1.000000000e+00, v26  }
0x334: {  	v25 =	vadd.f32 v28, v15;
	vm8 =	vmand vm3, vm2;
	v62 =	vsel vm3, $0x3F800000, v2  }
0x335: {  	v20 =	vsel vm3, $0x80000000, v23;
	v9 =	vsel vm8, v23, v16;
	v13 =	vsel vm4, $0x3F800000, v13  }
0x336: {  	v23 =	vsel vm3, $0x3F800000, v25;
	vm3 =	vgt.f32 v13, $5.000000000e+00;
	v27 =	vadd.f32 $1.000000000e+00, v13;
	v13 =	vld.idx.msk [tilespmem:v3+s2+$0x0], $0xffff  }
0x337: {  	v5 =	vadd.s32 $0x8, v1;
	vm0 =	vge.f32 v14, $0.0e+00;
	vm6 =	vgt.f32 v18, $0.0e+00  }
0x338: {  	v15 =	vsel vm6, $0x3F800000, v2;
	v24 =	vsel vm4, $0x3F800000, v2;
	v61 =	vsel vm5, $0x3F800000, v2;
	v16 =	vld.idx.msk [tilespmem:v4+s2+$0x0], $0xffff  }
0x339: {  	vm2 =	vmand vm5, vm9;
	vm7 =	vgt.f32 v26, $5.000000000e+00;
	v25 =	vsel vm8, v28, v30  }
0x33a: {  	s25 =	simm.s32 $0x3F;
	[tilespmem:$0x1FD30] =	vst v0;
	v26 =	vadd.f32 v62, v31;
	vm5 =	vlt.f32 v23, v25;
	v28 =	vadd.f32 v23, v61  }
.LBB2_14:
0x33b: {  	p0 =	sne.s32 s25, $0x1;
	s25 =	sadd.s32 $0xFFFFFFFF, s25;
	v30 =	vsel vm8, v21, v22;
	v27 =	vsel vm0, $0x3F800000, v27;
	vm8 =	vgt.f32 v13, $0.0e+00;
	v22 =	vmovc v5  }
0x33c: {  	v31 =	vnsel vm6, $0x0, v18;
	v21 =	vld.idx.msk [tilespmem:v5+s2+$0x0], $0xffff;
	v28 =	vsel vm2, $0x3F800000, v28;
	v18 =	vadd.f32 $1.000000000e+00, v27  }
0x33d: {  	vm10 =	vge.f32 v16, $0.0e+00;
	vm11 =	vgt.f32 v27, $5.000000000e+00;
	v32 =	vadd.f32 v28, v24  }
0x33e: {  	v5 =	vadd.s32 $0x8, v5;
	v24 =	vsel vm8, $0x3F800000, v2;
	v27 =	vsel vm10, $0x3F800000, v18  }
0x33f: {  	v33 =	vnsel vm8, $0x0, v13;
	v18 =	vor.u32 $0x7, v22;
	v34 =	vadd.f32 $1.000000000e+00, v27  }
0x340: {  	vm6 =	vge.f32 v13, $0.0e+00;
	vm8 =	vmand vm4, vm7;
	vm4 =	vgt.f32 v27, $5.000000000e+00  }
0x341: {  	v27 =	vsel vm1, $0x3F800000, v2;
	vm4 =	vmand vm6, vm4;
	v34 =	vsel vm6, $0x3F800000, v34  }
0x342: {  	v35 =	vsel vm2, $0x3F800000, v2;
	vm1 =	vgt.f32 v21, $0.0e+00;
	vm9 =	vgt.f32 v34, $5.000000000e+00  }
0x343: {  	vm12 =	vgt.f32 v16, $0.0e+00;
	vm7 =	vgt.f32 v14, $0.0e+00;
	v36 =	vnsel vm1, $0x0, v21  }
0x344: {  	v26 =	vadd.f32 v35, v26;
	v20 =	vadd.f32 v20, v27;
	v27 =	vsel vm12, $0x3F800000, v2  }
0x345: {  	v19 =	vmax.f32 v19, v16;
	v35 =	vsel vm10, $0x3F800000, v2;
	v37 =	vsel vm4, $0x3F800000, v2  }
0x346: {  	v16 =	vnsel vm12, $0x0, v16;
	v39 =	vsel vm8, $0x3F800000, v2;
	v40 =	vsel vm7, $0x3F800000, v2  }
0x347: {  	v41 =	vsel vm0, $0x3F800000, v2;
	v14 =	vnsel vm7, $0x0, v14;
	vm12 =	vgt.f32 v12, $0.0e+00  }
0x348: {  	v12 =	vnsel vm12, $0x0, v12;
	v42 =	vsel vm12, $0x3F800000, v2;
	v43 =	vsel vm2, $0x80000000, v20  }
0x349: {  	vm7 =	vmand vm10, vm11;
	v44 =	vadd.f32 v17, v12;
	v42 =	vadd.f32 v43, v42  }
0x34a: {  	vm5 =	vmand vm2, vm5;
	vm3 =	vmand vm0, vm3;
	v26 =	vadd.f32 v39, v26  }
0x34b: {  	vm10 =	vge.f32 v21, $0.0e+00;
	v12 =	vsel vm2, v12, v44;
	v39 =	vsel vm8, $0x80000000, v42  }
0x34c: {  	v23 =	vsel vm5, v23, v25;
	v9 =	vsel vm5, v20, v9;
	v43 =	vsel vm10, $0x3F800000, v2  }
0x34d: {  	vm0 =	vlt.f32 v28, v23;
	v20 =	vsel vm8, $0x3F800000, v32;
	v25 =	vadd.f32 v12, v31  }
0x34e: {  	v13 =	vmax.f32 v19, v13;
	v17 =	vsel vm5, v17, v30;
	vm2 =	vmand vm8, vm0  }
0x34f: {  	v19 =	vsel vm2, v28, v23;
	v23 =	vadd.f32 v20, v41;
	v28 =	vsel vm3, $0x3F800000, v2  }
0x350: {  	v30 =	vadd.f32 $1.000000000e+00, v34;
	v9 =	vsel vm2, v42, v9;
	vm5 =	vlt.f32 v20, v19  }
0x351: {  	vm0 =	vmand vm9, vm10;
	v25 =	vsel vm8, v31, v25;
	vm5 =	vmand vm3, vm5  }
0x352: {  	v30 =	vsel vm10, $0x3F800000, v30;
	v15 =	vadd.f32 v39, v15;
	v23 =	vsel vm3, $0x3F800000, v23  }
0x353: {  	v31 =	vsel vm0, $0x3F800000, v2;
	v32 =	vadd.f32 v25, v14;
	v34 =	vadd.f32 v23, v35  }
0x354: {  	v12 =	vsel vm2, v12, v17;
	v17 =	vsel vm3, $0x80000000, v15;
	v35 =	vsel vm6, $0x3F800000, v2  }
0x355: {  	v19 =	vsel vm5, v20, v19;
	v14 =	vsel vm3, v14, v32;
	v20 =	vsel vm7, $0x3F800000, v34  }
0x356: {  	v26 =	vadd.f32 v28, v26;
	vm2 =	vlt.f32 v23, v19;
	v28 =	vadd.f32 v14, v16  }
0x357: {  	v12 =	vsel vm5, v25, v12;
	vm2 =	vmand vm7, vm2;
	v25 =	vadd.f32 v20, v35  }
0x358: {  	v9 =	vsel vm5, v15, v9;
	v15 =	vsel vm2, v23, v19;
	v16 =	vsel vm7, v16, v28  }
0x359: {  	v17 =	vadd.f32 v17, v40;
	vm3 =	vlt.f32 v20, v15;
	v19 =	vadd.f32 v16, v33  }
0x35a: {  	v23 =	vor.u32 $0x1, v22;
	v12 =	vsel vm2, v14, v12;
	v14 =	vsel vm4, $0x3F800000, v25  }
0x35b: {  	v25 =	vor.u32 $0x2, v22;
	v28 =	vsel vm7, $0x80000000, v17;
	v19 =	vsel vm4, v33, v19  }
0x35c: {  	v27 =	vadd.f32 v28, v27;
	v28 =	vsel vm7, $0x3F800000, v2;
	v32 =	vadd.f32 v36, v19  }
0x35d: {  	v9 =	vsel vm2, v17, v9;
	vm2 =	vmand vm4, vm3;
	v17 =	vadd.f32 v28, v26  }
0x35e: {  	v26 =	vor.u32 $0x5, v22;
	v28 =	vor.u32 $0x6, v22;
	v33 =	vsel vm4, $0x80000000, v27  }
0x35f: {  	v34 =	vor.u32 $0x3, v22;
	v22 =	vor.u32 $0x4, v22;
	v17 =	vadd.f32 v37, v17;
	v23 =	vld.idx.msk [tilespmem:v23+s2+$0x0], $0xffff  }
0x360: {  	v21 =	vmax.f32 v13, v21;
	v35 =	vsel vm2, v16, v12;
	v12 =	vadd.f32 v33, v24;
	v25 =	vld.idx.msk [tilespmem:v25+s2+$0x0], $0xffff  }
0x361: {  	v13 =	vadd.f32 v43, v14;
	v9 =	vsel vm2, v27, v9;
	v24 =	vsel vm0, v36, v32  }
0x362: {  	vm3 =	vgt.f32 v30, $5.000000000e+00;
	v15 =	vsel vm2, v20, v15;
	v17 =	vadd.f32 v31, v17  }
0x363: {  	v20 =	vsel vm1, $0x3F800000, v2;
	vm2 =	vlt.f32 v14, v15;
	v27 =	vadd.f32 $1.000000000e+00, v30;
	v16 =	vld.idx.msk [tilespmem:v28+s2+$0x0], $0xffff  }
0x364: {  	vm2 =	vmand vm2, vm0;
	v30 =	vsel vm0, $0x80000000, v12;
	v28 =	vsel vm0, $0x3F800000, v13;
	v13 =	vld.idx.msk [tilespmem:v18+s2+$0x0], $0xffff  }
0x365: {  	v9 =	vsel vm2, v12, v9;
	vm0 =	vge.f32 v23, $0.0e+00;
	vm1 =	vgt.f32 v23, $0.0e+00  }
0x366: {  	v15 =	vsel vm2, v14, v15;
	v14 =	vsel vm0, $0x3F800000, v2;
	v31 =	vnsel vm1, $0x0, v23;
	v12 =	vld.idx.msk [tilespmem:v34+s2+$0x0], $0xffff  }
0x367: {  	v23 =	vmax.f32 v21, v23;
	v32 =	vadd.f32 v28, v14;
	v33 =	vadd.f32 v24, v31  }
0x368: {  	v20 =	vadd.f32 v30, v20;
	vm3 =	vmand vm0, vm3;
	v30 =	vsel vm1, $0x3F800000, v2;
	v14 =	vld.idx.msk [tilespmem:v26+s2+$0x0], $0xffff  }
0x369: {  	vm4 =	vlt.f32 v28, v15;
	vm1 =	vgt.f32 v25, $0.0e+00;
	v26 =	vsel vm0, $0x3F800000, v27;
	v18 =	vld.idx.msk [tilespmem:v22+s2+$0x0], $0xffff  }
0x36a: {  	vm4 =	vmand vm3, vm4;
	v21 =	vsel vm3, v31, v33;
	v27 =	vsel vm3, $0x80000000, v20  }
0x36b: {  	v23 =	vmax.f32 v23, v25;
	v31 =	vsel vm3, $0x3F800000, v32;
	v22 =	vsel vm3, $0x3F800000, v2  }
0x36c: {  	v19 =	vsel vm2, v19, v35;
	v28 =	vsel vm4, v28, v15;
	v15 =	vadd.f32 $1.000000000e+00, v26  }
0x36d: {  	vm3 =	vgt.f32 v26, $5.000000000e+00;
	vm2 =	vge.f32 v12, $0.0e+00;
	v23 =	vmax.f32 v23, v12  }
0x36e: {  	vm5 =	vge.f32 v25, $0.0e+00;
	v26 =	vadd.f32 v22, v17;
	vm0 =	vge.f32 v14, $0.0e+00  }
0x36f: {  	v22 =	vsel vm4, v24, v19;
	v17 =	vsel vm5, $0x3F800000, v2;
	v19 =	vmax.f32 v23, v18  }
0x370: {  	v9 =	vsel vm4, v20, v9;
	vm6 =	vgt.f32 v18, $0.0e+00;
	v19 =	vmax.f32 v19, v14  }
0x371: {  	v15 =	vsel vm5, $0x3F800000, v15;
	v23 =	vnsel vm1, $0x0, v25;
	vm4 =	vge.f32 v18, $0.0e+00  }
0x372: {  	vm7 =	vlt.f32 v31, v28;
	v25 =	vadd.f32 v27, v30;
	v27 =	vadd.f32 $1.000000000e+00, v15  }
0x373: {  	vm9 =	vgt.f32 v15, $5.000000000e+00;
	v30 =	vadd.f32 v31, v17;
	v15 =	vsel vm6, $0x3F800000, v2  }
0x374: {  	vm3 =	vmand vm5, vm3;
	v17 =	vadd.f32 v21, v23;
	v24 =	vsel vm4, $0x3F800000, v2  }
0x375: {  	v32 =	vsel vm2, $0x3F800000, v2;
	v20 =	vsel vm3, $0x80000000, v25;
	v27 =	vsel vm2, $0x3F800000, v27  }
.Ltmp6:
0x376: {  	vm8 =	vmand vm3, vm7;
	v17 =	vsel vm3, v23, v17;
	v33 =	vadd.f32 $1.000000000e+00, v27;
	(pc) =	sbr.rel @p0 .LBB2_14-.Ltmp6, $4  }
0x377: {  	v34 =	vsel vm3, $0x3F800000, v2;
	vm2 =	vmand vm2, vm9;
	vm7 =	vgt.f32 v27, $5.000000000e+00  }
0x378: {  	v9 =	vsel vm8, v25, v9;
	v23 =	vsel vm3, $0x3F800000, v30;
	v27 =	vsel vm4, $0x3F800000, v33  }
0x379: {  	v25 =	vsel vm8, v31, v28;
	vm3 =	vgt.f32 v27, $5.000000000e+00;
	v27 =	vadd.f32 $1.000000000e+00, v27  }
0x37a: {  	v26 =	vadd.f32 v34, v26;
	vm5 =	vlt.f32 v23, v25;
	v28 =	vadd.f32 v23, v32  }
0x37b: {  	v5 =	vsel vm8, v21, v22;
	v21 =	vsel vm0, $0x3F800000, v27;
	vm8 =	vgt.f32 v13, $0.0e+00  }
0x37c: {  	v18 =	vnsel vm6, $0x0, v18;
	vm6 =	vge.f32 v16, $0.0e+00;
	vm7 =	vmand vm4, vm7  }
0x37d: {  	vm4 =	vge.f32 v13, $0.0e+00;
	v30 =	vsel vm2, $0x3F800000, v2;
	vm10 =	vgt.f32 v16, $0.0e+00  }
0x37e: {  	v19 =	vmax.f32 v19, v16;
	v34 =	vsel vm0, $0x3F800000, v2;
	vm5 =	vmand vm2, vm5  }
0x37f: {  	vm0 =	vmand vm0, vm3;
	v22 =	vsel vm2, $0x3F800000, v28;
	v27 =	vadd.f32 $1.000000000e+00, v21  }
0x380: {  	vm9 =	vgt.f32 v21, $5.000000000e+00;
	v28 =	vnsel vm8, $0x0, v13;
	v32 =	vsel vm7, $0x3F800000, v2  }
0x381: {  	v16 =	vnsel vm10, $0x0, v16;
	v23 =	vsel vm5, v23, v25;
	v21 =	vsel vm6, $0x3F800000, v27  }
0x382: {  	v25 =	vsel vm0, $0x3F800000, v2;
	v27 =	vsel vm8, $0x3F800000, v2;
	vm8 =	vgt.f32 v21, $5.000000000e+00  }
0x383: {  	v24 =	vadd.f32 v22, v24;
	v21 =	vsel vm1, $0x3F800000, v2;
	vm1 =	vmand vm4, vm8  }
0x384: {  	vm8 =	vgt.f32 v14, $0.0e+00;
	v20 =	vadd.f32 v20, v21;
	v21 =	vadd.f32 v30, v26  }
0x385: {  	v26 =	vsel vm10, $0x3F800000, v2;
	v30 =	vsel vm6, $0x3F800000, v2;
	vm10 =	vgt.f32 v12, $0.0e+00  }
0x386: {  	vm6 =	vmand vm6, vm9;
	v31 =	vsel vm1, $0x3F800000, v2;
	v33 =	vsel vm8, $0x3F800000, v2  }
0x387: {  	v14 =	vnsel vm8, $0x0, v14;
	v12 =	vnsel vm10, $0x0, v12;
	v35 =	vsel vm10, $0x3F800000, v2  }
0x388: {  	v36 =	vsel vm2, $0x80000000, v20;
	v37 =	vadd.f32 v17, v12;
	v21 =	vadd.f32 v32, v21  }
0x389: {  	v9 =	vsel vm5, v20, v9;
	v20 =	vsel vm7, $0x3F800000, v24;
	v17 =	vsel vm5, v17, v5  }
0x38a: {  	v5 =	vmax.f32 v19, v13;
	v19 =	vor.u32 $0x60, v63;
	v35 =	vadd.f32 v36, v35  }
0x38b: {  	v50 =	vsel vm2, v12, v37;
	vm2 =	vlt.f32 v22, v23;
	v13 =	vadd.f32 v25, v21  }
0x38c: {  	v12 =	vsel vm7, $0x80000000, v35;
	v24 =	vadd.f32 v50, v18;
	vm2 =	vmand vm7, vm2  }
0x38d: {  	v21 =	vsel vm2, v22, v23;
	v22 =	vadd.f32 v20, v34;
	v23 =	vsel vm6, $0x3F800000, v2  }
0x38e: {  	v9 =	vsel vm2, v35, v9;
	v15 =	vadd.f32 v12, v15;
	v17 =	vsel vm2, v50, v17  }
0x38f: {  	vm3 =	vlt.f32 v20, v21;
	v13 =	vadd.f32 v23, v13;
	v18 =	vsel vm7, v18, v24  }
0x390: {  	vm3 =	vmand vm0, vm3;
	v22 =	vsel vm0, $0x3F800000, v22;
	v23 =	vadd.f32 v18, v14  }
0x391: {  	v25 =	vsel vm0, $0x80000000, v15;
	v12 =	vadd.f32 v31, v13;
	v24 =	vadd.f32 v22, v30  }
0x392: {  	v13 =	vld.idx.msk [tilespmem:v19+s17+$0x0], $0xffff;
	v20 =	vsel vm3, v20, v21;
	v17 =	vsel vm3, v18, v17;
	v14 =	vsel vm0, v14, v23  }
0x393: {  	v30 =	vsel vm4, $0x3F800000, v2;
	vm0 =	vlt.f32 v22, v20;
	v23 =	vadd.f32 v25, v33;
	[tilespmem:v19+s21+$0x0] =	vst.idx.msk $0xffff, v12  }
0x394: {  	v19 =	vsel vm6, $0x3F800000, v24;
	v21 =	vadd.f32 v14, v16;
	vm0 =	vmand vm6, vm0;
	_ =	swait.ge [sflag:s22], $0x2000  }
0x395: {  	v9 =	vsel vm3, v15, v9;
	v18 =	vadd.f32 v19, v30;
	v20 =	vsel vm0, v22, v20;
	[sflag:s22] =	ssyncset.done $0x0  }
0x396: {  	v17 =	vsel vm0, v14, v17;
	v9 =	vsel vm0, v23, v9;
	v15 =	vsel vm6, v16, v21;
	[sflag:s22] =	ssyncadd.s32 $0xFFFFE000  }
0x397: {  	v21 =	vsel vm6, $0x80000000, v23;
	vm2 =	vlt.f32 v19, v20;
	v23 =	vimm.f32 $-1.000000020e+30;
	[tilespmem:s2], [sflag:$0x1] =	stream.linear.gather [hbm4b:s12+s2], $0x2000, $0x38;
	[tilespmem:$0x4280] =	vst v63  }
0x398: {  	v16 =	vadd.f32 v15, v28;
	v21 =	vadd.f32 v21, v26;
	vm2 =	vmand vm1, vm2;
	v22 =	vld.idx.msk [tilespmem:v1+s20+$0x0], $0xffff  }
0x399: {  	v18 =	vsel vm1, $0x3F800000, v18;
	v15 =	vsel vm2, v15, v17;
	v19 =	vsel vm2, v19, v20;
	v51 =	vld.idx.msk [tilespmem:v10+s20+$0x0], $0xffff  }
0x39a: {  	v20 =	vimm.f32 $0.0e+00;
	v14 =	vsel vm1, v28, v16;
	v16 =	vsel vm1, $0x80000000, v21  }
0x39b: {  	v17 =	vsel vm2, v21, v9;
	v9 =	vimm.f32 $1.000000020e+30;
	v21 =	vadd.s32 $0x8, v1;
	v28 =	vld.idx.msk [tilespmem:v11+s20+$0x0], $0xffff  }
0x39c: {  	v16 =	vadd.f32 v16, v27;
	vm1 =	vgt.f32 v9, $5.000000000e+00;
	v25 =	vadd.f32 $1.000000000e+00, v9  }
0x39d: {  	vm3 =	vlt.f32 v9, v9;
	vm0 =	vgt.f32 v22, $0.0e+00;
	vm2 =	vge.f32 v22, $0.0e+00  }
0x39e: {  	v23 =	vmax.f32 v23, v22;
	vm7 =	vge.f32 v51, $0.0e+00;
	v24 =	vnsel vm0, $0x0, v22  }
0x39f: {  	v26 =	vsel vm2, $0x3F800000, v2;
	vm1 =	vmand vm1, vm2;
	v25 =	vsel vm2, $0x3F800000, v25  }
0x3a0: {  	v23 =	vmax.f32 v23, v28;
	v27 =	vadd.f32 v24, v20;
	v30 =	vsel vm1, $0x3F800000, v2  }
0x3a1: {  	v22 =	vadd.f32 v26, v9;
	vm2 =	vgt.f32 v25, $5.000000000e+00;
	v25 =	vadd.f32 $1.000000000e+00, v25  }
0x3a2: {  	v31 =	vsel vm1, $0x80000000, v20;
	v23 =	vmax.f32 v23, v51;
	v26 =	vsel vm1, v24, v27  }
0x3a3: {  	v27 =	vadd.f32 v30, v20;
	v24 =	vsel vm0, $0x3F800000, v2;
	vm0 =	vmand vm3, vm1  }
0x3a4: {  	v30 =	vsel vm1, $0x3F800000, v22;
	vm1 =	vge.f32 v28, $0.0e+00;
	vm3 =	vgt.f32 v28, $0.0e+00  }
0x3a5: {  	v20 =	vsel vm0, v20, v20;
	v22 =	vsel vm1, $0x3F800000, v2;
	v52 =	vnsel vm3, $0x0, v28  }
0x3a6: {  	v9 =	vsel vm0, v9, v9;
	v55 =	vadd.f32 v31, v24;
	vm0 =	vmand vm1, vm2  }
0x3a7: {  	v57 =	vsel vm3, $0x3F800000, v2;
	v25 =	vsel vm1, $0x3F800000, v25;
	v53 =	vadd.f32 v30, v22;
	v22 =	vld.idx.msk [tilespmem:v8+s20+$0x0], $0xffff  }
0x3a8: {  	vm1 =	vgt.f32 v51, $0.0e+00;
	v28 =	vld.idx.msk [tilespmem:v7+s20+$0x0], $0xffff;
	v54 =	vadd.f32 v26, v52;
	vm2 =	vlt.f32 v30, v9  }
0x3a9: {  	v24 =	vld.idx.msk [tilespmem:v6+s20+$0x0], $0xffff;
	v59 =	vsel vm0, $0x3F800000, v2;
	vm3 =	vgt.f32 v25, $5.000000000e+00;
	vm2 =	vmand vm0, vm2  }
0x3aa: {  	v58 =	vsel vm0, $0x80000000, v55;
	v41 =	vadd.f32 v59, v27;
	vm3 =	vmand vm7, vm3  }
0x3ab: {  	v31 =	vsel vm0, v52, v54;
	v40 =	vsel vm2, v30, v9;
	v9 =	vadd.f32 $1.000000000e+00, v25  }
0x3ac: {  	v39 =	vsel vm0, $0x3F800000, v53;
	v32 =	vsel vm2, v26, v20;
	v23 =	vmax.f32 v23, v22  }
0x3ad: {  	v25 =	vsel vm7, $0x3F800000, v2;
	v9 =	vsel vm7, $0x3F800000, v9;
	v23 =	vmax.f32 v23, v28  }
0x3ae: {  	v27 =	vadd.f32 $1.000000000e+00, v9;
	v30 =	vmax.f32 v23, v24;
	v23 =	vnsel vm1, $0x0, v51  }
0x3af: {  	vm5 =	vge.f32 v22, $0.0e+00;
	vm9 =	vgt.f32 v9, $5.000000000e+00;
	v9 =	vadd.f32 v31, v23  }
0x3b0: {  	v26 =	vsel vm2, v55, v20;
	v60 =	vadd.f32 v58, v57;
	v62 =	vsel vm5, $0x3F800000, v27  }
0x3b1: {  	v43 =	vsel vm3, $0x3F800000, v2;
	v27 =	vsel vm3, v23, v9;
	v23 =	vadd.f32 $1.000000000e+00, v62  }
0x3b2: {  	vm2 =	vlt.f32 v39, v40;
	v61 =	vadd.f32 v39, v25;
	vm4 =	vge.f32 v28, $0.0e+00  }
0x3b3: {  	v20 =	vsel vm3, $0x80000000, v60;
	vm8 =	vmand vm3, vm2;
	v23 =	vsel vm4, $0x3F800000, v23  }
0x3b4: {  	v33 =	vsel vm3, $0x3F800000, v61;
	vm3 =	vgt.f32 v23, $5.000000000e+00;
	v37 =	vadd.f32 $1.000000000e+00, v23;
	v23 =	vld.idx.msk [tilespmem:v3+s20+$0x0], $0xffff  }
0x3b5: {  	v36 =	vadd.f32 v43, v41;
	vm0 =	vge.f32 v24, $0.0e+00;
	vm6 =	vgt.f32 v28, $0.0e+00  }
0x3b6: {  	v25 =	vsel vm6, $0x3F800000, v2;
	v34 =	vsel vm4, $0x3F800000, v2;
	v9 =	vsel vm8, v60, v26;
	v26 =	vld.idx.msk [tilespmem:v4+s20+$0x0], $0xffff  }
0x3b7: {  	v35 =	vsel vm8, v39, v40;
	v42 =	vsel vm5, $0x3F800000, v2;
	vm2 =	vmand vm5, vm9  }
0x3b8: {  	s25 =	simm.s32 $0x3F;
	vm5 =	vlt.f32 v33, v35;
	v39 =	vadd.f32 v33, v42;
	vm7 =	vgt.f32 v62, $5.000000000e+00  }
.LBB2_16:
0x3b9: {  	p0 =	sne.s32 s25, $0x1;
	s25 =	sadd.s32 $0xFFFFFFFF, s25;
	v40 =	vsel vm8, v31, v32;
	v37 =	vsel vm0, $0x3F800000, v37;
	vm8 =	vgt.f32 v23, $0.0e+00;
	v32 =	vmovc v21  }
0x3ba: {  	v41 =	vnsel vm6, $0x0, v28;
	v31 =	vld.idx.msk [tilespmem:v21+s20+$0x0], $0xffff;
	v39 =	vsel vm2, $0x3F800000, v39;
	v28 =	vadd.f32 $1.000000000e+00, v37  }
0x3bb: {  	vm10 =	vge.f32 v26, $0.0e+00;
	vm11 =	vgt.f32 v37, $5.000000000e+00;
	v42 =	vadd.f32 v39, v34  }
0x3bc: {  	v21 =	vadd.s32 $0x8, v21;
	v34 =	vsel vm8, $0x3F800000, v2;
	v37 =	vsel vm10, $0x3F800000, v28  }
0x3bd: {  	v43 =	vnsel vm8, $0x0, v23;
	v28 =	vor.u32 $0x7, v32;
	v44 =	vadd.f32 $1.000000000e+00, v37  }
0x3be: {  	vm6 =	vge.f32 v23, $0.0e+00;
	vm8 =	vmand vm4, vm7;
	vm4 =	vgt.f32 v37, $5.000000000e+00  }
0x3bf: {  	v37 =	vsel vm1, $0x3F800000, v2;
	vm4 =	vmand vm6, vm4;
	v44 =	vsel vm6, $0x3F800000, v44  }
0x3c0: {  	v45 =	vsel vm2, $0x3F800000, v2;
	vm1 =	vgt.f32 v31, $0.0e+00;
	vm9 =	vgt.f32 v44, $5.000000000e+00  }
0x3c1: {  	vm12 =	vgt.f32 v26, $0.0e+00;
	vm7 =	vgt.f32 v24, $0.0e+00;
	v46 =	vnsel vm1, $0x0, v31  }
0x3c2: {  	v36 =	vadd.f32 v45, v36;
	v20 =	vadd.f32 v20, v37;
	v37 =	vsel vm12, $0x3F800000, v2  }
0x3c3: {  	v30 =	vmax.f32 v30, v26;
	v45 =	vsel vm10, $0x3F800000, v2;
	v48 =	vsel vm4, $0x3F800000, v2  }
0x3c4: {  	v26 =	vnsel vm12, $0x0, v26;
	v49 =	vsel vm8, $0x3F800000, v2;
	v50 =	vsel vm7, $0x3F800000, v2  }
0x3c5: {  	v51 =	vsel vm0, $0x3F800000, v2;
	v24 =	vnsel vm7, $0x0, v24;
	vm12 =	vgt.f32 v22, $0.0e+00  }
0x3c6: {  	v22 =	vnsel vm12, $0x0, v22;
	v52 =	vsel vm12, $0x3F800000, v2;
	v53 =	vsel vm2, $0x80000000, v20  }
0x3c7: {  	vm7 =	vmand vm10, vm11;
	v54 =	vadd.f32 v27, v22;
	v52 =	vadd.f32 v53, v52  }
0x3c8: {  	vm5 =	vmand vm2, vm5;
	vm3 =	vmand vm0, vm3;
	v36 =	vadd.f32 v49, v36  }
0x3c9: {  	vm10 =	vge.f32 v31, $0.0e+00;
	v22 =	vsel vm2, v22, v54;
	v49 =	vsel vm8, $0x80000000, v52  }
0x3ca: {  	v33 =	vsel vm5, v33, v35;
	v9 =	vsel vm5, v20, v9;
	v53 =	vsel vm10, $0x3F800000, v2  }
0x3cb: {  	vm0 =	vlt.f32 v39, v33;
	v20 =	vsel vm8, $0x3F800000, v42;
	v35 =	vadd.f32 v22, v41  }
0x3cc: {  	v23 =	vmax.f32 v30, v23;
	v27 =	vsel vm5, v27, v40;
	vm2 =	vmand vm8, vm0  }
0x3cd: {  	v30 =	vsel vm2, v39, v33;
	v33 =	vadd.f32 v20, v51;
	v39 =	vsel vm3, $0x3F800000, v2  }
0x3ce: {  	v40 =	vadd.f32 $1.000000000e+00, v44;
	v9 =	vsel vm2, v52, v9;
	vm5 =	vlt.f32 v20, v30  }
0x3cf: {  	vm0 =	vmand vm9, vm10;
	v35 =	vsel vm8, v41, v35;
	vm5 =	vmand vm3, vm5  }
0x3d0: {  	v40 =	vsel vm10, $0x3F800000, v40;
	v25 =	vadd.f32 v49, v25;
	v33 =	vsel vm3, $0x3F800000, v33  }
0x3d1: {  	v41 =	vsel vm0, $0x3F800000, v2;
	v42 =	vadd.f32 v35, v24;
	v44 =	vadd.f32 v33, v45  }
0x3d2: {  	v22 =	vsel vm2, v22, v27;
	v27 =	vsel vm3, $0x80000000, v25;
	v45 =	vsel vm6, $0x3F800000, v2  }
0x3d3: {  	v20 =	vsel vm5, v20, v30;
	v24 =	vsel vm3, v24, v42;
	v30 =	vsel vm7, $0x3F800000, v44  }
0x3d4: {  	v36 =	vadd.f32 v39, v36;
	vm2 =	vlt.f32 v33, v20;
	v39 =	vadd.f32 v24, v26  }
0x3d5: {  	v22 =	vsel vm5, v35, v22;
	vm2 =	vmand vm7, vm2;
	v35 =	vadd.f32 v30, v45  }
0x3d6: {  	v9 =	vsel vm5, v25, v9;
	v20 =	vsel vm2, v33, v20;
	v25 =	vsel vm7, v26, v39  }
0x3d7: {  	vm3 =	vlt.f32 v30, v20;
	v26 =	vadd.f32 v27, v50;
	v27 =	vadd.f32 v25, v43  }
0x3d8: {  	v33 =	vor.u32 $0x1, v32;
	v22 =	vsel vm2, v24, v22;
	v24 =	vsel vm4, $0x3F800000, v35  }
0x3d9: {  	v35 =	vor.u32 $0x2, v32;
	v39 =	vsel vm7, $0x80000000, v26;
	v27 =	vsel vm4, v43, v27  }
0x3da: {  	v37 =	vadd.f32 v39, v37;
	v39 =	vsel vm7, $0x3F800000, v2;
	v42 =	vadd.f32 v46, v27  }
0x3db: {  	v9 =	vsel vm2, v26, v9;
	vm2 =	vmand vm4, vm3;
	v26 =	vadd.f32 v39, v36  }
0x3dc: {  	v36 =	vor.u32 $0x5, v32;
	v39 =	vor.u32 $0x6, v32;
	v43 =	vsel vm4, $0x80000000, v37  }
0x3dd: {  	v44 =	vor.u32 $0x3, v32;
	v32 =	vor.u32 $0x4, v32;
	v26 =	vadd.f32 v48, v26;
	v33 =	vld.idx.msk [tilespmem:v33+s20+$0x0], $0xffff  }
0x3de: {  	v31 =	vmax.f32 v23, v31;
	v25 =	vsel vm2, v25, v22;
	v22 =	vadd.f32 v43, v34;
	v35 =	vld.idx.msk [tilespmem:v35+s20+$0x0], $0xffff  }
0x3df: {  	v23 =	vadd.f32 v53, v24;
	v9 =	vsel vm2, v37, v9;
	v34 =	vsel vm0, v46, v42  }
0x3e0: {  	vm3 =	vgt.f32 v40, $5.000000000e+00;
	v20 =	vsel vm2, v30, v20;
	v37 =	vadd.f32 v41, v26  }
0x3e1: {  	v40 =	vadd.f32 $1.000000000e+00, v40;
	v30 =	vsel vm1, $0x3F800000, v2;
	vm2 =	vlt.f32 v24, v20;
	v26 =	vld.idx.msk [tilespmem:v39+s20+$0x0], $0xffff  }
0x3e2: {  	vm2 =	vmand vm2, vm0;
	v41 =	vsel vm0, $0x80000000, v22;
	v39 =	vsel vm0, $0x3F800000, v23;
	v23 =	vld.idx.msk [tilespmem:v28+s20+$0x0], $0xffff  }
0x3e3: {  	v9 =	vsel vm2, v22, v9;
	vm0 =	vge.f32 v33, $0.0e+00;
	vm1 =	vgt.f32 v33, $0.0e+00  }
0x3e4: {  	v20 =	vsel vm2, v24, v20;
	v24 =	vsel vm0, $0x3F800000, v2;
	v42 =	vnsel vm1, $0x0, v33;
	v22 =	vld.idx.msk [tilespmem:v44+s20+$0x0], $0xffff  }
0x3e5: {  	v33 =	vmax.f32 v31, v33;
	v43 =	vadd.f32 v39, v24;
	v44 =	vadd.f32 v34, v42  }
0x3e6: {  	v30 =	vadd.f32 v41, v30;
	vm3 =	vmand vm0, vm3;
	v41 =	vsel vm1, $0x3F800000, v2;
	v24 =	vld.idx.msk [tilespmem:v36+s20+$0x0], $0xffff  }
0x3e7: {  	vm4 =	vlt.f32 v39, v20;
	vm1 =	vgt.f32 v35, $0.0e+00;
	v36 =	vsel vm0, $0x3F800000, v40;
	v28 =	vld.idx.msk [tilespmem:v32+s20+$0x0], $0xffff  }
0x3e8: {  	vm4 =	vmand vm3, vm4;
	v31 =	vsel vm3, v42, v44;
	v40 =	vsel vm3, $0x80000000, v30  }
0x3e9: {  	v33 =	vmax.f32 v33, v35;
	v42 =	vsel vm3, $0x3F800000, v43;
	v32 =	vsel vm3, $0x3F800000, v2  }
0x3ea: {  	v25 =	vsel vm2, v27, v25;
	v39 =	vsel vm4, v39, v20;
	v20 =	vadd.f32 $1.000000000e+00, v36  }
0x3eb: {  	vm3 =	vgt.f32 v36, $5.000000000e+00;
	vm2 =	vge.f32 v22, $0.0e+00;
	v27 =	vmax.f32 v33, v22  }
0x3ec: {  	vm5 =	vge.f32 v35, $0.0e+00;
	v36 =	vadd.f32 v32, v37;
	vm0 =	vge.f32 v24, $0.0e+00  }
0x3ed: {  	v32 =	vsel vm4, v34, v25;
	v25 =	vsel vm5, $0x3F800000, v2;
	v27 =	vmax.f32 v27, v28  }
0x3ee: {  	v9 =	vsel vm4, v30, v9;
	vm6 =	vgt.f32 v28, $0.0e+00;
	v30 =	vmax.f32 v27, v24  }
0x3ef: {  	v20 =	vsel vm5, $0x3F800000, v20;
	vm4 =	vge.f32 v28, $0.0e+00;
	v27 =	vnsel vm1, $0x0, v35  }
0x3f0: {  	vm7 =	vlt.f32 v42, v39;
	v33 =	vadd.f32 v40, v41;
	v35 =	vadd.f32 $1.000000000e+00, v20  }
0x3f1: {  	v37 =	vadd.f32 v42, v25;
	vm9 =	vgt.f32 v20, $5.000000000e+00;
	v25 =	vsel vm6, $0x3F800000, v2  }
0x3f2: {  	vm3 =	vmand vm5, vm3;
	v34 =	vsel vm4, $0x3F800000, v2;
	v40 =	vadd.f32 v31, v27  }
0x3f3: {  	v41 =	vsel vm2, $0x3F800000, v2;
	v20 =	vsel vm3, $0x80000000, v33;
	v35 =	vsel vm2, $0x3F800000, v35  }
.Ltmp7:
0x3f4: {  	vm8 =	vmand vm3, vm7;
	v27 =	vsel vm3, v27, v40;
	v40 =	vadd.f32 $1.000000000e+00, v35;
	(pc) =	sbr.rel @p0 .LBB2_16-.Ltmp7, $4  }
0x3f5: {  	v43 =	vsel vm3, $0x3F800000, v2;
	vm2 =	vmand vm2, vm9;
	vm7 =	vgt.f32 v35, $5.000000000e+00  }
0x3f6: {  	v9 =	vsel vm8, v33, v9;
	v33 =	vsel vm3, $0x3F800000, v37;
	v37 =	vsel vm4, $0x3F800000, v40  }
0x3f7: {  	v35 =	vsel vm8, v42, v39;
	vm3 =	vgt.f32 v37, $5.000000000e+00;
	v37 =	vadd.f32 $1.000000000e+00, v37  }
0x3f8: {  	v36 =	vadd.f32 v43, v36;
	v39 =	vadd.f32 v33, v41;
	vm5 =	vlt.f32 v33, v35  }
0x3f9: {  	v21 =	vsel vm8, v31, v32  }
0x3fa: {  	v31 =	vsel vm0, $0x3F800000, v37;
	vm8 =	vgt.f32 v23, $0.0e+00;
	v28 =	vnsel vm6, $0x0, v28  }
0x3fb: {  	vm6 =	vge.f32 v26, $0.0e+00;
	vm7 =	vmand vm4, vm7;
	vm4 =	vge.f32 v23, $0.0e+00  }
0x3fc: {  	v40 =	vsel vm2, $0x3F800000, v2;
	vm10 =	vgt.f32 v26, $0.0e+00;
	v30 =	vmax.f32 v30, v26  }
0x3fd: {  	v44 =	vsel vm0, $0x3F800000, v2;
	vm5 =	vmand vm2, vm5;
	vm0 =	vmand vm0, vm3  }
0x3fe: {  	v61 =	vsel vm2, $0x3F800000, v39;
	v37 =	vadd.f32 $1.000000000e+00, v31;
	vm9 =	vgt.f32 v31, $5.000000000e+00  }
0x3ff: {  	v39 =	vnsel vm8, $0x0, v23;
	v62 =	vsel vm10, $0x3F800000, v2;
	v38 =	vsel vm6, $0x3F800000, v2  }
0x400: {  	v42 =	vsel vm7, $0x3F800000, v2;
	v26 =	vnsel vm10, $0x0, v26;
	vm10 =	vgt.f32 v22, $0.0e+00  }
0x401: {  	v33 =	vsel vm5, v33, v35;
	v52 =	vsel vm0, $0x3F800000, v2;
	v59 =	vsel vm4, $0x3F800000, v2  }
0x402: {  	v34 =	vadd.f32 v61, v34;
	v22 =	vnsel vm10, $0x0, v22;
	v45 =	vsel vm10, $0x3F800000, v2  }
0x403: {  	v31 =	vsel vm6, $0x3F800000, v37;
	v37 =	vsel vm8, $0x3F800000, v2;
	v48 =	vadd.f32 v27, v22  }
0x404: {  	vm6 =	vmand vm6, vm9;
	v27 =	vsel vm5, v27, v21;
	v21 =	vmax.f32 v30, v23  }
0x405: {  	v30 =	vor.u32 $0x70, v63;
	vm8 =	vgt.f32 v31, $5.000000000e+00;
	v31 =	vsel vm1, $0x3F800000, v2  }
0x406: {  	v54 =	vsel vm6, $0x3F800000, v2;
	vm1 =	vmand vm4, vm8;
	vm8 =	vgt.f32 v24, $0.0e+00  }
0x407: {  	v20 =	vadd.f32 v20, v31;
	v31 =	vadd.f32 v40, v36;
	v50 =	vsel vm2, v22, v48  }
0x408: {  	v41 =	vsel vm1, $0x3F800000, v2;
	v43 =	vsel vm8, $0x3F800000, v2;
	v24 =	vnsel vm8, $0x0, v24  }
0x409: {  	v51 =	vadd.f32 v50, v28;
	v46 =	vsel vm2, $0x80000000, v20;
	v31 =	vadd.f32 v42, v31  }
0x40a: {  	v9 =	vsel vm5, v20, v9;
	vm2 =	vlt.f32 v61, v33;
	v20 =	vsel vm7, $0x3F800000, v34  }
0x40b: {  	v45 =	vadd.f32 v46, v45;
	vm2 =	vmand vm7, vm2;
	v23 =	vadd.f32 v52, v31  }
0x40c: {  	v53 =	vadd.f32 v20, v44;
	v28 =	vsel vm7, v28, v51;
	v31 =	vsel vm2, v61, v33  }
0x40d: {  	v55 =	vadd.f32 v28, v24;
	v27 =	vsel vm2, v50, v27;
	v23 =	vadd.f32 v54, v23  }
0x40e: {  	v22 =	vsel vm7, $0x80000000, v45;
	v9 =	vsel vm2, v45, v9;
	vm3 =	vlt.f32 v20, v31  }
0x40f: {  	v32 =	vsel vm0, $0x3F800000, v53;
	v25 =	vadd.f32 v22, v25;
	v22 =	vadd.f32 v41, v23  }
0x410: {  	vm3 =	vmand vm0, vm3;
	v57 =	vadd.f32 v32, v38;
	v24 =	vsel vm0, v24, v55  }
0x411: {  	v20 =	vsel vm3, v20, v31;
	v31 =	vadd.f32 v24, v26;
	v23 =	vld.idx.msk [tilespmem:v30+s17+$0x0], $0xffff;
	[tilespmem:v30+s21+$0x0] =	vst.idx.msk $0xffff, v22  }
0x412: {  	v27 =	vsel vm3, v28, v27;
	v58 =	vsel vm0, $0x80000000, v25;
	vm0 =	vlt.f32 v32, v20;
	_ =	swait.ge [sflag:s19], $0x2000  }
0x413: {  	v9 =	vsel vm3, v25, v9;
	vm0 =	vmand vm6, vm0;
	v60 =	vadd.f32 v58, v43;
	[sflag:s19] =	ssyncset.done $0x0  }
0x414: {  	v25 =	vsel vm6, v26, v31;
	v30 =	vsel vm6, $0x3F800000, v57;
	v20 =	vsel vm0, v32, v20;
	[sflag:s19] =	ssyncadd.s32 $0xFFFFE000  }
0x415: {  	v26 =	vadd.f32 v25, v39;
	v27 =	vsel vm0, v24, v27;
	v28 =	vadd.f32 v30, v59;
	[tilespmem:s20], [sflag:$0x2] =	stream.linear.gather [hbm4b:s13+s2], $0x2000, $0x38;
	[tilespmem:$0x4280] =	vst v63  }
0x416: {  	v31 =	vsel vm6, $0x80000000, v60;
	vm2 =	vlt.f32 v30, v20;
	v9 =	vsel vm0, v60, v9;
	v61 =	vld.idx.msk [tilespmem:v1+s2+$0x0], $0xffff  }
0x417: {  	v31 =	vadd.f32 v31, v62;
	v24 =	vsel vm1, v39, v26;
	vm2 =	vmand vm1, vm2;
	v43 =	vld.idx.msk [tilespmem:v10+s2+$0x0], $0xffff  }
0x418: {  	v62 =	vimm.f32 $-1.000000020e+30;
	v28 =	vsel vm1, $0x3F800000, v28;
	v25 =	vsel vm2, v25, v27;
	v32 =	vld.idx.msk [tilespmem:v8+s2+$0x0], $0xffff  }
0x419: {  	v30 =	vsel vm2, v30, v20;
	v20 =	vimm.f32 $0.0e+00;
	v26 =	vsel vm1, $0x80000000, v31;
	v39 =	vld.idx.msk [tilespmem:v7+s2+$0x0], $0xffff  }
0x41a: {  	v27 =	vsel vm2, v31, v9;
	v9 =	vimm.f32 $1.000000020e+30;
	v31 =	vadd.s32 $0x8, v1  }
0x41b: {  	v26 =	vadd.f32 v26, v37;
	vm1 =	vgt.f32 v9, $5.000000000e+00;
	v45 =	vadd.f32 $1.000000000e+00, v9;
	v49 =	vld.idx.msk [tilespmem:v11+s2+$0x0], $0xffff  }
0x41c: {  	vm3 =	vlt.f32 v9, v9;
	vm0 =	vgt.f32 v61, $0.0e+00;
	vm2 =	vge.f32 v61, $0.0e+00  }
0x41d: {  	v33 =	vmax.f32 v62, v61;
	vm5 =	vge.f32 v32, $0.0e+00;
	vm7 =	vge.f32 v43, $0.0e+00  }
0x41e: {  	vm4 =	vge.f32 v39, $0.0e+00;
	v44 =	vnsel vm0, $0x0, v61;
	v46 =	vsel vm2, $0x3F800000, v2  }
0x41f: {  	vm1 =	vmand vm1, vm2;
	v35 =	vsel vm2, $0x3F800000, v45;
	v52 =	vsel vm0, $0x3F800000, v2  }
0x420: {  	v33 =	vmax.f32 v33, v49;
	v48 =	vadd.f32 v44, v20;
	v50 =	vsel vm1, $0x3F800000, v2  }
0x421: {  	v51 =	vadd.f32 v46, v9;
	vm2 =	vgt.f32 v35, $5.000000000e+00;
	v35 =	vadd.f32 $1.000000000e+00, v35  }
0x422: {  	vm0 =	vmand vm3, vm1;
	v54 =	vsel vm1, $0x80000000, v20;
	vm3 =	vgt.f32 v49, $0.0e+00  }
0x423: {  	v33 =	vmax.f32 v33, v43;
	v37 =	vadd.f32 v50, v20;
	v20 =	vsel vm0, v20, v20  }
0x424: {  	v34 =	vld.idx.msk [tilespmem:v6+s2+$0x0], $0xffff;
	v57 =	vnsel vm3, $0x0, v49;
	v9 =	vsel vm0, v9, v9;
	v60 =	vadd.f32 v54, v52  }
0x425: {  	v61 =	vsel vm3, $0x3F800000, v2;
	v33 =	vmax.f32 v33, v32;
	v36 =	vsel vm1, v44, v48  }
0x426: {  	v53 =	vsel vm1, $0x3F800000, v51;
	vm1 =	vge.f32 v49, $0.0e+00;
	v33 =	vmax.f32 v33, v39  }
0x427: {  	v55 =	vsel vm1, $0x3F800000, v2;
	v59 =	vadd.f32 v36, v57;
	vm0 =	vmand vm1, vm2  }
0x428: {  	vm2 =	vlt.f32 v53, v9;
	v35 =	vsel vm1, $0x3F800000, v35;
	vm1 =	vgt.f32 v43, $0.0e+00  }
0x429: {  	v40 =	vmax.f32 v33, v34;
	v58 =	vadd.f32 v53, v55;
	vm2 =	vmand vm0, vm2  }
0x42a: {  	v62 =	vsel vm0, $0x80000000, v60;
	v50 =	vsel vm2, v53, v9;
	v9 =	vadd.f32 $1.000000000e+00, v35  }
0x42b: {  	v54 =	vsel vm0, $0x3F800000, v2;
	vm3 =	vgt.f32 v35, $5.000000000e+00;
	v55 =	vsel vm7, $0x3F800000, v2  }
0x42c: {  	v41 =	vsel vm0, v57, v59;
	v51 =	vadd.f32 v54, v37;
	v9 =	vsel vm7, $0x3F800000, v9  }
0x42d: {  	v42 =	vsel vm2, v36, v20;
	v36 =	vsel vm2, v60, v20;
	v59 =	vadd.f32 $1.000000000e+00, v9  }
0x42e: {  	v57 =	vnsel vm1, $0x0, v43;
	vm3 =	vmand vm7, vm3;
	v49 =	vsel vm0, $0x3F800000, v58  }
0x42f: {  	v58 =	vadd.f32 v62, v61;
	v53 =	vsel vm3, $0x3F800000, v2;
	v61 =	vsel vm5, $0x3F800000, v59  }
0x430: {  	vm2 =	vlt.f32 v49, v50;
	v60 =	vadd.f32 v49, v55;
	v62 =	vadd.f32 $1.000000000e+00, v61  }
0x431: {  	vm9 =	vgt.f32 v9, $5.000000000e+00;
	v9 =	vadd.f32 v41, v57;
	v20 =	vsel vm3, $0x80000000, v58  }
0x432: {  	vm8 =	vmand vm3, vm2;
	v43 =	vsel vm3, $0x3F800000, v60;
	v33 =	vsel vm4, $0x3F800000, v62  }
0x433: {  	v37 =	vsel vm3, v57, v9;
	vm3 =	vgt.f32 v33, $5.000000000e+00;
	v48 =	vadd.f32 $1.000000000e+00, v33;
	v33 =	vld.idx.msk [tilespmem:v3+s2+$0x0], $0xffff  }
0x434: {  	vm6 =	vgt.f32 v39, $0.0e+00;
	v52 =	vsel vm5, $0x3F800000, v2;
	v44 =	vsel vm4, $0x3F800000, v2  }
0x435: {  	v35 =	vsel vm6, $0x3F800000, v2;
	vm0 =	vge.f32 v34, $0.0e+00;
	v9 =	vsel vm8, v58, v36;
	v36 =	vld.idx.msk [tilespmem:v4+s2+$0x0], $0xffff  }
0x436: {  	v46 =	vadd.f32 v53, v51;
	vm2 =	vmand vm5, vm9;
	v45 =	vsel vm8, v49, v50  }
0x437: {  	s25 =	simm.s32 $0x3F;
	vm5 =	vlt.f32 v43, v45;
	v49 =	vadd.f32 v43, v52;
	vm7 =	vgt.f32 v61, $5.000000000e+00  }
.LBB2_18:
0x438: {  	p0 =	sne.s32 s25, $0x1;
	s25 =	sadd.s32 $0xFFFFFFFF, s25;
	v50 =	vsel vm8, v41, v42;
	v48 =	vsel vm0, $0x3F800000, v48;
	vm8 =	vgt.f32 v33, $0.0e+00;
	v42 =	vmovc v31  }
0x439: {  	v51 =	vnsel vm6, $0x0, v39;
	v41 =	vld.idx.msk [tilespmem:v31+s2+$0x0], $0xffff;
	v49 =	vsel vm2, $0x3F800000, v49;
	v39 =	vadd.f32 $1.000000000e+00, v48  }
0x43a: {  	vm10 =	vge.f32 v36, $0.0e+00;
	vm11 =	vgt.f32 v48, $5.000000000e+00;
	v52 =	vadd.f32 v49, v44  }
0x43b: {  	v31 =	vadd.s32 $0x8, v31;
	v44 =	vsel vm8, $0x3F800000, v2;
	v48 =	vsel vm10, $0x3F800000, v39  }
0x43c: {  	v53 =	vnsel vm8, $0x0, v33;
	v39 =	vor.u32 $0x7, v42;
	v54 =	vadd.f32 $1.000000000e+00, v48  }
0x43d: {  	vm6 =	vge.f32 v33, $0.0e+00;
	vm8 =	vmand vm4, vm7;
	vm4 =	vgt.f32 v48, $5.000000000e+00  }
0x43e: {  	v48 =	vsel vm1, $0x3F800000, v2;
	vm4 =	vmand vm6, vm4;
	v54 =	vsel vm6, $0x3F800000, v54  }
0x43f: {  	v29 =	vsel vm2, $0x3F800000, v2;
	vm1 =	vgt.f32 v41, $0.0e+00;
	vm9 =	vgt.f32 v54, $5.000000000e+00  }
0x440: {  	vm12 =	vgt.f32 v36, $0.0e+00;
	vm7 =	vgt.f32 v34, $0.0e+00;
	v55 =	vnsel vm1, $0x0, v41  }
0x441: {  	v29 =	vadd.f32 v29, v46;
	v46 =	vsel vm12, $0x3F800000, v2;
	v20 =	vadd.f32 v20, v48  }
0x442: {  	v40 =	vmax.f32 v40, v36;
	v48 =	vsel vm10, $0x3F800000, v2;
	v57 =	vsel vm4, $0x3F800000, v2  }
0x443: {  	v36 =	vnsel vm12, $0x0, v36;
	v58 =	vsel vm8, $0x3F800000, v2;
	v59 =	vsel vm7, $0x3F800000, v2  }
0x444: {  	v60 =	vsel vm0, $0x3F800000, v2;
	vm12 =	vgt.f32 v32, $0.0e+00;
	v34 =	vnsel vm7, $0x0, v34  }
0x445: {  	v32 =	vnsel vm12, $0x0, v32;
	v61 =	vsel vm12, $0x3F800000, v2;
	v38 =	vsel vm2, $0x80000000, v20  }
0x446: {  	v62 =	vadd.f32 v37, v32;
	vm7 =	vmand vm10, vm11;
	v38 =	vadd.f32 v38, v61  }
0x447: {  	vm5 =	vmand vm2, vm5;
	vm3 =	vmand vm0, vm3;
	v29 =	vadd.f32 v58, v29  }
0x448: {  	v32 =	vsel vm2, v32, v62;
	vm10 =	vge.f32 v41, $0.0e+00;
	v58 =	vsel vm8, $0x80000000, v38  }
0x449: {  	v43 =	vsel vm5, v43, v45;
	v9 =	vsel vm5, v20, v9;
	v61 =	vsel vm10, $0x3F800000, v2  }
0x44a: {  	vm0 =	vlt.f32 v49, v43;
	v45 =	vadd.f32 v32, v51;
	v20 =	vsel vm8, $0x3F800000, v52  }
0x44b: {  	v33 =	vmax.f32 v40, v33;
	v37 =	vsel vm5, v37, v50;
	vm2 =	vmand vm8, vm0  }
0x44c: {  	v40 =	vsel vm2, v49, v43;
	v43 =	vadd.f32 v20, v60;
	v49 =	vsel vm3, $0x3F800000, v2  }
0x44d: {  	v50 =	vadd.f32 $1.000000000e+00, v54;
	vm5 =	vlt.f32 v20, v40;
	v9 =	vsel vm2, v38, v9  }
0x44e: {  	vm0 =	vmand vm9, vm10;
	v38 =	vsel vm8, v51, v45;
	vm5 =	vmand vm3, vm5  }
0x44f: {  	v45 =	vsel vm10, $0x3F800000, v50;
	v43 =	vsel vm3, $0x3F800000, v43;
	v35 =	vadd.f32 v58, v35  }
0x450: {  	v50 =	vsel vm0, $0x3F800000, v2;
	v51 =	vadd.f32 v38, v34;
	v48 =	vadd.f32 v43, v48  }
0x451: {  	v52 =	vsel vm6, $0x3F800000, v2;
	v32 =	vsel vm2, v32, v37;
	v37 =	vsel vm3, $0x80000000, v35  }
0x452: {  	v20 =	vsel vm5, v20, v40;
	v34 =	vsel vm3, v34, v51;
	v40 =	vsel vm7, $0x3F800000, v48  }
0x453: {  	v29 =	vadd.f32 v49, v29;
	vm2 =	vlt.f32 v43, v20;
	v48 =	vadd.f32 v34, v36  }
0x454: {  	v32 =	vsel vm5, v38, v32;
	vm2 =	vmand vm7, vm2;
	v38 =	vadd.f32 v40, v52  }
0x455: {  	v9 =	vsel vm5, v35, v9;
	v20 =	vsel vm2, v43, v20;
	v35 =	vsel vm7, v36, v48  }
0x456: {  	vm3 =	vlt.f32 v40, v20;
	v36 =	vadd.f32 v37, v59;
	v37 =	vadd.f32 v35, v53  }
0x457: {  	v43 =	vor.u32 $0x1, v42;
	v32 =	vsel vm2, v34, v32;
	v34 =	vsel vm4, $0x3F800000, v38  }
0x458: {  	v38 =	vor.u32 $0x2, v42;
	v48 =	vsel vm7, $0x80000000, v36;
	v37 =	vsel vm4, v53, v37  }
0x459: {  	v46 =	vadd.f32 v48, v46;
	v48 =	vsel vm7, $0x3F800000, v2;
	v49 =	vadd.f32 v55, v37  }
0x45a: {  	v9 =	vsel vm2, v36, v9;
	vm2 =	vmand vm4, vm3;
	v29 =	vadd.f32 v48, v29  }
0x45b: {  	v36 =	vor.u32 $0x6, v42;
	v48 =	vor.u32 $0x5, v42;
	v51 =	vsel vm4, $0x80000000, v46  }
0x45c: {  	v52 =	vor.u32 $0x3, v42;
	v42 =	vor.u32 $0x4, v42;
	v29 =	vadd.f32 v57, v29;
	v43 =	vld.idx.msk [tilespmem:v43+s2+$0x0], $0xffff  }
0x45d: {  	v41 =	vmax.f32 v33, v41;
	v35 =	vsel vm2, v35, v32;
	v32 =	vadd.f32 v51, v44;
	v38 =	vld.idx.msk [tilespmem:v38+s2+$0x0], $0xffff  }
0x45e: {  	v33 =	vadd.f32 v61, v34;
	v9 =	vsel vm2, v46, v9;
	v44 =	vsel vm0, v55, v49  }
0x45f: {  	vm3 =	vgt.f32 v45, $5.000000000e+00;
	v20 =	vsel vm2, v40, v20;
	v29 =	vadd.f32 v50, v29  }
0x460: {  	v45 =	vadd.f32 $1.000000000e+00, v45;
	v40 =	vsel vm1, $0x3F800000, v2;
	vm2 =	vlt.f32 v34, v20;
	v36 =	vld.idx.msk [tilespmem:v36+s2+$0x0], $0xffff  }
0x461: {  	v46 =	vsel vm0, $0x3F800000, v33;
	vm2 =	vmand vm2, vm0;
	v49 =	vsel vm0, $0x80000000, v32;
	v33 =	vld.idx.msk [tilespmem:v39+s2+$0x0], $0xffff  }
0x462: {  	v9 =	vsel vm2, v32, v9;
	vm0 =	vge.f32 v43, $0.0e+00;
	vm1 =	vgt.f32 v43, $0.0e+00  }
0x463: {  	v20 =	vsel vm2, v34, v20;
	v34 =	vsel vm0, $0x3F800000, v2;
	v50 =	vnsel vm1, $0x0, v43;
	v32 =	vld.idx.msk [tilespmem:v52+s2+$0x0], $0xffff  }
0x464: {  	v43 =	vmax.f32 v41, v43;
	v51 =	vadd.f32 v46, v34;
	v52 =	vadd.f32 v44, v50  }
0x465: {  	v40 =	vadd.f32 v49, v40;
	vm3 =	vmand vm0, vm3;
	v49 =	vsel vm1, $0x3F800000, v2;
	v34 =	vld.idx.msk [tilespmem:v48+s2+$0x0], $0xffff  }
0x466: {  	vm4 =	vlt.f32 v46, v20;
	v45 =	vsel vm0, $0x3F800000, v45;
	vm1 =	vgt.f32 v38, $0.0e+00;
	v39 =	vld.idx.msk [tilespmem:v42+s2+$0x0], $0xffff  }
0x467: {  	vm4 =	vmand vm3, vm4;
	v41 =	vsel vm3, v50, v52;
	v48 =	vsel vm3, $0x80000000, v40  }
0x468: {  	v43 =	vmax.f32 v43, v38;
	v50 =	vsel vm3, $0x3F800000, v51;
	v42 =	vsel vm3, $0x3F800000, v2  }
0x469: {  	v35 =	vsel vm2, v37, v35;
	v46 =	vsel vm4, v46, v20;
	v20 =	vadd.f32 $1.000000000e+00, v45  }
0x46a: {  	vm3 =	vgt.f32 v45, $5.000000000e+00;
	vm2 =	vge.f32 v32, $0.0e+00;
	v37 =	vmax.f32 v43, v32  }
0x46b: {  	vm5 =	vge.f32 v38, $0.0e+00;
	v29 =	vadd.f32 v42, v29;
	vm0 =	vge.f32 v34, $0.0e+00  }
0x46c: {  	v42 =	vsel vm4, v44, v35;
	v35 =	vsel vm5, $0x3F800000, v2;
	v37 =	vmax.f32 v37, v39  }
0x46d: {  	v9 =	vsel vm4, v40, v9;
	vm6 =	vgt.f32 v39, $0.0e+00;
	v40 =	vmax.f32 v37, v34  }
0x46e: {  	v20 =	vsel vm5, $0x3F800000, v20;
	vm4 =	vge.f32 v39, $0.0e+00;
	v37 =	vnsel vm1, $0x0, v38  }
0x46f: {  	vm7 =	vlt.f32 v50, v46;
	v43 =	vadd.f32 $1.000000000e+00, v20;
	v38 =	vadd.f32 v48, v49  }
0x470: {  	vm9 =	vgt.f32 v20, $5.000000000e+00;
	v45 =	vadd.f32 v50, v35;
	v35 =	vsel vm6, $0x3F800000, v2  }
0x471: {  	vm3 =	vmand vm5, vm3;
	v44 =	vsel vm4, $0x3F800000, v2;
	v48 =	vadd.f32 v41, v37  }
0x472: {  	v43 =	vsel vm2, $0x3F800000, v43;
	v49 =	vsel vm2, $0x3F800000, v2;
	v20 =	vsel vm3, $0x80000000, v38  }
.Ltmp8:
0x473: {  	vm8 =	vmand vm3, vm7;
	v37 =	vsel vm3, v37, v48;
	v48 =	vadd.f32 $1.000000000e+00, v43;
	(pc) =	sbr.rel @p0 .LBB2_18-.Ltmp8, $4  }
0x474: {  	v51 =	vsel vm3, $0x3F800000, v2;
	vm7 =	vgt.f32 v43, $5.000000000e+00;
	vm2 =	vmand vm2, vm9  }
0x475: {  	v9 =	vsel vm8, v38, v9;
	v43 =	vsel vm3, $0x3F800000, v45;
	v38 =	vsel vm4, $0x3F800000, v48  }
0x476: {  	v45 =	vsel vm8, v50, v46;
	vm3 =	vgt.f32 v38, $5.000000000e+00;
	v48 =	vadd.f32 $1.000000000e+00, v38  }
0x477: {  	v46 =	vadd.f32 v51, v29;
	vm5 =	vlt.f32 v43, v45;
	v49 =	vadd.f32 v43, v49  }
0x478: {  	v29 =	vsel vm8, v41, v42;
	v31 =	vsel vm0, $0x3F800000, v48;
	vm8 =	vgt.f32 v33, $0.0e+00  }
0x479: {  	v39 =	vnsel vm6, $0x0, v39;
	vm6 =	vge.f32 v36, $0.0e+00;
	vm7 =	vmand vm4, vm7  }
0x47a: {  	vm4 =	vge.f32 v33, $0.0e+00;
	v59 =	vsel vm2, $0x3F800000, v2;
	vm10 =	vgt.f32 v36, $0.0e+00  }
0x47b: {  	v40 =	vmax.f32 v40, v36;
	v52 =	vsel vm0, $0x3F800000, v2;
	vm5 =	vmand vm2, vm5  }
0x47c: {  	vm0 =	vmand vm0, vm3;
	v38 =	vsel vm2, $0x3F800000, v49;
	v57 =	vadd.f32 $1.000000000e+00, v31  }
0x47d: {  	vm9 =	vgt.f32 v31, $5.000000000e+00;
	v41 =	vsel vm8, $0x3F800000, v2;
	v60 =	vsel vm6, $0x3F800000, v2  }
0x47e: {  	v50 =	vsel vm7, $0x3F800000, v2;
	v36 =	vnsel vm10, $0x0, v36;
	v43 =	vsel vm5, v43, v45  }
0x47f: {  	v29 =	vsel vm5, v37, v29;
	v58 =	vadd.f32 v38, v44;
	v31 =	vsel vm6, $0x3F800000, v57  }
0x480: {  	v44 =	vnsel vm8, $0x0, v33;
	vm6 =	vmand vm6, vm9;
	vm8 =	vgt.f32 v31, $5.000000000e+00  }
0x481: {  	v31 =	vsel vm1, $0x3F800000, v2;
	v57 =	vsel vm6, $0x3F800000, v2;
	vm1 =	vmand vm4, vm8  }
0x482: {  	vm8 =	vgt.f32 v34, $0.0e+00;
	v20 =	vadd.f32 v20, v31;
	v31 =	vadd.f32 v59, v46  }
0x483: {  	v46 =	vsel vm10, $0x3F800000, v2;
	vm10 =	vgt.f32 v32, $0.0e+00;
	v49 =	vsel vm1, $0x3F800000, v2  }
0x484: {  	v51 =	vsel vm8, $0x3F800000, v2;
	v34 =	vnsel vm8, $0x0, v34;
	v32 =	vnsel vm10, $0x0, v32  }
0x485: {  	v53 =	vsel vm10, $0x3F800000, v2;
	v54 =	vsel vm2, $0x80000000, v20;
	v55 =	vadd.f32 v37, v32  }
0x486: {  	v50 =	vadd.f32 v50, v31;
	v9 =	vsel vm5, v20, v9;
	v20 =	vsel vm7, $0x3F800000, v58  }
0x487: {  	v31 =	vmax.f32 v40, v33;
	v53 =	vadd.f32 v54, v53;
	v45 =	vadd.f32 v20, v52  }
0x488: {  	v52 =	vsel vm0, $0x3F800000, v2;
	v32 =	vsel vm2, v32, v55;
	vm2 =	vlt.f32 v38, v43  }
0x489: {  	v55 =	vor.u32 $0x80, v63;
	v54 =	vsel vm7, $0x80000000, v53;
	vm2 =	vmand vm7, vm2  }
0x48a: {  	v61 =	vadd.f32 v32, v39;
	v62 =	vsel vm2, v38, v43;
	v38 =	vadd.f32 v52, v50  }
0x48b: {  	v37 =	vsel vm0, $0x3F800000, v45;
	v9 =	vsel vm2, v53, v9;
	v35 =	vadd.f32 v54, v35  }
0x48c: {  	v59 =	vadd.f32 v37, v60;
	v29 =	vsel vm2, v32, v29;
	v38 =	vadd.f32 v57, v38  }
0x48d: {  	vm3 =	vlt.f32 v20, v62;
	v39 =	vsel vm7, v39, v61;
	v61 =	vsel vm4, $0x3F800000, v2  }
0x48e: {  	vm3 =	vmand vm0, vm3;
	v58 =	vadd.f32 v39, v34;
	v32 =	vadd.f32 v49, v38  }
0x48f: {  	v60 =	vsel vm0, $0x80000000, v35;
	v20 =	vsel vm3, v20, v62;
	v33 =	vld.idx.msk [tilespmem:v55+s17+$0x0], $0xffff;
	v29 =	vsel vm3, v39, v29  }
0x490: {  	v62 =	vsel vm6, $0x3F800000, v59;
	v34 =	vsel vm0, v34, v58;
	vm0 =	vlt.f32 v37, v20;
	[tilespmem:v55+s21+$0x0] =	vst.idx.msk $0xffff, v32  }
0x491: {  	v48 =	vadd.f32 v60, v51;
	v9 =	vsel vm3, v35, v9;
	vm0 =	vmand vm6, vm0;
	_ =	swait.ge [sflag:s22], $0x2000  }
0x492: {  	v38 =	vadd.f32 v62, v61;
	v63 =	vadd.f32 v34, v36;
	v20 =	vsel vm0, v37, v20;
	[sflag:s22] =	ssyncset.done $0x0  }
0x493: {  	v50 =	vsel vm6, $0x80000000, v48;
	v29 =	vsel vm0, v34, v29;
	vm2 =	vlt.f32 v62, v20;
	[sflag:s22] =	ssyncadd.s32 $0xFFFFE000  }
0x494: {  	v37 =	vadd.f32 v50, v46;
	v39 =	vsel vm1, $0x3F800000, v38;
	vm2 =	vmand vm1, vm2;
	v51 =	vld.idx.msk [tilespmem:v1+s20+$0x0], $0xffff  }
0x495: {  	v9 =	vsel vm0, v48, v9;
	v49 =	vsel vm6, v36, v63;
	v40 =	vsel vm2, v62, v20;
	v62 =	vld.idx.msk [tilespmem:v10+s20+$0x0], $0xffff  }
0x496: {  	v36 =	vadd.f32 v49, v44;
	v52 =	vsel vm1, $0x80000000, v37;
	v35 =	vsel vm2, v49, v29;
	v8 =	vld.idx.msk [tilespmem:v8+s20+$0x0], $0xffff  }
0x497: {  	v37 =	vsel vm2, v37, v9;
	v9 =	vimm.f32 $1.000000020e+30;
	v20 =	vimm.f32 $0.0e+00  }
0x498: {  	v29 =	vimm.f32 $-1.000000020e+30;
	v34 =	vsel vm1, v44, v36;
	v36 =	vadd.f32 v52, v41;
	v11 =	vld.idx.msk [tilespmem:v11+s20+$0x0], $0xffff  }
0x499: {  	v41 =	vadd.s32 $0x8, v1;
	vm1 =	vgt.f32 v9, $5.000000000e+00;
	v54 =	vadd.f32 $1.000000000e+00, v9  }
0x49a: {  	vm3 =	vlt.f32 v9, v9;
	vm0 =	vgt.f32 v51, $0.0e+00;
	vm2 =	vge.f32 v51, $0.0e+00  }
0x49b: {  	v29 =	vmax.f32 v29, v51;
	vm4 =	vge.f32 v8, $0.0e+00;
	vm5 =	vge.f32 v62, $0.0e+00  }
0x49c: {  	v53 =	vnsel vm0, $0x0, v51;
	v55 =	vsel vm2, $0x3F800000, v2;
	vm1 =	vmand vm1, vm2  }
0x49d: {  	v42 =	vsel vm2, $0x3F800000, v54;
	v61 =	vsel vm0, $0x3F800000, v2;
	v29 =	vmax.f32 v29, v11  }
0x49e: {  	v57 =	vadd.f32 v53, v20;
	v58 =	vsel vm1, $0x3F800000, v2;
	v59 =	vadd.f32 v55, v9  }
0x49f: {  	vm2 =	vgt.f32 v42, $5.000000000e+00;
	v42 =	vadd.f32 $1.000000000e+00, v42;
	vm0 =	vmand vm3, vm1  }
0x4a0: {  	v10 =	vsel vm1, $0x80000000, v20;
	vm3 =	vgt.f32 v11, $0.0e+00;
	v29 =	vmax.f32 v29, v62  }
0x4a1: {  	v6 =	vld.idx.msk [tilespmem:v6+s20+$0x0], $0xffff;
	v60 =	vadd.f32 v58, v20;
	v20 =	vsel vm0, v20, v20;
	v52 =	vnsel vm3, $0x0, v11  }
0x4a2: {  	v10 =	vadd.f32 v10, v61;
	v54 =	vsel vm3, $0x3F800000, v2;
	v29 =	vmax.f32 v29, v8  }
0x4a3: {  	v38 =	vsel vm1, v53, v57;
	v43 =	vsel vm1, $0x3F800000, v59;
	vm1 =	vge.f32 v11, $0.0e+00  }
0x4a4: {  	v53 =	vsel vm0, v9, v9;
	vm0 =	vgt.f32 v62, $0.0e+00;
	v59 =	vsel vm5, $0x3F800000, v2  }
0x4a5: {  	v63 =	vsel vm1, $0x3F800000, v2;
	v9 =	vadd.f32 v38, v52;
	vm2 =	vmand vm1, vm2  }
0x4a6: {  	v11 =	vld.idx.msk [tilespmem:v7+s20+$0x0], $0xffff;
	vm3 =	vlt.f32 v43, v53;
	v42 =	vsel vm1, $0x3F800000, v42;
	vm1 =	vge.f32 v6, $0.0e+00  }
0x4a7: {  	v48 =	vadd.f32 v43, v63;
	vm3 =	vmand vm2, vm3;
	v7 =	vsel vm2, $0x80000000, v10  }
0x4a8: {  	v55 =	vsel vm2, $0x3F800000, v2;
	v57 =	vadd.f32 $1.000000000e+00, v42;
	v9 =	vsel vm2, v52, v9  }
0x4a9: {  	v50 =	vsel vm3, v43, v53;
	v58 =	vadd.f32 v55, v60;
	v45 =	vadd.f32 v7, v54  }
0x4aa: {  	v49 =	vsel vm2, $0x3F800000, v48;
	vm2 =	vgt.f32 v42, $5.000000000e+00;
	v42 =	vsel vm3, v38, v20  }
0x4ab: {  	v20 =	vsel vm3, v10, v20;
	v43 =	vsel vm5, $0x3F800000, v57;
	v29 =	vmax.f32 v29, v11  }
0x4ac: {  	vm10 =	vgt.f32 v11, $0.0e+00;
	vm9 =	vge.f32 v11, $0.0e+00;
	vm3 =	vlt.f32 v49, v50  }
0x4ad: {  	v60 =	vadd.f32 $1.000000000e+00, v43;
	v38 =	vadd.f32 v49, v59;
	vm6 =	vgt.f32 v43, $5.000000000e+00  }
0x4ae: {  	vm5 =	vmand vm5, vm2;
	v10 =	vmax.f32 v29, v6;
	v29 =	vnsel vm0, $0x0, v62  }
0x4af: {  	v7 =	vsel vm10, $0x3F800000, v2;
	v44 =	vsel vm9, $0x3F800000, v2;
	v61 =	vadd.f32 v9, v29  }
0x4b0: {  	v48 =	vsel vm5, $0x80000000, v45;
	v62 =	vsel vm4, $0x3F800000, v2;
	v46 =	vsel vm4, $0x3F800000, v60  }
0x4b1: {  	v3 =	vld.idx.msk [tilespmem:v3+s20+$0x0], $0xffff;
	vm2 =	vmand vm5, vm3;
	v43 =	vsel vm5, v29, v61;
	v29 =	vadd.f32 $1.000000000e+00, v46  }
0x4b2: {  	v63 =	vsel vm5, $0x3F800000, v2;
	vm7 =	vmand vm4, vm6;
	v45 =	vsel vm2, v45, v20  }
0x4b3: {  	v4 =	vld.idx.msk [tilespmem:v4+s20+$0x0], $0xffff;
	v20 =	vsel vm5, $0x3F800000, v38;
	vm14 =	vgt.f32 v46, $5.000000000e+00;
	v29 =	vsel vm9, $0x3F800000, v29  }
0x4b4: {  	v51 =	vadd.f32 v20, v62;
	v46 =	vsel vm2, v49, v50;
	v49 =	vadd.f32 $1.000000000e+00, v29  }
0x4b5: {  	s25 =	simm.s32 $0x3F;
	v50 =	vadd.f32 v63, v58;
	vm12 =	vlt.f32 v20, v46;
	vm8 =	vgt.f32 v29, $5.000000000e+00  }
.LBB2_20:
0x4b6: {  	p0 =	sne.s32 s25, $0x1;
	s25 =	sadd.s32 $0xFFFFFFFF, s25;
	v29 =	vsel vm2, v9, v42;
	v38 =	vsel vm1, $0x3F800000, v49;
	vm2 =	vgt.f32 v3, $0.0e+00;
	v42 =	vmovc v41  }
0x4b7: {  	v9 =	vld.idx.msk [tilespmem:v41+s20+$0x0], $0xffff;
	v49 =	vsel vm7, $0x3F800000, v51;
	v51 =	vnsel vm10, $0x0, v11;
	v11 =	vadd.f32 $1.000000000e+00, v38  }
0x4b8: {  	vm4 =	vge.f32 v4, $0.0e+00;
	vm10 =	vgt.f32 v38, $5.000000000e+00;
	v52 =	vadd.f32 v49, v44  }
0x4b9: {  	v41 =	vadd.s32 $0x8, v41;
	v44 =	vsel vm2, $0x3F800000, v2;
	v38 =	vsel vm4, $0x3F800000, v11  }
0x4ba: {  	v53 =	vnsel vm2, $0x0, v3;
	v11 =	vor.u32 $0x7, v42;
	v54 =	vadd.f32 $1.000000000e+00, v38  }
0x4bb: {  	vm5 =	vmand vm9, vm14;
	vm3 =	vge.f32 v3, $0.0e+00;
	vm2 =	vgt.f32 v38, $5.000000000e+00  }
0x4bc: {  	v38 =	vsel vm0, $0x3F800000, v2;
	vm2 =	vmand vm3, vm2;
	v54 =	vsel vm3, $0x3F800000, v54  }
0x4bd: {  	v55 =	vsel vm7, $0x3F800000, v2;
	vm0 =	vgt.f32 v9, $0.0e+00;
	vm6 =	vgt.f32 v54, $5.000000000e+00  }
0x4be: {  	vm9 =	vgt.f32 v6, $0.0e+00;
	vm11 =	vgt.f32 v4, $0.0e+00;
	v57 =	vnsel vm0, $0x0, v9  }
0x4bf: {  	v38 =	vadd.f32 v48, v38;
	v48 =	vadd.f32 v55, v50;
	v50 =	vsel vm11, $0x3F800000, v2  }
0x4c0: {  	v10 =	vmax.f32 v10, v4;
	v55 =	vsel vm4, $0x3F800000, v2;
	v58 =	vsel vm2, $0x3F800000, v2  }
0x4c1: {  	v59 =	vsel vm5, $0x3F800000, v2;
	v60 =	vsel vm9, $0x3F800000, v2;
	v4 =	vnsel vm11, $0x0, v4  }
0x4c2: {  	v61 =	vsel vm1, $0x3F800000, v2;
	v6 =	vnsel vm9, $0x0, v6;
	vm11 =	vgt.f32 v8, $0.0e+00  }
0x4c3: {  	v8 =	vnsel vm11, $0x0, v8;
	v62 =	vsel vm11, $0x3F800000, v2;
	v63 =	vsel vm7, $0x80000000, v38  }
0x4c4: {  	vm4 =	vmand vm4, vm10;
	v0 =	vadd.f32 v43, v8;
	v62 =	vadd.f32 v63, v62  }
0x4c5: {  	vm8 =	vmand vm1, vm8;
	vm9 =	vmand vm7, vm12;
	v48 =	vadd.f32 v59, v48  }
0x4c6: {  	vm10 =	vge.f32 v9, $0.0e+00;
	v0 =	vsel vm7, v8, v0;
	v8 =	vsel vm5, $0x80000000, v62  }
0x4c7: {  	v20 =	vsel vm9, v20, v46;
	v59 =	vsel vm10, $0x3F800000, v2;
	v38 =	vsel vm9, v38, v45  }
0x4c8: {  	vm1 =	vlt.f32 v49, v20;
	v45 =	vsel vm5, $0x3F800000, v52;
	v46 =	vadd.f32 v0, v51  }
0x4c9: {  	v3 =	vmax.f32 v10, v3;
	v29 =	vsel vm9, v43, v29;
	vm7 =	vmand vm5, vm1  }
0x4ca: {  	v43 =	vsel vm8, $0x3F800000, v2;
	v10 =	vsel vm7, v49, v20;
	v20 =	vadd.f32 v45, v61  }
0x4cb: {  	v49 =	vadd.f32 $1.000000000e+00, v54;
	v38 =	vsel vm7, v62, v38;
	vm9 =	vlt.f32 v45, v10  }
0x4cc: {  	vm1 =	vmand vm6, vm10;
	v46 =	vsel vm5, v51, v46;
	vm5 =	vmand vm8, vm9  }
0x4cd: {  	v7 =	vadd.f32 v8, v7;
	v49 =	vsel vm10, $0x3F800000, v49;
	v8 =	vsel vm8, $0x3F800000, v20  }
0x4ce: {  	v20 =	vsel vm1, $0x3F800000, v2;
	v51 =	vadd.f32 v46, v6;
	v52 =	vadd.f32 v8, v55  }
0x4cf: {  	v0 =	vsel vm7, v0, v29;
	v54 =	vsel vm3, $0x3F800000, v2;
	v29 =	vsel vm8, $0x80000000, v7  }
0x4d0: {  	v10 =	vsel vm5, v45, v10;
	v6 =	vsel vm8, v6, v51;
	v45 =	vsel vm4, $0x3F800000, v52  }
0x4d1: {  	v43 =	vadd.f32 v43, v48;
	vm3 =	vlt.f32 v8, v10;
	v48 =	vadd.f32 v6, v4  }
0x4d2: {  	v0 =	vsel vm5, v46, v0;
	vm3 =	vmand vm4, vm3;
	v46 =	vadd.f32 v45, v54  }
0x4d3: {  	v7 =	vsel vm5, v7, v38;
	v8 =	vsel vm3, v8, v10;
	v4 =	vsel vm4, v4, v48  }
0x4d4: {  	v10 =	vadd.f32 v29, v60;
	vm5 =	vlt.f32 v45, v8;
	v29 =	vadd.f32 v4, v53  }
0x4d5: {  	v38 =	vor.u32 $0x1, v42;
	v0 =	vsel vm3, v6, v0;
	v6 =	vsel vm2, $0x3F800000, v46  }
0x4d6: {  	v46 =	vor.u32 $0x2, v42;
	v48 =	vsel vm4, $0x80000000, v10;
	v29 =	vsel vm2, v53, v29  }
0x4d7: {  	v48 =	vadd.f32 v48, v50;
	v50 =	vsel vm4, $0x3F800000, v2;
	v51 =	vadd.f32 v57, v29  }
0x4d8: {  	v7 =	vsel vm3, v10, v7;
	vm3 =	vmand vm2, vm5;
	v10 =	vadd.f32 v50, v43  }
0x4d9: {  	v43 =	vor.u32 $0x5, v42;
	v50 =	vor.u32 $0x6, v42;
	v52 =	vsel vm2, $0x80000000, v48  }
0x4da: {  	v53 =	vor.u32 $0x3, v42;
	v42 =	vor.u32 $0x4, v42;
	v10 =	vadd.f32 v58, v10;
	v38 =	vld.idx.msk [tilespmem:v38+s20+$0x0], $0xffff  }
0x4db: {  	v9 =	vmax.f32 v3, v9;
	v0 =	vsel vm3, v4, v0;
	v44 =	vadd.f32 v52, v44;
	v46 =	vld.idx.msk [tilespmem:v46+s20+$0x0], $0xffff  }
0x4dc: {  	v3 =	vadd.f32 v59, v6;
	v7 =	vsel vm3, v48, v7;
	v51 =	vsel vm1, v57, v51  }
0x4dd: {  	vm4 =	vgt.f32 v49, $5.000000000e+00;
	v8 =	vsel vm3, v45, v8;
	v10 =	vadd.f32 v20, v10  }
0x4de: {  	v45 =	vadd.f32 $1.000000000e+00, v49;
	vm2 =	vlt.f32 v6, v8;
	v20 =	vsel vm0, $0x3F800000, v2;
	v4 =	vld.idx.msk [tilespmem:v50+s20+$0x0], $0xffff  }
0x4df: {  	v48 =	vsel vm1, $0x3F800000, v3;
	vm2 =	vmand vm2, vm1;
	v49 =	vsel vm1, $0x80000000, v44;
	v3 =	vld.idx.msk [tilespmem:v11+s20+$0x0], $0xffff  }
0x4e0: {  	v7 =	vsel vm2, v44, v7;
	vm0 =	vge.f32 v38, $0.0e+00;
	vm1 =	vgt.f32 v38, $0.0e+00  }
0x4e1: {  	v44 =	vsel vm2, v6, v8;
	v6 =	vsel vm0, $0x3F800000, v2;
	v50 =	vnsel vm1, $0x0, v38;
	v8 =	vld.idx.msk [tilespmem:v53+s20+$0x0], $0xffff  }
0x4e2: {  	v38 =	vmax.f32 v9, v38;
	v52 =	vadd.f32 v48, v6;
	v53 =	vadd.f32 v51, v50  }
0x4e3: {  	v20 =	vadd.f32 v49, v20;
	vm3 =	vmand vm0, vm4;
	v49 =	vsel vm1, $0x3F800000, v2;
	v6 =	vld.idx.msk [tilespmem:v43+s20+$0x0], $0xffff  }
0x4e4: {  	vm1 =	vlt.f32 v48, v44;
	v43 =	vsel vm0, $0x3F800000, v45;
	vm0 =	vgt.f32 v46, $0.0e+00;
	v11 =	vld.idx.msk [tilespmem:v42+s20+$0x0], $0xffff  }
0x4e5: {  	vm4 =	vmand vm3, vm1;
	v9 =	vsel vm3, v50, v53;
	v45 =	vsel vm3, $0x80000000, v20  }
0x4e6: {  	v38 =	vmax.f32 v38, v46;
	v50 =	vsel vm3, $0x3F800000, v52;
	v42 =	vsel vm3, $0x3F800000, v2  }
0x4e7: {  	v0 =	vsel vm2, v29, v0;
	v29 =	vsel vm4, v48, v44;
	v44 =	vadd.f32 $1.000000000e+00, v43  }
0x4e8: {  	vm2 =	vgt.f32 v43, $5.000000000e+00;
	vm3 =	vge.f32 v8, $0.0e+00;
	v38 =	vmax.f32 v38, v8  }
0x4e9: {  	vm5 =	vge.f32 v46, $0.0e+00;
	v52 =	vadd.f32 v42, v10;
	vm1 =	vge.f32 v6, $0.0e+00  }
0x4ea: {  	v42 =	vsel vm4, v51, v0;
	v0 =	vsel vm5, $0x3F800000, v2;
	v10 =	vmax.f32 v38, v11  }
0x4eb: {  	v20 =	vsel vm4, v20, v7;
	vm10 =	vgt.f32 v11, $0.0e+00;
	v10 =	vmax.f32 v10, v6  }
0x4ec: {  	v7 =	vsel vm5, $0x3F800000, v44;
	v38 =	vnsel vm0, $0x0, v46;
	vm9 =	vge.f32 v11, $0.0e+00  }
0x4ed: {  	v45 =	vadd.f32 v45, v49;
	vm4 =	vlt.f32 v50, v29;
	v43 =	vadd.f32 $1.000000000e+00, v7  }
0x4ee: {  	v0 =	vadd.f32 v50, v0;
	vm6 =	vgt.f32 v7, $5.000000000e+00;
	v7 =	vsel vm10, $0x3F800000, v2  }
0x4ef: {  	vm5 =	vmand vm5, vm2;
	v46 =	vadd.f32 v9, v38;
	v44 =	vsel vm9, $0x3F800000, v2  }
0x4f0: {  	v48 =	vsel vm5, $0x80000000, v45;
	v51 =	vsel vm3, $0x3F800000, v2;
	v49 =	vsel vm3, $0x3F800000, v43  }
.Ltmp9:
0x4f1: {  	vm2 =	vmand vm5, vm4;
	v43 =	vsel vm5, v38, v46;
	v38 =	vadd.f32 $1.000000000e+00, v49;
	(pc) =	sbr.rel @p0 .LBB2_20-.Ltmp9, $4  }
0x4f2: {  	v53 =	vsel vm5, $0x3F800000, v2;
	vm7 =	vmand vm3, vm6;
	vm14 =	vgt.f32 v49, $5.000000000e+00  }
0x4f3: {  	v45 =	vsel vm2, v45, v20;
	v20 =	vsel vm5, $0x3F800000, v0;
	v0 =	vsel vm9, $0x3F800000, v38  }
0x4f4: {  	v46 =	vsel vm2, v50, v29;
	vm8 =	vgt.f32 v0, $5.000000000e+00;
	v49 =	vadd.f32 $1.000000000e+00, v0  }
0x4f5: {  	v51 =	vadd.f32 v20, v51;
	v50 =	vadd.f32 v53, v52;
	vm12 =	vlt.f32 v20, v46  }
0x4f6: {  	v0 =	vld [tilespmem:$0x1FFA0]  }
0x4f7: {  	v29 =	vld [tilespmem:$0x1FFF0];
	_ =	sdelay $0x3  }
0x4f8: {  	v38 =	vld [tilespmem:$0x1FF60]  }
0x4f9: {  	vm15 =	vlt.f32 v0, v29;
	v0 =	vld [tilespmem:$0x1FF10];
	_ =	sdelay $0x3  }
0x4fa: {  	v41 =	vld [tilespmem:$0x1FED0]  }
0x4fb: {  	vm13 =	vlt.f32 v0, v38;
	v0 =	vld [tilespmem:$0x1FE80];
	_ =	sdelay $0x3  }
0x4fc: {  	v52 =	vld [tilespmem:$0x1FE40]  }
0x4fd: {  	vm11 =	vlt.f32 v0, v41;
	v0 =	vld [tilespmem:$0x1FDF0];
	_ =	sdelay $0x3  }
0x4fe: {  	v53 =	vld [tilespmem:$0x1FDB0]  }
0x4ff: {  	vm6 =	vlt.f32 v0, v52;
	v0 =	vld [tilespmem:$0x1FD60];
	_ =	sdelay $0x3  }
0x500: {  	v54 =	vld [tilespmem:$0x1FD30];
	vm3 =	vlt.f32 v18, v19;
	v9 =	vsel vm2, v9, v42;
	vm2 =	vgt.f32 v8, $0.0e+00  }
0x501: {  	v55 =	vsel vm7, $0x3F800000, v2;
	vm12 =	vmand vm7, vm12;
	vm5 =	vlt.f32 v0, v53;
	v0 =	vld [tilespmem:$0x1FCE0]  }
0x502: {  	v11 =	vnsel vm10, $0x0, v11;
	vm10 =	vgt.f32 v6, $0.0e+00;
	v5 =	vsub.f32 $0.0e+00, v5  }
0x503: {  	v8 =	vnsel vm2, $0x0, v8;
	v57 =	vsel vm2, $0x3F800000, v2;
	vm2 =	vlt.f32 v39, v40  }
0x504: {  	v18 =	vadd.f32 v55, v50;
	v20 =	vsel vm12, v20, v46;
	v9 =	vsel vm12, v43, v9  }
0x505: {  	v60 =	vsel vm7, $0x3F800000, v51;
	v6 =	vnsel vm10, $0x0, v6;
	v59 =	vadd.f32 v43, v8  }
0x506: {  	v40 =	vsel vm1, $0x3F800000, v2;
	vm4 =	vlt.f32 v0, v54;
	v0 =	vsel vm0, $0x3F800000, v2  }
0x507: {  	v55 =	vsel vm10, $0x3F800000, v2;
	v8 =	vsel vm7, v8, v59;
	v0 =	vadd.f32 v48, v0  }
0x508: {  	v16 =	vsel vm3, v16, v17;
	v63 =	vadd.f32 v60, v44;
	v62 =	vadd.f32 v8, v11  }
0x509: {  	vm0 =	vlt.f32 v28, v30;
	v30 =	vsel vm1, $0x3F800000, v49;
	v58 =	vsel vm7, $0x80000000, v0  }
0x50a: {  	v0 =	vsel vm12, v0, v45;
	vm12 =	vmand vm9, vm14;
	vm14 =	vlt.f32 v60, v20  }
0x50b: {  	v19 =	vadd.f32 v58, v57;
	v61 =	vsel vm12, $0x3F800000, v2;
	vm9 =	vmand vm12, vm14  }
0x50c: {  	v42 =	vld [tilespmem:$0x1FFD0];
	v11 =	vsel vm12, v11, v62;
	v39 =	vsel vm12, $0x3F800000, v63;
	v18 =	vadd.f32 v61, v18  }
0x50d: {  	v43 =	vld [tilespmem:$0x1FFE0];
	v20 =	vsel vm9, v60, v20;
	v8 =	vsel vm9, v8, v9;
	v41 =	vadd.f32 v11, v6  }
0x50e: {  	v44 =	vld [tilespmem:$0x1FF40];
	v38 =	vsel vm12, $0x80000000, v19;
	v0 =	vsel vm9, v19, v0;
	vm12 =	vmand vm1, vm8  }
0x50f: {  	v45 =	vld [tilespmem:$0x1FF50];
	vm7 =	vlt.f32 v39, v20;
	v19 =	vadd.f32 v39, v40;
	vm1 =	vge.f32 v4, $0.0e+00  }
0x510: {  	vm8 =	vgt.f32 v4, $0.0e+00;
	v7 =	vadd.f32 v38, v7;
	vm14 =	vmand vm12, vm7  }
0x511: {  	v59 =	vld [tilespmem:$0x1FEB0];
	v28 =	vsel vm12, v6, v41;
	v48 =	vsel vm12, $0x3F800000, v2;
	vm7 =	vgt.f32 v30, $5.000000000e+00  }
0x512: {  	v49 =	vld [tilespmem:$0x1FE30];
	v6 =	vmax.f32 v10, v4;
	v51 =	vnsel vm8, $0x0, v4;
	v54 =	vsel vm1, $0x3F800000, v2  }
0x513: {  	v57 =	vld [tilespmem:$0x1FFB0];
	v30 =	vadd.f32 $1.000000000e+00, v30;
	v9 =	vsel vm14, v39, v20;
	v20 =	vsel vm15, v42, v43  }
0x514: {  	v58 =	vld [tilespmem:$0x1FFC0];
	v29 =	vsel vm13, v44, v45;
	v18 =	vadd.f32 v48, v18;
	v52 =	vsel vm12, $0x3F800000, v19  }
0x515: {  	v60 =	vld [tilespmem:$0x1FF80];
	vm7 =	vmand vm1, vm7;
	v53 =	vadd.f32 v28, v51;
	v8 =	vsel vm14, v11, v8  }
0x516: {  	v61 =	vld [tilespmem:$0x1FF90];
	v6 =	vmax.f32 v6, v3;
	v46 =	vmax.f32 v20, $1.000000000e+00;
	v50 =	vmax.f32 v29, $1.000000000e+00  }
0x517: {  	v38 =	vld [tilespmem:$0x1FEC0];
	vm9 =	vlt.f32 v52, v9;
	v11 =	vadd.f32 v52, v54;
	(erf) = vrcp.f32 v46  }
0x518: {  	v42 =	vld [tilespmem:$0x1FF20];
	v0 =	vsel vm14, v7, v0;
	v7 =	vsel vm12, $0x80000000, v7;
	vm14 =	vgt.f32 v20, $0.0e+00  }
0x519: {  	v43 =	vld [tilespmem:$0x1FF30];
	v39 =	vsel vm7, $0x3F800000, v2;
	vm9 =	vmand vm7, vm9;
	v4 =	vsel vm7, v51, v53  }
0x51a: {  	v44 =	vld [tilespmem:$0x1FEF0];
	v10 =	vadd.f32 v7, v55;
	v7 =	vsel vm15, v57, v58;
	vm10 =	vgt.f32 v60, $5.000000000e-01  }
0x51b: {  	v45 =	vld [tilespmem:$0x1FF00];
	vm12 =	vgt.f32 v61, $5.000000000e-01;
	v18 =	vadd.f32 v39, v18;
	(erf) = vrcp.f32 v50  }
0x51c: {  	v48 =	vld [tilespmem:$0x1FE20];
	v9 =	vsel vm9, v52, v9;
	vm10 =	vmneg vm10;
	v19 =	vsel vm11, v59, v38  }
0x51d: {  	v40 =	vld [tilespmem:$0x1FD90];
	vm14 =	vmand vm12, vm14;
	v11 =	vsel vm7, $0x3F800000, v11;
	v63 =	vmax.f32 v19, $1.000000000e+00  }
0x51e: {  	v51 =	vld [tilespmem:$0x1FF70];
	vm12 =	vmor vm12, vm10;
	vm10 =	vmand vm14, vm10;
	(erf) = vrcp.f32 v63  }
0x51f: {  	v53 =	vld [tilespmem:$0x1FEE0];
	vm14 =	vgt.f32 v29, $0.0e+00;
	v0 =	vsel vm9, v10, v0;
	v38 =	vsel vm8, $0x3F800000, v2  }
0x520: {  	v58 =	vld [tilespmem:$0x1FE90];
	v10 =	vsel vm7, $0x80000000, v10;
	v20 =	vsel vm13, v42, v43;
	vm13 =	vgt.f32 v44, $5.000000000e-01;
	v62 =	vpop (erf)  }
0x521: {  	v59 =	vld [tilespmem:$0x1FEA0];
	vm15 =	vgt.f32 v45, $5.000000000e-01;
	v29 =	vsel vm6, v48, v49;
	v7 =	vmul.f32 v62, v7  }
0x522: {  	v61 =	vld [tilespmem:$0x1FE70];
	v10 =	vadd.f32 v10, v38;
	vm13 =	vmneg vm13;
	v55 =	vmax.f32 v29, $1.000000000e+00  }
0x523: {  	v41 =	vld [tilespmem:$0x1FDA0];
	v52 =	vsub.f32 $0.0e+00, v51;
	v51 =	vsel vm1, $0x3F800000, v30;
	v7 =	vadd.f32 $0.0e+00, v7  }
0x524: {  	v60 =	vld [tilespmem:$0x1FE60];
	v54 =	vsub.f32 $0.0e+00, v53;
	vm1 =	vgt.f32 v51, $5.000000000e+00;
	v46 =	vpop (erf);
	(erf) = vrcp.f32 v55  }
0x525: {  	v44 =	vld [tilespmem:$0x1FDD0];
	v20 =	vmul.f32 v46, v20;
	v50 =	vnsel vm10, $0x0, v7;
	vm10 =	vmand vm15, vm14  }
0x526: {  	v46 =	vld [tilespmem:$0x1FDE0];
	vm14 =	vmor vm15, vm13;
	v7 =	vsel vm9, v28, v8;
	v8 =	vsel vm11, v58, v59  }
0x527: {  	v62 =	vpop (erf);
	vm11 =	vgt.f32 v61, $5.000000000e-01;
	vm10 =	vmand vm10, vm13;
	v57 =	vsel vm12, v50, v52  }
0x528: {  	v53 =	vld [tilespmem:$0x1FDC0];
	vm12 =	vgt.f32 v19, $0.0e+00;
	v8 =	vmul.f32 v62, v8;
	v19 =	vsel vm5, v40, v41  }
0x529: {  	v38 =	vld [tilespmem:$0x1FCD0];
	v62 =	vmax.f32 v16, $1.000000000e+00;
	v41 =	vsel vm0, v26, v27;
	v20 =	vnsel vm10, $0x0, v20  }
0x52a: {  	v28 =	vld [tilespmem:$0x1FE50];
	vm10 =	vgt.f32 v60, $5.000000000e-01;
	vm15 =	vmand vm11, vm12;
	vm12 =	vgt.f32 v44, $5.000000000e-01  }
0x52b: {  	v49 =	vld [tilespmem:$0x1FD10];
	v45 =	vmax.f32 v19, $1.000000000e+00;
	vm13 =	vgt.f32 v46, $5.000000000e-01;
	v46 =	vsel vm3, v14, v15  }
0x52c: {  	v61 =	vld [tilespmem:$0x1FD40];
	v20 =	vsel vm14, v20, v54;
	vm10 =	vmneg vm10;
	(erf) = vrcp.f32 v45  }
0x52d: {  	v50 =	vld [tilespmem:$0x1FD20];
	vm14 =	vgt.f32 v29, $0.0e+00;
	v29 =	vsub.f32 $0.0e+00, v53;
	v45 =	vmax.f32 v41, $1.000000000e+00  }
0x52e: {  	v42 =	vld [tilespmem:$0x1FE00];
	vm11 =	vmor vm11, vm10;
	vm9 =	vmand vm15, vm10;
	v63 =	vadd.f32 v20, v57  }
0x52f: {  	v43 =	vld [tilespmem:$0x1FE10];
	vm15 =	vge.f32 v3, $0.0e+00;
	vm10 =	vgt.f32 v38, $5.000000000e-01;
	v20 =	vsub.f32 $0.0e+00, v28  }
0x530: {  	v8 =	vnsel vm9, $0x0, v8;
	vm9 =	vmand vm13, vm14;
	vm1 =	vmand vm15, vm1  }
0x531: {  	v54 =	vsel vm15, $0x3F800000, v2;
	vm14 =	vgt.f32 v47, $5.000000000e-01;
	vm15 =	vgt.f32 v19, $0.0e+00  }
0x532: {  	v59 =	vld [tilespmem:$0x1FD50];
	v17 =	vsub.f32 $0.0e+00, v61;
	v28 =	vsel vm4, v49, v50;
	v55 =	vadd.f32 v11, v54  }
0x533: {  	v44 =	vsel vm1, $0x80000000, v10;
	v50 =	vsel vm0, v24, v25;
	v8 =	vsel vm11, v8, v20  }
0x534: {  	v20 =	vsel vm6, v42, v43;
	vm6 =	vmneg vm12;
	v52 =	vmax.f32 v28, $1.000000000e+00  }
0x535: {  	v58 =	vld [tilespmem:$0x1FD80];
	v48 =	vpop (erf);
	vm12 =	vlt.f32 v11, v9;
	vm11 =	vgt.f32 v56, $5.000000000e-01;
	v8 =	vadd.f32 v8, v63  }
0x536: {  	v57 =	vld [tilespmem:$0x1FD70];
	v20 =	vmul.f32 v48, v20;
	vm8 =	vmor vm13, vm6;
	vm6 =	vmand vm9, vm6  }
0x537: {  	(erf) = vrcp.f32 v52;
	vm13 =	vgt.f32 v59, $5.000000000e-01;
	v40 =	vsel vm1, $0x3F800000, v55  }
0x538: {  	v48 =	vsel vm2, v36, v37;
	v55 =	vsub.f32 $0.0e+00, v21;
	v59 =	vsel vm2, v34, v35  }
0x539: {  	v49 =	vmax.f32 v48, $1.000000000e+00;
	vm9 =	vgt.f32 v48, $0.0e+00;
	v20 =	vnsel vm6, $0x0, v20  }
0x53a: {  	vm6 =	vmand vm1, vm12;
	vm12 =	vgt.f32 v28, $0.0e+00;
	v20 =	vsel vm8, v20, v29  }
0x53b: {  	v43 =	vld [tilespmem:$0x1FCC0];
	v9 =	vsel vm6, v11, v9;
	v11 =	vsel vm5, v57, v58;
	vm5 =	vmneg vm13  }
0x53c: {  	v30 =	vld [tilespmem:$0x1FD00];
	vm8 =	vmand vm14, vm15;
	vm7 =	vmand vm11, vm12;
	v0 =	vsel vm6, v10, v0  }
0x53d: {  	v63 =	vld [tilespmem:$0x1FCF0];
	vm15 =	vgt.f32 v12, $5.000000000e-01;
	vm12 =	vgt.f32 v16, $0.0e+00;
	v58 =	vsel vm1, $0x3F800000, v2  }
0x53e: {  	v8 =	vadd.f32 v20, v8;
	v60 =	vpop (erf);
	vm8 =	vmand vm8, vm5;
	vm5 =	vmor vm14, vm5  }
0x53f: {  	(erf) = vrcp.f32 v62;
	vm14 =	vgt.f32 v13, $5.000000000e-01;
	v11 =	vmul.f32 v60, v11  }
0x540: {  	v26 =	vsub.f32 $0.0e+00, v43;
	v12 =	vadd.f32 v58, v18;
	vm3 =	vmneg vm14  }
0x541: {  	vm14 =	vgt.f32 v22, $5.000000000e-01;
	v11 =	vnsel vm8, $0x0, v11;
	vm8 =	vmand vm15, vm12  }
0x542: {  	vm12 =	vgt.f32 v12, $5.000000000e-01;
	v11 =	vsel vm5, v11, v17;
	v17 =	vsel vm4, v63, v30  }
0x543: {  	vm4 =	vmneg vm10;
	vm5 =	vgt.f32 v3, $0.0e+00;
	vm8 =	vmand vm8, vm3  }
0x544: {  	v39 =	vpop (erf);
	vm13 =	vmor vm11, vm4;
	v42 =	vsel vm5, $0x3F800000, v2;
	(erf) = vrcp.f32 v45  }
0x545: {  	vm7 =	vmand vm7, vm4;
	vm4 =	vlt.f32 v40, v9;
	v9 =	vadd.f32 v44, v42  }
0x546: {  	vm3 =	vmor vm15, vm3;
	v63 =	vlaneseq.u32;
	v8 =	vadd.f32 v11, v8  }
0x547: {  	v51 =	vor.u32 $0x90, v63;
	v3 =	vnsel vm5, $0x0, v3;
	v0 =	vsel vm4, v9, v0  }
0x548: {  	v11 =	vmul.f32 v39, v17;
	(erf) = vrcp.f32 v49;
	v52 =	vmax.f32 v0, $1.000000000e+00  }
0x549: {  	vm15 =	vgt.f32 v41, $0.0e+00;
	v54 =	vadd.f32 v4, v3;
	v47 =	vpop (erf);
	(erf) = vrcp.f32 v52  }
0x54a: {  	vm5 =	vmand vm14, vm15;
	v4 =	vsel vm6, v4, v7;
	v11 =	vnsel vm7, $0x0, v11  }
0x54b: {  	v3 =	vsel vm1, v3, v54;
	vm7 =	vgt.f32 v33, $5.000000000e-01;
	v11 =	vsel vm13, v11, v26  }
0x54c: {  	vm13 =	vgt.f32 v23, $5.000000000e-01;
	v3 =	vsel vm4, v3, v4;
	vm11 =	vgt.f32 v0, $0.0e+00  }
0x54d: {  	v8 =	vadd.f32 v11, v8;
	v10 =	vmul.f32 v47, v46;
	vm0 =	vmneg vm13;
	v57 =	vld.idx.msk [tilespmem:v51+s17+$0x0], $0xffff;
	v53 =	vpop (erf)  }
0x54e: {  	vm5 =	vmand vm5, vm0;
	vm0 =	vmor vm14, vm0;
	v9 =	vmul.f32 v53, v50  }
0x54f: {  	vm14 =	vmand vm12, vm11;
	v10 =	vnsel vm8, $0x0, v10;
	vm8 =	vgt.f32 v32, $5.000000000e-01  }
0x550: {  	v5 =	vsel vm3, v10, v5;
	vm2 =	vmand vm8, vm9;
	v56 =	vnsel vm5, $0x0, v9  }
0x551: {  	v5 =	vadd.f32 v5, v8;
	v60 =	vpop (erf);
	v8 =	vsel vm0, v56, v55;
	vm0 =	vmneg vm7  }
0x552: {  	vm10 =	vgt.f32 v57, $5.000000000e-01;
	v7 =	vmul.f32 v60, v59;
	v0 =	vpop (erf);
	vm1 =	vmor vm8, vm0  }
0x553: {  	vm0 =	vmand vm2, vm0;
	v0 =	vmul.f32 v0, v3;
	v3 =	vsub.f32 $0.0e+00, v31  }
0x554: {  	vm13 =	vmneg vm10;
	v5 =	vadd.f32 v8, v5;
	v61 =	vnsel vm0, $0x0, v7  }
0x555: {  	v62 =	vsub.f32 $0.0e+00, v6;
	vm15 =	vmand vm14, vm13;
	v3 =	vsel vm1, v61, v3  }
0x556: {  	vm0 =	vmor vm12, vm13;
	v0 =	vnsel vm15, $0x0, v0;
	v3 =	vadd.f32 v3, v5  }
0x557: {  	v0 =	vsel vm0, v0, v62  }
0x558: {  	v0 =	vadd.f32 v0, v3  }
0x559: {  	[tilespmem:v51+s21+$0x0] =	vst.idx.msk $0xffff, v12  }
0x55a: {  	[tilespmem:$0x4200] =	vst v0  }
0x55b: {  	[hbm4b:s14+s2] =	stream.linear.scatter [tilespmem:s21], [sflag:$0x3], $0xA0, $0x38;
	[tilespmem:$0x4280] =	vst v63  }
0x55c: {  	s24 =	sadd.s32 $0x1, s24;
	_ =	swait.ge [sflag:s18], $0xA0  }
0x55d: {  	p0 =	sne.s32 s24, s16;
	[sflag:s18] =	ssyncset.done $0x0  }
.Ltmp10:
0x55e: {  	[sflag:s18] =	ssyncadd.s32 $0xFFFFFF60;
	(pc) =	sbr.rel @p0 .LBB2_1-.Ltmp10, $4  }
0x55f: {  	[hbm4b:s15+s2] =	stream.linear.scatter [tilespmem:s23], [sflag:$0x3], $0x10, $0x38;
	[tilespmem:$0x4280] =	vst v63  }
0x560: {  	_ =	swait.ge [sflag:s18], $0x10  }
0x561: {  	[sflag:s18] =	ssyncset.done $0x0  }
0x562: {  	[sflag:s18] =	ssyncadd.s32 $0xFFFFFFF0  }
0x563: {  	_ =	sfence.sel $0x180000  }
0x564: {  	[bflag:$0x0] =	sbarrier.arrive $0xFFFF  }
0x565: {  	p0 =	sne.s32 s0, $0x0;
	_ =	strace $0x90000047  }
0x566: {  	s0 =	sadd.s32 @!p0 $0x100000, s1;
	[bflag:$0x2] =	sbarrier.arrive $0xFFFF  }
0x567: {  	[sflag:s0] =	ssyncadd.tile.s32 @!p0 $0x1;
	_ =	shalt  }
.Lfunc_end2:
_tile_overlayer_lowered:
.L_overlay_start_2:
0x568: {  	(tag) =	ssettag $0x2  }
0x569: {  	s0 =	rddreg [dreg:$0x0];
	s2 =	stileid.u32  }
0x56a: {  	s1 =	rddreg [dreg:$0x1];
	p0 =	sne.s32 s2, $0x0  }
0x56b: {  	s3 =	rddreg [dreg:$0x2];
	[bflag:$0x3] =	sbarrier.arrive $0xFFFF;
	s2 =	simm.s32 @!p0 $0x1C03  }
0x56c: {  	[timem:s3], [sflag:s2] =	dma.local @!p0 [hbm:s0], s1  }
0x56d: {  	s0 =	simm.s32 @!p0 $0x3  }
0x56e: {  	_ =	swait.ge @!p0 [sflag:s0], s1  }
0x56f: {  	s1 =	ssub.s32 @!p0 $0x0, s1;
	[sflag:s0] =	ssyncset.done @!p0 $0x0  }
0x570: {  	[sflag:s0] =	ssyncadd.s32 @!p0 s1  }
0x571: {  	[bflag:$0x3] =	sbarrier.arrive $0xFFFF  }
0x572: {  	_ =	shalt  }

</sc_bundles>
